<compile_context>
chip_gen: v7x
topology: tpu7x:2x2x1
jax: 0.10.2.dev20260603
libtpu: 0.0.44.dev20260713+nightly
codegen_flags: <defaults>
</compile_context>

<pallas_src>
import functools
import math

import jax
import jax.numpy as jnp
from jax import lax
from jax.experimental import pallas as pl
from jax.experimental.pallas import tpu as pltpu
from jax.experimental.pallas import tpu_sc as plsc

N = 10000
E = 320000
D_IN = 128
H = 64
C_OUT = 16
L = 8
ALPHA = 0.1
THETA = 0.5

NC = 2
NS = 16
NW = NC * NS
K = 128
RB = 1
E_PAD = ((E + NW * K * RB - 1) // (NW * K * RB)) * (NW * K * RB)
EPW = E_PAD // NW
CH = EPW // K
N_PAD = 10240
RPW = N_PAD // NS

BLK = 2000



_sc_mesh = plsc.VectorSubcoreMesh(core_axis_name="c", subcore_axis_name="s")


@functools.partial(
    pl.kernel,
    out_type=jax.ShapeDtypeStruct((NC * N_PAD, H), jnp.float32),
    mesh=_sc_mesh,
    compiler_params=pltpu.CompilerParams(use_tc_tiling_on_sc=False),
    scratch_types=[
        pltpu.VMEM((CH // RB, RB * K), jnp.int32),
        pltpu.VMEM((CH // RB, RB * K), jnp.int32),
        pltpu.VMEM((RB * K, H), jnp.float32),
        pltpu.VMEM_SHARED((N, H), jnp.float32),
        pltpu.VMEM_SHARED((N_PAD, H), jnp.float32),
        pltpu.SemaphoreType.DMA,
        pltpu.SemaphoreType.DMA,
    ],
)
def _sc_segment_sum(h_hbm, src_hbm, dst_hbm, out_hbm,
                    src_v, dst_v, buf0, h_sh, agg_sh, semg, sems):
    c = lax.axis_index("c")
    s = lax.axis_index("s")
    w = s * NC + c

    zv = jnp.zeros((16,), jnp.float32)

    def zrow(r, carry):
        for q in range(H // 16):
            buf0[r, pl.ds(q * 16, 16)] = zv
        return carry

    lax.fori_loop(0, RB * K, zrow, 0)
    for t in range(RPW // (RB * K)):
        pltpu.sync_copy(buf0, agg_sh.at[pl.ds(s * RPW + t * RB * K, RB * K)])
    pltpu.sync_copy(h_hbm.at[pl.ds(s * (N // NS), N // NS)],
                    h_sh.at[pl.ds(s * (N // NS), N // NS)])
    pltpu.sync_copy(src_hbm.at[w], src_v)
    pltpu.sync_copy(dst_hbm.at[w], dst_v)
    plsc.subcore_barrier()

    def step(t, carry):
        pltpu.async_copy(
            h_sh.at[src_v.at[t]], buf0, semg).wait()
        pltpu.async_copy(
            buf0, agg_sh.at[dst_v.at[t]], sems, add=True).wait()
        return carry

    lax.fori_loop(0, CH // RB, step, 0)
    plsc.subcore_barrier()

    pltpu.sync_copy(agg_sh.at[pl.ds(s * RPW, RPW)],
                    out_hbm.at[pl.ds(c * N_PAD + s * RPW, RPW)])



def _uaf(x, Au, Bu, Cu, Du, Eu):
    P1 = Au * (x + Bu) + jnp.clip(Cu * jnp.square(x), -100.0, 100.0)
    P2 = Du * (x - Bu)
    P3 = jax.nn.relu(P1) + jnp.log1p(jnp.exp(-jnp.abs(P1)))
    P4 = jax.nn.relu(P2) + jnp.log1p(jnp.exp(-jnp.abs(P2)))
    return P3 - P4 + Eu


def _params(p_ref):
    return (p_ref[0], p_ref[1], p_ref[2], p_ref[3], p_ref[4])


def _tc_pre_body(p_ref, x_ref, w_ref, b_ref, o_ref):
    h = jnp.dot(x_ref[...], w_ref[...], preferred_element_type=jnp.float32)
    o_ref[...] = _uaf(h + b_ref[...], *_params(p_ref))


def _tc_layer_body(p_ref, a0_ref, a1_ref, h0_ref, w_ref, o_ref, *, beta):
    s = (a0_ref[0] + a1_ref[0]) * (1.0 - ALPHA) + ALPHA * h0_ref[...]
    t = (1.0 - beta) * s + beta * jnp.dot(
        s, w_ref[...], preferred_element_type=jnp.float32)
    o_ref[...] = _uaf(t, *_params(p_ref))


def _tc_post_body(h_ref, w_ref, b_ref, o_ref):
    z = jnp.dot(h_ref[...], w_ref[...], preferred_element_type=jnp.float32)
    z = z + b_ref[...]
    m = jnp.max(z, axis=-1, keepdims=True)
    e = jnp.exp(z - m)
    o_ref[...] = (z - m) - jnp.log(jnp.sum(e, axis=-1, keepdims=True))


_SMEM_SPEC = pl.BlockSpec(memory_space=pltpu.SMEM)


def _tc_pre(params, x, W0, b0):
    return pl.pallas_call(
        _tc_pre_body,
        grid=(N // BLK,),
        in_specs=[
            _SMEM_SPEC,
            pl.BlockSpec((BLK, D_IN), lambda i: (i, 0)),
            pl.BlockSpec((D_IN, H), lambda i: (0, 0)),
            pl.BlockSpec((1, H), lambda i: (0, 0)),
        ],
        out_specs=pl.BlockSpec((BLK, H), lambda i: (i, 0)),
        out_shape=jax.ShapeDtypeStruct((N, H), jnp.float32),
    )(params, x, W0, b0)


def _tc_layer(params, aggs, h0, Wl, beta):
    return pl.pallas_call(
        functools.partial(_tc_layer_body, beta=beta),
        grid=(N // BLK,),
        in_specs=[
            _SMEM_SPEC,
            pl.BlockSpec((1, BLK, H), lambda i: (0, i, 0)),
            pl.BlockSpec((1, BLK, H), lambda i: (1, i, 0)),
            pl.BlockSpec((BLK, H), lambda i: (i, 0)),
            pl.BlockSpec((H, H), lambda i: (0, 0)),
        ],
        out_specs=pl.BlockSpec((BLK, H), lambda i: (i, 0)),
        out_shape=jax.ShapeDtypeStruct((N, H), jnp.float32),
    )(params, aggs, aggs, h0, Wl)


def _tc_post(h, W1, b1):
    return pl.pallas_call(
        _tc_post_body,
        grid=(N // BLK,),
        in_specs=[
            pl.BlockSpec((BLK, H), lambda i: (i, 0)),
            pl.BlockSpec((H, C_OUT), lambda i: (0, 0)),
            pl.BlockSpec((1, C_OUT), lambda i: (0, 0)),
        ],
        out_specs=pl.BlockSpec((BLK, C_OUT), lambda i: (i, 0)),
        out_shape=jax.ShapeDtypeStruct((N, C_OUT), jnp.float32),
    )(h, W1, b1)



def kernel(x, edge_index, W0, b0, convW, W1, b1, Au, Bu, Cu, Du, Eu):
    params = jnp.stack([Au, Bu, Cu, Du, Eu]).astype(jnp.float32)

    pad = E_PAD - E
    src = jnp.concatenate([edge_index[0], jnp.zeros((pad,), jnp.int32)])
    dst = jnp.concatenate([edge_index[1], jnp.full((pad,), N, jnp.int32)])
    src_r = src.reshape(NW, CH // RB, RB * K)
    dst_r = dst.reshape(NW, CH // RB, RB * K)

    h = _tc_pre(params, x, W0, b0.reshape(1, H))
    h0 = h
    for l in range(L):
        aggs = _sc_segment_sum(h, src_r, dst_r).reshape(NC, N_PAD, H)
        beta = math.log(THETA / (l + 1) + 1.0)
        h = _tc_layer(params, aggs, h0, convW[l], beta)
    return _tc_post(h, W1, b1.reshape(1, C_OUT))

# --- scband reference (transcript-rebuilt; emitter-appended) ---
"""Pipeline reference for scband-net-56221121905186 (READ-ONLY COPY).

The authoritative reference and input builder live on the scoring server;
editing this copy changes nothing except your own understanding.
"""

import jax, jax.numpy as jnp
import numpy as np

N = 10000
E = 320000
D_IN = 128
H = 64
C_OUT = 16
L = 8
ALPHA = 0.1
THETA = 0.5


def uaf(x, Au, Bu, Cu, Du, Eu):
    P1 = Au * (x + Bu) + jnp.clip(Cu * jnp.square(x), -100.0, 100.0)
    P2 = Du * (x - Bu)
    P3 = jax.nn.relu(P1) + jnp.log1p(jnp.exp(-jnp.abs(P1)))
    P4 = jax.nn.relu(P2) + jnp.log1p(jnp.exp(-jnp.abs(P2)))
    return P3 - P4 + Eu


def setup_inputs(seed: int = 0):
    key = jax.random.key(seed)
    ks = jax.random.split(key, 6)
    x = jax.random.normal(ks[0], (N, D_IN), dtype=jnp.float32)
    edge_index = jax.random.randint(ks[1], (2, E), 0, N, dtype=jnp.int32)
    W0 = jax.random.normal(ks[2], (D_IN, H), dtype=jnp.float32) / np.sqrt(D_IN)
    b0 = jnp.zeros((H,), dtype=jnp.float32)
    convW = jax.random.normal(ks[3], (L, H, H), dtype=jnp.float32) / np.sqrt(H)
    W1 = jax.random.normal(ks[4], (H, C_OUT), dtype=jnp.float32) / np.sqrt(H)
    b1 = jnp.zeros((C_OUT,), dtype=jnp.float32)
    Au = jnp.float32(1.1)
    Bu = jnp.float32(-0.01)
    Cu = jnp.float32(1e-09)
    Du = jnp.float32(-0.9)
    Eu = jnp.float32(1e-05)
    return {"x": x, "edge_index": edge_index, "W0": W0, "b0": b0, "convW": convW, "W1": W1, "b1": b1, "Au": Au, "Bu": Bu, "Cu": Cu, "Du": Du, "Eu": Eu}


def reference(x, edge_index, W0, b0, convW, W1, b1, Au, Bu, Cu, Du, Eu):
    # dropout=0.0 -> identity. GCN2Conv with shared_weights=True, normalize=False:
    #   agg = A @ x (sum over incoming edges, no degree norm)
    #   s = (1-alpha)*agg + alpha*x_0
    #   out = (1-beta)*s + beta*(s @ W),  beta = log(theta/layer + 1)
    src = edge_index[0]
    dst = edge_index[1]
    h = x @ W0 + b0
    h = uaf(h, Au, Bu, Cu, Du, Eu)
    h0 = h
    for l in range(L):
        agg = jax.ops.segment_sum(h[src], dst, num_segments=N)
        beta = jnp.log(THETA / (l + 1) + 1.0)
        s = agg * (1.0 - ALPHA) + ALPHA * h0
        h = (1.0 - beta) * s + beta * (s @ convW[l])
        h = uaf(h, Au, Bu, Cu, Du, Eu)
    out = h @ W1 + b1
    return jax.nn.log_softmax(out, axis=-1)

if __name__ == "__main__":
    import jax
    _d = setup_inputs()
    print(jax.jit(kernel)(*tuple(_d.values())))

</pallas_src>

<mosaic_0001>
#map = affine_map<(d0, d1) -> (0, 0)>
#map1 = affine_map<(d0, d1) -> (0, 0, 0)>
module attributes {stable_mosaic.version = 14 : i64} {
  func.func @_sc_segment_sum(%arg0: i32, %arg1: i32, %arg2: memref<10000x64xf32, #tpu.memory_space<hbm>>, %arg3: memref<32x79x128xi32, #tpu.memory_space<hbm>>, %arg4: memref<32x79x128xi32, #tpu.memory_space<hbm>>, %arg5: memref<20480x64xf32, #tpu.memory_space<hbm>>, %arg6: memref<79x128xi32, #tpu.memory_space<vmem>>, %arg7: memref<79x128xi32, #tpu.memory_space<vmem>>, %arg8: memref<128x64xf32, #tpu.memory_space<vmem>>, %arg9: memref<10000x64xf32, #tpu.memory_space<vmem_shared>>, %arg10: memref<10240x64xf32, #tpu.memory_space<vmem_shared>>, %arg11: memref<!tpu.dma_semaphore, #tpu.memory_space<semaphore_mem>>, %arg12: memref<!tpu.dma_semaphore, #tpu.memory_space<semaphore_mem>>) attributes {dimension_semantics = [#tpu.dimension_semantics<core_parallel>, #tpu.dimension_semantics<subcore_parallel>], iteration_bounds = array<i64: 2, 16>, scalar_prefetch = 0 : i64, scratch_operands = 7 : i64, tpu.core_type = #tpu.core_type<sc_vector_subcore>, window_params = [{transform_indices = #map}, {transform_indices = #map1}, {transform_indices = #map1}, {transform_indices = #map}]} {
    %mul3A = arith.constant 2 : i32
    %mul3A_0 = arith.muli %arg1, %mul3A : i32
    %add3A = arith.addi %mul3A_0, %arg0 : i32
    %broadcast_in_dim3A = arith.constant 0.000000e+00 : f32
    %broadcast_in_dim3A_1 = vector.broadcast %broadcast_in_dim3A : f32 to vector<16xf32>
    %scan3A = arith.constant 0 : i32
    %scan3A_2 = arith.constant 0 : i32
    %scan3A_3 = arith.constant 128 : i32
    %scan3A_4 = arith.addi %scan3A_2, %scan3A_3 : i32
    %scan3A_5 = arith.constant 1 : i32
    scf.for %scan3A_45 = %scan3A_2 to %scan3A_4 step %scan3A_5  : i32 {
      %swap3A = arith.index_cast %scan3A_45 : i32 to index
      %swap3A_46 = arith.constant 0 : index
      %swap3A_47 = tpu.vector_load %arg8[%swap3A, %swap3A_46] {strides = array<i32>} : memref<128x64xf32, #tpu.memory_space<vmem>>, vector<1x16xf32>,
      %swap3A_48 = vector.shape_cast %swap3A_47 : vector<1x16xf32> to vector<16xf32>
      %swap3A_49 = vector.shape_cast %broadcast_in_dim3A_1 : vector<16xf32> to vector<1x16xf32>
      tpu.vector_store %arg8[%swap3A, %swap3A_46], %swap3A_49 {strides = array<i32>} : memref<128x64xf32, #tpu.memory_space<vmem>>, vector<1x16xf32>,
      %swap3A_50 = arith.index_cast %scan3A_45 : i32 to index
      %swap3A_51 = arith.constant 16 : index
      %swap3A_52 = tpu.vector_load %arg8[%swap3A_50, %swap3A_51] {strides = array<i32>} : memref<128x64xf32, #tpu.memory_space<vmem>>, vector<1x16xf32>,
      %swap3A_53 = vector.shape_cast %swap3A_52 : vector<1x16xf32> to vector<16xf32>
      %swap3A_54 = vector.shape_cast %broadcast_in_dim3A_1 : vector<16xf32> to vector<1x16xf32>
      tpu.vector_store %arg8[%swap3A_50, %swap3A_51], %swap3A_54 {strides = array<i32>} : memref<128x64xf32, #tpu.memory_space<vmem>>, vector<1x16xf32>,
      %swap3A_55 = arith.index_cast %scan3A_45 : i32 to index
      %swap3A_56 = arith.constant 32 : index
      %swap3A_57 = tpu.vector_load %arg8[%swap3A_55, %swap3A_56] {strides = array<i32>} : memref<128x64xf32, #tpu.memory_space<vmem>>, vector<1x16xf32>,
      %swap3A_58 = vector.shape_cast %swap3A_57 : vector<1x16xf32> to vector<16xf32>
      %swap3A_59 = vector.shape_cast %broadcast_in_dim3A_1 : vector<16xf32> to vector<1x16xf32>
      tpu.vector_store %arg8[%swap3A_55, %swap3A_56], %swap3A_59 {strides = array<i32>} : memref<128x64xf32, #tpu.memory_space<vmem>>, vector<1x16xf32>,
      %swap3A_60 = arith.index_cast %scan3A_45 : i32 to index
      %swap3A_61 = arith.constant 48 : index
      %swap3A_62 = tpu.vector_load %arg8[%swap3A_60, %swap3A_61] {strides = array<i32>} : memref<128x64xf32, #tpu.memory_space<vmem>>, vector<1x16xf32>,
      %swap3A_63 = vector.shape_cast %swap3A_62 : vector<1x16xf32> to vector<16xf32>
      %swap3A_64 = vector.shape_cast %broadcast_in_dim3A_1 : vector<16xf32> to vector<1x16xf32>
      tpu.vector_store %arg8[%swap3A_60, %swap3A_61], %swap3A_64 {strides = array<i32>} : memref<128x64xf32, #tpu.memory_space<vmem>>, vector<1x16xf32>,
    }
    %scan3A_6 = arith.constant 128 : i32
    %mul3A_7 = arith.constant 640 : i32
    %mul3A_8 = arith.muli %arg1, %mul3A_7 : i32
    %add3A_9 = arith.constant 0 : i32
    %add3A_10 = arith.addi %mul3A_8, %add3A_9 : i32
    "tpu.region"() ({
      %run_scoped3A = tpu.sem_alloc : memref<!tpu.dma_semaphore, #tpu.memory_space<semaphore_mem>>
      %dma_start3A = arith.constant 0 : i32
      %dma_start3A_45 = tpu.memref_slice %arg10[%add3A_10, %dma_start3A] : memref<10240x64xf32, #tpu.memory_space<vmem_shared>> -> memref<128x64xf32, #tpu.memory_space<vmem_shared>>
      %dma_start3A_46 = arith.constant 0 : i32
      %dma_start3A_47 = tpu.memref_slice %arg10[%add3A_10, %dma_start3A_46] : memref<10240x64xf32, #tpu.memory_space<vmem_shared>> -> memref<128x64xf32, #tpu.memory_space<vmem_shared>>
      tpu.enqueue_dma source(%arg8 : memref<128x64xf32, #tpu.memory_space<vmem>>) target(%dma_start3A_47 : memref<128x64xf32, #tpu.memory_space<vmem_shared>>) target_semaphore(%run_scoped3A : memref<!tpu.dma_semaphore, #tpu.memory_space<semaphore_mem>>)
      %dma_wait3A = arith.constant 0 : i32
      %dma_wait3A_48 = tpu.memref_slice %arg10[%add3A_10, %dma_wait3A] : memref<10240x64xf32, #tpu.memory_space<vmem_shared>> -> memref<128x64xf32, #tpu.memory_space<vmem_shared>>
      %dma_wait3A_49 = arith.constant 0 : i32
      %dma_wait3A_50 = tpu.memref_slice %arg10[%add3A_10, %dma_wait3A_49] : memref<10240x64xf32, #tpu.memory_space<vmem_shared>> -> memref<128x64xf32, #tpu.memory_space<vmem_shared>>
      tpu.wait_dma2 semaphore(%run_scoped3A : memref<!tpu.dma_semaphore, #tpu.memory_space<semaphore_mem>>) src(%arg8 : memref<128x64xf32, #tpu.memory_space<vmem>>) dst(%dma_wait3A_50 : memref<128x64xf32, #tpu.memory_space<vmem_shared>>)
      tpu.yield
    }) : () -> ()
    %mul3A_11 = arith.constant 640 : i32
    %mul3A_12 = arith.muli %arg1, %mul3A_11 : i32
    %add3A_13 = arith.constant 128 : i32
    %add3A_14 = arith.addi %mul3A_12, %add3A_13 : i32
    "tpu.region"() ({
      %run_scoped3A = tpu.sem_alloc : memref<!tpu.dma_semaphore, #tpu.memory_space<semaphore_mem>>
      %dma_start3A = arith.constant 0 : i32
      %dma_start3A_45 = tpu.memref_slice %arg10[%add3A_14, %dma_start3A] : memref<10240x64xf32, #tpu.memory_space<vmem_shared>> -> memref<128x64xf32, #tpu.memory_space<vmem_shared>>
      %dma_start3A_46 = arith.constant 0 : i32
      %dma_start3A_47 = tpu.memref_slice %arg10[%add3A_14, %dma_start3A_46] : memref<10240x64xf32, #tpu.memory_space<vmem_shared>> -> memref<128x64xf32, #tpu.memory_space<vmem_shared>>
      tpu.enqueue_dma source(%arg8 : memref<128x64xf32, #tpu.memory_space<vmem>>) target(%dma_start3A_47 : memref<128x64xf32, #tpu.memory_space<vmem_shared>>) target_semaphore(%run_scoped3A : memref<!tpu.dma_semaphore, #tpu.memory_space<semaphore_mem>>)
      %dma_wait3A = arith.constant 0 : i32
      %dma_wait3A_48 = tpu.memref_slice %arg10[%add3A_14, %dma_wait3A] : memref<10240x64xf32, #tpu.memory_space<vmem_shared>> -> memref<128x64xf32, #tpu.memory_space<vmem_shared>>
      %dma_wait3A_49 = arith.constant 0 : i32
      %dma_wait3A_50 = tpu.memref_slice %arg10[%add3A_14, %dma_wait3A_49] : memref<10240x64xf32, #tpu.memory_space<vmem_shared>> -> memref<128x64xf32, #tpu.memory_space<vmem_shared>>
      tpu.wait_dma2 semaphore(%run_scoped3A : memref<!tpu.dma_semaphore, #tpu.memory_space<semaphore_mem>>) src(%arg8 : memref<128x64xf32, #tpu.memory_space<vmem>>) dst(%dma_wait3A_50 : memref<128x64xf32, #tpu.memory_space<vmem_shared>>)
      tpu.yield
    }) : () -> ()
    %mul3A_15 = arith.constant 640 : i32
    %mul3A_16 = arith.muli %arg1, %mul3A_15 : i32
    %add3A_17 = arith.constant 256 : i32
    %add3A_18 = arith.addi %mul3A_16, %add3A_17 : i32
    "tpu.region"() ({
      %run_scoped3A = tpu.sem_alloc : memref<!tpu.dma_semaphore, #tpu.memory_space<semaphore_mem>>
      %dma_start3A = arith.constant 0 : i32
      %dma_start3A_45 = tpu.memref_slice %arg10[%add3A_18, %dma_start3A] : memref<10240x64xf32, #tpu.memory_space<vmem_shared>> -> memref<128x64xf32, #tpu.memory_space<vmem_shared>>
      %dma_start3A_46 = arith.constant 0 : i32
      %dma_start3A_47 = tpu.memref_slice %arg10[%add3A_18, %dma_start3A_46] : memref<10240x64xf32, #tpu.memory_space<vmem_shared>> -> memref<128x64xf32, #tpu.memory_space<vmem_shared>>
      tpu.enqueue_dma source(%arg8 : memref<128x64xf32, #tpu.memory_space<vmem>>) target(%dma_start3A_47 : memref<128x64xf32, #tpu.memory_space<vmem_shared>>) target_semaphore(%run_scoped3A : memref<!tpu.dma_semaphore, #tpu.memory_space<semaphore_mem>>)
      %dma_wait3A = arith.constant 0 : i32
      %dma_wait3A_48 = tpu.memref_slice %arg10[%add3A_18, %dma_wait3A] : memref<10240x64xf32, #tpu.memory_space<vmem_shared>> -> memref<128x64xf32, #tpu.memory_space<vmem_shared>>
      %dma_wait3A_49 = arith.constant 0 : i32
      %dma_wait3A_50 = tpu.memref_slice %arg10[%add3A_18, %dma_wait3A_49] : memref<10240x64xf32, #tpu.memory_space<vmem_shared>> -> memref<128x64xf32, #tpu.memory_space<vmem_shared>>
      tpu.wait_dma2 semaphore(%run_scoped3A : memref<!tpu.dma_semaphore, #tpu.memory_space<semaphore_mem>>) src(%arg8 : memref<128x64xf32, #tpu.memory_space<vmem>>) dst(%dma_wait3A_50 : memref<128x64xf32, #tpu.memory_space<vmem_shared>>)
      tpu.yield
    }) : () -> ()
    %mul3A_19 = arith.constant 640 : i32
    %mul3A_20 = arith.muli %arg1, %mul3A_19 : i32
    %add3A_21 = arith.constant 384 : i32
    %add3A_22 = arith.addi %mul3A_20, %add3A_21 : i32
    "tpu.region"() ({
      %run_scoped3A = tpu.sem_alloc : memref<!tpu.dma_semaphore, #tpu.memory_space<semaphore_mem>>
      %dma_start3A = arith.constant 0 : i32
      %dma_start3A_45 = tpu.memref_slice %arg10[%add3A_22, %dma_start3A] : memref<10240x64xf32, #tpu.memory_space<vmem_shared>> -> memref<128x64xf32, #tpu.memory_space<vmem_shared>>
      %dma_start3A_46 = arith.constant 0 : i32
      %dma_start3A_47 = tpu.memref_slice %arg10[%add3A_22, %dma_start3A_46] : memref<10240x64xf32, #tpu.memory_space<vmem_shared>> -> memref<128x64xf32, #tpu.memory_space<vmem_shared>>
      tpu.enqueue_dma source(%arg8 : memref<128x64xf32, #tpu.memory_space<vmem>>) target(%dma_start3A_47 : memref<128x64xf32, #tpu.memory_space<vmem_shared>>) target_semaphore(%run_scoped3A : memref<!tpu.dma_semaphore, #tpu.memory_space<semaphore_mem>>)
      %dma_wait3A = arith.constant 0 : i32
      %dma_wait3A_48 = tpu.memref_slice %arg10[%add3A_22, %dma_wait3A] : memref<10240x64xf32, #tpu.memory_space<vmem_shared>> -> memref<128x64xf32, #tpu.memory_space<vmem_shared>>
      %dma_wait3A_49 = arith.constant 0 : i32
      %dma_wait3A_50 = tpu.memref_slice %arg10[%add3A_22, %dma_wait3A_49] : memref<10240x64xf32, #tpu.memory_space<vmem_shared>> -> memref<128x64xf32, #tpu.memory_space<vmem_shared>>
      tpu.wait_dma2 semaphore(%run_scoped3A : memref<!tpu.dma_semaphore, #tpu.memory_space<semaphore_mem>>) src(%arg8 : memref<128x64xf32, #tpu.memory_space<vmem>>) dst(%dma_wait3A_50 : memref<128x64xf32, #tpu.memory_space<vmem_shared>>)
      tpu.yield
    }) : () -> ()
    %mul3A_23 = arith.constant 640 : i32
    %mul3A_24 = arith.muli %arg1, %mul3A_23 : i32
    %add3A_25 = arith.constant 512 : i32
    %add3A_26 = arith.addi %mul3A_24, %add3A_25 : i32
    "tpu.region"() ({
      %run_scoped3A = tpu.sem_alloc : memref<!tpu.dma_semaphore, #tpu.memory_space<semaphore_mem>>
      %dma_start3A = arith.constant 0 : i32
      %dma_start3A_45 = tpu.memref_slice %arg10[%add3A_26, %dma_start3A] : memref<10240x64xf32, #tpu.memory_space<vmem_shared>> -> memref<128x64xf32, #tpu.memory_space<vmem_shared>>
      %dma_start3A_46 = arith.constant 0 : i32
      %dma_start3A_47 = tpu.memref_slice %arg10[%add3A_26, %dma_start3A_46] : memref<10240x64xf32, #tpu.memory_space<vmem_shared>> -> memref<128x64xf32, #tpu.memory_space<vmem_shared>>
      tpu.enqueue_dma source(%arg8 : memref<128x64xf32, #tpu.memory_space<vmem>>) target(%dma_start3A_47 : memref<128x64xf32, #tpu.memory_space<vmem_shared>>) target_semaphore(%run_scoped3A : memref<!tpu.dma_semaphore, #tpu.memory_space<semaphore_mem>>)
      %dma_wait3A = arith.constant 0 : i32
      %dma_wait3A_48 = tpu.memref_slice %arg10[%add3A_26, %dma_wait3A] : memref<10240x64xf32, #tpu.memory_space<vmem_shared>> -> memref<128x64xf32, #tpu.memory_space<vmem_shared>>
      %dma_wait3A_49 = arith.constant 0 : i32
      %dma_wait3A_50 = tpu.memref_slice %arg10[%add3A_26, %dma_wait3A_49] : memref<10240x64xf32, #tpu.memory_space<vmem_shared>> -> memref<128x64xf32, #tpu.memory_space<vmem_shared>>
      tpu.wait_dma2 semaphore(%run_scoped3A : memref<!tpu.dma_semaphore, #tpu.memory_space<semaphore_mem>>) src(%arg8 : memref<128x64xf32, #tpu.memory_space<vmem>>) dst(%dma_wait3A_50 : memref<128x64xf32, #tpu.memory_space<vmem_shared>>)
      tpu.yield
    }) : () -> ()
    %mul3A_27 = arith.constant 625 : i32
    %mul3A_28 = arith.muli %arg1, %mul3A_27 : i32
    %mul3A_29 = arith.constant 625 : i32
    %mul3A_30 = arith.muli %arg1, %mul3A_29 : i32
    "tpu.region"() ({
      %run_scoped3A = tpu.sem_alloc : memref<!tpu.dma_semaphore, #tpu.memory_space<semaphore_mem>>
      %dma_start3A = arith.constant 0 : i32
      %dma_start3A_45 = tpu.memref_slice %arg9[%mul3A_30, %dma_start3A] : memref<10000x64xf32, #tpu.memory_space<vmem_shared>> -> memref<625x64xf32, #tpu.memory_space<vmem_shared>>
      %dma_start3A_46 = arith.constant 0 : i32
      %dma_start3A_47 = tpu.memref_slice %arg2[%mul3A_28, %dma_start3A_46] : memref<10000x64xf32, #tpu.memory_space<hbm>> -> memref<625x64xf32, #tpu.memory_space<hbm>>
      tpu.enqueue_dma source(%dma_start3A_47 : memref<625x64xf32, #tpu.memory_space<hbm>>) target(%dma_start3A_45 : memref<625x64xf32, #tpu.memory_space<vmem_shared>>) target_semaphore(%run_scoped3A : memref<!tpu.dma_semaphore, #tpu.memory_space<semaphore_mem>>)
      %dma_wait3A = arith.constant 0 : i32
      %dma_wait3A_48 = tpu.memref_slice %arg9[%mul3A_30, %dma_wait3A] : memref<10000x64xf32, #tpu.memory_space<vmem_shared>> -> memref<625x64xf32, #tpu.memory_space<vmem_shared>>
      %dma_wait3A_49 = arith.constant 0 : i32
      %dma_wait3A_50 = tpu.memref_slice %arg2[%mul3A_28, %dma_wait3A_49] : memref<10000x64xf32, #tpu.memory_space<hbm>> -> memref<625x64xf32, #tpu.memory_space<hbm>>
      tpu.wait_dma2 semaphore(%run_scoped3A : memref<!tpu.dma_semaphore, #tpu.memory_space<semaphore_mem>>) src(%dma_wait3A_50 : memref<625x64xf32, #tpu.memory_space<hbm>>) dst(%dma_wait3A_48 : memref<625x64xf32, #tpu.memory_space<vmem_shared>>)
      tpu.yield
    }) : () -> ()
    "tpu.region"() ({
      %run_scoped3A = tpu.sem_alloc : memref<!tpu.dma_semaphore, #tpu.memory_space<semaphore_mem>>
      %dma_start3A = arith.constant 0 : i32
      %dma_start3A_45 = arith.constant 0 : i32
      %dma_start3A_46 = tpu.memref_slice %arg3[%add3A, %dma_start3A, %dma_start3A_45] : memref<32x79x128xi32, #tpu.memory_space<hbm>> -> memref<1x79x128xi32, #tpu.memory_space<hbm>>
      %dma_start3A_47 = tpu.memref_squeeze %dma_start3A_46 : memref<1x79x128xi32, #tpu.memory_space<hbm>> -> memref<79x128xi32, #tpu.memory_space<hbm>>
      %dma_start3A_48 = arith.constant 0 : i32
      %dma_start3A_49 = arith.constant 0 : i32
      %dma_start3A_50 = tpu.memref_slice %arg3[%add3A, %dma_start3A_48, %dma_start3A_49] : memref<32x79x128xi32, #tpu.memory_space<hbm>> -> memref<1x79x128xi32, #tpu.memory_space<hbm>>
      %dma_start3A_51 = tpu.memref_squeeze %dma_start3A_50 : memref<1x79x128xi32, #tpu.memory_space<hbm>> -> memref<79x128xi32, #tpu.memory_space<hbm>>
      tpu.enqueue_dma source(%dma_start3A_51 : memref<79x128xi32, #tpu.memory_space<hbm>>) target(%arg6 : memref<79x128xi32, #tpu.memory_space<vmem>>) target_semaphore(%run_scoped3A : memref<!tpu.dma_semaphore, #tpu.memory_space<semaphore_mem>>)
      %dma_wait3A = arith.constant 0 : i32
      %dma_wait3A_52 = arith.constant 0 : i32
      %dma_wait3A_53 = tpu.memref_slice %arg3[%add3A, %dma_wait3A, %dma_wait3A_52] : memref<32x79x128xi32, #tpu.memory_space<hbm>> -> memref<1x79x128xi32, #tpu.memory_space<hbm>>
      %dma_wait3A_54 = tpu.memref_squeeze %dma_wait3A_53 : memref<1x79x128xi32, #tpu.memory_space<hbm>> -> memref<79x128xi32, #tpu.memory_space<hbm>>
      %dma_wait3A_55 = arith.constant 0 : i32
      %dma_wait3A_56 = arith.constant 0 : i32
      %dma_wait3A_57 = tpu.memref_slice %arg3[%add3A, %dma_wait3A_55, %dma_wait3A_56] : memref<32x79x128xi32, #tpu.memory_space<hbm>> -> memref<1x79x128xi32, #tpu.memory_space<hbm>>
      %dma_wait3A_58 = tpu.memref_squeeze %dma_wait3A_57 : memref<1x79x128xi32, #tpu.memory_space<hbm>> -> memref<79x128xi32, #tpu.memory_space<hbm>>
      tpu.wait_dma2 semaphore(%run_scoped3A : memref<!tpu.dma_semaphore, #tpu.memory_space<semaphore_mem>>) src(%dma_wait3A_58 : memref<79x128xi32, #tpu.memory_space<hbm>>) dst(%arg6 : memref<79x128xi32, #tpu.memory_space<vmem>>)
      tpu.yield
    }) : () -> ()
    "tpu.region"() ({
      %run_scoped3A = tpu.sem_alloc : memref<!tpu.dma_semaphore, #tpu.memory_space<semaphore_mem>>
      %dma_start3A = arith.constant 0 : i32
      %dma_start3A_45 = arith.constant 0 : i32
      %dma_start3A_46 = tpu.memref_slice %arg4[%add3A, %dma_start3A, %dma_start3A_45] : memref<32x79x128xi32, #tpu.memory_space<hbm>> -> memref<1x79x128xi32, #tpu.memory_space<hbm>>
      %dma_start3A_47 = tpu.memref_squeeze %dma_start3A_46 : memref<1x79x128xi32, #tpu.memory_space<hbm>> -> memref<79x128xi32, #tpu.memory_space<hbm>>
      %dma_start3A_48 = arith.constant 0 : i32
      %dma_start3A_49 = arith.constant 0 : i32
      %dma_start3A_50 = tpu.memref_slice %arg4[%add3A, %dma_start3A_48, %dma_start3A_49] : memref<32x79x128xi32, #tpu.memory_space<hbm>> -> memref<1x79x128xi32, #tpu.memory_space<hbm>>
      %dma_start3A_51 = tpu.memref_squeeze %dma_start3A_50 : memref<1x79x128xi32, #tpu.memory_space<hbm>> -> memref<79x128xi32, #tpu.memory_space<hbm>>
      tpu.enqueue_dma source(%dma_start3A_51 : memref<79x128xi32, #tpu.memory_space<hbm>>) target(%arg7 : memref<79x128xi32, #tpu.memory_space<vmem>>) target_semaphore(%run_scoped3A : memref<!tpu.dma_semaphore, #tpu.memory_space<semaphore_mem>>)
      %dma_wait3A = arith.constant 0 : i32
      %dma_wait3A_52 = arith.constant 0 : i32
      %dma_wait3A_53 = tpu.memref_slice %arg4[%add3A, %dma_wait3A, %dma_wait3A_52] : memref<32x79x128xi32, #tpu.memory_space<hbm>> -> memref<1x79x128xi32, #tpu.memory_space<hbm>>
      %dma_wait3A_54 = tpu.memref_squeeze %dma_wait3A_53 : memref<1x79x128xi32, #tpu.memory_space<hbm>> -> memref<79x128xi32, #tpu.memory_space<hbm>>
      %dma_wait3A_55 = arith.constant 0 : i32
      %dma_wait3A_56 = arith.constant 0 : i32
      %dma_wait3A_57 = tpu.memref_slice %arg4[%add3A, %dma_wait3A_55, %dma_wait3A_56] : memref<32x79x128xi32, #tpu.memory_space<hbm>> -> memref<1x79x128xi32, #tpu.memory_space<hbm>>
      %dma_wait3A_58 = tpu.memref_squeeze %dma_wait3A_57 : memref<1x79x128xi32, #tpu.memory_space<hbm>> -> memref<79x128xi32, #tpu.memory_space<hbm>>
      tpu.wait_dma2 semaphore(%run_scoped3A : memref<!tpu.dma_semaphore, #tpu.memory_space<semaphore_mem>>) src(%dma_wait3A_58 : memref<79x128xi32, #tpu.memory_space<hbm>>) dst(%arg7 : memref<79x128xi32, #tpu.memory_space<vmem>>)
      tpu.yield
    }) : () -> ()
    %barrier3A = arith.constant 0 : index
    tpu.barrier barrier_id(%barrier3A)
    %scan3A_31 = arith.constant 0 : i32
    %scan3A_32 = arith.constant 0 : i32
    %scan3A_33 = arith.constant 79 : i32
    %scan3A_34 = arith.addi %scan3A_32, %scan3A_33 : i32
    %scan3A_35 = arith.constant 1 : i32
    scf.for %scan3A_45 = %scan3A_32 to %scan3A_34 step %scan3A_35  : i32 {
      %dma_start3A = arith.constant 0 : i32
      %dma_start3A_46 = tpu.memref_slice %arg6[%scan3A_45, %dma_start3A] : memref<79x128xi32, #tpu.memory_space<vmem>> -> memref<1x128xi32, #tpu.memory_space<vmem>>
      %dma_start3A_47 = tpu.memref_squeeze %dma_start3A_46 : memref<1x128xi32, #tpu.memory_space<vmem>> -> memref<128xi32, #tpu.memory_space<vmem>>
      %dma_start3A_48 = arith.constant 0 : i32
      %dma_start3A_49 = arith.constant 0 : i32
      %dma_start3A_50 = tpu.memref_slice %arg9[%dma_start3A_48, %dma_start3A_49] : memref<10000x64xf32, #tpu.memory_space<vmem_shared>> -> memref<10000x64xf32, #tpu.memory_space<vmem_shared>>
      tpu.enqueue_indirect_dma source(%dma_start3A_50 : memref<10000x64xf32, #tpu.memory_space<vmem_shared>>) target(%arg8 : memref<128x64xf32, #tpu.memory_space<vmem>>) offsets(%dma_start3A_47 : memref<128xi32, #tpu.memory_space<vmem>>) semaphore(%arg11 : memref<!tpu.dma_semaphore, #tpu.memory_space<semaphore_mem>>)
      %dma_wait3A = arith.constant 0 : i32
      %dma_wait3A_51 = tpu.memref_slice %arg6[%scan3A_45, %dma_wait3A] : memref<79x128xi32, #tpu.memory_space<vmem>> -> memref<1x128xi32, #tpu.memory_space<vmem>>
      %dma_wait3A_52 = tpu.memref_squeeze %dma_wait3A_51 : memref<1x128xi32, #tpu.memory_space<vmem>> -> memref<128xi32, #tpu.memory_space<vmem>>
      %dma_wait3A_53 = arith.constant 0 : i32
      %dma_wait3A_54 = arith.constant 0 : i32
      %dma_wait3A_55 = tpu.memref_slice %arg9[%dma_wait3A_53, %dma_wait3A_54] : memref<10000x64xf32, #tpu.memory_space<vmem_shared>> -> memref<10000x64xf32, #tpu.memory_space<vmem_shared>>
      tpu.wait_indirect_dma semaphore(%arg11 : memref<!tpu.dma_semaphore, #tpu.memory_space<semaphore_mem>>) src(%dma_wait3A_55 : memref<10000x64xf32, #tpu.memory_space<vmem_shared>>) dst(%arg8 : memref<128x64xf32, #tpu.memory_space<vmem>>)
      %dma_start3A_56 = arith.constant 0 : i32
      %dma_start3A_57 = tpu.memref_slice %arg7[%scan3A_45, %dma_start3A_56] : memref<79x128xi32, #tpu.memory_space<vmem>> -> memref<1x128xi32, #tpu.memory_space<vmem>>
      %dma_start3A_58 = tpu.memref_squeeze %dma_start3A_57 : memref<1x128xi32, #tpu.memory_space<vmem>> -> memref<128xi32, #tpu.memory_space<vmem>>
      %dma_start3A_59 = arith.constant 0 : i32
      %dma_start3A_60 = arith.constant 0 : i32
      %dma_start3A_61 = tpu.memref_slice %arg10[%dma_start3A_59, %dma_start3A_60] : memref<10240x64xf32, #tpu.memory_space<vmem_shared>> -> memref<10240x64xf32, #tpu.memory_space<vmem_shared>>
      tpu.enqueue_indirect_dma source(%arg8 : memref<128x64xf32, #tpu.memory_space<vmem>>) target(%dma_start3A_61 : memref<10240x64xf32, #tpu.memory_space<vmem_shared>>) offsets(%dma_start3A_58 : memref<128xi32, #tpu.memory_space<vmem>>) semaphore(%arg12 : memref<!tpu.dma_semaphore, #tpu.memory_space<semaphore_mem>>) {add = true}
      %dma_wait3A_62 = arith.constant 0 : i32
      %dma_wait3A_63 = tpu.memref_slice %arg7[%scan3A_45, %dma_wait3A_62] : memref<79x128xi32, #tpu.memory_space<vmem>> -> memref<1x128xi32, #tpu.memory_space<vmem>>
      %dma_wait3A_64 = tpu.memref_squeeze %dma_wait3A_63 : memref<1x128xi32, #tpu.memory_space<vmem>> -> memref<128xi32, #tpu.memory_space<vmem>>
      %dma_wait3A_65 = arith.constant 0 : i32
      %dma_wait3A_66 = arith.constant 0 : i32
      %dma_wait3A_67 = tpu.memref_slice %arg10[%dma_wait3A_65, %dma_wait3A_66] : memref<10240x64xf32, #tpu.memory_space<vmem_shared>> -> memref<10240x64xf32, #tpu.memory_space<vmem_shared>>
      tpu.wait_indirect_dma semaphore(%arg12 : memref<!tpu.dma_semaphore, #tpu.memory_space<semaphore_mem>>) src(%arg8 : memref<128x64xf32, #tpu.memory_space<vmem>>) dst(%dma_wait3A_67 : memref<10240x64xf32, #tpu.memory_space<vmem_shared>>)
    }
    %scan3A_36 = arith.constant 79 : i32
    %barrier3A_37 = arith.constant 0 : index
    tpu.barrier barrier_id(%barrier3A_37)
    %mul3A_38 = arith.constant 640 : i32
    %mul3A_39 = arith.muli %arg1, %mul3A_38 : i32
    %mul3A_40 = arith.constant 10240 : i32
    %mul3A_41 = arith.muli %arg0, %mul3A_40 : i32
    %mul3A_42 = arith.constant 640 : i32
    %mul3A_43 = arith.muli %arg1, %mul3A_42 : i32
    %add3A_44 = arith.addi %mul3A_41, %mul3A_43 : i32
    "tpu.region"() ({
      %run_scoped3A = tpu.sem_alloc : memref<!tpu.dma_semaphore, #tpu.memory_space<semaphore_mem>>
      %dma_start3A = arith.constant 0 : i32
      %dma_start3A_45 = tpu.memref_slice %arg5[%add3A_44, %dma_start3A] : memref<20480x64xf32, #tpu.memory_space<hbm>> -> memref<640x64xf32, #tpu.memory_space<hbm>>
      %dma_start3A_46 = arith.constant 0 : i32
      %dma_start3A_47 = tpu.memref_slice %arg10[%mul3A_39, %dma_start3A_46] : memref<10240x64xf32, #tpu.memory_space<vmem_shared>> -> memref<640x64xf32, #tpu.memory_space<vmem_shared>>
      tpu.enqueue_dma source(%dma_start3A_47 : memref<640x64xf32, #tpu.memory_space<vmem_shared>>) target(%dma_start3A_45 : memref<640x64xf32, #tpu.memory_space<hbm>>) target_semaphore(%run_scoped3A : memref<!tpu.dma_semaphore, #tpu.memory_space<semaphore_mem>>)
      %dma_wait3A = arith.constant 0 : i32
      %dma_wait3A_48 = tpu.memref_slice %arg5[%add3A_44, %dma_wait3A] : memref<20480x64xf32, #tpu.memory_space<hbm>> -> memref<640x64xf32, #tpu.memory_space<hbm>>
      %dma_wait3A_49 = arith.constant 0 : i32
      %dma_wait3A_50 = tpu.memref_slice %arg10[%mul3A_39, %dma_wait3A_49] : memref<10240x64xf32, #tpu.memory_space<vmem_shared>> -> memref<640x64xf32, #tpu.memory_space<vmem_shared>>
      tpu.wait_dma2 semaphore(%run_scoped3A : memref<!tpu.dma_semaphore, #tpu.memory_space<semaphore_mem>>) src(%dma_wait3A_50 : memref<640x64xf32, #tpu.memory_space<vmem_shared>>) dst(%dma_wait3A_48 : memref<640x64xf32, #tpu.memory_space<hbm>>)
      tpu.yield
    }) : () -> ()
    return
  }
}

#map = affine_map<(d0, d1) -> (0, 0)>
#map1 = affine_map<(d0, d1) -> (0, 0, 0)>
module attributes {stable_mosaic.version = 14 : i64} {
  func.func @_sc_segment_sum(%arg0: i32, %arg1: i32, %arg2: memref<10000x64xf32, #tpu.memory_space<hbm>>, %arg3: memref<32x79x128xi32, #tpu.memory_space<hbm>>, %arg4: memref<32x79x128xi32, #tpu.memory_space<hbm>>, %arg5: memref<20480x64xf32, #tpu.memory_space<hbm>>, %arg6: memref<79x128xi32, #tpu.memory_space<vmem>>, %arg7: memref<79x128xi32, #tpu.memory_space<vmem>>, %arg8: memref<128x64xf32, #tpu.memory_space<vmem>>, %arg9: memref<10000x64xf32, #tpu.memory_space<vmem_shared>>, %arg10: memref<10240x64xf32, #tpu.memory_space<vmem_shared>>, %arg11: memref<!tpu.dma_semaphore, #tpu.memory_space<semaphore_mem>>, %arg12: memref<!tpu.dma_semaphore, #tpu.memory_space<semaphore_mem>>) attributes {dimension_semantics = [#tpu.dimension_semantics<core_parallel>, #tpu.dimension_semantics<subcore_parallel>], iteration_bounds = array<i64: 2, 16>, scalar_prefetch = 0 : i64, scratch_operands = 7 : i64, tpu.core_type = #tpu.core_type<sc_vector_subcore>, window_params = [{transform_indices = #map}, {transform_indices = #map1}, {transform_indices = #map1}, {transform_indices = #map}]} {
    %mul3A = arith.constant 2 : i32
    %mul3A_0 = arith.muli %arg1, %mul3A : i32
    %add3A = arith.addi %mul3A_0, %arg0 : i32
    %broadcast_in_dim3A = arith.constant 0.000000e+00 : f32
    %broadcast_in_dim3A_1 = vector.broadcast %broadcast_in_dim3A : f32 to vector<16xf32>
    %scan3A = arith.constant 0 : i32
    %scan3A_2 = arith.constant 0 : i32
    %scan3A_3 = arith.constant 128 : i32
    %scan3A_4 = arith.addi %scan3A_2, %scan3A_3 : i32
    %scan3A_5 = arith.constant 1 : i32
    scf.for %scan3A_45 = %scan3A_2 to %scan3A_4 step %scan3A_5  : i32 {
      %swap3A = arith.index_cast %scan3A_45 : i32 to index
      %swap3A_46 = arith.constant 0 : index
      %swap3A_47 = tpu.vector_load %arg8[%swap3A, %swap3A_46] {strides = array<i32>} : memref<128x64xf32, #tpu.memory_space<vmem>>, vector<1x16xf32>,
      %swap3A_48 = vector.shape_cast %swap3A_47 : vector<1x16xf32> to vector<16xf32>
      %swap3A_49 = vector.shape_cast %broadcast_in_dim3A_1 : vector<16xf32> to vector<1x16xf32>
      tpu.vector_store %arg8[%swap3A, %swap3A_46], %swap3A_49 {strides = array<i32>} : memref<128x64xf32, #tpu.memory_space<vmem>>, vector<1x16xf32>,
      %swap3A_50 = arith.index_cast %scan3A_45 : i32 to index
      %swap3A_51 = arith.constant 16 : index
      %swap3A_52 = tpu.vector_load %arg8[%swap3A_50, %swap3A_51] {strides = array<i32>} : memref<128x64xf32, #tpu.memory_space<vmem>>, vector<1x16xf32>,
      %swap3A_53 = vector.shape_cast %swap3A_52 : vector<1x16xf32> to vector<16xf32>
      %swap3A_54 = vector.shape_cast %broadcast_in_dim3A_1 : vector<16xf32> to vector<1x16xf32>
      tpu.vector_store %arg8[%swap3A_50, %swap3A_51], %swap3A_54 {strides = array<i32>} : memref<128x64xf32, #tpu.memory_space<vmem>>, vector<1x16xf32>,
      %swap3A_55 = arith.index_cast %scan3A_45 : i32 to index
      %swap3A_56 = arith.constant 32 : index
      %swap3A_57 = tpu.vector_load %arg8[%swap3A_55, %swap3A_56] {strides = array<i32>} : memref<128x64xf32, #tpu.memory_space<vmem>>, vector<1x16xf32>,
      %swap3A_58 = vector.shape_cast %swap3A_57 : vector<1x16xf32> to vector<16xf32>
      %swap3A_59 = vector.shape_cast %broadcast_in_dim3A_1 : vector<16xf32> to vector<1x16xf32>
      tpu.vector_store %arg8[%swap3A_55, %swap3A_56], %swap3A_59 {strides = array<i32>} : memref<128x64xf32, #tpu.memory_space<vmem>>, vector<1x16xf32>,
      %swap3A_60 = arith.index_cast %scan3A_45 : i32 to index
      %swap3A_61 = arith.constant 48 : index
      %swap3A_62 = tpu.vector_load %arg8[%swap3A_60, %swap3A_61] {strides = array<i32>} : memref<128x64xf32, #tpu.memory_space<vmem>>, vector<1x16xf32>,
      %swap3A_63 = vector.shape_cast %swap3A_62 : vector<1x16xf32> to vector<16xf32>
      %swap3A_64 = vector.shape_cast %broadcast_in_dim3A_1 : vector<16xf32> to vector<1x16xf32>
      tpu.vector_store %arg8[%swap3A_60, %swap3A_61], %swap3A_64 {strides = array<i32>} : memref<128x64xf32, #tpu.memory_space<vmem>>, vector<1x16xf32>,
    }
    %scan3A_6 = arith.constant 128 : i32
    %mul3A_7 = arith.constant 640 : i32
    %mul3A_8 = arith.muli %arg1, %mul3A_7 : i32
    %add3A_9 = arith.constant 0 : i32
    %add3A_10 = arith.addi %mul3A_8, %add3A_9 : i32
    "tpu.region"() ({
      %run_scoped3A = tpu.sem_alloc : memref<!tpu.dma_semaphore, #tpu.memory_space<semaphore_mem>>
      %dma_start3A = arith.constant 0 : i32
      %dma_start3A_45 = tpu.memref_slice %arg10[%add3A_10, %dma_start3A] : memref<10240x64xf32, #tpu.memory_space<vmem_shared>> -> memref<128x64xf32, #tpu.memory_space<vmem_shared>>
      %dma_start3A_46 = arith.constant 0 : i32
      %dma_start3A_47 = tpu.memref_slice %arg10[%add3A_10, %dma_start3A_46] : memref<10240x64xf32, #tpu.memory_space<vmem_shared>> -> memref<128x64xf32, #tpu.memory_space<vmem_shared>>
      tpu.enqueue_dma source(%arg8 : memref<128x64xf32, #tpu.memory_space<vmem>>) target(%dma_start3A_47 : memref<128x64xf32, #tpu.memory_space<vmem_shared>>) target_semaphore(%run_scoped3A : memref<!tpu.dma_semaphore, #tpu.memory_space<semaphore_mem>>)
      %dma_wait3A = arith.constant 0 : i32
      %dma_wait3A_48 = tpu.memref_slice %arg10[%add3A_10, %dma_wait3A] : memref<10240x64xf32, #tpu.memory_space<vmem_shared>> -> memref<128x64xf32, #tpu.memory_space<vmem_shared>>
      %dma_wait3A_49 = arith.constant 0 : i32
      %dma_wait3A_50 = tpu.memref_slice %arg10[%add3A_10, %dma_wait3A_49] : memref<10240x64xf32, #tpu.memory_space<vmem_shared>> -> memref<128x64xf32, #tpu.memory_space<vmem_shared>>
      tpu.wait_dma2 semaphore(%run_scoped3A : memref<!tpu.dma_semaphore, #tpu.memory_space<semaphore_mem>>) src(%arg8 : memref<128x64xf32, #tpu.memory_space<vmem>>) dst(%dma_wait3A_50 : memref<128x64xf32, #tpu.memory_space<vmem_shared>>)
      tpu.yield
    }) : () -> ()
    %mul3A_11 = arith.constant 640 : i32
    %mul3A_12 = arith.muli %arg1, %mul3A_11 : i32
    %add3A_13 = arith.constant 128 : i32
    %add3A_14 = arith.addi %mul3A_12, %add3A_13 : i32
    "tpu.region"() ({
      %run_scoped3A = tpu.sem_alloc : memref<!tpu.dma_semaphore, #tpu.memory_space<semaphore_mem>>
      %dma_start3A = arith.constant 0 : i32
      %dma_start3A_45 = tpu.memref_slice %arg10[%add3A_14, %dma_start3A] : memref<10240x64xf32, #tpu.memory_space<vmem_shared>> -> memref<128x64xf32, #tpu.memory_space<vmem_shared>>
      %dma_start3A_46 = arith.constant 0 : i32
      %dma_start3A_47 = tpu.memref_slice %arg10[%add3A_14, %dma_start3A_46] : memref<10240x64xf32, #tpu.memory_space<vmem_shared>> -> memref<128x64xf32, #tpu.memory_space<vmem_shared>>
      tpu.enqueue_dma source(%arg8 : memref<128x64xf32, #tpu.memory_space<vmem>>) target(%dma_start3A_47 : memref<128x64xf32, #tpu.memory_space<vmem_shared>>) target_semaphore(%run_scoped3A : memref<!tpu.dma_semaphore, #tpu.memory_space<semaphore_mem>>)
      %dma_wait3A = arith.constant 0 : i32
      %dma_wait3A_48 = tpu.memref_slice %arg10[%add3A_14, %dma_wait3A] : memref<10240x64xf32, #tpu.memory_space<vmem_shared>> -> memref<128x64xf32, #tpu.memory_space<vmem_shared>>
      %dma_wait3A_49 = arith.constant 0 : i32
      %dma_wait3A_50 = tpu.memref_slice %arg10[%add3A_14, %dma_wait3A_49] : memref<10240x64xf32, #tpu.memory_space<vmem_shared>> -> memref<128x64xf32, #tpu.memory_space<vmem_shared>>
      tpu.wait_dma2 semaphore(%run_scoped3A : memref<!tpu.dma_semaphore, #tpu.memory_space<semaphore_mem>>) src(%arg8 : memref<128x64xf32, #tpu.memory_space<vmem>>) dst(%dma_wait3A_50 : memref<128x64xf32, #tpu.memory_space<vmem_shared>>)
      tpu.yield
    }) : () -> ()
    %mul3A_15 = arith.constant 640 : i32
    %mul3A_16 = arith.muli %arg1, %mul3A_15 : i32
    %add3A_17 = arith.constant 256 : i32
    %add3A_18 = arith.addi %mul3A_16, %add3A_17 : i32
    "tpu.region"() ({
      %run_scoped3A = tpu.sem_alloc : memref<!tpu.dma_semaphore, #tpu.memory_space<semaphore_mem>>
      %dma_start3A = arith.constant 0 : i32
      %dma_start3A_45 = tpu.memref_slice %arg10[%add3A_18, %dma_start3A] : memref<10240x64xf32, #tpu.memory_space<vmem_shared>> -> memref<128x64xf32, #tpu.memory_space<vmem_shared>>
      %dma_start3A_46 = arith.constant 0 : i32
      %dma_start3A_47 = tpu.memref_slice %arg10[%add3A_18, %dma_start3A_46] : memref<10240x64xf32, #tpu.memory_space<vmem_shared>> -> memref<128x64xf32, #tpu.memory_space<vmem_shared>>
      tpu.enqueue_dma source(%arg8 : memref<128x64xf32, #tpu.memory_space<vmem>>) target(%dma_start3A_47 : memref<128x64xf32, #tpu.memory_space<vmem_shared>>) target_semaphore(%run_scoped3A : memref<!tpu.dma_semaphore, #tpu.memory_space<semaphore_mem>>)
      %dma_wait3A = arith.constant 0 : i32
      %dma_wait3A_48 = tpu.memref_slice %arg10[%add3A_18, %dma_wait3A] : memref<10240x64xf32, #tpu.memory_space<vmem_shared>> -> memref<128x64xf32, #tpu.memory_space<vmem_shared>>
      %dma_wait3A_49 = arith.constant 0 : i32
      %dma_wait3A_50 = tpu.memref_slice %arg10[%add3A_18, %dma_wait3A_49] : memref<10240x64xf32, #tpu.memory_space<vmem_shared>> -> memref<128x64xf32, #tpu.memory_space<vmem_shared>>
      tpu.wait_dma2 semaphore(%run_scoped3A : memref<!tpu.dma_semaphore, #tpu.memory_space<semaphore_mem>>) src(%arg8 : memref<128x64xf32, #tpu.memory_space<vmem>>) dst(%dma_wait3A_50 : memref<128x64xf32, #tpu.memory_space<vmem_shared>>)
      tpu.yield
    }) : () -> ()
    %mul3A_19 = arith.constant 640 : i32
    %mul3A_20 = arith.muli %arg1, %mul3A_19 : i32
    %add3A_21 = arith.constant 384 : i32
    %add3A_22 = arith.addi %mul3A_20, %add3A_21 : i32
    "tpu.region"() ({
      %run_scoped3A = tpu.sem_alloc : memref<!tpu.dma_semaphore, #tpu.memory_space<semaphore_mem>>
      %dma_start3A = arith.constant 0 : i32
      %dma_start3A_45 = tpu.memref_slice %arg10[%add3A_22, %dma_start3A] : memref<10240x64xf32, #tpu.memory_space<vmem_shared>> -> memref<128x64xf32, #tpu.memory_space<vmem_shared>>
      %dma_start3A_46 = arith.constant 0 : i32
      %dma_start3A_47 = tpu.memref_slice %arg10[%add3A_22, %dma_start3A_46] : memref<10240x64xf32, #tpu.memory_space<vmem_shared>> -> memref<128x64xf32, #tpu.memory_space<vmem_shared>>
      tpu.enqueue_dma source(%arg8 : memref<128x64xf32, #tpu.memory_space<vmem>>) target(%dma_start3A_47 : memref<128x64xf32, #tpu.memory_space<vmem_shared>>) target_semaphore(%run_scoped3A : memref<!tpu.dma_semaphore, #tpu.memory_space<semaphore_mem>>)
      %dma_wait3A = arith.constant 0 : i32
      %dma_wait3A_48 = tpu.memref_slice %arg10[%add3A_22, %dma_wait3A] : memref<10240x64xf32, #tpu.memory_space<vmem_shared>> -> memref<128x64xf32, #tpu.memory_space<vmem_shared>>
      %dma_wait3A_49 = arith.constant 0 : i32
      %dma_wait3A_50 = tpu.memref_slice %arg10[%add3A_22, %dma_wait3A_49] : memref<10240x64xf32, #tpu.memory_space<vmem_shared>> -> memref<128x64xf32, #tpu.memory_space<vmem_shared>>
      tpu.wait_dma2 semaphore(%run_scoped3A : memref<!tpu.dma_semaphore, #tpu.memory_space<semaphore_mem>>) src(%arg8 : memref<128x64xf32, #tpu.memory_space<vmem>>) dst(%dma_wait3A_50 : memref<128x64xf32, #tpu.memory_space<vmem_shared>>)
      tpu.yield
    }) : () -> ()
    %mul3A_23 = arith.constant 640 : i32
    %mul3A_24 = arith.muli %arg1, %mul3A_23 : i32
    %add3A_25 = arith.constant 512 : i32
    %add3A_26 = arith.addi %mul3A_24, %add3A_25 : i32
    "tpu.region"() ({
      %run_scoped3A = tpu.sem_alloc : memref<!tpu.dma_semaphore, #tpu.memory_space<semaphore_mem>>
      %dma_start3A = arith.constant 0 : i32
      %dma_start3A_45 = tpu.memref_slice %arg10[%add3A_26, %dma_start3A] : memref<10240x64xf32, #tpu.memory_space<vmem_shared>> -> memref<128x64xf32, #tpu.memory_space<vmem_shared>>
      %dma_start3A_46 = arith.constant 0 : i32
      %dma_start3A_47 = tpu.memref_slice %arg10[%add3A_26, %dma_start3A_46] : memref<10240x64xf32, #tpu.memory_space<vmem_shared>> -> memref<128x64xf32, #tpu.memory_space<vmem_shared>>
      tpu.enqueue_dma source(%arg8 : memref<128x64xf32, #tpu.memory_space<vmem>>) target(%dma_start3A_47 : memref<128x64xf32, #tpu.memory_space<vmem_shared>>) target_semaphore(%run_scoped3A : memref<!tpu.dma_semaphore, #tpu.memory_space<semaphore_mem>>)
      %dma_wait3A = arith.constant 0 : i32
      %dma_wait3A_48 = tpu.memref_slice %arg10[%add3A_26, %dma_wait3A] : memref<10240x64xf32, #tpu.memory_space<vmem_shared>> -> memref<128x64xf32, #tpu.memory_space<vmem_shared>>
      %dma_wait3A_49 = arith.constant 0 : i32
      %dma_wait3A_50 = tpu.memref_slice %arg10[%add3A_26, %dma_wait3A_49] : memref<10240x64xf32, #tpu.memory_space<vmem_shared>> -> memref<128x64xf32, #tpu.memory_space<vmem_shared>>
      tpu.wait_dma2 semaphore(%run_scoped3A : memref<!tpu.dma_semaphore, #tpu.memory_space<semaphore_mem>>) src(%arg8 : memref<128x64xf32, #tpu.memory_space<vmem>>) dst(%dma_wait3A_50 : memref<128x64xf32, #tpu.memory_space<vmem_shared>>)
      tpu.yield
    }) : () -> ()
    %mul3A_27 = arith.constant 625 : i32
    %mul3A_28 = arith.muli %arg1, %mul3A_27 : i32
    %mul3A_29 = arith.constant 625 : i32
    %mul3A_30 = arith.muli %arg1, %mul3A_29 : i32
    "tpu.region"() ({
      %run_scoped3A = tpu.sem_alloc : memref<!tpu.dma_semaphore, #tpu.memory_space<semaphore_mem>>
      %dma_start3A = arith.constant 0 : i32
      %dma_start3A_45 = tpu.memref_slice %arg9[%mul3A_30, %dma_start3A] : memref<10000x64xf32, #tpu.memory_space<vmem_shared>> -> memref<625x64xf32, #tpu.memory_space<vmem_shared>>
      %dma_start3A_46 = arith.constant 0 : i32
      %dma_start3A_47 = tpu.memref_slice %arg2[%mul3A_28, %dma_start3A_46] : memref<10000x64xf32, #tpu.memory_space<hbm>> -> memref<625x64xf32, #tpu.memory_space<hbm>>
      tpu.enqueue_dma source(%dma_start3A_47 : memref<625x64xf32, #tpu.memory_space<hbm>>) target(%dma_start3A_45 : memref<625x64xf32, #tpu.memory_space<vmem_shared>>) target_semaphore(%run_scoped3A : memref<!tpu.dma_semaphore, #tpu.memory_space<semaphore_mem>>)
      %dma_wait3A = arith.constant 0 : i32
      %dma_wait3A_48 = tpu.memref_slice %arg9[%mul3A_30, %dma_wait3A] : memref<10000x64xf32, #tpu.memory_space<vmem_shared>> -> memref<625x64xf32, #tpu.memory_space<vmem_shared>>
      %dma_wait3A_49 = arith.constant 0 : i32
      %dma_wait3A_50 = tpu.memref_slice %arg2[%mul3A_28, %dma_wait3A_49] : memref<10000x64xf32, #tpu.memory_space<hbm>> -> memref<625x64xf32, #tpu.memory_space<hbm>>
      tpu.wait_dma2 semaphore(%run_scoped3A : memref<!tpu.dma_semaphore, #tpu.memory_space<semaphore_mem>>) src(%dma_wait3A_50 : memref<625x64xf32, #tpu.memory_space<hbm>>) dst(%dma_wait3A_48 : memref<625x64xf32, #tpu.memory_space<vmem_shared>>)
      tpu.yield
    }) : () -> ()
    "tpu.region"() ({
      %run_scoped3A = tpu.sem_alloc : memref<!tpu.dma_semaphore, #tpu.memory_space<semaphore_mem>>
      %dma_start3A = arith.constant 0 : i32
      %dma_start3A_45 = arith.constant 0 : i32
      %dma_start3A_46 = tpu.memref_slice %arg3[%add3A, %dma_start3A, %dma_start3A_45] : memref<32x79x128xi32, #tpu.memory_space<hbm>> -> memref<1x79x128xi32, #tpu.memory_space<hbm>>
      %dma_start3A_47 = tpu.memref_squeeze %dma_start3A_46 : memref<1x79x128xi32, #tpu.memory_space<hbm>> -> memref<79x128xi32, #tpu.memory_space<hbm>>
      %dma_start3A_48 = arith.constant 0 : i32
      %dma_start3A_49 = arith.constant 0 : i32
      %dma_start3A_50 = tpu.memref_slice %arg3[%add3A, %dma_start3A_48, %dma_start3A_49] : memref<32x79x128xi32, #tpu.memory_space<hbm>> -> memref<1x79x128xi32, #tpu.memory_space<hbm>>
      %dma_start3A_51 = tpu.memref_squeeze %dma_start3A_50 : memref<1x79x128xi32, #tpu.memory_space<hbm>> -> memref<79x128xi32, #tpu.memory_space<hbm>>
      tpu.enqueue_dma source(%dma_start3A_51 : memref<79x128xi32, #tpu.memory_space<hbm>>) target(%arg6 : memref<79x128xi32, #tpu.memory_space<vmem>>) target_semaphore(%run_scoped3A : memref<!tpu.dma_semaphore, #tpu.memory_space<semaphore_mem>>)
      %dma_wait3A = arith.constant 0 : i32
      %dma_wait3A_52 = arith.constant 0 : i32
      %dma_wait3A_53 = tpu.memref_slice %arg3[%add3A, %dma_wait3A, %dma_wait3A_52] : memref<32x79x128xi32, #tpu.memory_space<hbm>> -> memref<1x79x128xi32, #tpu.memory_space<hbm>>
      %dma_wait3A_54 = tpu.memref_squeeze %dma_wait3A_53 : memref<1x79x128xi32, #tpu.memory_space<hbm>> -> memref<79x128xi32, #tpu.memory_space<hbm>>
      %dma_wait3A_55 = arith.constant 0 : i32
      %dma_wait3A_56 = arith.constant 0 : i32
      %dma_wait3A_57 = tpu.memref_slice %arg3[%add3A, %dma_wait3A_55, %dma_wait3A_56] : memref<32x79x128xi32, #tpu.memory_space<hbm>> -> memref<1x79x128xi32, #tpu.memory_space<hbm>>
      %dma_wait3A_58 = tpu.memref_squeeze %dma_wait3A_57 : memref<1x79x128xi32, #tpu.memory_space<hbm>> -> memref<79x128xi32, #tpu.memory_space<hbm>>
      tpu.wait_dma2 semaphore(%run_scoped3A : memref<!tpu.dma_semaphore, #tpu.memory_space<semaphore_mem>>) src(%dma_wait3A_58 : memref<79x128xi32, #tpu.memory_space<hbm>>) dst(%arg6 : memref<79x128xi32, #tpu.memory_space<vmem>>)
      tpu.yield
    }) : () -> ()
    "tpu.region"() ({
      %run_scoped3A = tpu.sem_alloc : memref<!tpu.dma_semaphore, #tpu.memory_space<semaphore_mem>>
      %dma_start3A = arith.constant 0 : i32
      %dma_start3A_45 = arith.constant 0 : i32
      %dma_start3A_46 = tpu.memref_slice %arg4[%add3A, %dma_start3A, %dma_start3A_45] : memref<32x79x128xi32, #tpu.memory_space<hbm>> -> memref<1x79x128xi32, #tpu.memory_space<hbm>>
      %dma_start3A_47 = tpu.memref_squeeze %dma_start3A_46 : memref<1x79x128xi32, #tpu.memory_space<hbm>> -> memref<79x128xi32, #tpu.memory_space<hbm>>
      %dma_start3A_48 = arith.constant 0 : i32
      %dma_start3A_49 = arith.constant 0 : i32
      %dma_start3A_50 = tpu.memref_slice %arg4[%add3A, %dma_start3A_48, %dma_start3A_49] : memref<32x79x128xi32, #tpu.memory_space<hbm>> -> memref<1x79x128xi32, #tpu.memory_space<hbm>>
      %dma_start3A_51 = tpu.memref_squeeze %dma_start3A_50 : memref<1x79x128xi32, #tpu.memory_space<hbm>> -> memref<79x128xi32, #tpu.memory_space<hbm>>
      tpu.enqueue_dma source(%dma_start3A_51 : memref<79x128xi32, #tpu.memory_space<hbm>>) target(%arg7 : memref<79x128xi32, #tpu.memory_space<vmem>>) target_semaphore(%run_scoped3A : memref<!tpu.dma_semaphore, #tpu.memory_space<semaphore_mem>>)
      %dma_wait3A = arith.constant 0 : i32
      %dma_wait3A_52 = arith.constant 0 : i32
      %dma_wait3A_53 = tpu.memref_slice %arg4[%add3A, %dma_wait3A, %dma_wait3A_52] : memref<32x79x128xi32, #tpu.memory_space<hbm>> -> memref<1x79x128xi32, #tpu.memory_space<hbm>>
      %dma_wait3A_54 = tpu.memref_squeeze %dma_wait3A_53 : memref<1x79x128xi32, #tpu.memory_space<hbm>> -> memref<79x128xi32, #tpu.memory_space<hbm>>
      %dma_wait3A_55 = arith.constant 0 : i32
      %dma_wait3A_56 = arith.constant 0 : i32
      %dma_wait3A_57 = tpu.memref_slice %arg4[%add3A, %dma_wait3A_55, %dma_wait3A_56] : memref<32x79x128xi32, #tpu.memory_space<hbm>> -> memref<1x79x128xi32, #tpu.memory_space<hbm>>
      %dma_wait3A_58 = tpu.memref_squeeze %dma_wait3A_57 : memref<1x79x128xi32, #tpu.memory_space<hbm>> -> memref<79x128xi32, #tpu.memory_space<hbm>>
      tpu.wait_dma2 semaphore(%run_scoped3A : memref<!tpu.dma_semaphore, #tpu.memory_space<semaphore_mem>>) src(%dma_wait3A_58 : memref<79x128xi32, #tpu.memory_space<hbm>>) dst(%arg7 : memref<79x128xi32, #tpu.memory_space<vmem>>)
      tpu.yield
    }) : () -> ()
    %barrier3A = arith.constant 0 : index
    tpu.barrier barrier_id(%barrier3A)
    %scan3A_31 = arith.constant 0 : i32
    %scan3A_32 = arith.constant 0 : i32
    %scan3A_33 = arith.constant 79 : i32
    %scan3A_34 = arith.addi %scan3A_32, %scan3A_33 : i32
    %scan3A_35 = arith.constant 1 : i32
    scf.for %scan3A_45 = %scan3A_32 to %scan3A_34 step %scan3A_35  : i32 {
      %dma_start3A = arith.constant 0 : i32
      %dma_start3A_46 = tpu.memref_slice %arg6[%scan3A_45, %dma_start3A] : memref<79x128xi32, #tpu.memory_space<vmem>> -> memref<1x128xi32, #tpu.memory_space<vmem>>
      %dma_start3A_47 = tpu.memref_squeeze %dma_start3A_46 : memref<1x128xi32, #tpu.memory_space<vmem>> -> memref<128xi32, #tpu.memory_space<vmem>>
      %dma_start3A_48 = arith.constant 0 : i32
      %dma_start3A_49 = arith.constant 0 : i32
      %dma_start3A_50 = tpu.memref_slice %arg9[%dma_start3A_48, %dma_start3A_49] : memref<10000x64xf32, #tpu.memory_space<vmem_shared>> -> memref<10000x64xf32, #tpu.memory_space<vmem_shared>>
      tpu.enqueue_indirect_dma source(%dma_start3A_50 : memref<10000x64xf32, #tpu.memory_space<vmem_shared>>) target(%arg8 : memref<128x64xf32, #tpu.memory_space<vmem>>) offsets(%dma_start3A_47 : memref<128xi32, #tpu.memory_space<vmem>>) semaphore(%arg11 : memref<!tpu.dma_semaphore, #tpu.memory_space<semaphore_mem>>)
      %dma_wait3A = arith.constant 0 : i32
      %dma_wait3A_51 = tpu.memref_slice %arg6[%scan3A_45, %dma_wait3A] : memref<79x128xi32, #tpu.memory_space<vmem>> -> memref<1x128xi32, #tpu.memory_space<vmem>>
      %dma_wait3A_52 = tpu.memref_squeeze %dma_wait3A_51 : memref<1x128xi32, #tpu.memory_space<vmem>> -> memref<128xi32, #tpu.memory_space<vmem>>
      %dma_wait3A_53 = arith.constant 0 : i32
      %dma_wait3A_54 = arith.constant 0 : i32
      %dma_wait3A_55 = tpu.memref_slice %arg9[%dma_wait3A_53, %dma_wait3A_54] : memref<10000x64xf32, #tpu.memory_space<vmem_shared>> -> memref<10000x64xf32, #tpu.memory_space<vmem_shared>>
      tpu.wait_indirect_dma semaphore(%arg11 : memref<!tpu.dma_semaphore, #tpu.memory_space<semaphore_mem>>) src(%dma_wait3A_55 : memref<10000x64xf32, #tpu.memory_space<vmem_shared>>) dst(%arg8 : memref<128x64xf32, #tpu.memory_space<vmem>>)
      %dma_start3A_56 = arith.constant 0 : i32
      %dma_start3A_57 = tpu.memref_slice %arg7[%scan3A_45, %dma_start3A_56] : memref<79x128xi32, #tpu.memory_space<vmem>> -> memref<1x128xi32, #tpu.memory_space<vmem>>
      %dma_start3A_58 = tpu.memref_squeeze %dma_start3A_57 : memref<1x128xi32, #tpu.memory_space<vmem>> -> memref<128xi32, #tpu.memory_space<vmem>>
      %dma_start3A_59 = arith.constant 0 : i32
      %dma_start3A_60 = arith.constant 0 : i32
      %dma_start3A_61 = tpu.memref_slice %arg10[%dma_start3A_59, %dma_start3A_60] : memref<10240x64xf32, #tpu.memory_space<vmem_shared>> -> memref<10240x64xf32, #tpu.memory_space<vmem_shared>>
      tpu.enqueue_indirect_dma source(%arg8 : memref<128x64xf32, #tpu.memory_space<vmem>>) target(%dma_start3A_61 : memref<10240x64xf32, #tpu.memory_space<vmem_shared>>) offsets(%dma_start3A_58 : memref<128xi32, #tpu.memory_space<vmem>>) semaphore(%arg12 : memref<!tpu.dma_semaphore, #tpu.memory_space<semaphore_mem>>) {add = true}
      %dma_wait3A_62 = arith.constant 0 : i32
      %dma_wait3A_63 = tpu.memref_slice %arg7[%scan3A_45, %dma_wait3A_62] : memref<79x128xi32, #tpu.memory_space<vmem>> -> memref<1x128xi32, #tpu.memory_space<vmem>>
      %dma_wait3A_64 = tpu.memref_squeeze %dma_wait3A_63 : memref<1x128xi32, #tpu.memory_space<vmem>> -> memref<128xi32, #tpu.memory_space<vmem>>
      %dma_wait3A_65 = arith.constant 0 : i32
      %dma_wait3A_66 = arith.constant 0 : i32
      %dma_wait3A_67 = tpu.memref_slice %arg10[%dma_wait3A_65, %dma_wait3A_66] : memref<10240x64xf32, #tpu.memory_space<vmem_shared>> -> memref<10240x64xf32, #tpu.memory_space<vmem_shared>>
      tpu.wait_indirect_dma semaphore(%arg12 : memref<!tpu.dma_semaphore, #tpu.memory_space<semaphore_mem>>) src(%arg8 : memref<128x64xf32, #tpu.memory_space<vmem>>) dst(%dma_wait3A_67 : memref<10240x64xf32, #tpu.memory_space<vmem_shared>>)
    }
    %scan3A_36 = arith.constant 79 : i32
    %barrier3A_37 = arith.constant 0 : index
    tpu.barrier barrier_id(%barrier3A_37)
    %mul3A_38 = arith.constant 640 : i32
    %mul3A_39 = arith.muli %arg1, %mul3A_38 : i32
    %mul3A_40 = arith.constant 10240 : i32
    %mul3A_41 = arith.muli %arg0, %mul3A_40 : i32
    %mul3A_42 = arith.constant 640 : i32
    %mul3A_43 = arith.muli %arg1, %mul3A_42 : i32
    %add3A_44 = arith.addi %mul3A_41, %mul3A_43 : i32
    "tpu.region"() ({
      %run_scoped3A = tpu.sem_alloc : memref<!tpu.dma_semaphore, #tpu.memory_space<semaphore_mem>>
      %dma_start3A = arith.constant 0 : i32
      %dma_start3A_45 = tpu.memref_slice %arg5[%add3A_44, %dma_start3A] : memref<20480x64xf32, #tpu.memory_space<hbm>> -> memref<640x64xf32, #tpu.memory_space<hbm>>
      %dma_start3A_46 = arith.constant 0 : i32
      %dma_start3A_47 = tpu.memref_slice %arg10[%mul3A_39, %dma_start3A_46] : memref<10240x64xf32, #tpu.memory_space<vmem_shared>> -> memref<640x64xf32, #tpu.memory_space<vmem_shared>>
      tpu.enqueue_dma source(%dma_start3A_47 : memref<640x64xf32, #tpu.memory_space<vmem_shared>>) target(%dma_start3A_45 : memref<640x64xf32, #tpu.memory_space<hbm>>) target_semaphore(%run_scoped3A : memref<!tpu.dma_semaphore, #tpu.memory_space<semaphore_mem>>)
      %dma_wait3A = arith.constant 0 : i32
      %dma_wait3A_48 = tpu.memref_slice %arg5[%add3A_44, %dma_wait3A] : memref<20480x64xf32, #tpu.memory_space<hbm>> -> memref<640x64xf32, #tpu.memory_space<hbm>>
      %dma_wait3A_49 = arith.constant 0 : i32
      %dma_wait3A_50 = tpu.memref_slice %arg10[%mul3A_39, %dma_wait3A_49] : memref<10240x64xf32, #tpu.memory_space<vmem_shared>> -> memref<640x64xf32, #tpu.memory_space<vmem_shared>>
      tpu.wait_dma2 semaphore(%run_scoped3A : memref<!tpu.dma_semaphore, #tpu.memory_space<semaphore_mem>>) src(%dma_wait3A_50 : memref<640x64xf32, #tpu.memory_space<vmem_shared>>) dst(%dma_wait3A_48 : memref<640x64xf32, #tpu.memory_space<hbm>>)
      tpu.yield
    }) : () -> ()
    return
  }
}

#map = affine_map<(d0, d1) -> (0, 0)>
#map1 = affine_map<(d0, d1) -> (0, 0, 0)>
module attributes {stable_mosaic.version = 14 : i64} {
  func.func @_sc_segment_sum(%arg0: i32, %arg1: i32, %arg2: memref<10000x64xf32, #tpu.memory_space<hbm>>, %arg3: memref<32x79x128xi32, #tpu.memory_space<hbm>>, %arg4: memref<32x79x128xi32, #tpu.memory_space<hbm>>, %arg5: memref<20480x64xf32, #tpu.memory_space<hbm>>, %arg6: memref<79x128xi32, #tpu.memory_space<vmem>>, %arg7: memref<79x128xi32, #tpu.memory_space<vmem>>, %arg8: memref<128x64xf32, #tpu.memory_space<vmem>>, %arg9: memref<10000x64xf32, #tpu.memory_space<vmem_shared>>, %arg10: memref<10240x64xf32, #tpu.memory_space<vmem_shared>>, %arg11: memref<!tpu.dma_semaphore, #tpu.memory_space<semaphore_mem>>, %arg12: memref<!tpu.dma_semaphore, #tpu.memory_space<semaphore_mem>>) attributes {dimension_semantics = [#tpu.dimension_semantics<core_parallel>, #tpu.dimension_semantics<subcore_parallel>], iteration_bounds = array<i64: 2, 16>, scalar_prefetch = 0 : i64, scratch_operands = 7 : i64, tpu.core_type = #tpu.core_type<sc_vector_subcore>, window_params = [{transform_indices = #map}, {transform_indices = #map1}, {transform_indices = #map1}, {transform_indices = #map}]} {
    %mul3A = arith.constant 2 : i32
    %mul3A_0 = arith.muli %arg1, %mul3A : i32
    %add3A = arith.addi %mul3A_0, %arg0 : i32
    %broadcast_in_dim3A = arith.constant 0.000000e+00 : f32
    %broadcast_in_dim3A_1 = vector.broadcast %broadcast_in_dim3A : f32 to vector<16xf32>
    %scan3A = arith.constant 0 : i32
    %scan3A_2 = arith.constant 0 : i32
    %scan3A_3 = arith.constant 128 : i32
    %scan3A_4 = arith.addi %scan3A_2, %scan3A_3 : i32
    %scan3A_5 = arith.constant 1 : i32
    scf.for %scan3A_45 = %scan3A_2 to %scan3A_4 step %scan3A_5  : i32 {
      %swap3A = arith.index_cast %scan3A_45 : i32 to index
      %swap3A_46 = arith.constant 0 : index
      %swap3A_47 = tpu.vector_load %arg8[%swap3A, %swap3A_46] {strides = array<i32>} : memref<128x64xf32, #tpu.memory_space<vmem>>, vector<1x16xf32>,
      %swap3A_48 = vector.shape_cast %swap3A_47 : vector<1x16xf32> to vector<16xf32>
      %swap3A_49 = vector.shape_cast %broadcast_in_dim3A_1 : vector<16xf32> to vector<1x16xf32>
      tpu.vector_store %arg8[%swap3A, %swap3A_46], %swap3A_49 {strides = array<i32>} : memref<128x64xf32, #tpu.memory_space<vmem>>, vector<1x16xf32>,
      %swap3A_50 = arith.index_cast %scan3A_45 : i32 to index
      %swap3A_51 = arith.constant 16 : index
      %swap3A_52 = tpu.vector_load %arg8[%swap3A_50, %swap3A_51] {strides = array<i32>} : memref<128x64xf32, #tpu.memory_space<vmem>>, vector<1x16xf32>,
      %swap3A_53 = vector.shape_cast %swap3A_52 : vector<1x16xf32> to vector<16xf32>
      %swap3A_54 = vector.shape_cast %broadcast_in_dim3A_1 : vector<16xf32> to vector<1x16xf32>
      tpu.vector_store %arg8[%swap3A_50, %swap3A_51], %swap3A_54 {strides = array<i32>} : memref<128x64xf32, #tpu.memory_space<vmem>>, vector<1x16xf32>,
      %swap3A_55 = arith.index_cast %scan3A_45 : i32 to index
      %swap3A_56 = arith.constant 32 : index
      %swap3A_57 = tpu.vector_load %arg8[%swap3A_55, %swap3A_56] {strides = array<i32>} : memref<128x64xf32, #tpu.memory_space<vmem>>, vector<1x16xf32>,
      %swap3A_58 = vector.shape_cast %swap3A_57 : vector<1x16xf32> to vector<16xf32>
      %swap3A_59 = vector.shape_cast %broadcast_in_dim3A_1 : vector<16xf32> to vector<1x16xf32>
      tpu.vector_store %arg8[%swap3A_55, %swap3A_56], %swap3A_59 {strides = array<i32>} : memref<128x64xf32, #tpu.memory_space<vmem>>, vector<1x16xf32>,
      %swap3A_60 = arith.index_cast %scan3A_45 : i32 to index
      %swap3A_61 = arith.constant 48 : index
      %swap3A_62 = tpu.vector_load %arg8[%swap3A_60, %swap3A_61] {strides = array<i32>} : memref<128x64xf32, #tpu.memory_space<vmem>>, vector<1x16xf32>,
      %swap3A_63 = vector.shape_cast %swap3A_62 : vector<1x16xf32> to vector<16xf32>
      %swap3A_64 = vector.shape_cast %broadcast_in_dim3A_1 : vector<16xf32> to vector<1x16xf32>
      tpu.vector_store %arg8[%swap3A_60, %swap3A_61], %swap3A_64 {strides = array<i32>} : memref<128x64xf32, #tpu.memory_space<vmem>>, vector<1x16xf32>,
    }
    %scan3A_6 = arith.constant 128 : i32
    %mul3A_7 = arith.constant 640 : i32
    %mul3A_8 = arith.muli %arg1, %mul3A_7 : i32
    %add3A_9 = arith.constant 0 : i32
    %add3A_10 = arith.addi %mul3A_8, %add3A_9 : i32
    "tpu.region"() ({
      %run_scoped3A = tpu.sem_alloc : memref<!tpu.dma_semaphore, #tpu.memory_space<semaphore_mem>>
      %dma_start3A = arith.constant 0 : i32
      %dma_start3A_45 = tpu.memref_slice %arg10[%add3A_10, %dma_start3A] : memref<10240x64xf32, #tpu.memory_space<vmem_shared>> -> memref<128x64xf32, #tpu.memory_space<vmem_shared>>
      %dma_start3A_46 = arith.constant 0 : i32
      %dma_start3A_47 = tpu.memref_slice %arg10[%add3A_10, %dma_start3A_46] : memref<10240x64xf32, #tpu.memory_space<vmem_shared>> -> memref<128x64xf32, #tpu.memory_space<vmem_shared>>
      tpu.enqueue_dma source(%arg8 : memref<128x64xf32, #tpu.memory_space<vmem>>) target(%dma_start3A_47 : memref<128x64xf32, #tpu.memory_space<vmem_shared>>) target_semaphore(%run_scoped3A : memref<!tpu.dma_semaphore, #tpu.memory_space<semaphore_mem>>)
      %dma_wait3A = arith.constant 0 : i32
      %dma_wait3A_48 = tpu.memref_slice %arg10[%add3A_10, %dma_wait3A] : memref<10240x64xf32, #tpu.memory_space<vmem_shared>> -> memref<128x64xf32, #tpu.memory_space<vmem_shared>>
      %dma_wait3A_49 = arith.constant 0 : i32
      %dma_wait3A_50 = tpu.memref_slice %arg10[%add3A_10, %dma_wait3A_49] : memref<10240x64xf32, #tpu.memory_space<vmem_shared>> -> memref<128x64xf32, #tpu.memory_space<vmem_shared>>
      tpu.wait_dma2 semaphore(%run_scoped3A : memref<!tpu.dma_semaphore, #tpu.memory_space<semaphore_mem>>) src(%arg8 : memref<128x64xf32, #tpu.memory_space<vmem>>) dst(%dma_wait3A_50 : memref<128x64xf32, #tpu.memory_space<vmem_shared>>)
      tpu.yield
    }) : () -> ()
    %mul3A_11 = arith.constant 640 : i32
    %mul3A_12 = arith.muli %arg1, %mul3A_11 : i32
    %add3A_13 = arith.constant 128 : i32
    %add3A_14 = arith.addi %mul3A_12, %add3A_13 : i32
    "tpu.region"() ({
      %run_scoped3A = tpu.sem_alloc : memref<!tpu.dma_semaphore, #tpu.memory_space<semaphore_mem>>
      %dma_start3A = arith.constant 0 : i32
      %dma_start3A_45 = tpu.memref_slice %arg10[%add3A_14, %dma_start3A] : memref<10240x64xf32, #tpu.memory_space<vmem_shared>> -> memref<128x64xf32, #tpu.memory_space<vmem_shared>>
      %dma_start3A_46 = arith.constant 0 : i32
      %dma_start3A_47 = tpu.memref_slice %arg10[%add3A_14, %dma_start3A_46] : memref<10240x64xf32, #tpu.memory_space<vmem_shared>> -> memref<128x64xf32, #tpu.memory_space<vmem_shared>>
      tpu.enqueue_dma source(%arg8 : memref<128x64xf32, #tpu.memory_space<vmem>>) target(%dma_start3A_47 : memref<128x64xf32, #tpu.memory_space<vmem_shared>>) target_semaphore(%run_scoped3A : memref<!tpu.dma_semaphore, #tpu.memory_space<semaphore_mem>>)
      %dma_wait3A = arith.constant 0 : i32
      %dma_wait3A_48 = tpu.memref_slice %arg10[%add3A_14, %dma_wait3A] : memref<10240x64xf32, #tpu.memory_space<vmem_shared>> -> memref<128x64xf32, #tpu.memory_space<vmem_shared>>
      %dma_wait3A_49 = arith.constant 0 : i32
      %dma_wait3A_50 = tpu.memref_slice %arg10[%add3A_14, %dma_wait3A_49] : memref<10240x64xf32, #tpu.memory_space<vmem_shared>> -> memref<128x64xf32, #tpu.memory_space<vmem_shared>>
      tpu.wait_dma2 semaphore(%run_scoped3A : memref<!tpu.dma_semaphore, #tpu.memory_space<semaphore_mem>>) src(%arg8 : memref<128x64xf32, #tpu.memory_space<vmem>>) dst(%dma_wait3A_50 : memref<128x64xf32, #tpu.memory_space<vmem_shared>>)
      tpu.yield
    }) : () -> ()
    %mul3A_15 = arith.constant 640 : i32
    %mul3A_16 = arith.muli %arg1, %mul3A_15 : i32
    %add3A_17 = arith.constant 256 : i32
    %add3A_18 = arith.addi %mul3A_16, %add3A_17 : i32
    "tpu.region"() ({
      %run_scoped3A = tpu.sem_alloc : memref<!tpu.dma_semaphore, #tpu.memory_space<semaphore_mem>>
      %dma_start3A = arith.constant 0 : i32
      %dma_start3A_45 = tpu.memref_slice %arg10[%add3A_18, %dma_start3A] : memref<10240x64xf32, #tpu.memory_space<vmem_shared>> -> memref<128x64xf32, #tpu.memory_space<vmem_shared>>
      %dma_start3A_46 = arith.constant 0 : i32
      %dma_start3A_47 = tpu.memref_slice %arg10[%add3A_18, %dma_start3A_46] : memref<10240x64xf32, #tpu.memory_space<vmem_shared>> -> memref<128x64xf32, #tpu.memory_space<vmem_shared>>
      tpu.enqueue_dma source(%arg8 : memref<128x64xf32, #tpu.memory_space<vmem>>) target(%dma_start3A_47 : memref<128x64xf32, #tpu.memory_space<vmem_shared>>) target_semaphore(%run_scoped3A : memref<!tpu.dma_semaphore, #tpu.memory_space<semaphore_mem>>)
      %dma_wait3A = arith.constant 0 : i32
      %dma_wait3A_48 = tpu.memref_slice %arg10[%add3A_18, %dma_wait3A] : memref<10240x64xf32, #tpu.memory_space<vmem_shared>> -> memref<128x64xf32, #tpu.memory_space<vmem_shared>>
      %dma_wait3A_49 = arith.constant 0 : i32
      %dma_wait3A_50 = tpu.memref_slice %arg10[%add3A_18, %dma_wait3A_49] : memref<10240x64xf32, #tpu.memory_space<vmem_shared>> -> memref<128x64xf32, #tpu.memory_space<vmem_shared>>
      tpu.wait_dma2 semaphore(%run_scoped3A : memref<!tpu.dma_semaphore, #tpu.memory_space<semaphore_mem>>) src(%arg8 : memref<128x64xf32, #tpu.memory_space<vmem>>) dst(%dma_wait3A_50 : memref<128x64xf32, #tpu.memory_space<vmem_shared>>)
      tpu.yield
    }) : () -> ()
    %mul3A_19 = arith.constant 640 : i32
    %mul3A_20 = arith.muli %arg1, %mul3A_19 : i32
    %add3A_21 = arith.constant 384 : i32
    %add3A_22 = arith.addi %mul3A_20, %add3A_21 : i32
    "tpu.region"() ({
      %run_scoped3A = tpu.sem_alloc : memref<!tpu.dma_semaphore, #tpu.memory_space<semaphore_mem>>
      %dma_start3A = arith.constant 0 : i32
      %dma_start3A_45 = tpu.memref_slice %arg10[%add3A_22, %dma_start3A] : memref<10240x64xf32, #tpu.memory_space<vmem_shared>> -> memref<128x64xf32, #tpu.memory_space<vmem_shared>>
      %dma_start3A_46 = arith.constant 0 : i32
      %dma_start3A_47 = tpu.memref_slice %arg10[%add3A_22, %dma_start3A_46] : memref<10240x64xf32, #tpu.memory_space<vmem_shared>> -> memref<128x64xf32, #tpu.memory_space<vmem_shared>>
      tpu.enqueue_dma source(%arg8 : memref<128x64xf32, #tpu.memory_space<vmem>>) target(%dma_start3A_47 : memref<128x64xf32, #tpu.memory_space<vmem_shared>>) target_semaphore(%run_scoped3A : memref<!tpu.dma_semaphore, #tpu.memory_space<semaphore_mem>>)
      %dma_wait3A = arith.constant 0 : i32
      %dma_wait3A_48 = tpu.memref_slice %arg10[%add3A_22, %dma_wait3A] : memref<10240x64xf32, #tpu.memory_space<vmem_shared>> -> memref<128x64xf32, #tpu.memory_space<vmem_shared>>
      %dma_wait3A_49 = arith.constant 0 : i32
      %dma_wait3A_50 = tpu.memref_slice %arg10[%add3A_22, %dma_wait3A_49] : memref<10240x64xf32, #tpu.memory_space<vmem_shared>> -> memref<128x64xf32, #tpu.memory_space<vmem_shared>>
      tpu.wait_dma2 semaphore(%run_scoped3A : memref<!tpu.dma_semaphore, #tpu.memory_space<semaphore_mem>>) src(%arg8 : memref<128x64xf32, #tpu.memory_space<vmem>>) dst(%dma_wait3A_50 : memref<128x64xf32, #tpu.memory_space<vmem_shared>>)
      tpu.yield
    }) : () -> ()
    %mul3A_23 = arith.constant 640 : i32
    %mul3A_24 = arith.muli %arg1, %mul3A_23 : i32
    %add3A_25 = arith.constant 512 : i32
    %add3A_26 = arith.addi %mul3A_24, %add3A_25 : i32
    "tpu.region"() ({
      %run_scoped3A = tpu.sem_alloc : memref<!tpu.dma_semaphore, #tpu.memory_space<semaphore_mem>>
      %dma_start3A = arith.constant 0 : i32
      %dma_start3A_45 = tpu.memref_slice %arg10[%add3A_26, %dma_start3A] : memref<10240x64xf32, #tpu.memory_space<vmem_shared>> -> memref<128x64xf32, #tpu.memory_space<vmem_shared>>
      %dma_start3A_46 = arith.constant 0 : i32
      %dma_start3A_47 = tpu.memref_slice %arg10[%add3A_26, %dma_start3A_46] : memref<10240x64xf32, #tpu.memory_space<vmem_shared>> -> memref<128x64xf32, #tpu.memory_space<vmem_shared>>
      tpu.enqueue_dma source(%arg8 : memref<128x64xf32, #tpu.memory_space<vmem>>) target(%dma_start3A_47 : memref<128x64xf32, #tpu.memory_space<vmem_shared>>) target_semaphore(%run_scoped3A : memref<!tpu.dma_semaphore, #tpu.memory_space<semaphore_mem>>)
      %dma_wait3A = arith.constant 0 : i32
      %dma_wait3A_48 = tpu.memref_slice %arg10[%add3A_26, %dma_wait3A] : memref<10240x64xf32, #tpu.memory_space<vmem_shared>> -> memref<128x64xf32, #tpu.memory_space<vmem_shared>>
      %dma_wait3A_49 = arith.constant 0 : i32
      %dma_wait3A_50 = tpu.memref_slice %arg10[%add3A_26, %dma_wait3A_49] : memref<10240x64xf32, #tpu.memory_space<vmem_shared>> -> memref<128x64xf32, #tpu.memory_space<vmem_shared>>
      tpu.wait_dma2 semaphore(%run_scoped3A : memref<!tpu.dma_semaphore, #tpu.memory_space<semaphore_mem>>) src(%arg8 : memref<128x64xf32, #tpu.memory_space<vmem>>) dst(%dma_wait3A_50 : memref<128x64xf32, #tpu.memory_space<vmem_shared>>)
      tpu.yield
    }) : () -> ()
    %mul3A_27 = arith.constant 625 : i32
    %mul3A_28 = arith.muli %arg1, %mul3A_27 : i32
    %mul3A_29 = arith.constant 625 : i32
    %mul3A_30 = arith.muli %arg1, %mul3A_29 : i32
    "tpu.region"() ({
      %run_scoped3A = tpu.sem_alloc : memref<!tpu.dma_semaphore, #tpu.memory_space<semaphore_mem>>
      %dma_start3A = arith.constant 0 : i32
      %dma_start3A_45 = tpu.memref_slice %arg9[%mul3A_30, %dma_start3A] : memref<10000x64xf32, #tpu.memory_space<vmem_shared>> -> memref<625x64xf32, #tpu.memory_space<vmem_shared>>
      %dma_start3A_46 = arith.constant 0 : i32
      %dma_start3A_47 = tpu.memref_slice %arg2[%mul3A_28, %dma_start3A_46] : memref<10000x64xf32, #tpu.memory_space<hbm>> -> memref<625x64xf32, #tpu.memory_space<hbm>>
      tpu.enqueue_dma source(%dma_start3A_47 : memref<625x64xf32, #tpu.memory_space<hbm>>) target(%dma_start3A_45 : memref<625x64xf32, #tpu.memory_space<vmem_shared>>) target_semaphore(%run_scoped3A : memref<!tpu.dma_semaphore, #tpu.memory_space<semaphore_mem>>)
      %dma_wait3A = arith.constant 0 : i32
      %dma_wait3A_48 = tpu.memref_slice %arg9[%mul3A_30, %dma_wait3A] : memref<10000x64xf32, #tpu.memory_space<vmem_shared>> -> memref<625x64xf32, #tpu.memory_space<vmem_shared>>
      %dma_wait3A_49 = arith.constant 0 : i32
      %dma_wait3A_50 = tpu.memref_slice %arg2[%mul3A_28, %dma_wait3A_49] : memref<10000x64xf32, #tpu.memory_space<hbm>> -> memref<625x64xf32, #tpu.memory_space<hbm>>
      tpu.wait_dma2 semaphore(%run_scoped3A : memref<!tpu.dma_semaphore, #tpu.memory_space<semaphore_mem>>) src(%dma_wait3A_50 : memref<625x64xf32, #tpu.memory_space<hbm>>) dst(%dma_wait3A_48 : memref<625x64xf32, #tpu.memory_space<vmem_shared>>)
      tpu.yield
    }) : () -> ()
    "tpu.region"() ({
      %run_scoped3A = tpu.sem_alloc : memref<!tpu.dma_semaphore, #tpu.memory_space<semaphore_mem>>
      %dma_start3A = arith.constant 0 : i32
      %dma_start3A_45 = arith.constant 0 : i32
      %dma_start3A_46 = tpu.memref_slice %arg3[%add3A, %dma_start3A, %dma_start3A_45] : memref<32x79x128xi32, #tpu.memory_space<hbm>> -> memref<1x79x128xi32, #tpu.memory_space<hbm>>
      %dma_start3A_47 = tpu.memref_squeeze %dma_start3A_46 : memref<1x79x128xi32, #tpu.memory_space<hbm>> -> memref<79x128xi32, #tpu.memory_space<hbm>>
      %dma_start3A_48 = arith.constant 0 : i32
      %dma_start3A_49 = arith.constant 0 : i32
      %dma_start3A_50 = tpu.memref_slice %arg3[%add3A, %dma_start3A_48, %dma_start3A_49] : memref<32x79x128xi32, #tpu.memory_space<hbm>> -> memref<1x79x128xi32, #tpu.memory_space<hbm>>
      %dma_start3A_51 = tpu.memref_squeeze %dma_start3A_50 : memref<1x79x128xi32, #tpu.memory_space<hbm>> -> memref<79x128xi32, #tpu.memory_space<hbm>>
      tpu.enqueue_dma source(%dma_start3A_51 : memref<79x128xi32, #tpu.memory_space<hbm>>) target(%arg6 : memref<79x128xi32, #tpu.memory_space<vmem>>) target_semaphore(%run_scoped3A : memref<!tpu.dma_semaphore, #tpu.memory_space<semaphore_mem>>)
      %dma_wait3A = arith.constant 0 : i32
      %dma_wait3A_52 = arith.constant 0 : i32
      %dma_wait3A_53 = tpu.memref_slice %arg3[%add3A, %dma_wait3A, %dma_wait3A_52] : memref<32x79x128xi32, #tpu.memory_space<hbm>> -> memref<1x79x128xi32, #tpu.memory_space<hbm>>
      %dma_wait3A_54 = tpu.memref_squeeze %dma_wait3A_53 : memref<1x79x128xi32, #tpu.memory_space<hbm>> -> memref<79x128xi32, #tpu.memory_space<hbm>>
      %dma_wait3A_55 = arith.constant 0 : i32
      %dma_wait3A_56 = arith.constant 0 : i32
      %dma_wait3A_57 = tpu.memref_slice %arg3[%add3A, %dma_wait3A_55, %dma_wait3A_56] : memref<32x79x128xi32, #tpu.memory_space<hbm>> -> memref<1x79x128xi32, #tpu.memory_space<hbm>>
      %dma_wait3A_58 = tpu.memref_squeeze %dma_wait3A_57 : memref<1x79x128xi32, #tpu.memory_space<hbm>> -> memref<79x128xi32, #tpu.memory_space<hbm>>
      tpu.wait_dma2 semaphore(%run_scoped3A : memref<!tpu.dma_semaphore, #tpu.memory_space<semaphore_mem>>) src(%dma_wait3A_58 : memref<79x128xi32, #tpu.memory_space<hbm>>) dst(%arg6 : memref<79x128xi32, #tpu.memory_space<vmem>>)
      tpu.yield
    }) : () -> ()
    "tpu.region"() ({
      %run_scoped3A = tpu.sem_alloc : memref<!tpu.dma_semaphore, #tpu.memory_space<semaphore_mem>>
      %dma_start3A = arith.constant 0 : i32
      %dma_start3A_45 = arith.constant 0 : i32
      %dma_start3A_46 = tpu.memref_slice %arg4[%add3A, %dma_start3A, %dma_start3A_45] : memref<32x79x128xi32, #tpu.memory_space<hbm>> -> memref<1x79x128xi32, #tpu.memory_space<hbm>>
      %dma_start3A_47 = tpu.memref_squeeze %dma_start3A_46 : memref<1x79x128xi32, #tpu.memory_space<hbm>> -> memref<79x128xi32, #tpu.memory_space<hbm>>
      %dma_start3A_48 = arith.constant 0 : i32
      %dma_start3A_49 = arith.constant 0 : i32
      %dma_start3A_50 = tpu.memref_slice %arg4[%add3A, %dma_start3A_48, %dma_start3A_49] : memref<32x79x128xi32, #tpu.memory_space<hbm>> -> memref<1x79x128xi32, #tpu.memory_space<hbm>>
      %dma_start3A_51 = tpu.memref_squeeze %dma_start3A_50 : memref<1x79x128xi32, #tpu.memory_space<hbm>> -> memref<79x128xi32, #tpu.memory_space<hbm>>
      tpu.enqueue_dma source(%dma_start3A_51 : memref<79x128xi32, #tpu.memory_space<hbm>>) target(%arg7 : memref<79x128xi32, #tpu.memory_space<vmem>>) target_semaphore(%run_scoped3A : memref<!tpu.dma_semaphore, #tpu.memory_space<semaphore_mem>>)
      %dma_wait3A = arith.constant 0 : i32
      %dma_wait3A_52 = arith.constant 0 : i32
      %dma_wait3A_53 = tpu.memref_slice %arg4[%add3A, %dma_wait3A, %dma_wait3A_52] : memref<32x79x128xi32, #tpu.memory_space<hbm>> -> memref<1x79x128xi32, #tpu.memory_space<hbm>>
      %dma_wait3A_54 = tpu.memref_squeeze %dma_wait3A_53 : memref<1x79x128xi32, #tpu.memory_space<hbm>> -> memref<79x128xi32, #tpu.memory_space<hbm>>
      %dma_wait3A_55 = arith.constant 0 : i32
      %dma_wait3A_56 = arith.constant 0 : i32
      %dma_wait3A_57 = tpu.memref_slice %arg4[%add3A, %dma_wait3A_55, %dma_wait3A_56] : memref<32x79x128xi32, #tpu.memory_space<hbm>> -> memref<1x79x128xi32, #tpu.memory_space<hbm>>
      %dma_wait3A_58 = tpu.memref_squeeze %dma_wait3A_57 : memref<1x79x128xi32, #tpu.memory_space<hbm>> -> memref<79x128xi32, #tpu.memory_space<hbm>>
      tpu.wait_dma2 semaphore(%run_scoped3A : memref<!tpu.dma_semaphore, #tpu.memory_space<semaphore_mem>>) src(%dma_wait3A_58 : memref<79x128xi32, #tpu.memory_space<hbm>>) dst(%arg7 : memref<79x128xi32, #tpu.memory_space<vmem>>)
      tpu.yield
    }) : () -> ()
    %barrier3A = arith.constant 0 : index
    tpu.barrier barrier_id(%barrier3A)
    %scan3A_31 = arith.constant 0 : i32
    %scan3A_32 = arith.constant 0 : i32
    %scan3A_33 = arith.constant 79 : i32
    %scan3A_34 = arith.addi %scan3A_32, %scan3A_33 : i32
    %scan3A_35 = arith.constant 1 : i32
    scf.for %scan3A_45 = %scan3A_32 to %scan3A_34 step %scan3A_35  : i32 {
      %dma_start3A = arith.constant 0 : i32
      %dma_start3A_46 = tpu.memref_slice %arg6[%scan3A_45, %dma_start3A] : memref<79x128xi32, #tpu.memory_space<vmem>> -> memref<1x128xi32, #tpu.memory_space<vmem>>
      %dma_start3A_47 = tpu.memref_squeeze %dma_start3A_46 : memref<1x128xi32, #tpu.memory_space<vmem>> -> memref<128xi32, #tpu.memory_space<vmem>>
      %dma_start3A_48 = arith.constant 0 : i32
      %dma_start3A_49 = arith.constant 0 : i32
      %dma_start3A_50 = tpu.memref_slice %arg9[%dma_start3A_48, %dma_start3A_49] : memref<10000x64xf32, #tpu.memory_space<vmem_shared>> -> memref<10000x64xf32, #tpu.memory_space<vmem_shared>>
      tpu.enqueue_indirect_dma source(%dma_start3A_50 : memref<10000x64xf32, #tpu.memory_space<vmem_shared>>) target(%arg8 : memref<128x64xf32, #tpu.memory_space<vmem>>) offsets(%dma_start3A_47 : memref<128xi32, #tpu.memory_space<vmem>>) semaphore(%arg11 : memref<!tpu.dma_semaphore, #tpu.memory_space<semaphore_mem>>)
      %dma_wait3A = arith.constant 0 : i32
      %dma_wait3A_51 = tpu.memref_slice %arg6[%scan3A_45, %dma_wait3A] : memref<79x128xi32, #tpu.memory_space<vmem>> -> memref<1x128xi32, #tpu.memory_space<vmem>>
      %dma_wait3A_52 = tpu.memref_squeeze %dma_wait3A_51 : memref<1x128xi32, #tpu.memory_space<vmem>> -> memref<128xi32, #tpu.memory_space<vmem>>
      %dma_wait3A_53 = arith.constant 0 : i32
      %dma_wait3A_54 = arith.constant 0 : i32
      %dma_wait3A_55 = tpu.memref_slice %arg9[%dma_wait3A_53, %dma_wait3A_54] : memref<10000x64xf32, #tpu.memory_space<vmem_shared>> -> memref<10000x64xf32, #tpu.memory_space<vmem_shared>>
      tpu.wait_indirect_dma semaphore(%arg11 : memref<!tpu.dma_semaphore, #tpu.memory_space<semaphore_mem>>) src(%dma_wait3A_55 : memref<10000x64xf32, #tpu.memory_space<vmem_shared>>) dst(%arg8 : memref<128x64xf32, #tpu.memory_space<vmem>>)
      %dma_start3A_56 = arith.constant 0 : i32
      %dma_start3A_57 = tpu.memref_slice %arg7[%scan3A_45, %dma_start3A_56] : memref<79x128xi32, #tpu.memory_space<vmem>> -> memref<1x128xi32, #tpu.memory_space<vmem>>
      %dma_start3A_58 = tpu.memref_squeeze %dma_start3A_57 : memref<1x128xi32, #tpu.memory_space<vmem>> -> memref<128xi32, #tpu.memory_space<vmem>>
      %dma_start3A_59 = arith.constant 0 : i32
      %dma_start3A_60 = arith.constant 0 : i32
      %dma_start3A_61 = tpu.memref_slice %arg10[%dma_start3A_59, %dma_start3A_60] : memref<10240x64xf32, #tpu.memory_space<vmem_shared>> -> memref<10240x64xf32, #tpu.memory_space<vmem_shared>>
      tpu.enqueue_indirect_dma source(%arg8 : memref<128x64xf32, #tpu.memory_space<vmem>>) target(%dma_start3A_61 : memref<10240x64xf32, #tpu.memory_space<vmem_shared>>) offsets(%dma_start3A_58 : memref<128xi32, #tpu.memory_space<vmem>>) semaphore(%arg12 : memref<!tpu.dma_semaphore, #tpu.memory_space<semaphore_mem>>) {add = true}
      %dma_wait3A_62 = arith.constant 0 : i32
      %dma_wait3A_63 = tpu.memref_slice %arg7[%scan3A_45, %dma_wait3A_62] : memref<79x128xi32, #tpu.memory_space<vmem>> -> memref<1x128xi32, #tpu.memory_space<vmem>>
      %dma_wait3A_64 = tpu.memref_squeeze %dma_wait3A_63 : memref<1x128xi32, #tpu.memory_space<vmem>> -> memref<128xi32, #tpu.memory_space<vmem>>
      %dma_wait3A_65 = arith.constant 0 : i32
      %dma_wait3A_66 = arith.constant 0 : i32
      %dma_wait3A_67 = tpu.memref_slice %arg10[%dma_wait3A_65, %dma_wait3A_66] : memref<10240x64xf32, #tpu.memory_space<vmem_shared>> -> memref<10240x64xf32, #tpu.memory_space<vmem_shared>>
      tpu.wait_indirect_dma semaphore(%arg12 : memref<!tpu.dma_semaphore, #tpu.memory_space<semaphore_mem>>) src(%arg8 : memref<128x64xf32, #tpu.memory_space<vmem>>) dst(%dma_wait3A_67 : memref<10240x64xf32, #tpu.memory_space<vmem_shared>>)
    }
    %scan3A_36 = arith.constant 79 : i32
    %barrier3A_37 = arith.constant 0 : index
    tpu.barrier barrier_id(%barrier3A_37)
    %mul3A_38 = arith.constant 640 : i32
    %mul3A_39 = arith.muli %arg1, %mul3A_38 : i32
    %mul3A_40 = arith.constant 10240 : i32
    %mul3A_41 = arith.muli %arg0, %mul3A_40 : i32
    %mul3A_42 = arith.constant 640 : i32
    %mul3A_43 = arith.muli %arg1, %mul3A_42 : i32
    %add3A_44 = arith.addi %mul3A_41, %mul3A_43 : i32
    "tpu.region"() ({
      %run_scoped3A = tpu.sem_alloc : memref<!tpu.dma_semaphore, #tpu.memory_space<semaphore_mem>>
      %dma_start3A = arith.constant 0 : i32
      %dma_start3A_45 = tpu.memref_slice %arg5[%add3A_44, %dma_start3A] : memref<20480x64xf32, #tpu.memory_space<hbm>> -> memref<640x64xf32, #tpu.memory_space<hbm>>
      %dma_start3A_46 = arith.constant 0 : i32
      %dma_start3A_47 = tpu.memref_slice %arg10[%mul3A_39, %dma_start3A_46] : memref<10240x64xf32, #tpu.memory_space<vmem_shared>> -> memref<640x64xf32, #tpu.memory_space<vmem_shared>>
      tpu.enqueue_dma source(%dma_start3A_47 : memref<640x64xf32, #tpu.memory_space<vmem_shared>>) target(%dma_start3A_45 : memref<640x64xf32, #tpu.memory_space<hbm>>) target_semaphore(%run_scoped3A : memref<!tpu.dma_semaphore, #tpu.memory_space<semaphore_mem>>)
      %dma_wait3A = arith.constant 0 : i32
      %dma_wait3A_48 = tpu.memref_slice %arg5[%add3A_44, %dma_wait3A] : memref<20480x64xf32, #tpu.memory_space<hbm>> -> memref<640x64xf32, #tpu.memory_space<hbm>>
      %dma_wait3A_49 = arith.constant 0 : i32
      %dma_wait3A_50 = tpu.memref_slice %arg10[%mul3A_39, %dma_wait3A_49] : memref<10240x64xf32, #tpu.memory_space<vmem_shared>> -> memref<640x64xf32, #tpu.memory_space<vmem_shared>>
      tpu.wait_dma2 semaphore(%run_scoped3A : memref<!tpu.dma_semaphore, #tpu.memory_space<semaphore_mem>>) src(%dma_wait3A_50 : memref<640x64xf32, #tpu.memory_space<vmem_shared>>) dst(%dma_wait3A_48 : memref<640x64xf32, #tpu.memory_space<hbm>>)
      tpu.yield
    }) : () -> ()
    return
  }
}

#map = affine_map<(d0, d1) -> (0, 0)>
#map1 = affine_map<(d0, d1) -> (0, 0, 0)>
module attributes {stable_mosaic.version = 14 : i64} {
  func.func @_sc_segment_sum(%arg0: i32, %arg1: i32, %arg2: memref<10000x64xf32, #tpu.memory_space<hbm>>, %arg3: memref<32x79x128xi32, #tpu.memory_space<hbm>>, %arg4: memref<32x79x128xi32, #tpu.memory_space<hbm>>, %arg5: memref<20480x64xf32, #tpu.memory_space<hbm>>, %arg6: memref<79x128xi32, #tpu.memory_space<vmem>>, %arg7: memref<79x128xi32, #tpu.memory_space<vmem>>, %arg8: memref<128x64xf32, #tpu.memory_space<vmem>>, %arg9: memref<10000x64xf32, #tpu.memory_space<vmem_shared>>, %arg10: memref<10240x64xf32, #tpu.memory_space<vmem_shared>>, %arg11: memref<!tpu.dma_semaphore, #tpu.memory_space<semaphore_mem>>, %arg12: memref<!tpu.dma_semaphore, #tpu.memory_space<semaphore_mem>>) attributes {dimension_semantics = [#tpu.dimension_semantics<core_parallel>, #tpu.dimension_semantics<subcore_parallel>], iteration_bounds = array<i64: 2, 16>, scalar_prefetch = 0 : i64, scratch_operands = 7 : i64, tpu.core_type = #tpu.core_type<sc_vector_subcore>, window_params = [{transform_indices = #map}, {transform_indices = #map1}, {transform_indices = #map1}, {transform_indices = #map}]} {
    %mul3A = arith.constant 2 : i32
    %mul3A_0 = arith.muli %arg1, %mul3A : i32
    %add3A = arith.addi %mul3A_0, %arg0 : i32
    %broadcast_in_dim3A = arith.constant 0.000000e+00 : f32
    %broadcast_in_dim3A_1 = vector.broadcast %broadcast_in_dim3A : f32 to vector<16xf32>
    %scan3A = arith.constant 0 : i32
    %scan3A_2 = arith.constant 0 : i32
    %scan3A_3 = arith.constant 128 : i32
    %scan3A_4 = arith.addi %scan3A_2, %scan3A_3 : i32
    %scan3A_5 = arith.constant 1 : i32
    scf.for %scan3A_45 = %scan3A_2 to %scan3A_4 step %scan3A_5  : i32 {
      %swap3A = arith.index_cast %scan3A_45 : i32 to index
      %swap3A_46 = arith.constant 0 : index
      %swap3A_47 = tpu.vector_load %arg8[%swap3A, %swap3A_46] {strides = array<i32>} : memref<128x64xf32, #tpu.memory_space<vmem>>, vector<1x16xf32>,
      %swap3A_48 = vector.shape_cast %swap3A_47 : vector<1x16xf32> to vector<16xf32>
      %swap3A_49 = vector.shape_cast %broadcast_in_dim3A_1 : vector<16xf32> to vector<1x16xf32>
      tpu.vector_store %arg8[%swap3A, %swap3A_46], %swap3A_49 {strides = array<i32>} : memref<128x64xf32, #tpu.memory_space<vmem>>, vector<1x16xf32>,
      %swap3A_50 = arith.index_cast %scan3A_45 : i32 to index
      %swap3A_51 = arith.constant 16 : index
      %swap3A_52 = tpu.vector_load %arg8[%swap3A_50, %swap3A_51] {strides = array<i32>} : memref<128x64xf32, #tpu.memory_space<vmem>>, vector<1x16xf32>,
      %swap3A_53 = vector.shape_cast %swap3A_52 : vector<1x16xf32> to vector<16xf32>
      %swap3A_54 = vector.shape_cast %broadcast_in_dim3A_1 : vector<16xf32> to vector<1x16xf32>
      tpu.vector_store %arg8[%swap3A_50, %swap3A_51], %swap3A_54 {strides = array<i32>} : memref<128x64xf32, #tpu.memory_space<vmem>>, vector<1x16xf32>,
      %swap3A_55 = arith.index_cast %scan3A_45 : i32 to index
      %swap3A_56 = arith.constant 32 : index
      %swap3A_57 = tpu.vector_load %arg8[%swap3A_55, %swap3A_56] {strides = array<i32>} : memref<128x64xf32, #tpu.memory_space<vmem>>, vector<1x16xf32>,
      %swap3A_58 = vector.shape_cast %swap3A_57 : vector<1x16xf32> to vector<16xf32>
      %swap3A_59 = vector.shape_cast %broadcast_in_dim3A_1 : vector<16xf32> to vector<1x16xf32>
      tpu.vector_store %arg8[%swap3A_55, %swap3A_56], %swap3A_59 {strides = array<i32>} : memref<128x64xf32, #tpu.memory_space<vmem>>, vector<1x16xf32>,
      %swap3A_60 = arith.index_cast %scan3A_45 : i32 to index
      %swap3A_61 = arith.constant 48 : index
      %swap3A_62 = tpu.vector_load %arg8[%swap3A_60, %swap3A_61] {strides = array<i32>} : memref<128x64xf32, #tpu.memory_space<vmem>>, vector<1x16xf32>,
      %swap3A_63 = vector.shape_cast %swap3A_62 : vector<1x16xf32> to vector<16xf32>
      %swap3A_64 = vector.shape_cast %broadcast_in_dim3A_1 : vector<16xf32> to vector<1x16xf32>
      tpu.vector_store %arg8[%swap3A_60, %swap3A_61], %swap3A_64 {strides = array<i32>} : memref<128x64xf32, #tpu.memory_space<vmem>>, vector<1x16xf32>,
    }
    %scan3A_6 = arith.constant 128 : i32
    %mul3A_7 = arith.constant 640 : i32
    %mul3A_8 = arith.muli %arg1, %mul3A_7 : i32
    %add3A_9 = arith.constant 0 : i32
    %add3A_10 = arith.addi %mul3A_8, %add3A_9 : i32
    "tpu.region"() ({
      %run_scoped3A = tpu.sem_alloc : memref<!tpu.dma_semaphore, #tpu.memory_space<semaphore_mem>>
      %dma_start3A = arith.constant 0 : i32
      %dma_start3A_45 = tpu.memref_slice %arg10[%add3A_10, %dma_start3A] : memref<10240x64xf32, #tpu.memory_space<vmem_shared>> -> memref<128x64xf32, #tpu.memory_space<vmem_shared>>
      %dma_start3A_46 = arith.constant 0 : i32
      %dma_start3A_47 = tpu.memref_slice %arg10[%add3A_10, %dma_start3A_46] : memref<10240x64xf32, #tpu.memory_space<vmem_shared>> -> memref<128x64xf32, #tpu.memory_space<vmem_shared>>
      tpu.enqueue_dma source(%arg8 : memref<128x64xf32, #tpu.memory_space<vmem>>) target(%dma_start3A_47 : memref<128x64xf32, #tpu.memory_space<vmem_shared>>) target_semaphore(%run_scoped3A : memref<!tpu.dma_semaphore, #tpu.memory_space<semaphore_mem>>)
      %dma_wait3A = arith.constant 0 : i32
      %dma_wait3A_48 = tpu.memref_slice %arg10[%add3A_10, %dma_wait3A] : memref<10240x64xf32, #tpu.memory_space<vmem_shared>> -> memref<128x64xf32, #tpu.memory_space<vmem_shared>>
      %dma_wait3A_49 = arith.constant 0 : i32
      %dma_wait3A_50 = tpu.memref_slice %arg10[%add3A_10, %dma_wait3A_49] : memref<10240x64xf32, #tpu.memory_space<vmem_shared>> -> memref<128x64xf32, #tpu.memory_space<vmem_shared>>
      tpu.wait_dma2 semaphore(%run_scoped3A : memref<!tpu.dma_semaphore, #tpu.memory_space<semaphore_mem>>) src(%arg8 : memref<128x64xf32, #tpu.memory_space<vmem>>) dst(%dma_wait3A_50 : memref<128x64xf32, #tpu.memory_space<vmem_shared>>)
      tpu.yield
    }) : () -> ()
    %mul3A_11 = arith.constant 640 : i32
    %mul3A_12 = arith.muli %arg1, %mul3A_11 : i32
    %add3A_13 = arith.constant 128 : i32
    %add3A_14 = arith.addi %mul3A_12, %add3A_13 : i32
    "tpu.region"() ({
      %run_scoped3A = tpu.sem_alloc : memref<!tpu.dma_semaphore, #tpu.memory_space<semaphore_mem>>
      %dma_start3A = arith.constant 0 : i32
      %dma_start3A_45 = tpu.memref_slice %arg10[%add3A_14, %dma_start3A] : memref<10240x64xf32, #tpu.memory_space<vmem_shared>> -> memref<128x64xf32, #tpu.memory_space<vmem_shared>>
      %dma_start3A_46 = arith.constant 0 : i32
      %dma_start3A_47 = tpu.memref_slice %arg10[%add3A_14, %dma_start3A_46] : memref<10240x64xf32, #tpu.memory_space<vmem_shared>> -> memref<128x64xf32, #tpu.memory_space<vmem_shared>>
      tpu.enqueue_dma source(%arg8 : memref<128x64xf32, #tpu.memory_space<vmem>>) target(%dma_start3A_47 : memref<128x64xf32, #tpu.memory_space<vmem_shared>>) target_semaphore(%run_scoped3A : memref<!tpu.dma_semaphore, #tpu.memory_space<semaphore_mem>>)
      %dma_wait3A = arith.constant 0 : i32
      %dma_wait3A_48 = tpu.memref_slice %arg10[%add3A_14, %dma_wait3A] : memref<10240x64xf32, #tpu.memory_space<vmem_shared>> -> memref<128x64xf32, #tpu.memory_space<vmem_shared>>
      %dma_wait3A_49 = arith.constant 0 : i32
      %dma_wait3A_50 = tpu.memref_slice %arg10[%add3A_14, %dma_wait3A_49] : memref<10240x64xf32, #tpu.memory_space<vmem_shared>> -> memref<128x64xf32, #tpu.memory_space<vmem_shared>>
      tpu.wait_dma2 semaphore(%run_scoped3A : memref<!tpu.dma_semaphore, #tpu.memory_space<semaphore_mem>>) src(%arg8 : memref<128x64xf32, #tpu.memory_space<vmem>>) dst(%dma_wait3A_50 : memref<128x64xf32, #tpu.memory_space<vmem_shared>>)
      tpu.yield
    }) : () -> ()
    %mul3A_15 = arith.constant 640 : i32
    %mul3A_16 = arith.muli %arg1, %mul3A_15 : i32
    %add3A_17 = arith.constant 256 : i32
    %add3A_18 = arith.addi %mul3A_16, %add3A_17 : i32
    "tpu.region"() ({
      %run_scoped3A = tpu.sem_alloc : memref<!tpu.dma_semaphore, #tpu.memory_space<semaphore_mem>>
      %dma_start3A = arith.constant 0 : i32
      %dma_start3A_45 = tpu.memref_slice %arg10[%add3A_18, %dma_start3A] : memref<10240x64xf32, #tpu.memory_space<vmem_shared>> -> memref<128x64xf32, #tpu.memory_space<vmem_shared>>
      %dma_start3A_46 = arith.constant 0 : i32
      %dma_start3A_47 = tpu.memref_slice %arg10[%add3A_18, %dma_start3A_46] : memref<10240x64xf32, #tpu.memory_space<vmem_shared>> -> memref<128x64xf32, #tpu.memory_space<vmem_shared>>
      tpu.enqueue_dma source(%arg8 : memref<128x64xf32, #tpu.memory_space<vmem>>) target(%dma_start3A_47 : memref<128x64xf32, #tpu.memory_space<vmem_shared>>) target_semaphore(%run_scoped3A : memref<!tpu.dma_semaphore, #tpu.memory_space<semaphore_mem>>)
      %dma_wait3A = arith.constant 0 : i32
      %dma_wait3A_48 = tpu.memref_slice %arg10[%add3A_18, %dma_wait3A] : memref<10240x64xf32, #tpu.memory_space<vmem_shared>> -> memref<128x64xf32, #tpu.memory_space<vmem_shared>>
      %dma_wait3A_49 = arith.constant 0 : i32
      %dma_wait3A_50 = tpu.memref_slice %arg10[%add3A_18, %dma_wait3A_49] : memref<10240x64xf32, #tpu.memory_space<vmem_shared>> -> memref<128x64xf32, #tpu.memory_space<vmem_shared>>
      tpu.wait_dma2 semaphore(%run_scoped3A : memref<!tpu.dma_semaphore, #tpu.memory_space<semaphore_mem>>) src(%arg8 : memref<128x64xf32, #tpu.memory_space<vmem>>) dst(%dma_wait3A_50 : memref<128x64xf32, #tpu.memory_space<vmem_shared>>)
      tpu.yield
    }) : () -> ()
    %mul3A_19 = arith.constant 640 : i32
    %mul3A_20 = arith.muli %arg1, %mul3A_19 : i32
    %add3A_21 = arith.constant 384 : i32
    %add3A_22 = arith.addi %mul3A_20, %add3A_21 : i32
    "tpu.region"() ({
      %run_scoped3A = tpu.sem_alloc : memref<!tpu.dma_semaphore, #tpu.memory_space<semaphore_mem>>
      %dma_start3A = arith.constant 0 : i32
      %dma_start3A_45 = tpu.memref_slice %arg10[%add3A_22, %dma_start3A] : memref<10240x64xf32, #tpu.memory_space<vmem_shared>> -> memref<128x64xf32, #tpu.memory_space<vmem_shared>>
      %dma_start3A_46 = arith.constant 0 : i32
      %dma_start3A_47 = tpu.memref_slice %arg10[%add3A_22, %dma_start3A_46] : memref<10240x64xf32, #tpu.memory_space<vmem_shared>> -> memref<128x64xf32, #tpu.memory_space<vmem_shared>>
      tpu.enqueue_dma source(%arg8 : memref<128x64xf32, #tpu.memory_space<vmem>>) target(%dma_start3A_47 : memref<128x64xf32, #tpu.memory_space<vmem_shared>>) target_semaphore(%run_scoped3A : memref<!tpu.dma_semaphore, #tpu.memory_space<semaphore_mem>>)
      %dma_wait3A = arith.constant 0 : i32
      %dma_wait3A_48 = tpu.memref_slice %arg10[%add3A_22, %dma_wait3A] : memref<10240x64xf32, #tpu.memory_space<vmem_shared>> -> memref<128x64xf32, #tpu.memory_space<vmem_shared>>
      %dma_wait3A_49 = arith.constant 0 : i32
      %dma_wait3A_50 = tpu.memref_slice %arg10[%add3A_22, %dma_wait3A_49] : memref<10240x64xf32, #tpu.memory_space<vmem_shared>> -> memref<128x64xf32, #tpu.memory_space<vmem_shared>>
      tpu.wait_dma2 semaphore(%run_scoped3A : memref<!tpu.dma_semaphore, #tpu.memory_space<semaphore_mem>>) src(%arg8 : memref<128x64xf32, #tpu.memory_space<vmem>>) dst(%dma_wait3A_50 : memref<128x64xf32, #tpu.memory_space<vmem_shared>>)
      tpu.yield
    }) : () -> ()
    %mul3A_23 = arith.constant 640 : i32
    %mul3A_24 = arith.muli %arg1, %mul3A_23 : i32
    %add3A_25 = arith.constant 512 : i32
    %add3A_26 = arith.addi %mul3A_24, %add3A_25 : i32
    "tpu.region"() ({
      %run_scoped3A = tpu.sem_alloc : memref<!tpu.dma_semaphore, #tpu.memory_space<semaphore_mem>>
      %dma_start3A = arith.constant 0 : i32
      %dma_start3A_45 = tpu.memref_slice %arg10[%add3A_26, %dma_start3A] : memref<10240x64xf32, #tpu.memory_space<vmem_shared>> -> memref<128x64xf32, #tpu.memory_space<vmem_shared>>
      %dma_start3A_46 = arith.constant 0 : i32
      %dma_start3A_47 = tpu.memref_slice %arg10[%add3A_26, %dma_start3A_46] : memref<10240x64xf32, #tpu.memory_space<vmem_shared>> -> memref<128x64xf32, #tpu.memory_space<vmem_shared>>
      tpu.enqueue_dma source(%arg8 : memref<128x64xf32, #tpu.memory_space<vmem>>) target(%dma_start3A_47 : memref<128x64xf32, #tpu.memory_space<vmem_shared>>) target_semaphore(%run_scoped3A : memref<!tpu.dma_semaphore, #tpu.memory_space<semaphore_mem>>)
      %dma_wait3A = arith.constant 0 : i32
      %dma_wait3A_48 = tpu.memref_slice %arg10[%add3A_26, %dma_wait3A] : memref<10240x64xf32, #tpu.memory_space<vmem_shared>> -> memref<128x64xf32, #tpu.memory_space<vmem_shared>>
      %dma_wait3A_49 = arith.constant 0 : i32
      %dma_wait3A_50 = tpu.memref_slice %arg10[%add3A_26, %dma_wait3A_49] : memref<10240x64xf32, #tpu.memory_space<vmem_shared>> -> memref<128x64xf32, #tpu.memory_space<vmem_shared>>
      tpu.wait_dma2 semaphore(%run_scoped3A : memref<!tpu.dma_semaphore, #tpu.memory_space<semaphore_mem>>) src(%arg8 : memref<128x64xf32, #tpu.memory_space<vmem>>) dst(%dma_wait3A_50 : memref<128x64xf32, #tpu.memory_space<vmem_shared>>)
      tpu.yield
    }) : () -> ()
    %mul3A_27 = arith.constant 625 : i32
    %mul3A_28 = arith.muli %arg1, %mul3A_27 : i32
    %mul3A_29 = arith.constant 625 : i32
    %mul3A_30 = arith.muli %arg1, %mul3A_29 : i32
    "tpu.region"() ({
      %run_scoped3A = tpu.sem_alloc : memref<!tpu.dma_semaphore, #tpu.memory_space<semaphore_mem>>
      %dma_start3A = arith.constant 0 : i32
      %dma_start3A_45 = tpu.memref_slice %arg9[%mul3A_30, %dma_start3A] : memref<10000x64xf32, #tpu.memory_space<vmem_shared>> -> memref<625x64xf32, #tpu.memory_space<vmem_shared>>
      %dma_start3A_46 = arith.constant 0 : i32
      %dma_start3A_47 = tpu.memref_slice %arg2[%mul3A_28, %dma_start3A_46] : memref<10000x64xf32, #tpu.memory_space<hbm>> -> memref<625x64xf32, #tpu.memory_space<hbm>>
      tpu.enqueue_dma source(%dma_start3A_47 : memref<625x64xf32, #tpu.memory_space<hbm>>) target(%dma_start3A_45 : memref<625x64xf32, #tpu.memory_space<vmem_shared>>) target_semaphore(%run_scoped3A : memref<!tpu.dma_semaphore, #tpu.memory_space<semaphore_mem>>)
      %dma_wait3A = arith.constant 0 : i32
      %dma_wait3A_48 = tpu.memref_slice %arg9[%mul3A_30, %dma_wait3A] : memref<10000x64xf32, #tpu.memory_space<vmem_shared>> -> memref<625x64xf32, #tpu.memory_space<vmem_shared>>
      %dma_wait3A_49 = arith.constant 0 : i32
      %dma_wait3A_50 = tpu.memref_slice %arg2[%mul3A_28, %dma_wait3A_49] : memref<10000x64xf32, #tpu.memory_space<hbm>> -> memref<625x64xf32, #tpu.memory_space<hbm>>
      tpu.wait_dma2 semaphore(%run_scoped3A : memref<!tpu.dma_semaphore, #tpu.memory_space<semaphore_mem>>) src(%dma_wait3A_50 : memref<625x64xf32, #tpu.memory_space<hbm>>) dst(%dma_wait3A_48 : memref<625x64xf32, #tpu.memory_space<vmem_shared>>)
      tpu.yield
    }) : () -> ()
    "tpu.region"() ({
      %run_scoped3A = tpu.sem_alloc : memref<!tpu.dma_semaphore, #tpu.memory_space<semaphore_mem>>
      %dma_start3A = arith.constant 0 : i32
      %dma_start3A_45 = arith.constant 0 : i32
      %dma_start3A_46 = tpu.memref_slice %arg3[%add3A, %dma_start3A, %dma_start3A_45] : memref<32x79x128xi32, #tpu.memory_space<hbm>> -> memref<1x79x128xi32, #tpu.memory_space<hbm>>
      %dma_start3A_47 = tpu.memref_squeeze %dma_start3A_46 : memref<1x79x128xi32, #tpu.memory_space<hbm>> -> memref<79x128xi32, #tpu.memory_space<hbm>>
      %dma_start3A_48 = arith.constant 0 : i32
      %dma_start3A_49 = arith.constant 0 : i32
      %dma_start3A_50 = tpu.memref_slice %arg3[%add3A, %dma_start3A_48, %dma_start3A_49] : memref<32x79x128xi32, #tpu.memory_space<hbm>> -> memref<1x79x128xi32, #tpu.memory_space<hbm>>
      %dma_start3A_51 = tpu.memref_squeeze %dma_start3A_50 : memref<1x79x128xi32, #tpu.memory_space<hbm>> -> memref<79x128xi32, #tpu.memory_space<hbm>>
      tpu.enqueue_dma source(%dma_start3A_51 : memref<79x128xi32, #tpu.memory_space<hbm>>) target(%arg6 : memref<79x128xi32, #tpu.memory_space<vmem>>) target_semaphore(%run_scoped3A : memref<!tpu.dma_semaphore, #tpu.memory_space<semaphore_mem>>)
      %dma_wait3A = arith.constant 0 : i32
      %dma_wait3A_52 = arith.constant 0 : i32
      %dma_wait3A_53 = tpu.memref_slice %arg3[%add3A, %dma_wait3A, %dma_wait3A_52] : memref<32x79x128xi32, #tpu.memory_space<hbm>> -> memref<1x79x128xi32, #tpu.memory_space<hbm>>
      %dma_wait3A_54 = tpu.memref_squeeze %dma_wait3A_53 : memref<1x79x128xi32, #tpu.memory_space<hbm>> -> memref<79x128xi32, #tpu.memory_space<hbm>>
      %dma_wait3A_55 = arith.constant 0 : i32
      %dma_wait3A_56 = arith.constant 0 : i32
      %dma_wait3A_57 = tpu.memref_slice %arg3[%add3A, %dma_wait3A_55, %dma_wait3A_56] : memref<32x79x128xi32, #tpu.memory_space<hbm>> -> memref<1x79x128xi32, #tpu.memory_space<hbm>>
      %dma_wait3A_58 = tpu.memref_squeeze %dma_wait3A_57 : memref<1x79x128xi32, #tpu.memory_space<hbm>> -> memref<79x128xi32, #tpu.memory_space<hbm>>
      tpu.wait_dma2 semaphore(%run_scoped3A : memref<!tpu.dma_semaphore, #tpu.memory_space<semaphore_mem>>) src(%dma_wait3A_58 : memref<79x128xi32, #tpu.memory_space<hbm>>) dst(%arg6 : memref<79x128xi32, #tpu.memory_space<vmem>>)
      tpu.yield
    }) : () -> ()
    "tpu.region"() ({
      %run_scoped3A = tpu.sem_alloc : memref<!tpu.dma_semaphore, #tpu.memory_space<semaphore_mem>>
      %dma_start3A = arith.constant 0 : i32
      %dma_start3A_45 = arith.constant 0 : i32
      %dma_start3A_46 = tpu.memref_slice %arg4[%add3A, %dma_start3A, %dma_start3A_45] : memref<32x79x128xi32, #tpu.memory_space<hbm>> -> memref<1x79x128xi32, #tpu.memory_space<hbm>>
      %dma_start3A_47 = tpu.memref_squeeze %dma_start3A_46 : memref<1x79x128xi32, #tpu.memory_space<hbm>> -> memref<79x128xi32, #tpu.memory_space<hbm>>
      %dma_start3A_48 = arith.constant 0 : i32
      %dma_start3A_49 = arith.constant 0 : i32
      %dma_start3A_50 = tpu.memref_slice %arg4[%add3A, %dma_start3A_48, %dma_start3A_49] : memref<32x79x128xi32, #tpu.memory_space<hbm>> -> memref<1x79x128xi32, #tpu.memory_space<hbm>>
      %dma_start3A_51 = tpu.memref_squeeze %dma_start3A_50 : memref<1x79x128xi32, #tpu.memory_space<hbm>> -> memref<79x128xi32, #tpu.memory_space<hbm>>
      tpu.enqueue_dma source(%dma_start3A_51 : memref<79x128xi32, #tpu.memory_space<hbm>>) target(%arg7 : memref<79x128xi32, #tpu.memory_space<vmem>>) target_semaphore(%run_scoped3A : memref<!tpu.dma_semaphore, #tpu.memory_space<semaphore_mem>>)
      %dma_wait3A = arith.constant 0 : i32
      %dma_wait3A_52 = arith.constant 0 : i32
      %dma_wait3A_53 = tpu.memref_slice %arg4[%add3A, %dma_wait3A, %dma_wait3A_52] : memref<32x79x128xi32, #tpu.memory_space<hbm>> -> memref<1x79x128xi32, #tpu.memory_space<hbm>>
      %dma_wait3A_54 = tpu.memref_squeeze %dma_wait3A_53 : memref<1x79x128xi32, #tpu.memory_space<hbm>> -> memref<79x128xi32, #tpu.memory_space<hbm>>
      %dma_wait3A_55 = arith.constant 0 : i32
      %dma_wait3A_56 = arith.constant 0 : i32
      %dma_wait3A_57 = tpu.memref_slice %arg4[%add3A, %dma_wait3A_55, %dma_wait3A_56] : memref<32x79x128xi32, #tpu.memory_space<hbm>> -> memref<1x79x128xi32, #tpu.memory_space<hbm>>
      %dma_wait3A_58 = tpu.memref_squeeze %dma_wait3A_57 : memref<1x79x128xi32, #tpu.memory_space<hbm>> -> memref<79x128xi32, #tpu.memory_space<hbm>>
      tpu.wait_dma2 semaphore(%run_scoped3A : memref<!tpu.dma_semaphore, #tpu.memory_space<semaphore_mem>>) src(%dma_wait3A_58 : memref<79x128xi32, #tpu.memory_space<hbm>>) dst(%arg7 : memref<79x128xi32, #tpu.memory_space<vmem>>)
      tpu.yield
    }) : () -> ()
    %barrier3A = arith.constant 0 : index
    tpu.barrier barrier_id(%barrier3A)
    %scan3A_31 = arith.constant 0 : i32
    %scan3A_32 = arith.constant 0 : i32
    %scan3A_33 = arith.constant 79 : i32
    %scan3A_34 = arith.addi %scan3A_32, %scan3A_33 : i32
    %scan3A_35 = arith.constant 1 : i32
    scf.for %scan3A_45 = %scan3A_32 to %scan3A_34 step %scan3A_35  : i32 {
      %dma_start3A = arith.constant 0 : i32
      %dma_start3A_46 = tpu.memref_slice %arg6[%scan3A_45, %dma_start3A] : memref<79x128xi32, #tpu.memory_space<vmem>> -> memref<1x128xi32, #tpu.memory_space<vmem>>
      %dma_start3A_47 = tpu.memref_squeeze %dma_start3A_46 : memref<1x128xi32, #tpu.memory_space<vmem>> -> memref<128xi32, #tpu.memory_space<vmem>>
      %dma_start3A_48 = arith.constant 0 : i32
      %dma_start3A_49 = arith.constant 0 : i32
      %dma_start3A_50 = tpu.memref_slice %arg9[%dma_start3A_48, %dma_start3A_49] : memref<10000x64xf32, #tpu.memory_space<vmem_shared>> -> memref<10000x64xf32, #tpu.memory_space<vmem_shared>>
      tpu.enqueue_indirect_dma source(%dma_start3A_50 : memref<10000x64xf32, #tpu.memory_space<vmem_shared>>) target(%arg8 : memref<128x64xf32, #tpu.memory_space<vmem>>) offsets(%dma_start3A_47 : memref<128xi32, #tpu.memory_space<vmem>>) semaphore(%arg11 : memref<!tpu.dma_semaphore, #tpu.memory_space<semaphore_mem>>)
      %dma_wait3A = arith.constant 0 : i32
      %dma_wait3A_51 = tpu.memref_slice %arg6[%scan3A_45, %dma_wait3A] : memref<79x128xi32, #tpu.memory_space<vmem>> -> memref<1x128xi32, #tpu.memory_space<vmem>>
      %dma_wait3A_52 = tpu.memref_squeeze %dma_wait3A_51 : memref<1x128xi32, #tpu.memory_space<vmem>> -> memref<128xi32, #tpu.memory_space<vmem>>
      %dma_wait3A_53 = arith.constant 0 : i32
      %dma_wait3A_54 = arith.constant 0 : i32
      %dma_wait3A_55 = tpu.memref_slice %arg9[%dma_wait3A_53, %dma_wait3A_54] : memref<10000x64xf32, #tpu.memory_space<vmem_shared>> -> memref<10000x64xf32, #tpu.memory_space<vmem_shared>>
      tpu.wait_indirect_dma semaphore(%arg11 : memref<!tpu.dma_semaphore, #tpu.memory_space<semaphore_mem>>) src(%dma_wait3A_55 : memref<10000x64xf32, #tpu.memory_space<vmem_shared>>) dst(%arg8 : memref<128x64xf32, #tpu.memory_space<vmem>>)
      %dma_start3A_56 = arith.constant 0 : i32
      %dma_start3A_57 = tpu.memref_slice %arg7[%scan3A_45, %dma_start3A_56] : memref<79x128xi32, #tpu.memory_space<vmem>> -> memref<1x128xi32, #tpu.memory_space<vmem>>
      %dma_start3A_58 = tpu.memref_squeeze %dma_start3A_57 : memref<1x128xi32, #tpu.memory_space<vmem>> -> memref<128xi32, #tpu.memory_space<vmem>>
      %dma_start3A_59 = arith.constant 0 : i32
      %dma_start3A_60 = arith.constant 0 : i32
      %dma_start3A_61 = tpu.memref_slice %arg10[%dma_start3A_59, %dma_start3A_60] : memref<10240x64xf32, #tpu.memory_space<vmem_shared>> -> memref<10240x64xf32, #tpu.memory_space<vmem_shared>>
      tpu.enqueue_indirect_dma source(%arg8 : memref<128x64xf32, #tpu.memory_space<vmem>>) target(%dma_start3A_61 : memref<10240x64xf32, #tpu.memory_space<vmem_shared>>) offsets(%dma_start3A_58 : memref<128xi32, #tpu.memory_space<vmem>>) semaphore(%arg12 : memref<!tpu.dma_semaphore, #tpu.memory_space<semaphore_mem>>) {add = true}
      %dma_wait3A_62 = arith.constant 0 : i32
      %dma_wait3A_63 = tpu.memref_slice %arg7[%scan3A_45, %dma_wait3A_62] : memref<79x128xi32, #tpu.memory_space<vmem>> -> memref<1x128xi32, #tpu.memory_space<vmem>>
      %dma_wait3A_64 = tpu.memref_squeeze %dma_wait3A_63 : memref<1x128xi32, #tpu.memory_space<vmem>> -> memref<128xi32, #tpu.memory_space<vmem>>
      %dma_wait3A_65 = arith.constant 0 : i32
      %dma_wait3A_66 = arith.constant 0 : i32
      %dma_wait3A_67 = tpu.memref_slice %arg10[%dma_wait3A_65, %dma_wait3A_66] : memref<10240x64xf32, #tpu.memory_space<vmem_shared>> -> memref<10240x64xf32, #tpu.memory_space<vmem_shared>>
      tpu.wait_indirect_dma semaphore(%arg12 : memref<!tpu.dma_semaphore, #tpu.memory_space<semaphore_mem>>) src(%arg8 : memref<128x64xf32, #tpu.memory_space<vmem>>) dst(%dma_wait3A_67 : memref<10240x64xf32, #tpu.memory_space<vmem_shared>>)
    }
    %scan3A_36 = arith.constant 79 : i32
    %barrier3A_37 = arith.constant 0 : index
    tpu.barrier barrier_id(%barrier3A_37)
    %mul3A_38 = arith.constant 640 : i32
    %mul3A_39 = arith.muli %arg1, %mul3A_38 : i32
    %mul3A_40 = arith.constant 10240 : i32
    %mul3A_41 = arith.muli %arg0, %mul3A_40 : i32
    %mul3A_42 = arith.constant 640 : i32
    %mul3A_43 = arith.muli %arg1, %mul3A_42 : i32
    %add3A_44 = arith.addi %mul3A_41, %mul3A_43 : i32
    "tpu.region"() ({
      %run_scoped3A = tpu.sem_alloc : memref<!tpu.dma_semaphore, #tpu.memory_space<semaphore_mem>>
      %dma_start3A = arith.constant 0 : i32
      %dma_start3A_45 = tpu.memref_slice %arg5[%add3A_44, %dma_start3A] : memref<20480x64xf32, #tpu.memory_space<hbm>> -> memref<640x64xf32, #tpu.memory_space<hbm>>
      %dma_start3A_46 = arith.constant 0 : i32
      %dma_start3A_47 = tpu.memref_slice %arg10[%mul3A_39, %dma_start3A_46] : memref<10240x64xf32, #tpu.memory_space<vmem_shared>> -> memref<640x64xf32, #tpu.memory_space<vmem_shared>>
      tpu.enqueue_dma source(%dma_start3A_47 : memref<640x64xf32, #tpu.memory_space<vmem_shared>>) target(%dma_start3A_45 : memref<640x64xf32, #tpu.memory_space<hbm>>) target_semaphore(%run_scoped3A : memref<!tpu.dma_semaphore, #tpu.memory_space<semaphore_mem>>)
      %dma_wait3A = arith.constant 0 : i32
      %dma_wait3A_48 = tpu.memref_slice %arg5[%add3A_44, %dma_wait3A] : memref<20480x64xf32, #tpu.memory_space<hbm>> -> memref<640x64xf32, #tpu.memory_space<hbm>>
      %dma_wait3A_49 = arith.constant 0 : i32
      %dma_wait3A_50 = tpu.memref_slice %arg10[%mul3A_39, %dma_wait3A_49] : memref<10240x64xf32, #tpu.memory_space<vmem_shared>> -> memref<640x64xf32, #tpu.memory_space<vmem_shared>>
      tpu.wait_dma2 semaphore(%run_scoped3A : memref<!tpu.dma_semaphore, #tpu.memory_space<semaphore_mem>>) src(%dma_wait3A_50 : memref<640x64xf32, #tpu.memory_space<vmem_shared>>) dst(%dma_wait3A_48 : memref<640x64xf32, #tpu.memory_space<hbm>>)
      tpu.yield
    }) : () -> ()
    return
  }
}

#map = affine_map<(d0, d1) -> (0, 0)>
#map1 = affine_map<(d0, d1) -> (0, 0, 0)>
module attributes {stable_mosaic.version = 14 : i64} {
  func.func @_sc_segment_sum(%arg0: i32, %arg1: i32, %arg2: memref<10000x64xf32, #tpu.memory_space<hbm>>, %arg3: memref<32x79x128xi32, #tpu.memory_space<hbm>>, %arg4: memref<32x79x128xi32, #tpu.memory_space<hbm>>, %arg5: memref<20480x64xf32, #tpu.memory_space<hbm>>, %arg6: memref<79x128xi32, #tpu.memory_space<vmem>>, %arg7: memref<79x128xi32, #tpu.memory_space<vmem>>, %arg8: memref<128x64xf32, #tpu.memory_space<vmem>>, %arg9: memref<10000x64xf32, #tpu.memory_space<vmem_shared>>, %arg10: memref<10240x64xf32, #tpu.memory_space<vmem_shared>>, %arg11: memref<!tpu.dma_semaphore, #tpu.memory_space<semaphore_mem>>, %arg12: memref<!tpu.dma_semaphore, #tpu.memory_space<semaphore_mem>>) attributes {dimension_semantics = [#tpu.dimension_semantics<core_parallel>, #tpu.dimension_semantics<subcore_parallel>], iteration_bounds = array<i64: 2, 16>, scalar_prefetch = 0 : i64, scratch_operands = 7 : i64, tpu.core_type = #tpu.core_type<sc_vector_subcore>, window_params = [{transform_indices = #map}, {transform_indices = #map1}, {transform_indices = #map1}, {transform_indices = #map}]} {
    %mul3A = arith.constant 2 : i32
    %mul3A_0 = arith.muli %arg1, %mul3A : i32
    %add3A = arith.addi %mul3A_0, %arg0 : i32
    %broadcast_in_dim3A = arith.constant 0.000000e+00 : f32
    %broadcast_in_dim3A_1 = vector.broadcast %broadcast_in_dim3A : f32 to vector<16xf32>
    %scan3A = arith.constant 0 : i32
    %scan3A_2 = arith.constant 0 : i32
    %scan3A_3 = arith.constant 128 : i32
    %scan3A_4 = arith.addi %scan3A_2, %scan3A_3 : i32
    %scan3A_5 = arith.constant 1 : i32
    scf.for %scan3A_45 = %scan3A_2 to %scan3A_4 step %scan3A_5  : i32 {
      %swap3A = arith.index_cast %scan3A_45 : i32 to index
      %swap3A_46 = arith.constant 0 : index
      %swap3A_47 = tpu.vector_load %arg8[%swap3A, %swap3A_46] {strides = array<i32>} : memref<128x64xf32, #tpu.memory_space<vmem>>, vector<1x16xf32>,
      %swap3A_48 = vector.shape_cast %swap3A_47 : vector<1x16xf32> to vector<16xf32>
      %swap3A_49 = vector.shape_cast %broadcast_in_dim3A_1 : vector<16xf32> to vector<1x16xf32>
      tpu.vector_store %arg8[%swap3A, %swap3A_46], %swap3A_49 {strides = array<i32>} : memref<128x64xf32, #tpu.memory_space<vmem>>, vector<1x16xf32>,
      %swap3A_50 = arith.index_cast %scan3A_45 : i32 to index
      %swap3A_51 = arith.constant 16 : index
      %swap3A_52 = tpu.vector_load %arg8[%swap3A_50, %swap3A_51] {strides = array<i32>} : memref<128x64xf32, #tpu.memory_space<vmem>>, vector<1x16xf32>,
      %swap3A_53 = vector.shape_cast %swap3A_52 : vector<1x16xf32> to vector<16xf32>
      %swap3A_54 = vector.shape_cast %broadcast_in_dim3A_1 : vector<16xf32> to vector<1x16xf32>
      tpu.vector_store %arg8[%swap3A_50, %swap3A_51], %swap3A_54 {strides = array<i32>} : memref<128x64xf32, #tpu.memory_space<vmem>>, vector<1x16xf32>,
      %swap3A_55 = arith.index_cast %scan3A_45 : i32 to index
      %swap3A_56 = arith.constant 32 : index
      %swap3A_57 = tpu.vector_load %arg8[%swap3A_55, %swap3A_56] {strides = array<i32>} : memref<128x64xf32, #tpu.memory_space<vmem>>, vector<1x16xf32>,
      %swap3A_58 = vector.shape_cast %swap3A_57 : vector<1x16xf32> to vector<16xf32>
      %swap3A_59 = vector.shape_cast %broadcast_in_dim3A_1 : vector<16xf32> to vector<1x16xf32>
      tpu.vector_store %arg8[%swap3A_55, %swap3A_56], %swap3A_59 {strides = array<i32>} : memref<128x64xf32, #tpu.memory_space<vmem>>, vector<1x16xf32>,
      %swap3A_60 = arith.index_cast %scan3A_45 : i32 to index
      %swap3A_61 = arith.constant 48 : index
      %swap3A_62 = tpu.vector_load %arg8[%swap3A_60, %swap3A_61] {strides = array<i32>} : memref<128x64xf32, #tpu.memory_space<vmem>>, vector<1x16xf32>,
      %swap3A_63 = vector.shape_cast %swap3A_62 : vector<1x16xf32> to vector<16xf32>
      %swap3A_64 = vector.shape_cast %broadcast_in_dim3A_1 : vector<16xf32> to vector<1x16xf32>
      tpu.vector_store %arg8[%swap3A_60, %swap3A_61], %swap3A_64 {strides = array<i32>} : memref<128x64xf32, #tpu.memory_space<vmem>>, vector<1x16xf32>,
    }
    %scan3A_6 = arith.constant 128 : i32
    %mul3A_7 = arith.constant 640 : i32
    %mul3A_8 = arith.muli %arg1, %mul3A_7 : i32
    %add3A_9 = arith.constant 0 : i32
    %add3A_10 = arith.addi %mul3A_8, %add3A_9 : i32
    "tpu.region"() ({
      %run_scoped3A = tpu.sem_alloc : memref<!tpu.dma_semaphore, #tpu.memory_space<semaphore_mem>>
      %dma_start3A = arith.constant 0 : i32
      %dma_start3A_45 = tpu.memref_slice %arg10[%add3A_10, %dma_start3A] : memref<10240x64xf32, #tpu.memory_space<vmem_shared>> -> memref<128x64xf32, #tpu.memory_space<vmem_shared>>
      %dma_start3A_46 = arith.constant 0 : i32
      %dma_start3A_47 = tpu.memref_slice %arg10[%add3A_10, %dma_start3A_46] : memref<10240x64xf32, #tpu.memory_space<vmem_shared>> -> memref<128x64xf32, #tpu.memory_space<vmem_shared>>
      tpu.enqueue_dma source(%arg8 : memref<128x64xf32, #tpu.memory_space<vmem>>) target(%dma_start3A_47 : memref<128x64xf32, #tpu.memory_space<vmem_shared>>) target_semaphore(%run_scoped3A : memref<!tpu.dma_semaphore, #tpu.memory_space<semaphore_mem>>)
      %dma_wait3A = arith.constant 0 : i32
      %dma_wait3A_48 = tpu.memref_slice %arg10[%add3A_10, %dma_wait3A] : memref<10240x64xf32, #tpu.memory_space<vmem_shared>> -> memref<128x64xf32, #tpu.memory_space<vmem_shared>>
      %dma_wait3A_49 = arith.constant 0 : i32
      %dma_wait3A_50 = tpu.memref_slice %arg10[%add3A_10, %dma_wait3A_49] : memref<10240x64xf32, #tpu.memory_space<vmem_shared>> -> memref<128x64xf32, #tpu.memory_space<vmem_shared>>
      tpu.wait_dma2 semaphore(%run_scoped3A : memref<!tpu.dma_semaphore, #tpu.memory_space<semaphore_mem>>) src(%arg8 : memref<128x64xf32, #tpu.memory_space<vmem>>) dst(%dma_wait3A_50 : memref<128x64xf32, #tpu.memory_space<vmem_shared>>)
      tpu.yield
    }) : () -> ()
    %mul3A_11 = arith.constant 640 : i32
    %mul3A_12 = arith.muli %arg1, %mul3A_11 : i32
    %add3A_13 = arith.constant 128 : i32
    %add3A_14 = arith.addi %mul3A_12, %add3A_13 : i32
    "tpu.region"() ({
      %run_scoped3A = tpu.sem_alloc : memref<!tpu.dma_semaphore, #tpu.memory_space<semaphore_mem>>
      %dma_start3A = arith.constant 0 : i32
      %dma_start3A_45 = tpu.memref_slice %arg10[%add3A_14, %dma_start3A] : memref<10240x64xf32, #tpu.memory_space<vmem_shared>> -> memref<128x64xf32, #tpu.memory_space<vmem_shared>>
      %dma_start3A_46 = arith.constant 0 : i32
      %dma_start3A_47 = tpu.memref_slice %arg10[%add3A_14, %dma_start3A_46] : memref<10240x64xf32, #tpu.memory_space<vmem_shared>> -> memref<128x64xf32, #tpu.memory_space<vmem_shared>>
      tpu.enqueue_dma source(%arg8 : memref<128x64xf32, #tpu.memory_space<vmem>>) target(%dma_start3A_47 : memref<128x64xf32, #tpu.memory_space<vmem_shared>>) target_semaphore(%run_scoped3A : memref<!tpu.dma_semaphore, #tpu.memory_space<semaphore_mem>>)
      %dma_wait3A = arith.constant 0 : i32
      %dma_wait3A_48 = tpu.memref_slice %arg10[%add3A_14, %dma_wait3A] : memref<10240x64xf32, #tpu.memory_space<vmem_shared>> -> memref<128x64xf32, #tpu.memory_space<vmem_shared>>
      %dma_wait3A_49 = arith.constant 0 : i32
      %dma_wait3A_50 = tpu.memref_slice %arg10[%add3A_14, %dma_wait3A_49] : memref<10240x64xf32, #tpu.memory_space<vmem_shared>> -> memref<128x64xf32, #tpu.memory_space<vmem_shared>>
      tpu.wait_dma2 semaphore(%run_scoped3A : memref<!tpu.dma_semaphore, #tpu.memory_space<semaphore_mem>>) src(%arg8 : memref<128x64xf32, #tpu.memory_space<vmem>>) dst(%dma_wait3A_50 : memref<128x64xf32, #tpu.memory_space<vmem_shared>>)
      tpu.yield
    }) : () -> ()
    %mul3A_15 = arith.constant 640 : i32
    %mul3A_16 = arith.muli %arg1, %mul3A_15 : i32
    %add3A_17 = arith.constant 256 : i32
    %add3A_18 = arith.addi %mul3A_16, %add3A_17 : i32
    "tpu.region"() ({
      %run_scoped3A = tpu.sem_alloc : memref<!tpu.dma_semaphore, #tpu.memory_space<semaphore_mem>>
      %dma_start3A = arith.constant 0 : i32
      %dma_start3A_45 = tpu.memref_slice %arg10[%add3A_18, %dma_start3A] : memref<10240x64xf32, #tpu.memory_space<vmem_shared>> -> memref<128x64xf32, #tpu.memory_space<vmem_shared>>
      %dma_start3A_46 = arith.constant 0 : i32
      %dma_start3A_47 = tpu.memref_slice %arg10[%add3A_18, %dma_start3A_46] : memref<10240x64xf32, #tpu.memory_space<vmem_shared>> -> memref<128x64xf32, #tpu.memory_space<vmem_shared>>
      tpu.enqueue_dma source(%arg8 : memref<128x64xf32, #tpu.memory_space<vmem>>) target(%dma_start3A_47 : memref<128x64xf32, #tpu.memory_space<vmem_shared>>) target_semaphore(%run_scoped3A : memref<!tpu.dma_semaphore, #tpu.memory_space<semaphore_mem>>)
      %dma_wait3A = arith.constant 0 : i32
      %dma_wait3A_48 = tpu.memref_slice %arg10[%add3A_18, %dma_wait3A] : memref<10240x64xf32, #tpu.memory_space<vmem_shared>> -> memref<128x64xf32, #tpu.memory_space<vmem_shared>>
      %dma_wait3A_49 = arith.constant 0 : i32
      %dma_wait3A_50 = tpu.memref_slice %arg10[%add3A_18, %dma_wait3A_49] : memref<10240x64xf32, #tpu.memory_space<vmem_shared>> -> memref<128x64xf32, #tpu.memory_space<vmem_shared>>
      tpu.wait_dma2 semaphore(%run_scoped3A : memref<!tpu.dma_semaphore, #tpu.memory_space<semaphore_mem>>) src(%arg8 : memref<128x64xf32, #tpu.memory_space<vmem>>) dst(%dma_wait3A_50 : memref<128x64xf32, #tpu.memory_space<vmem_shared>>)
      tpu.yield
    }) : () -> ()
    %mul3A_19 = arith.constant 640 : i32
    %mul3A_20 = arith.muli %arg1, %mul3A_19 : i32
    %add3A_21 = arith.constant 384 : i32
    %add3A_22 = arith.addi %mul3A_20, %add3A_21 : i32
    "tpu.region"() ({
      %run_scoped3A = tpu.sem_alloc : memref<!tpu.dma_semaphore, #tpu.memory_space<semaphore_mem>>
      %dma_start3A = arith.constant 0 : i32
      %dma_start3A_45 = tpu.memref_slice %arg10[%add3A_22, %dma_start3A] : memref<10240x64xf32, #tpu.memory_space<vmem_shared>> -> memref<128x64xf32, #tpu.memory_space<vmem_shared>>
      %dma_start3A_46 = arith.constant 0 : i32
      %dma_start3A_47 = tpu.memref_slice %arg10[%add3A_22, %dma_start3A_46] : memref<10240x64xf32, #tpu.memory_space<vmem_shared>> -> memref<128x64xf32, #tpu.memory_space<vmem_shared>>
      tpu.enqueue_dma source(%arg8 : memref<128x64xf32, #tpu.memory_space<vmem>>) target(%dma_start3A_47 : memref<128x64xf32, #tpu.memory_space<vmem_shared>>) target_semaphore(%run_scoped3A : memref<!tpu.dma_semaphore, #tpu.memory_space<semaphore_mem>>)
      %dma_wait3A = arith.constant 0 : i32
      %dma_wait3A_48 = tpu.memref_slice %arg10[%add3A_22, %dma_wait3A] : memref<10240x64xf32, #tpu.memory_space<vmem_shared>> -> memref<128x64xf32, #tpu.memory_space<vmem_shared>>
      %dma_wait3A_49 = arith.constant 0 : i32
      %dma_wait3A_50 = tpu.memref_slice %arg10[%add3A_22, %dma_wait3A_49] : memref<10240x64xf32, #tpu.memory_space<vmem_shared>> -> memref<128x64xf32, #tpu.memory_space<vmem_shared>>
      tpu.wait_dma2 semaphore(%run_scoped3A : memref<!tpu.dma_semaphore, #tpu.memory_space<semaphore_mem>>) src(%arg8 : memref<128x64xf32, #tpu.memory_space<vmem>>) dst(%dma_wait3A_50 : memref<128x64xf32, #tpu.memory_space<vmem_shared>>)
      tpu.yield
    }) : () -> ()
    %mul3A_23 = arith.constant 640 : i32
    %mul3A_24 = arith.muli %arg1, %mul3A_23 : i32
    %add3A_25 = arith.constant 512 : i32
    %add3A_26 = arith.addi %mul3A_24, %add3A_25 : i32
    "tpu.region"() ({
      %run_scoped3A = tpu.sem_alloc : memref<!tpu.dma_semaphore, #tpu.memory_space<semaphore_mem>>
      %dma_start3A = arith.constant 0 : i32
      %dma_start3A_45 = tpu.memref_slice %arg10[%add3A_26, %dma_start3A] : memref<10240x64xf32, #tpu.memory_space<vmem_shared>> -> memref<128x64xf32, #tpu.memory_space<vmem_shared>>
      %dma_start3A_46 = arith.constant 0 : i32
      %dma_start3A_47 = tpu.memref_slice %arg10[%add3A_26, %dma_start3A_46] : memref<10240x64xf32, #tpu.memory_space<vmem_shared>> -> memref<128x64xf32, #tpu.memory_space<vmem_shared>>
      tpu.enqueue_dma source(%arg8 : memref<128x64xf32, #tpu.memory_space<vmem>>) target(%dma_start3A_47 : memref<128x64xf32, #tpu.memory_space<vmem_shared>>) target_semaphore(%run_scoped3A : memref<!tpu.dma_semaphore, #tpu.memory_space<semaphore_mem>>)
      %dma_wait3A = arith.constant 0 : i32
      %dma_wait3A_48 = tpu.memref_slice %arg10[%add3A_26, %dma_wait3A] : memref<10240x64xf32, #tpu.memory_space<vmem_shared>> -> memref<128x64xf32, #tpu.memory_space<vmem_shared>>
      %dma_wait3A_49 = arith.constant 0 : i32
      %dma_wait3A_50 = tpu.memref_slice %arg10[%add3A_26, %dma_wait3A_49] : memref<10240x64xf32, #tpu.memory_space<vmem_shared>> -> memref<128x64xf32, #tpu.memory_space<vmem_shared>>
      tpu.wait_dma2 semaphore(%run_scoped3A : memref<!tpu.dma_semaphore, #tpu.memory_space<semaphore_mem>>) src(%arg8 : memref<128x64xf32, #tpu.memory_space<vmem>>) dst(%dma_wait3A_50 : memref<128x64xf32, #tpu.memory_space<vmem_shared>>)
      tpu.yield
    }) : () -> ()
    %mul3A_27 = arith.constant 625 : i32
    %mul3A_28 = arith.muli %arg1, %mul3A_27 : i32
    %mul3A_29 = arith.constant 625 : i32
    %mul3A_30 = arith.muli %arg1, %mul3A_29 : i32
    "tpu.region"() ({
      %run_scoped3A = tpu.sem_alloc : memref<!tpu.dma_semaphore, #tpu.memory_space<semaphore_mem>>
      %dma_start3A = arith.constant 0 : i32
      %dma_start3A_45 = tpu.memref_slice %arg9[%mul3A_30, %dma_start3A] : memref<10000x64xf32, #tpu.memory_space<vmem_shared>> -> memref<625x64xf32, #tpu.memory_space<vmem_shared>>
      %dma_start3A_46 = arith.constant 0 : i32
      %dma_start3A_47 = tpu.memref_slice %arg2[%mul3A_28, %dma_start3A_46] : memref<10000x64xf32, #tpu.memory_space<hbm>> -> memref<625x64xf32, #tpu.memory_space<hbm>>
      tpu.enqueue_dma source(%dma_start3A_47 : memref<625x64xf32, #tpu.memory_space<hbm>>) target(%dma_start3A_45 : memref<625x64xf32, #tpu.memory_space<vmem_shared>>) target_semaphore(%run_scoped3A : memref<!tpu.dma_semaphore, #tpu.memory_space<semaphore_mem>>)
      %dma_wait3A = arith.constant 0 : i32
      %dma_wait3A_48 = tpu.memref_slice %arg9[%mul3A_30, %dma_wait3A] : memref<10000x64xf32, #tpu.memory_space<vmem_shared>> -> memref<625x64xf32, #tpu.memory_space<vmem_shared>>
      %dma_wait3A_49 = arith.constant 0 : i32
      %dma_wait3A_50 = tpu.memref_slice %arg2[%mul3A_28, %dma_wait3A_49] : memref<10000x64xf32, #tpu.memory_space<hbm>> -> memref<625x64xf32, #tpu.memory_space<hbm>>
      tpu.wait_dma2 semaphore(%run_scoped3A : memref<!tpu.dma_semaphore, #tpu.memory_space<semaphore_mem>>) src(%dma_wait3A_50 : memref<625x64xf32, #tpu.memory_space<hbm>>) dst(%dma_wait3A_48 : memref<625x64xf32, #tpu.memory_space<vmem_shared>>)
      tpu.yield
    }) : () -> ()
    "tpu.region"() ({
      %run_scoped3A = tpu.sem_alloc : memref<!tpu.dma_semaphore, #tpu.memory_space<semaphore_mem>>
      %dma_start3A = arith.constant 0 : i32
      %dma_start3A_45 = arith.constant 0 : i32
      %dma_start3A_46 = tpu.memref_slice %arg3[%add3A, %dma_start3A, %dma_start3A_45] : memref<32x79x128xi32, #tpu.memory_space<hbm>> -> memref<1x79x128xi32, #tpu.memory_space<hbm>>
      %dma_start3A_47 = tpu.memref_squeeze %dma_start3A_46 : memref<1x79x128xi32, #tpu.memory_space<hbm>> -> memref<79x128xi32, #tpu.memory_space<hbm>>
      %dma_start3A_48 = arith.constant 0 : i32
      %dma_start3A_49 = arith.constant 0 : i32
      %dma_start3A_50 = tpu.memref_slice %arg3[%add3A, %dma_start3A_48, %dma_start3A_49] : memref<32x79x128xi32, #tpu.memory_space<hbm>> -> memref<1x79x128xi32, #tpu.memory_space<hbm>>
      %dma_start3A_51 = tpu.memref_squeeze %dma_start3A_50 : memref<1x79x128xi32, #tpu.memory_space<hbm>> -> memref<79x128xi32, #tpu.memory_space<hbm>>
      tpu.enqueue_dma source(%dma_start3A_51 : memref<79x128xi32, #tpu.memory_space<hbm>>) target(%arg6 : memref<79x128xi32, #tpu.memory_space<vmem>>) target_semaphore(%run_scoped3A : memref<!tpu.dma_semaphore, #tpu.memory_space<semaphore_mem>>)
      %dma_wait3A = arith.constant 0 : i32
      %dma_wait3A_52 = arith.constant 0 : i32
      %dma_wait3A_53 = tpu.memref_slice %arg3[%add3A, %dma_wait3A, %dma_wait3A_52] : memref<32x79x128xi32, #tpu.memory_space<hbm>> -> memref<1x79x128xi32, #tpu.memory_space<hbm>>
      %dma_wait3A_54 = tpu.memref_squeeze %dma_wait3A_53 : memref<1x79x128xi32, #tpu.memory_space<hbm>> -> memref<79x128xi32, #tpu.memory_space<hbm>>
      %dma_wait3A_55 = arith.constant 0 : i32
      %dma_wait3A_56 = arith.constant 0 : i32
      %dma_wait3A_57 = tpu.memref_slice %arg3[%add3A, %dma_wait3A_55, %dma_wait3A_56] : memref<32x79x128xi32, #tpu.memory_space<hbm>> -> memref<1x79x128xi32, #tpu.memory_space<hbm>>
      %dma_wait3A_58 = tpu.memref_squeeze %dma_wait3A_57 : memref<1x79x128xi32, #tpu.memory_space<hbm>> -> memref<79x128xi32, #tpu.memory_space<hbm>>
      tpu.wait_dma2 semaphore(%run_scoped3A : memref<!tpu.dma_semaphore, #tpu.memory_space<semaphore_mem>>) src(%dma_wait3A_58 : memref<79x128xi32, #tpu.memory_space<hbm>>) dst(%arg6 : memref<79x128xi32, #tpu.memory_space<vmem>>)
      tpu.yield
    }) : () -> ()
    "tpu.region"() ({
      %run_scoped3A = tpu.sem_alloc : memref<!tpu.dma_semaphore, #tpu.memory_space<semaphore_mem>>
      %dma_start3A = arith.constant 0 : i32
      %dma_start3A_45 = arith.constant 0 : i32
      %dma_start3A_46 = tpu.memref_slice %arg4[%add3A, %dma_start3A, %dma_start3A_45] : memref<32x79x128xi32, #tpu.memory_space<hbm>> -> memref<1x79x128xi32, #tpu.memory_space<hbm>>
      %dma_start3A_47 = tpu.memref_squeeze %dma_start3A_46 : memref<1x79x128xi32, #tpu.memory_space<hbm>> -> memref<79x128xi32, #tpu.memory_space<hbm>>
      %dma_start3A_48 = arith.constant 0 : i32
      %dma_start3A_49 = arith.constant 0 : i32
      %dma_start3A_50 = tpu.memref_slice %arg4[%add3A, %dma_start3A_48, %dma_start3A_49] : memref<32x79x128xi32, #tpu.memory_space<hbm>> -> memref<1x79x128xi32, #tpu.memory_space<hbm>>
      %dma_start3A_51 = tpu.memref_squeeze %dma_start3A_50 : memref<1x79x128xi32, #tpu.memory_space<hbm>> -> memref<79x128xi32, #tpu.memory_space<hbm>>
      tpu.enqueue_dma source(%dma_start3A_51 : memref<79x128xi32, #tpu.memory_space<hbm>>) target(%arg7 : memref<79x128xi32, #tpu.memory_space<vmem>>) target_semaphore(%run_scoped3A : memref<!tpu.dma_semaphore, #tpu.memory_space<semaphore_mem>>)
      %dma_wait3A = arith.constant 0 : i32
      %dma_wait3A_52 = arith.constant 0 : i32
      %dma_wait3A_53 = tpu.memref_slice %arg4[%add3A, %dma_wait3A, %dma_wait3A_52] : memref<32x79x128xi32, #tpu.memory_space<hbm>> -> memref<1x79x128xi32, #tpu.memory_space<hbm>>
      %dma_wait3A_54 = tpu.memref_squeeze %dma_wait3A_53 : memref<1x79x128xi32, #tpu.memory_space<hbm>> -> memref<79x128xi32, #tpu.memory_space<hbm>>
      %dma_wait3A_55 = arith.constant 0 : i32
      %dma_wait3A_56 = arith.constant 0 : i32
      %dma_wait3A_57 = tpu.memref_slice %arg4[%add3A, %dma_wait3A_55, %dma_wait3A_56] : memref<32x79x128xi32, #tpu.memory_space<hbm>> -> memref<1x79x128xi32, #tpu.memory_space<hbm>>
      %dma_wait3A_58 = tpu.memref_squeeze %dma_wait3A_57 : memref<1x79x128xi32, #tpu.memory_space<hbm>> -> memref<79x128xi32, #tpu.memory_space<hbm>>
      tpu.wait_dma2 semaphore(%run_scoped3A : memref<!tpu.dma_semaphore, #tpu.memory_space<semaphore_mem>>) src(%dma_wait3A_58 : memref<79x128xi32, #tpu.memory_space<hbm>>) dst(%arg7 : memref<79x128xi32, #tpu.memory_space<vmem>>)
      tpu.yield
    }) : () -> ()
    %barrier3A = arith.constant 0 : index
    tpu.barrier barrier_id(%barrier3A)
    %scan3A_31 = arith.constant 0 : i32
    %scan3A_32 = arith.constant 0 : i32
    %scan3A_33 = arith.constant 79 : i32
    %scan3A_34 = arith.addi %scan3A_32, %scan3A_33 : i32
    %scan3A_35 = arith.constant 1 : i32
    scf.for %scan3A_45 = %scan3A_32 to %scan3A_34 step %scan3A_35  : i32 {
      %dma_start3A = arith.constant 0 : i32
      %dma_start3A_46 = tpu.memref_slice %arg6[%scan3A_45, %dma_start3A] : memref<79x128xi32, #tpu.memory_space<vmem>> -> memref<1x128xi32, #tpu.memory_space<vmem>>
      %dma_start3A_47 = tpu.memref_squeeze %dma_start3A_46 : memref<1x128xi32, #tpu.memory_space<vmem>> -> memref<128xi32, #tpu.memory_space<vmem>>
      %dma_start3A_48 = arith.constant 0 : i32
      %dma_start3A_49 = arith.constant 0 : i32
      %dma_start3A_50 = tpu.memref_slice %arg9[%dma_start3A_48, %dma_start3A_49] : memref<10000x64xf32, #tpu.memory_space<vmem_shared>> -> memref<10000x64xf32, #tpu.memory_space<vmem_shared>>
      tpu.enqueue_indirect_dma source(%dma_start3A_50 : memref<10000x64xf32, #tpu.memory_space<vmem_shared>>) target(%arg8 : memref<128x64xf32, #tpu.memory_space<vmem>>) offsets(%dma_start3A_47 : memref<128xi32, #tpu.memory_space<vmem>>) semaphore(%arg11 : memref<!tpu.dma_semaphore, #tpu.memory_space<semaphore_mem>>)
      %dma_wait3A = arith.constant 0 : i32
      %dma_wait3A_51 = tpu.memref_slice %arg6[%scan3A_45, %dma_wait3A] : memref<79x128xi32, #tpu.memory_space<vmem>> -> memref<1x128xi32, #tpu.memory_space<vmem>>
      %dma_wait3A_52 = tpu.memref_squeeze %dma_wait3A_51 : memref<1x128xi32, #tpu.memory_space<vmem>> -> memref<128xi32, #tpu.memory_space<vmem>>
      %dma_wait3A_53 = arith.constant 0 : i32
      %dma_wait3A_54 = arith.constant 0 : i32
      %dma_wait3A_55 = tpu.memref_slice %arg9[%dma_wait3A_53, %dma_wait3A_54] : memref<10000x64xf32, #tpu.memory_space<vmem_shared>> -> memref<10000x64xf32, #tpu.memory_space<vmem_shared>>
      tpu.wait_indirect_dma semaphore(%arg11 : memref<!tpu.dma_semaphore, #tpu.memory_space<semaphore_mem>>) src(%dma_wait3A_55 : memref<10000x64xf32, #tpu.memory_space<vmem_shared>>) dst(%arg8 : memref<128x64xf32, #tpu.memory_space<vmem>>)
      %dma_start3A_56 = arith.constant 0 : i32
      %dma_start3A_57 = tpu.memref_slice %arg7[%scan3A_45, %dma_start3A_56] : memref<79x128xi32, #tpu.memory_space<vmem>> -> memref<1x128xi32, #tpu.memory_space<vmem>>
      %dma_start3A_58 = tpu.memref_squeeze %dma_start3A_57 : memref<1x128xi32, #tpu.memory_space<vmem>> -> memref<128xi32, #tpu.memory_space<vmem>>
      %dma_start3A_59 = arith.constant 0 : i32
      %dma_start3A_60 = arith.constant 0 : i32
      %dma_start3A_61 = tpu.memref_slice %arg10[%dma_start3A_59, %dma_start3A_60] : memref<10240x64xf32, #tpu.memory_space<vmem_shared>> -> memref<10240x64xf32, #tpu.memory_space<vmem_shared>>
      tpu.enqueue_indirect_dma source(%arg8 : memref<128x64xf32, #tpu.memory_space<vmem>>) target(%dma_start3A_61 : memref<10240x64xf32, #tpu.memory_space<vmem_shared>>) offsets(%dma_start3A_58 : memref<128xi32, #tpu.memory_space<vmem>>) semaphore(%arg12 : memref<!tpu.dma_semaphore, #tpu.memory_space<semaphore_mem>>) {add = true}
      %dma_wait3A_62 = arith.constant 0 : i32
      %dma_wait3A_63 = tpu.memref_slice %arg7[%scan3A_45, %dma_wait3A_62] : memref<79x128xi32, #tpu.memory_space<vmem>> -> memref<1x128xi32, #tpu.memory_space<vmem>>
      %dma_wait3A_64 = tpu.memref_squeeze %dma_wait3A_63 : memref<1x128xi32, #tpu.memory_space<vmem>> -> memref<128xi32, #tpu.memory_space<vmem>>
      %dma_wait3A_65 = arith.constant 0 : i32
      %dma_wait3A_66 = arith.constant 0 : i32
      %dma_wait3A_67 = tpu.memref_slice %arg10[%dma_wait3A_65, %dma_wait3A_66] : memref<10240x64xf32, #tpu.memory_space<vmem_shared>> -> memref<10240x64xf32, #tpu.memory_space<vmem_shared>>
      tpu.wait_indirect_dma semaphore(%arg12 : memref<!tpu.dma_semaphore, #tpu.memory_space<semaphore_mem>>) src(%arg8 : memref<128x64xf32, #tpu.memory_space<vmem>>) dst(%dma_wait3A_67 : memref<10240x64xf32, #tpu.memory_space<vmem_shared>>)
    }
    %scan3A_36 = arith.constant 79 : i32
    %barrier3A_37 = arith.constant 0 : index
    tpu.barrier barrier_id(%barrier3A_37)
    %mul3A_38 = arith.constant 640 : i32
    %mul3A_39 = arith.muli %arg1, %mul3A_38 : i32
    %mul3A_40 = arith.constant 10240 : i32
    %mul3A_41 = arith.muli %arg0, %mul3A_40 : i32
    %mul3A_42 = arith.constant 640 : i32
    %mul3A_43 = arith.muli %arg1, %mul3A_42 : i32
    %add3A_44 = arith.addi %mul3A_41, %mul3A_43 : i32
    "tpu.region"() ({
      %run_scoped3A = tpu.sem_alloc : memref<!tpu.dma_semaphore, #tpu.memory_space<semaphore_mem>>
      %dma_start3A = arith.constant 0 : i32
      %dma_start3A_45 = tpu.memref_slice %arg5[%add3A_44, %dma_start3A] : memref<20480x64xf32, #tpu.memory_space<hbm>> -> memref<640x64xf32, #tpu.memory_space<hbm>>
      %dma_start3A_46 = arith.constant 0 : i32
      %dma_start3A_47 = tpu.memref_slice %arg10[%mul3A_39, %dma_start3A_46] : memref<10240x64xf32, #tpu.memory_space<vmem_shared>> -> memref<640x64xf32, #tpu.memory_space<vmem_shared>>
      tpu.enqueue_dma source(%dma_start3A_47 : memref<640x64xf32, #tpu.memory_space<vmem_shared>>) target(%dma_start3A_45 : memref<640x64xf32, #tpu.memory_space<hbm>>) target_semaphore(%run_scoped3A : memref<!tpu.dma_semaphore, #tpu.memory_space<semaphore_mem>>)
      %dma_wait3A = arith.constant 0 : i32
      %dma_wait3A_48 = tpu.memref_slice %arg5[%add3A_44, %dma_wait3A] : memref<20480x64xf32, #tpu.memory_space<hbm>> -> memref<640x64xf32, #tpu.memory_space<hbm>>
      %dma_wait3A_49 = arith.constant 0 : i32
      %dma_wait3A_50 = tpu.memref_slice %arg10[%mul3A_39, %dma_wait3A_49] : memref<10240x64xf32, #tpu.memory_space<vmem_shared>> -> memref<640x64xf32, #tpu.memory_space<vmem_shared>>
      tpu.wait_dma2 semaphore(%run_scoped3A : memref<!tpu.dma_semaphore, #tpu.memory_space<semaphore_mem>>) src(%dma_wait3A_50 : memref<640x64xf32, #tpu.memory_space<vmem_shared>>) dst(%dma_wait3A_48 : memref<640x64xf32, #tpu.memory_space<hbm>>)
      tpu.yield
    }) : () -> ()
    return
  }
}

#map = affine_map<(d0, d1) -> (0, 0)>
#map1 = affine_map<(d0, d1) -> (0, 0, 0)>
module attributes {stable_mosaic.version = 14 : i64} {
  func.func @_sc_segment_sum(%arg0: i32, %arg1: i32, %arg2: memref<10000x64xf32, #tpu.memory_space<hbm>>, %arg3: memref<32x79x128xi32, #tpu.memory_space<hbm>>, %arg4: memref<32x79x128xi32, #tpu.memory_space<hbm>>, %arg5: memref<20480x64xf32, #tpu.memory_space<hbm>>, %arg6: memref<79x128xi32, #tpu.memory_space<vmem>>, %arg7: memref<79x128xi32, #tpu.memory_space<vmem>>, %arg8: memref<128x64xf32, #tpu.memory_space<vmem>>, %arg9: memref<10000x64xf32, #tpu.memory_space<vmem_shared>>, %arg10: memref<10240x64xf32, #tpu.memory_space<vmem_shared>>, %arg11: memref<!tpu.dma_semaphore, #tpu.memory_space<semaphore_mem>>, %arg12: memref<!tpu.dma_semaphore, #tpu.memory_space<semaphore_mem>>) attributes {dimension_semantics = [#tpu.dimension_semantics<core_parallel>, #tpu.dimension_semantics<subcore_parallel>], iteration_bounds = array<i64: 2, 16>, scalar_prefetch = 0 : i64, scratch_operands = 7 : i64, tpu.core_type = #tpu.core_type<sc_vector_subcore>, window_params = [{transform_indices = #map}, {transform_indices = #map1}, {transform_indices = #map1}, {transform_indices = #map}]} {
    %mul3A = arith.constant 2 : i32
    %mul3A_0 = arith.muli %arg1, %mul3A : i32
    %add3A = arith.addi %mul3A_0, %arg0 : i32
    %broadcast_in_dim3A = arith.constant 0.000000e+00 : f32
    %broadcast_in_dim3A_1 = vector.broadcast %broadcast_in_dim3A : f32 to vector<16xf32>
    %scan3A = arith.constant 0 : i32
    %scan3A_2 = arith.constant 0 : i32
    %scan3A_3 = arith.constant 128 : i32
    %scan3A_4 = arith.addi %scan3A_2, %scan3A_3 : i32
    %scan3A_5 = arith.constant 1 : i32
    scf.for %scan3A_45 = %scan3A_2 to %scan3A_4 step %scan3A_5  : i32 {
      %swap3A = arith.index_cast %scan3A_45 : i32 to index
      %swap3A_46 = arith.constant 0 : index
      %swap3A_47 = tpu.vector_load %arg8[%swap3A, %swap3A_46] {strides = array<i32>} : memref<128x64xf32, #tpu.memory_space<vmem>>, vector<1x16xf32>,
      %swap3A_48 = vector.shape_cast %swap3A_47 : vector<1x16xf32> to vector<16xf32>
      %swap3A_49 = vector.shape_cast %broadcast_in_dim3A_1 : vector<16xf32> to vector<1x16xf32>
      tpu.vector_store %arg8[%swap3A, %swap3A_46], %swap3A_49 {strides = array<i32>} : memref<128x64xf32, #tpu.memory_space<vmem>>, vector<1x16xf32>,
      %swap3A_50 = arith.index_cast %scan3A_45 : i32 to index
      %swap3A_51 = arith.constant 16 : index
      %swap3A_52 = tpu.vector_load %arg8[%swap3A_50, %swap3A_51] {strides = array<i32>} : memref<128x64xf32, #tpu.memory_space<vmem>>, vector<1x16xf32>,
      %swap3A_53 = vector.shape_cast %swap3A_52 : vector<1x16xf32> to vector<16xf32>
      %swap3A_54 = vector.shape_cast %broadcast_in_dim3A_1 : vector<16xf32> to vector<1x16xf32>
      tpu.vector_store %arg8[%swap3A_50, %swap3A_51], %swap3A_54 {strides = array<i32>} : memref<128x64xf32, #tpu.memory_space<vmem>>, vector<1x16xf32>,
      %swap3A_55 = arith.index_cast %scan3A_45 : i32 to index
      %swap3A_56 = arith.constant 32 : index
      %swap3A_57 = tpu.vector_load %arg8[%swap3A_55, %swap3A_56] {strides = array<i32>} : memref<128x64xf32, #tpu.memory_space<vmem>>, vector<1x16xf32>,
      %swap3A_58 = vector.shape_cast %swap3A_57 : vector<1x16xf32> to vector<16xf32>
      %swap3A_59 = vector.shape_cast %broadcast_in_dim3A_1 : vector<16xf32> to vector<1x16xf32>
      tpu.vector_store %arg8[%swap3A_55, %swap3A_56], %swap3A_59 {strides = array<i32>} : memref<128x64xf32, #tpu.memory_space<vmem>>, vector<1x16xf32>,
      %swap3A_60 = arith.index_cast %scan3A_45 : i32 to index
      %swap3A_61 = arith.constant 48 : index
      %swap3A_62 = tpu.vector_load %arg8[%swap3A_60, %swap3A_61] {strides = array<i32>} : memref<128x64xf32, #tpu.memory_space<vmem>>, vector<1x16xf32>,
      %swap3A_63 = vector.shape_cast %swap3A_62 : vector<1x16xf32> to vector<16xf32>
      %swap3A_64 = vector.shape_cast %broadcast_in_dim3A_1 : vector<16xf32> to vector<1x16xf32>
      tpu.vector_store %arg8[%swap3A_60, %swap3A_61], %swap3A_64 {strides = array<i32>} : memref<128x64xf32, #tpu.memory_space<vmem>>, vector<1x16xf32>,
    }
    %scan3A_6 = arith.constant 128 : i32
    %mul3A_7 = arith.constant 640 : i32
    %mul3A_8 = arith.muli %arg1, %mul3A_7 : i32
    %add3A_9 = arith.constant 0 : i32
    %add3A_10 = arith.addi %mul3A_8, %add3A_9 : i32
    "tpu.region"() ({
      %run_scoped3A = tpu.sem_alloc : memref<!tpu.dma_semaphore, #tpu.memory_space<semaphore_mem>>
      %dma_start3A = arith.constant 0 : i32
      %dma_start3A_45 = tpu.memref_slice %arg10[%add3A_10, %dma_start3A] : memref<10240x64xf32, #tpu.memory_space<vmem_shared>> -> memref<128x64xf32, #tpu.memory_space<vmem_shared>>
      %dma_start3A_46 = arith.constant 0 : i32
      %dma_start3A_47 = tpu.memref_slice %arg10[%add3A_10, %dma_start3A_46] : memref<10240x64xf32, #tpu.memory_space<vmem_shared>> -> memref<128x64xf32, #tpu.memory_space<vmem_shared>>
      tpu.enqueue_dma source(%arg8 : memref<128x64xf32, #tpu.memory_space<vmem>>) target(%dma_start3A_47 : memref<128x64xf32, #tpu.memory_space<vmem_shared>>) target_semaphore(%run_scoped3A : memref<!tpu.dma_semaphore, #tpu.memory_space<semaphore_mem>>)
      %dma_wait3A = arith.constant 0 : i32
      %dma_wait3A_48 = tpu.memref_slice %arg10[%add3A_10, %dma_wait3A] : memref<10240x64xf32, #tpu.memory_space<vmem_shared>> -> memref<128x64xf32, #tpu.memory_space<vmem_shared>>
      %dma_wait3A_49 = arith.constant 0 : i32
      %dma_wait3A_50 = tpu.memref_slice %arg10[%add3A_10, %dma_wait3A_49] : memref<10240x64xf32, #tpu.memory_space<vmem_shared>> -> memref<128x64xf32, #tpu.memory_space<vmem_shared>>
      tpu.wait_dma2 semaphore(%run_scoped3A : memref<!tpu.dma_semaphore, #tpu.memory_space<semaphore_mem>>) src(%arg8 : memref<128x64xf32, #tpu.memory_space<vmem>>) dst(%dma_wait3A_50 : memref<128x64xf32, #tpu.memory_space<vmem_shared>>)
      tpu.yield
    }) : () -> ()
    %mul3A_11 = arith.constant 640 : i32
    %mul3A_12 = arith.muli %arg1, %mul3A_11 : i32
    %add3A_13 = arith.constant 128 : i32
    %add3A_14 = arith.addi %mul3A_12, %add3A_13 : i32
    "tpu.region"() ({
      %run_scoped3A = tpu.sem_alloc : memref<!tpu.dma_semaphore, #tpu.memory_space<semaphore_mem>>
      %dma_start3A = arith.constant 0 : i32
      %dma_start3A_45 = tpu.memref_slice %arg10[%add3A_14, %dma_start3A] : memref<10240x64xf32, #tpu.memory_space<vmem_shared>> -> memref<128x64xf32, #tpu.memory_space<vmem_shared>>
      %dma_start3A_46 = arith.constant 0 : i32
      %dma_start3A_47 = tpu.memref_slice %arg10[%add3A_14, %dma_start3A_46] : memref<10240x64xf32, #tpu.memory_space<vmem_shared>> -> memref<128x64xf32, #tpu.memory_space<vmem_shared>>
      tpu.enqueue_dma source(%arg8 : memref<128x64xf32, #tpu.memory_space<vmem>>) target(%dma_start3A_47 : memref<128x64xf32, #tpu.memory_space<vmem_shared>>) target_semaphore(%run_scoped3A : memref<!tpu.dma_semaphore, #tpu.memory_space<semaphore_mem>>)
      %dma_wait3A = arith.constant 0 : i32
      %dma_wait3A_48 = tpu.memref_slice %arg10[%add3A_14, %dma_wait3A] : memref<10240x64xf32, #tpu.memory_space<vmem_shared>> -> memref<128x64xf32, #tpu.memory_space<vmem_shared>>
      %dma_wait3A_49 = arith.constant 0 : i32
      %dma_wait3A_50 = tpu.memref_slice %arg10[%add3A_14, %dma_wait3A_49] : memref<10240x64xf32, #tpu.memory_space<vmem_shared>> -> memref<128x64xf32, #tpu.memory_space<vmem_shared>>
      tpu.wait_dma2 semaphore(%run_scoped3A : memref<!tpu.dma_semaphore, #tpu.memory_space<semaphore_mem>>) src(%arg8 : memref<128x64xf32, #tpu.memory_space<vmem>>) dst(%dma_wait3A_50 : memref<128x64xf32, #tpu.memory_space<vmem_shared>>)
      tpu.yield
    }) : () -> ()
    %mul3A_15 = arith.constant 640 : i32
    %mul3A_16 = arith.muli %arg1, %mul3A_15 : i32
    %add3A_17 = arith.constant 256 : i32
    %add3A_18 = arith.addi %mul3A_16, %add3A_17 : i32
    "tpu.region"() ({
      %run_scoped3A = tpu.sem_alloc : memref<!tpu.dma_semaphore, #tpu.memory_space<semaphore_mem>>
      %dma_start3A = arith.constant 0 : i32
      %dma_start3A_45 = tpu.memref_slice %arg10[%add3A_18, %dma_start3A] : memref<10240x64xf32, #tpu.memory_space<vmem_shared>> -> memref<128x64xf32, #tpu.memory_space<vmem_shared>>
      %dma_start3A_46 = arith.constant 0 : i32
      %dma_start3A_47 = tpu.memref_slice %arg10[%add3A_18, %dma_start3A_46] : memref<10240x64xf32, #tpu.memory_space<vmem_shared>> -> memref<128x64xf32, #tpu.memory_space<vmem_shared>>
      tpu.enqueue_dma source(%arg8 : memref<128x64xf32, #tpu.memory_space<vmem>>) target(%dma_start3A_47 : memref<128x64xf32, #tpu.memory_space<vmem_shared>>) target_semaphore(%run_scoped3A : memref<!tpu.dma_semaphore, #tpu.memory_space<semaphore_mem>>)
      %dma_wait3A = arith.constant 0 : i32
      %dma_wait3A_48 = tpu.memref_slice %arg10[%add3A_18, %dma_wait3A] : memref<10240x64xf32, #tpu.memory_space<vmem_shared>> -> memref<128x64xf32, #tpu.memory_space<vmem_shared>>
      %dma_wait3A_49 = arith.constant 0 : i32
      %dma_wait3A_50 = tpu.memref_slice %arg10[%add3A_18, %dma_wait3A_49] : memref<10240x64xf32, #tpu.memory_space<vmem_shared>> -> memref<128x64xf32, #tpu.memory_space<vmem_shared>>
      tpu.wait_dma2 semaphore(%run_scoped3A : memref<!tpu.dma_semaphore, #tpu.memory_space<semaphore_mem>>) src(%arg8 : memref<128x64xf32, #tpu.memory_space<vmem>>) dst(%dma_wait3A_50 : memref<128x64xf32, #tpu.memory_space<vmem_shared>>)
      tpu.yield
    }) : () -> ()
    %mul3A_19 = arith.constant 640 : i32
    %mul3A_20 = arith.muli %arg1, %mul3A_19 : i32
    %add3A_21 = arith.constant 384 : i32
    %add3A_22 = arith.addi %mul3A_20, %add3A_21 : i32
    "tpu.region"() ({
      %run_scoped3A = tpu.sem_alloc : memref<!tpu.dma_semaphore, #tpu.memory_space<semaphore_mem>>
      %dma_start3A = arith.constant 0 : i32
      %dma_start3A_45 = tpu.memref_slice %arg10[%add3A_22, %dma_start3A] : memref<10240x64xf32, #tpu.memory_space<vmem_shared>> -> memref<128x64xf32, #tpu.memory_space<vmem_shared>>
      %dma_start3A_46 = arith.constant 0 : i32
      %dma_start3A_47 = tpu.memref_slice %arg10[%add3A_22, %dma_start3A_46] : memref<10240x64xf32, #tpu.memory_space<vmem_shared>> -> memref<128x64xf32, #tpu.memory_space<vmem_shared>>
      tpu.enqueue_dma source(%arg8 : memref<128x64xf32, #tpu.memory_space<vmem>>) target(%dma_start3A_47 : memref<128x64xf32, #tpu.memory_space<vmem_shared>>) target_semaphore(%run_scoped3A : memref<!tpu.dma_semaphore, #tpu.memory_space<semaphore_mem>>)
      %dma_wait3A = arith.constant 0 : i32
      %dma_wait3A_48 = tpu.memref_slice %arg10[%add3A_22, %dma_wait3A] : memref<10240x64xf32, #tpu.memory_space<vmem_shared>> -> memref<128x64xf32, #tpu.memory_space<vmem_shared>>
      %dma_wait3A_49 = arith.constant 0 : i32
      %dma_wait3A_50 = tpu.memref_slice %arg10[%add3A_22, %dma_wait3A_49] : memref<10240x64xf32, #tpu.memory_space<vmem_shared>> -> memref<128x64xf32, #tpu.memory_space<vmem_shared>>
      tpu.wait_dma2 semaphore(%run_scoped3A : memref<!tpu.dma_semaphore, #tpu.memory_space<semaphore_mem>>) src(%arg8 : memref<128x64xf32, #tpu.memory_space<vmem>>) dst(%dma_wait3A_50 : memref<128x64xf32, #tpu.memory_space<vmem_shared>>)
      tpu.yield
    }) : () -> ()
    %mul3A_23 = arith.constant 640 : i32
    %mul3A_24 = arith.muli %arg1, %mul3A_23 : i32
    %add3A_25 = arith.constant 512 : i32
    %add3A_26 = arith.addi %mul3A_24, %add3A_25 : i32
    "tpu.region"() ({
      %run_scoped3A = tpu.sem_alloc : memref<!tpu.dma_semaphore, #tpu.memory_space<semaphore_mem>>
      %dma_start3A = arith.constant 0 : i32
      %dma_start3A_45 = tpu.memref_slice %arg10[%add3A_26, %dma_start3A] : memref<10240x64xf32, #tpu.memory_space<vmem_shared>> -> memref<128x64xf32, #tpu.memory_space<vmem_shared>>
      %dma_start3A_46 = arith.constant 0 : i32
      %dma_start3A_47 = tpu.memref_slice %arg10[%add3A_26, %dma_start3A_46] : memref<10240x64xf32, #tpu.memory_space<vmem_shared>> -> memref<128x64xf32, #tpu.memory_space<vmem_shared>>
      tpu.enqueue_dma source(%arg8 : memref<128x64xf32, #tpu.memory_space<vmem>>) target(%dma_start3A_47 : memref<128x64xf32, #tpu.memory_space<vmem_shared>>) target_semaphore(%run_scoped3A : memref<!tpu.dma_semaphore, #tpu.memory_space<semaphore_mem>>)
      %dma_wait3A = arith.constant 0 : i32
      %dma_wait3A_48 = tpu.memref_slice %arg10[%add3A_26, %dma_wait3A] : memref<10240x64xf32, #tpu.memory_space<vmem_shared>> -> memref<128x64xf32, #tpu.memory_space<vmem_shared>>
      %dma_wait3A_49 = arith.constant 0 : i32
      %dma_wait3A_50 = tpu.memref_slice %arg10[%add3A_26, %dma_wait3A_49] : memref<10240x64xf32, #tpu.memory_space<vmem_shared>> -> memref<128x64xf32, #tpu.memory_space<vmem_shared>>
      tpu.wait_dma2 semaphore(%run_scoped3A : memref<!tpu.dma_semaphore, #tpu.memory_space<semaphore_mem>>) src(%arg8 : memref<128x64xf32, #tpu.memory_space<vmem>>) dst(%dma_wait3A_50 : memref<128x64xf32, #tpu.memory_space<vmem_shared>>)
      tpu.yield
    }) : () -> ()
    %mul3A_27 = arith.constant 625 : i32
    %mul3A_28 = arith.muli %arg1, %mul3A_27 : i32
    %mul3A_29 = arith.constant 625 : i32
    %mul3A_30 = arith.muli %arg1, %mul3A_29 : i32
    "tpu.region"() ({
      %run_scoped3A = tpu.sem_alloc : memref<!tpu.dma_semaphore, #tpu.memory_space<semaphore_mem>>
      %dma_start3A = arith.constant 0 : i32
      %dma_start3A_45 = tpu.memref_slice %arg9[%mul3A_30, %dma_start3A] : memref<10000x64xf32, #tpu.memory_space<vmem_shared>> -> memref<625x64xf32, #tpu.memory_space<vmem_shared>>
      %dma_start3A_46 = arith.constant 0 : i32
      %dma_start3A_47 = tpu.memref_slice %arg2[%mul3A_28, %dma_start3A_46] : memref<10000x64xf32, #tpu.memory_space<hbm>> -> memref<625x64xf32, #tpu.memory_space<hbm>>
      tpu.enqueue_dma source(%dma_start3A_47 : memref<625x64xf32, #tpu.memory_space<hbm>>) target(%dma_start3A_45 : memref<625x64xf32, #tpu.memory_space<vmem_shared>>) target_semaphore(%run_scoped3A : memref<!tpu.dma_semaphore, #tpu.memory_space<semaphore_mem>>)
      %dma_wait3A = arith.constant 0 : i32
      %dma_wait3A_48 = tpu.memref_slice %arg9[%mul3A_30, %dma_wait3A] : memref<10000x64xf32, #tpu.memory_space<vmem_shared>> -> memref<625x64xf32, #tpu.memory_space<vmem_shared>>
      %dma_wait3A_49 = arith.constant 0 : i32
      %dma_wait3A_50 = tpu.memref_slice %arg2[%mul3A_28, %dma_wait3A_49] : memref<10000x64xf32, #tpu.memory_space<hbm>> -> memref<625x64xf32, #tpu.memory_space<hbm>>
      tpu.wait_dma2 semaphore(%run_scoped3A : memref<!tpu.dma_semaphore, #tpu.memory_space<semaphore_mem>>) src(%dma_wait3A_50 : memref<625x64xf32, #tpu.memory_space<hbm>>) dst(%dma_wait3A_48 : memref<625x64xf32, #tpu.memory_space<vmem_shared>>)
      tpu.yield
    }) : () -> ()
    "tpu.region"() ({
      %run_scoped3A = tpu.sem_alloc : memref<!tpu.dma_semaphore, #tpu.memory_space<semaphore_mem>>
      %dma_start3A = arith.constant 0 : i32
      %dma_start3A_45 = arith.constant 0 : i32
      %dma_start3A_46 = tpu.memref_slice %arg3[%add3A, %dma_start3A, %dma_start3A_45] : memref<32x79x128xi32, #tpu.memory_space<hbm>> -> memref<1x79x128xi32, #tpu.memory_space<hbm>>
      %dma_start3A_47 = tpu.memref_squeeze %dma_start3A_46 : memref<1x79x128xi32, #tpu.memory_space<hbm>> -> memref<79x128xi32, #tpu.memory_space<hbm>>
      %dma_start3A_48 = arith.constant 0 : i32
      %dma_start3A_49 = arith.constant 0 : i32
      %dma_start3A_50 = tpu.memref_slice %arg3[%add3A, %dma_start3A_48, %dma_start3A_49] : memref<32x79x128xi32, #tpu.memory_space<hbm>> -> memref<1x79x128xi32, #tpu.memory_space<hbm>>
      %dma_start3A_51 = tpu.memref_squeeze %dma_start3A_50 : memref<1x79x128xi32, #tpu.memory_space<hbm>> -> memref<79x128xi32, #tpu.memory_space<hbm>>
      tpu.enqueue_dma source(%dma_start3A_51 : memref<79x128xi32, #tpu.memory_space<hbm>>) target(%arg6 : memref<79x128xi32, #tpu.memory_space<vmem>>) target_semaphore(%run_scoped3A : memref<!tpu.dma_semaphore, #tpu.memory_space<semaphore_mem>>)
      %dma_wait3A = arith.constant 0 : i32
      %dma_wait3A_52 = arith.constant 0 : i32
      %dma_wait3A_53 = tpu.memref_slice %arg3[%add3A, %dma_wait3A, %dma_wait3A_52] : memref<32x79x128xi32, #tpu.memory_space<hbm>> -> memref<1x79x128xi32, #tpu.memory_space<hbm>>
      %dma_wait3A_54 = tpu.memref_squeeze %dma_wait3A_53 : memref<1x79x128xi32, #tpu.memory_space<hbm>> -> memref<79x128xi32, #tpu.memory_space<hbm>>
      %dma_wait3A_55 = arith.constant 0 : i32
      %dma_wait3A_56 = arith.constant 0 : i32
      %dma_wait3A_57 = tpu.memref_slice %arg3[%add3A, %dma_wait3A_55, %dma_wait3A_56] : memref<32x79x128xi32, #tpu.memory_space<hbm>> -> memref<1x79x128xi32, #tpu.memory_space<hbm>>
      %dma_wait3A_58 = tpu.memref_squeeze %dma_wait3A_57 : memref<1x79x128xi32, #tpu.memory_space<hbm>> -> memref<79x128xi32, #tpu.memory_space<hbm>>
      tpu.wait_dma2 semaphore(%run_scoped3A : memref<!tpu.dma_semaphore, #tpu.memory_space<semaphore_mem>>) src(%dma_wait3A_58 : memref<79x128xi32, #tpu.memory_space<hbm>>) dst(%arg6 : memref<79x128xi32, #tpu.memory_space<vmem>>)
      tpu.yield
    }) : () -> ()
    "tpu.region"() ({
      %run_scoped3A = tpu.sem_alloc : memref<!tpu.dma_semaphore, #tpu.memory_space<semaphore_mem>>
      %dma_start3A = arith.constant 0 : i32
      %dma_start3A_45 = arith.constant 0 : i32
      %dma_start3A_46 = tpu.memref_slice %arg4[%add3A, %dma_start3A, %dma_start3A_45] : memref<32x79x128xi32, #tpu.memory_space<hbm>> -> memref<1x79x128xi32, #tpu.memory_space<hbm>>
      %dma_start3A_47 = tpu.memref_squeeze %dma_start3A_46 : memref<1x79x128xi32, #tpu.memory_space<hbm>> -> memref<79x128xi32, #tpu.memory_space<hbm>>
      %dma_start3A_48 = arith.constant 0 : i32
      %dma_start3A_49 = arith.constant 0 : i32
      %dma_start3A_50 = tpu.memref_slice %arg4[%add3A, %dma_start3A_48, %dma_start3A_49] : memref<32x79x128xi32, #tpu.memory_space<hbm>> -> memref<1x79x128xi32, #tpu.memory_space<hbm>>
      %dma_start3A_51 = tpu.memref_squeeze %dma_start3A_50 : memref<1x79x128xi32, #tpu.memory_space<hbm>> -> memref<79x128xi32, #tpu.memory_space<hbm>>
      tpu.enqueue_dma source(%dma_start3A_51 : memref<79x128xi32, #tpu.memory_space<hbm>>) target(%arg7 : memref<79x128xi32, #tpu.memory_space<vmem>>) target_semaphore(%run_scoped3A : memref<!tpu.dma_semaphore, #tpu.memory_space<semaphore_mem>>)
      %dma_wait3A = arith.constant 0 : i32
      %dma_wait3A_52 = arith.constant 0 : i32
      %dma_wait3A_53 = tpu.memref_slice %arg4[%add3A, %dma_wait3A, %dma_wait3A_52] : memref<32x79x128xi32, #tpu.memory_space<hbm>> -> memref<1x79x128xi32, #tpu.memory_space<hbm>>
      %dma_wait3A_54 = tpu.memref_squeeze %dma_wait3A_53 : memref<1x79x128xi32, #tpu.memory_space<hbm>> -> memref<79x128xi32, #tpu.memory_space<hbm>>
      %dma_wait3A_55 = arith.constant 0 : i32
      %dma_wait3A_56 = arith.constant 0 : i32
      %dma_wait3A_57 = tpu.memref_slice %arg4[%add3A, %dma_wait3A_55, %dma_wait3A_56] : memref<32x79x128xi32, #tpu.memory_space<hbm>> -> memref<1x79x128xi32, #tpu.memory_space<hbm>>
      %dma_wait3A_58 = tpu.memref_squeeze %dma_wait3A_57 : memref<1x79x128xi32, #tpu.memory_space<hbm>> -> memref<79x128xi32, #tpu.memory_space<hbm>>
      tpu.wait_dma2 semaphore(%run_scoped3A : memref<!tpu.dma_semaphore, #tpu.memory_space<semaphore_mem>>) src(%dma_wait3A_58 : memref<79x128xi32, #tpu.memory_space<hbm>>) dst(%arg7 : memref<79x128xi32, #tpu.memory_space<vmem>>)
      tpu.yield
    }) : () -> ()
    %barrier3A = arith.constant 0 : index
    tpu.barrier barrier_id(%barrier3A)
    %scan3A_31 = arith.constant 0 : i32
    %scan3A_32 = arith.constant 0 : i32
    %scan3A_33 = arith.constant 79 : i32
    %scan3A_34 = arith.addi %scan3A_32, %scan3A_33 : i32
    %scan3A_35 = arith.constant 1 : i32
    scf.for %scan3A_45 = %scan3A_32 to %scan3A_34 step %scan3A_35  : i32 {
      %dma_start3A = arith.constant 0 : i32
      %dma_start3A_46 = tpu.memref_slice %arg6[%scan3A_45, %dma_start3A] : memref<79x128xi32, #tpu.memory_space<vmem>> -> memref<1x128xi32, #tpu.memory_space<vmem>>
      %dma_start3A_47 = tpu.memref_squeeze %dma_start3A_46 : memref<1x128xi32, #tpu.memory_space<vmem>> -> memref<128xi32, #tpu.memory_space<vmem>>
      %dma_start3A_48 = arith.constant 0 : i32
      %dma_start3A_49 = arith.constant 0 : i32
      %dma_start3A_50 = tpu.memref_slice %arg9[%dma_start3A_48, %dma_start3A_49] : memref<10000x64xf32, #tpu.memory_space<vmem_shared>> -> memref<10000x64xf32, #tpu.memory_space<vmem_shared>>
      tpu.enqueue_indirect_dma source(%dma_start3A_50 : memref<10000x64xf32, #tpu.memory_space<vmem_shared>>) target(%arg8 : memref<128x64xf32, #tpu.memory_space<vmem>>) offsets(%dma_start3A_47 : memref<128xi32, #tpu.memory_space<vmem>>) semaphore(%arg11 : memref<!tpu.dma_semaphore, #tpu.memory_space<semaphore_mem>>)
      %dma_wait3A = arith.constant 0 : i32
      %dma_wait3A_51 = tpu.memref_slice %arg6[%scan3A_45, %dma_wait3A] : memref<79x128xi32, #tpu.memory_space<vmem>> -> memref<1x128xi32, #tpu.memory_space<vmem>>
      %dma_wait3A_52 = tpu.memref_squeeze %dma_wait3A_51 : memref<1x128xi32, #tpu.memory_space<vmem>> -> memref<128xi32, #tpu.memory_space<vmem>>
      %dma_wait3A_53 = arith.constant 0 : i32
      %dma_wait3A_54 = arith.constant 0 : i32
      %dma_wait3A_55 = tpu.memref_slice %arg9[%dma_wait3A_53, %dma_wait3A_54] : memref<10000x64xf32, #tpu.memory_space<vmem_shared>> -> memref<10000x64xf32, #tpu.memory_space<vmem_shared>>
      tpu.wait_indirect_dma semaphore(%arg11 : memref<!tpu.dma_semaphore, #tpu.memory_space<semaphore_mem>>) src(%dma_wait3A_55 : memref<10000x64xf32, #tpu.memory_space<vmem_shared>>) dst(%arg8 : memref<128x64xf32, #tpu.memory_space<vmem>>)
      %dma_start3A_56 = arith.constant 0 : i32
      %dma_start3A_57 = tpu.memref_slice %arg7[%scan3A_45, %dma_start3A_56] : memref<79x128xi32, #tpu.memory_space<vmem>> -> memref<1x128xi32, #tpu.memory_space<vmem>>
      %dma_start3A_58 = tpu.memref_squeeze %dma_start3A_57 : memref<1x128xi32, #tpu.memory_space<vmem>> -> memref<128xi32, #tpu.memory_space<vmem>>
      %dma_start3A_59 = arith.constant 0 : i32
      %dma_start3A_60 = arith.constant 0 : i32
      %dma_start3A_61 = tpu.memref_slice %arg10[%dma_start3A_59, %dma_start3A_60] : memref<10240x64xf32, #tpu.memory_space<vmem_shared>> -> memref<10240x64xf32, #tpu.memory_space<vmem_shared>>
      tpu.enqueue_indirect_dma source(%arg8 : memref<128x64xf32, #tpu.memory_space<vmem>>) target(%dma_start3A_61 : memref<10240x64xf32, #tpu.memory_space<vmem_shared>>) offsets(%dma_start3A_58 : memref<128xi32, #tpu.memory_space<vmem>>) semaphore(%arg12 : memref<!tpu.dma_semaphore, #tpu.memory_space<semaphore_mem>>) {add = true}
      %dma_wait3A_62 = arith.constant 0 : i32
      %dma_wait3A_63 = tpu.memref_slice %arg7[%scan3A_45, %dma_wait3A_62] : memref<79x128xi32, #tpu.memory_space<vmem>> -> memref<1x128xi32, #tpu.memory_space<vmem>>
      %dma_wait3A_64 = tpu.memref_squeeze %dma_wait3A_63 : memref<1x128xi32, #tpu.memory_space<vmem>> -> memref<128xi32, #tpu.memory_space<vmem>>
      %dma_wait3A_65 = arith.constant 0 : i32
      %dma_wait3A_66 = arith.constant 0 : i32
      %dma_wait3A_67 = tpu.memref_slice %arg10[%dma_wait3A_65, %dma_wait3A_66] : memref<10240x64xf32, #tpu.memory_space<vmem_shared>> -> memref<10240x64xf32, #tpu.memory_space<vmem_shared>>
      tpu.wait_indirect_dma semaphore(%arg12 : memref<!tpu.dma_semaphore, #tpu.memory_space<semaphore_mem>>) src(%arg8 : memref<128x64xf32, #tpu.memory_space<vmem>>) dst(%dma_wait3A_67 : memref<10240x64xf32, #tpu.memory_space<vmem_shared>>)
    }
    %scan3A_36 = arith.constant 79 : i32
    %barrier3A_37 = arith.constant 0 : index
    tpu.barrier barrier_id(%barrier3A_37)
    %mul3A_38 = arith.constant 640 : i32
    %mul3A_39 = arith.muli %arg1, %mul3A_38 : i32
    %mul3A_40 = arith.constant 10240 : i32
    %mul3A_41 = arith.muli %arg0, %mul3A_40 : i32
    %mul3A_42 = arith.constant 640 : i32
    %mul3A_43 = arith.muli %arg1, %mul3A_42 : i32
    %add3A_44 = arith.addi %mul3A_41, %mul3A_43 : i32
    "tpu.region"() ({
      %run_scoped3A = tpu.sem_alloc : memref<!tpu.dma_semaphore, #tpu.memory_space<semaphore_mem>>
      %dma_start3A = arith.constant 0 : i32
      %dma_start3A_45 = tpu.memref_slice %arg5[%add3A_44, %dma_start3A] : memref<20480x64xf32, #tpu.memory_space<hbm>> -> memref<640x64xf32, #tpu.memory_space<hbm>>
      %dma_start3A_46 = arith.constant 0 : i32
      %dma_start3A_47 = tpu.memref_slice %arg10[%mul3A_39, %dma_start3A_46] : memref<10240x64xf32, #tpu.memory_space<vmem_shared>> -> memref<640x64xf32, #tpu.memory_space<vmem_shared>>
      tpu.enqueue_dma source(%dma_start3A_47 : memref<640x64xf32, #tpu.memory_space<vmem_shared>>) target(%dma_start3A_45 : memref<640x64xf32, #tpu.memory_space<hbm>>) target_semaphore(%run_scoped3A : memref<!tpu.dma_semaphore, #tpu.memory_space<semaphore_mem>>)
      %dma_wait3A = arith.constant 0 : i32
      %dma_wait3A_48 = tpu.memref_slice %arg5[%add3A_44, %dma_wait3A] : memref<20480x64xf32, #tpu.memory_space<hbm>> -> memref<640x64xf32, #tpu.memory_space<hbm>>
      %dma_wait3A_49 = arith.constant 0 : i32
      %dma_wait3A_50 = tpu.memref_slice %arg10[%mul3A_39, %dma_wait3A_49] : memref<10240x64xf32, #tpu.memory_space<vmem_shared>> -> memref<640x64xf32, #tpu.memory_space<vmem_shared>>
      tpu.wait_dma2 semaphore(%run_scoped3A : memref<!tpu.dma_semaphore, #tpu.memory_space<semaphore_mem>>) src(%dma_wait3A_50 : memref<640x64xf32, #tpu.memory_space<vmem_shared>>) dst(%dma_wait3A_48 : memref<640x64xf32, #tpu.memory_space<hbm>>)
      tpu.yield
    }) : () -> ()
    return
  }
}

#map = affine_map<(d0, d1) -> (0, 0)>
#map1 = affine_map<(d0, d1) -> (0, 0, 0)>
module attributes {stable_mosaic.version = 14 : i64} {
  func.func @_sc_segment_sum(%arg0: i32, %arg1: i32, %arg2: memref<10000x64xf32, #tpu.memory_space<hbm>>, %arg3: memref<32x79x128xi32, #tpu.memory_space<hbm>>, %arg4: memref<32x79x128xi32, #tpu.memory_space<hbm>>, %arg5: memref<20480x64xf32, #tpu.memory_space<hbm>>, %arg6: memref<79x128xi32, #tpu.memory_space<vmem>>, %arg7: memref<79x128xi32, #tpu.memory_space<vmem>>, %arg8: memref<128x64xf32, #tpu.memory_space<vmem>>, %arg9: memref<10000x64xf32, #tpu.memory_space<vmem_shared>>, %arg10: memref<10240x64xf32, #tpu.memory_space<vmem_shared>>, %arg11: memref<!tpu.dma_semaphore, #tpu.memory_space<semaphore_mem>>, %arg12: memref<!tpu.dma_semaphore, #tpu.memory_space<semaphore_mem>>) attributes {dimension_semantics = [#tpu.dimension_semantics<core_parallel>, #tpu.dimension_semantics<subcore_parallel>], iteration_bounds = array<i64: 2, 16>, scalar_prefetch = 0 : i64, scratch_operands = 7 : i64, tpu.core_type = #tpu.core_type<sc_vector_subcore>, window_params = [{transform_indices = #map}, {transform_indices = #map1}, {transform_indices = #map1}, {transform_indices = #map}]} {
    %mul3A = arith.constant 2 : i32
    %mul3A_0 = arith.muli %arg1, %mul3A : i32
    %add3A = arith.addi %mul3A_0, %arg0 : i32
    %broadcast_in_dim3A = arith.constant 0.000000e+00 : f32
    %broadcast_in_dim3A_1 = vector.broadcast %broadcast_in_dim3A : f32 to vector<16xf32>
    %scan3A = arith.constant 0 : i32
    %scan3A_2 = arith.constant 0 : i32
    %scan3A_3 = arith.constant 128 : i32
    %scan3A_4 = arith.addi %scan3A_2, %scan3A_3 : i32
    %scan3A_5 = arith.constant 1 : i32
    scf.for %scan3A_45 = %scan3A_2 to %scan3A_4 step %scan3A_5  : i32 {
      %swap3A = arith.index_cast %scan3A_45 : i32 to index
      %swap3A_46 = arith.constant 0 : index
      %swap3A_47 = tpu.vector_load %arg8[%swap3A, %swap3A_46] {strides = array<i32>} : memref<128x64xf32, #tpu.memory_space<vmem>>, vector<1x16xf32>,
      %swap3A_48 = vector.shape_cast %swap3A_47 : vector<1x16xf32> to vector<16xf32>
      %swap3A_49 = vector.shape_cast %broadcast_in_dim3A_1 : vector<16xf32> to vector<1x16xf32>
      tpu.vector_store %arg8[%swap3A, %swap3A_46], %swap3A_49 {strides = array<i32>} : memref<128x64xf32, #tpu.memory_space<vmem>>, vector<1x16xf32>,
      %swap3A_50 = arith.index_cast %scan3A_45 : i32 to index
      %swap3A_51 = arith.constant 16 : index
      %swap3A_52 = tpu.vector_load %arg8[%swap3A_50, %swap3A_51] {strides = array<i32>} : memref<128x64xf32, #tpu.memory_space<vmem>>, vector<1x16xf32>,
      %swap3A_53 = vector.shape_cast %swap3A_52 : vector<1x16xf32> to vector<16xf32>
      %swap3A_54 = vector.shape_cast %broadcast_in_dim3A_1 : vector<16xf32> to vector<1x16xf32>
      tpu.vector_store %arg8[%swap3A_50, %swap3A_51], %swap3A_54 {strides = array<i32>} : memref<128x64xf32, #tpu.memory_space<vmem>>, vector<1x16xf32>,
      %swap3A_55 = arith.index_cast %scan3A_45 : i32 to index
      %swap3A_56 = arith.constant 32 : index
      %swap3A_57 = tpu.vector_load %arg8[%swap3A_55, %swap3A_56] {strides = array<i32>} : memref<128x64xf32, #tpu.memory_space<vmem>>, vector<1x16xf32>,
      %swap3A_58 = vector.shape_cast %swap3A_57 : vector<1x16xf32> to vector<16xf32>
      %swap3A_59 = vector.shape_cast %broadcast_in_dim3A_1 : vector<16xf32> to vector<1x16xf32>
      tpu.vector_store %arg8[%swap3A_55, %swap3A_56], %swap3A_59 {strides = array<i32>} : memref<128x64xf32, #tpu.memory_space<vmem>>, vector<1x16xf32>,
      %swap3A_60 = arith.index_cast %scan3A_45 : i32 to index
      %swap3A_61 = arith.constant 48 : index
      %swap3A_62 = tpu.vector_load %arg8[%swap3A_60, %swap3A_61] {strides = array<i32>} : memref<128x64xf32, #tpu.memory_space<vmem>>, vector<1x16xf32>,
      %swap3A_63 = vector.shape_cast %swap3A_62 : vector<1x16xf32> to vector<16xf32>
      %swap3A_64 = vector.shape_cast %broadcast_in_dim3A_1 : vector<16xf32> to vector<1x16xf32>
      tpu.vector_store %arg8[%swap3A_60, %swap3A_61], %swap3A_64 {strides = array<i32>} : memref<128x64xf32, #tpu.memory_space<vmem>>, vector<1x16xf32>,
    }
    %scan3A_6 = arith.constant 128 : i32
    %mul3A_7 = arith.constant 640 : i32
    %mul3A_8 = arith.muli %arg1, %mul3A_7 : i32
    %add3A_9 = arith.constant 0 : i32
    %add3A_10 = arith.addi %mul3A_8, %add3A_9 : i32
    "tpu.region"() ({
      %run_scoped3A = tpu.sem_alloc : memref<!tpu.dma_semaphore, #tpu.memory_space<semaphore_mem>>
      %dma_start3A = arith.constant 0 : i32
      %dma_start3A_45 = tpu.memref_slice %arg10[%add3A_10, %dma_start3A] : memref<10240x64xf32, #tpu.memory_space<vmem_shared>> -> memref<128x64xf32, #tpu.memory_space<vmem_shared>>
      %dma_start3A_46 = arith.constant 0 : i32
      %dma_start3A_47 = tpu.memref_slice %arg10[%add3A_10, %dma_start3A_46] : memref<10240x64xf32, #tpu.memory_space<vmem_shared>> -> memref<128x64xf32, #tpu.memory_space<vmem_shared>>
      tpu.enqueue_dma source(%arg8 : memref<128x64xf32, #tpu.memory_space<vmem>>) target(%dma_start3A_47 : memref<128x64xf32, #tpu.memory_space<vmem_shared>>) target_semaphore(%run_scoped3A : memref<!tpu.dma_semaphore, #tpu.memory_space<semaphore_mem>>)
      %dma_wait3A = arith.constant 0 : i32
      %dma_wait3A_48 = tpu.memref_slice %arg10[%add3A_10, %dma_wait3A] : memref<10240x64xf32, #tpu.memory_space<vmem_shared>> -> memref<128x64xf32, #tpu.memory_space<vmem_shared>>
      %dma_wait3A_49 = arith.constant 0 : i32
      %dma_wait3A_50 = tpu.memref_slice %arg10[%add3A_10, %dma_wait3A_49] : memref<10240x64xf32, #tpu.memory_space<vmem_shared>> -> memref<128x64xf32, #tpu.memory_space<vmem_shared>>
      tpu.wait_dma2 semaphore(%run_scoped3A : memref<!tpu.dma_semaphore, #tpu.memory_space<semaphore_mem>>) src(%arg8 : memref<128x64xf32, #tpu.memory_space<vmem>>) dst(%dma_wait3A_50 : memref<128x64xf32, #tpu.memory_space<vmem_shared>>)
      tpu.yield
    }) : () -> ()
    %mul3A_11 = arith.constant 640 : i32
    %mul3A_12 = arith.muli %arg1, %mul3A_11 : i32
    %add3A_13 = arith.constant 128 : i32
    %add3A_14 = arith.addi %mul3A_12, %add3A_13 : i32
    "tpu.region"() ({
      %run_scoped3A = tpu.sem_alloc : memref<!tpu.dma_semaphore, #tpu.memory_space<semaphore_mem>>
      %dma_start3A = arith.constant 0 : i32
      %dma_start3A_45 = tpu.memref_slice %arg10[%add3A_14, %dma_start3A] : memref<10240x64xf32, #tpu.memory_space<vmem_shared>> -> memref<128x64xf32, #tpu.memory_space<vmem_shared>>
      %dma_start3A_46 = arith.constant 0 : i32
      %dma_start3A_47 = tpu.memref_slice %arg10[%add3A_14, %dma_start3A_46] : memref<10240x64xf32, #tpu.memory_space<vmem_shared>> -> memref<128x64xf32, #tpu.memory_space<vmem_shared>>
      tpu.enqueue_dma source(%arg8 : memref<128x64xf32, #tpu.memory_space<vmem>>) target(%dma_start3A_47 : memref<128x64xf32, #tpu.memory_space<vmem_shared>>) target_semaphore(%run_scoped3A : memref<!tpu.dma_semaphore, #tpu.memory_space<semaphore_mem>>)
      %dma_wait3A = arith.constant 0 : i32
      %dma_wait3A_48 = tpu.memref_slice %arg10[%add3A_14, %dma_wait3A] : memref<10240x64xf32, #tpu.memory_space<vmem_shared>> -> memref<128x64xf32, #tpu.memory_space<vmem_shared>>
      %dma_wait3A_49 = arith.constant 0 : i32
      %dma_wait3A_50 = tpu.memref_slice %arg10[%add3A_14, %dma_wait3A_49] : memref<10240x64xf32, #tpu.memory_space<vmem_shared>> -> memref<128x64xf32, #tpu.memory_space<vmem_shared>>
      tpu.wait_dma2 semaphore(%run_scoped3A : memref<!tpu.dma_semaphore, #tpu.memory_space<semaphore_mem>>) src(%arg8 : memref<128x64xf32, #tpu.memory_space<vmem>>) dst(%dma_wait3A_50 : memref<128x64xf32, #tpu.memory_space<vmem_shared>>)
      tpu.yield
    }) : () -> ()
    %mul3A_15 = arith.constant 640 : i32
    %mul3A_16 = arith.muli %arg1, %mul3A_15 : i32
    %add3A_17 = arith.constant 256 : i32
    %add3A_18 = arith.addi %mul3A_16, %add3A_17 : i32
    "tpu.region"() ({
      %run_scoped3A = tpu.sem_alloc : memref<!tpu.dma_semaphore, #tpu.memory_space<semaphore_mem>>
      %dma_start3A = arith.constant 0 : i32
      %dma_start3A_45 = tpu.memref_slice %arg10[%add3A_18, %dma_start3A] : memref<10240x64xf32, #tpu.memory_space<vmem_shared>> -> memref<128x64xf32, #tpu.memory_space<vmem_shared>>
      %dma_start3A_46 = arith.constant 0 : i32
      %dma_start3A_47 = tpu.memref_slice %arg10[%add3A_18, %dma_start3A_46] : memref<10240x64xf32, #tpu.memory_space<vmem_shared>> -> memref<128x64xf32, #tpu.memory_space<vmem_shared>>
      tpu.enqueue_dma source(%arg8 : memref<128x64xf32, #tpu.memory_space<vmem>>) target(%dma_start3A_47 : memref<128x64xf32, #tpu.memory_space<vmem_shared>>) target_semaphore(%run_scoped3A : memref<!tpu.dma_semaphore, #tpu.memory_space<semaphore_mem>>)
      %dma_wait3A = arith.constant 0 : i32
      %dma_wait3A_48 = tpu.memref_slice %arg10[%add3A_18, %dma_wait3A] : memref<10240x64xf32, #tpu.memory_space<vmem_shared>> -> memref<128x64xf32, #tpu.memory_space<vmem_shared>>
      %dma_wait3A_49 = arith.constant 0 : i32
      %dma_wait3A_50 = tpu.memref_slice %arg10[%add3A_18, %dma_wait3A_49] : memref<10240x64xf32, #tpu.memory_space<vmem_shared>> -> memref<128x64xf32, #tpu.memory_space<vmem_shared>>
      tpu.wait_dma2 semaphore(%run_scoped3A : memref<!tpu.dma_semaphore, #tpu.memory_space<semaphore_mem>>) src(%arg8 : memref<128x64xf32, #tpu.memory_space<vmem>>) dst(%dma_wait3A_50 : memref<128x64xf32, #tpu.memory_space<vmem_shared>>)
      tpu.yield
    }) : () -> ()
    %mul3A_19 = arith.constant 640 : i32
    %mul3A_20 = arith.muli %arg1, %mul3A_19 : i32
    %add3A_21 = arith.constant 384 : i32
    %add3A_22 = arith.addi %mul3A_20, %add3A_21 : i32
    "tpu.region"() ({
      %run_scoped3A = tpu.sem_alloc : memref<!tpu.dma_semaphore, #tpu.memory_space<semaphore_mem>>
      %dma_start3A = arith.constant 0 : i32
      %dma_start3A_45 = tpu.memref_slice %arg10[%add3A_22, %dma_start3A] : memref<10240x64xf32, #tpu.memory_space<vmem_shared>> -> memref<128x64xf32, #tpu.memory_space<vmem_shared>>
      %dma_start3A_46 = arith.constant 0 : i32
      %dma_start3A_47 = tpu.memref_slice %arg10[%add3A_22, %dma_start3A_46] : memref<10240x64xf32, #tpu.memory_space<vmem_shared>> -> memref<128x64xf32, #tpu.memory_space<vmem_shared>>
      tpu.enqueue_dma source(%arg8 : memref<128x64xf32, #tpu.memory_space<vmem>>) target(%dma_start3A_47 : memref<128x64xf32, #tpu.memory_space<vmem_shared>>) target_semaphore(%run_scoped3A : memref<!tpu.dma_semaphore, #tpu.memory_space<semaphore_mem>>)
      %dma_wait3A = arith.constant 0 : i32
      %dma_wait3A_48 = tpu.memref_slice %arg10[%add3A_22, %dma_wait3A] : memref<10240x64xf32, #tpu.memory_space<vmem_shared>> -> memref<128x64xf32, #tpu.memory_space<vmem_shared>>
      %dma_wait3A_49 = arith.constant 0 : i32
      %dma_wait3A_50 = tpu.memref_slice %arg10[%add3A_22, %dma_wait3A_49] : memref<10240x64xf32, #tpu.memory_space<vmem_shared>> -> memref<128x64xf32, #tpu.memory_space<vmem_shared>>
      tpu.wait_dma2 semaphore(%run_scoped3A : memref<!tpu.dma_semaphore, #tpu.memory_space<semaphore_mem>>) src(%arg8 : memref<128x64xf32, #tpu.memory_space<vmem>>) dst(%dma_wait3A_50 : memref<128x64xf32, #tpu.memory_space<vmem_shared>>)
      tpu.yield
    }) : () -> ()
    %mul3A_23 = arith.constant 640 : i32
    %mul3A_24 = arith.muli %arg1, %mul3A_23 : i32
    %add3A_25 = arith.constant 512 : i32
    %add3A_26 = arith.addi %mul3A_24, %add3A_25 : i32
    "tpu.region"() ({
      %run_scoped3A = tpu.sem_alloc : memref<!tpu.dma_semaphore, #tpu.memory_space<semaphore_mem>>
      %dma_start3A = arith.constant 0 : i32
      %dma_start3A_45 = tpu.memref_slice %arg10[%add3A_26, %dma_start3A] : memref<10240x64xf32, #tpu.memory_space<vmem_shared>> -> memref<128x64xf32, #tpu.memory_space<vmem_shared>>
      %dma_start3A_46 = arith.constant 0 : i32
      %dma_start3A_47 = tpu.memref_slice %arg10[%add3A_26, %dma_start3A_46] : memref<10240x64xf32, #tpu.memory_space<vmem_shared>> -> memref<128x64xf32, #tpu.memory_space<vmem_shared>>
      tpu.enqueue_dma source(%arg8 : memref<128x64xf32, #tpu.memory_space<vmem>>) target(%dma_start3A_47 : memref<128x64xf32, #tpu.memory_space<vmem_shared>>) target_semaphore(%run_scoped3A : memref<!tpu.dma_semaphore, #tpu.memory_space<semaphore_mem>>)
      %dma_wait3A = arith.constant 0 : i32
      %dma_wait3A_48 = tpu.memref_slice %arg10[%add3A_26, %dma_wait3A] : memref<10240x64xf32, #tpu.memory_space<vmem_shared>> -> memref<128x64xf32, #tpu.memory_space<vmem_shared>>
      %dma_wait3A_49 = arith.constant 0 : i32
      %dma_wait3A_50 = tpu.memref_slice %arg10[%add3A_26, %dma_wait3A_49] : memref<10240x64xf32, #tpu.memory_space<vmem_shared>> -> memref<128x64xf32, #tpu.memory_space<vmem_shared>>
      tpu.wait_dma2 semaphore(%run_scoped3A : memref<!tpu.dma_semaphore, #tpu.memory_space<semaphore_mem>>) src(%arg8 : memref<128x64xf32, #tpu.memory_space<vmem>>) dst(%dma_wait3A_50 : memref<128x64xf32, #tpu.memory_space<vmem_shared>>)
      tpu.yield
    }) : () -> ()
    %mul3A_27 = arith.constant 625 : i32
    %mul3A_28 = arith.muli %arg1, %mul3A_27 : i32
    %mul3A_29 = arith.constant 625 : i32
    %mul3A_30 = arith.muli %arg1, %mul3A_29 : i32
    "tpu.region"() ({
      %run_scoped3A = tpu.sem_alloc : memref<!tpu.dma_semaphore, #tpu.memory_space<semaphore_mem>>
      %dma_start3A = arith.constant 0 : i32
      %dma_start3A_45 = tpu.memref_slice %arg9[%mul3A_30, %dma_start3A] : memref<10000x64xf32, #tpu.memory_space<vmem_shared>> -> memref<625x64xf32, #tpu.memory_space<vmem_shared>>
      %dma_start3A_46 = arith.constant 0 : i32
      %dma_start3A_47 = tpu.memref_slice %arg2[%mul3A_28, %dma_start3A_46] : memref<10000x64xf32, #tpu.memory_space<hbm>> -> memref<625x64xf32, #tpu.memory_space<hbm>>
      tpu.enqueue_dma source(%dma_start3A_47 : memref<625x64xf32, #tpu.memory_space<hbm>>) target(%dma_start3A_45 : memref<625x64xf32, #tpu.memory_space<vmem_shared>>) target_semaphore(%run_scoped3A : memref<!tpu.dma_semaphore, #tpu.memory_space<semaphore_mem>>)
      %dma_wait3A = arith.constant 0 : i32
      %dma_wait3A_48 = tpu.memref_slice %arg9[%mul3A_30, %dma_wait3A] : memref<10000x64xf32, #tpu.memory_space<vmem_shared>> -> memref<625x64xf32, #tpu.memory_space<vmem_shared>>
      %dma_wait3A_49 = arith.constant 0 : i32
      %dma_wait3A_50 = tpu.memref_slice %arg2[%mul3A_28, %dma_wait3A_49] : memref<10000x64xf32, #tpu.memory_space<hbm>> -> memref<625x64xf32, #tpu.memory_space<hbm>>
      tpu.wait_dma2 semaphore(%run_scoped3A : memref<!tpu.dma_semaphore, #tpu.memory_space<semaphore_mem>>) src(%dma_wait3A_50 : memref<625x64xf32, #tpu.memory_space<hbm>>) dst(%dma_wait3A_48 : memref<625x64xf32, #tpu.memory_space<vmem_shared>>)
      tpu.yield
    }) : () -> ()
    "tpu.region"() ({
      %run_scoped3A = tpu.sem_alloc : memref<!tpu.dma_semaphore, #tpu.memory_space<semaphore_mem>>
      %dma_start3A = arith.constant 0 : i32
      %dma_start3A_45 = arith.constant 0 : i32
      %dma_start3A_46 = tpu.memref_slice %arg3[%add3A, %dma_start3A, %dma_start3A_45] : memref<32x79x128xi32, #tpu.memory_space<hbm>> -> memref<1x79x128xi32, #tpu.memory_space<hbm>>
      %dma_start3A_47 = tpu.memref_squeeze %dma_start3A_46 : memref<1x79x128xi32, #tpu.memory_space<hbm>> -> memref<79x128xi32, #tpu.memory_space<hbm>>
      %dma_start3A_48 = arith.constant 0 : i32
      %dma_start3A_49 = arith.constant 0 : i32
      %dma_start3A_50 = tpu.memref_slice %arg3[%add3A, %dma_start3A_48, %dma_start3A_49] : memref<32x79x128xi32, #tpu.memory_space<hbm>> -> memref<1x79x128xi32, #tpu.memory_space<hbm>>
      %dma_start3A_51 = tpu.memref_squeeze %dma_start3A_50 : memref<1x79x128xi32, #tpu.memory_space<hbm>> -> memref<79x128xi32, #tpu.memory_space<hbm>>
      tpu.enqueue_dma source(%dma_start3A_51 : memref<79x128xi32, #tpu.memory_space<hbm>>) target(%arg6 : memref<79x128xi32, #tpu.memory_space<vmem>>) target_semaphore(%run_scoped3A : memref<!tpu.dma_semaphore, #tpu.memory_space<semaphore_mem>>)
      %dma_wait3A = arith.constant 0 : i32
      %dma_wait3A_52 = arith.constant 0 : i32
      %dma_wait3A_53 = tpu.memref_slice %arg3[%add3A, %dma_wait3A, %dma_wait3A_52] : memref<32x79x128xi32, #tpu.memory_space<hbm>> -> memref<1x79x128xi32, #tpu.memory_space<hbm>>
      %dma_wait3A_54 = tpu.memref_squeeze %dma_wait3A_53 : memref<1x79x128xi32, #tpu.memory_space<hbm>> -> memref<79x128xi32, #tpu.memory_space<hbm>>
      %dma_wait3A_55 = arith.constant 0 : i32
      %dma_wait3A_56 = arith.constant 0 : i32
      %dma_wait3A_57 = tpu.memref_slice %arg3[%add3A, %dma_wait3A_55, %dma_wait3A_56] : memref<32x79x128xi32, #tpu.memory_space<hbm>> -> memref<1x79x128xi32, #tpu.memory_space<hbm>>
      %dma_wait3A_58 = tpu.memref_squeeze %dma_wait3A_57 : memref<1x79x128xi32, #tpu.memory_space<hbm>> -> memref<79x128xi32, #tpu.memory_space<hbm>>
      tpu.wait_dma2 semaphore(%run_scoped3A : memref<!tpu.dma_semaphore, #tpu.memory_space<semaphore_mem>>) src(%dma_wait3A_58 : memref<79x128xi32, #tpu.memory_space<hbm>>) dst(%arg6 : memref<79x128xi32, #tpu.memory_space<vmem>>)
      tpu.yield
    }) : () -> ()
    "tpu.region"() ({
      %run_scoped3A = tpu.sem_alloc : memref<!tpu.dma_semaphore, #tpu.memory_space<semaphore_mem>>
      %dma_start3A = arith.constant 0 : i32
      %dma_start3A_45 = arith.constant 0 : i32
      %dma_start3A_46 = tpu.memref_slice %arg4[%add3A, %dma_start3A, %dma_start3A_45] : memref<32x79x128xi32, #tpu.memory_space<hbm>> -> memref<1x79x128xi32, #tpu.memory_space<hbm>>
      %dma_start3A_47 = tpu.memref_squeeze %dma_start3A_46 : memref<1x79x128xi32, #tpu.memory_space<hbm>> -> memref<79x128xi32, #tpu.memory_space<hbm>>
      %dma_start3A_48 = arith.constant 0 : i32
      %dma_start3A_49 = arith.constant 0 : i32
      %dma_start3A_50 = tpu.memref_slice %arg4[%add3A, %dma_start3A_48, %dma_start3A_49] : memref<32x79x128xi32, #tpu.memory_space<hbm>> -> memref<1x79x128xi32, #tpu.memory_space<hbm>>
      %dma_start3A_51 = tpu.memref_squeeze %dma_start3A_50 : memref<1x79x128xi32, #tpu.memory_space<hbm>> -> memref<79x128xi32, #tpu.memory_space<hbm>>
      tpu.enqueue_dma source(%dma_start3A_51 : memref<79x128xi32, #tpu.memory_space<hbm>>) target(%arg7 : memref<79x128xi32, #tpu.memory_space<vmem>>) target_semaphore(%run_scoped3A : memref<!tpu.dma_semaphore, #tpu.memory_space<semaphore_mem>>)
      %dma_wait3A = arith.constant 0 : i32
      %dma_wait3A_52 = arith.constant 0 : i32
      %dma_wait3A_53 = tpu.memref_slice %arg4[%add3A, %dma_wait3A, %dma_wait3A_52] : memref<32x79x128xi32, #tpu.memory_space<hbm>> -> memref<1x79x128xi32, #tpu.memory_space<hbm>>
      %dma_wait3A_54 = tpu.memref_squeeze %dma_wait3A_53 : memref<1x79x128xi32, #tpu.memory_space<hbm>> -> memref<79x128xi32, #tpu.memory_space<hbm>>
      %dma_wait3A_55 = arith.constant 0 : i32
      %dma_wait3A_56 = arith.constant 0 : i32
      %dma_wait3A_57 = tpu.memref_slice %arg4[%add3A, %dma_wait3A_55, %dma_wait3A_56] : memref<32x79x128xi32, #tpu.memory_space<hbm>> -> memref<1x79x128xi32, #tpu.memory_space<hbm>>
      %dma_wait3A_58 = tpu.memref_squeeze %dma_wait3A_57 : memref<1x79x128xi32, #tpu.memory_space<hbm>> -> memref<79x128xi32, #tpu.memory_space<hbm>>
      tpu.wait_dma2 semaphore(%run_scoped3A : memref<!tpu.dma_semaphore, #tpu.memory_space<semaphore_mem>>) src(%dma_wait3A_58 : memref<79x128xi32, #tpu.memory_space<hbm>>) dst(%arg7 : memref<79x128xi32, #tpu.memory_space<vmem>>)
      tpu.yield
    }) : () -> ()
    %barrier3A = arith.constant 0 : index
    tpu.barrier barrier_id(%barrier3A)
    %scan3A_31 = arith.constant 0 : i32
    %scan3A_32 = arith.constant 0 : i32
    %scan3A_33 = arith.constant 79 : i32
    %scan3A_34 = arith.addi %scan3A_32, %scan3A_33 : i32
    %scan3A_35 = arith.constant 1 : i32
    scf.for %scan3A_45 = %scan3A_32 to %scan3A_34 step %scan3A_35  : i32 {
      %dma_start3A = arith.constant 0 : i32
      %dma_start3A_46 = tpu.memref_slice %arg6[%scan3A_45, %dma_start3A] : memref<79x128xi32, #tpu.memory_space<vmem>> -> memref<1x128xi32, #tpu.memory_space<vmem>>
      %dma_start3A_47 = tpu.memref_squeeze %dma_start3A_46 : memref<1x128xi32, #tpu.memory_space<vmem>> -> memref<128xi32, #tpu.memory_space<vmem>>
      %dma_start3A_48 = arith.constant 0 : i32
      %dma_start3A_49 = arith.constant 0 : i32
      %dma_start3A_50 = tpu.memref_slice %arg9[%dma_start3A_48, %dma_start3A_49] : memref<10000x64xf32, #tpu.memory_space<vmem_shared>> -> memref<10000x64xf32, #tpu.memory_space<vmem_shared>>
      tpu.enqueue_indirect_dma source(%dma_start3A_50 : memref<10000x64xf32, #tpu.memory_space<vmem_shared>>) target(%arg8 : memref<128x64xf32, #tpu.memory_space<vmem>>) offsets(%dma_start3A_47 : memref<128xi32, #tpu.memory_space<vmem>>) semaphore(%arg11 : memref<!tpu.dma_semaphore, #tpu.memory_space<semaphore_mem>>)
      %dma_wait3A = arith.constant 0 : i32
      %dma_wait3A_51 = tpu.memref_slice %arg6[%scan3A_45, %dma_wait3A] : memref<79x128xi32, #tpu.memory_space<vmem>> -> memref<1x128xi32, #tpu.memory_space<vmem>>
      %dma_wait3A_52 = tpu.memref_squeeze %dma_wait3A_51 : memref<1x128xi32, #tpu.memory_space<vmem>> -> memref<128xi32, #tpu.memory_space<vmem>>
      %dma_wait3A_53 = arith.constant 0 : i32
      %dma_wait3A_54 = arith.constant 0 : i32
      %dma_wait3A_55 = tpu.memref_slice %arg9[%dma_wait3A_53, %dma_wait3A_54] : memref<10000x64xf32, #tpu.memory_space<vmem_shared>> -> memref<10000x64xf32, #tpu.memory_space<vmem_shared>>
      tpu.wait_indirect_dma semaphore(%arg11 : memref<!tpu.dma_semaphore, #tpu.memory_space<semaphore_mem>>) src(%dma_wait3A_55 : memref<10000x64xf32, #tpu.memory_space<vmem_shared>>) dst(%arg8 : memref<128x64xf32, #tpu.memory_space<vmem>>)
      %dma_start3A_56 = arith.constant 0 : i32
      %dma_start3A_57 = tpu.memref_slice %arg7[%scan3A_45, %dma_start3A_56] : memref<79x128xi32, #tpu.memory_space<vmem>> -> memref<1x128xi32, #tpu.memory_space<vmem>>
      %dma_start3A_58 = tpu.memref_squeeze %dma_start3A_57 : memref<1x128xi32, #tpu.memory_space<vmem>> -> memref<128xi32, #tpu.memory_space<vmem>>
      %dma_start3A_59 = arith.constant 0 : i32
      %dma_start3A_60 = arith.constant 0 : i32
      %dma_start3A_61 = tpu.memref_slice %arg10[%dma_start3A_59, %dma_start3A_60] : memref<10240x64xf32, #tpu.memory_space<vmem_shared>> -> memref<10240x64xf32, #tpu.memory_space<vmem_shared>>
      tpu.enqueue_indirect_dma source(%arg8 : memref<128x64xf32, #tpu.memory_space<vmem>>) target(%dma_start3A_61 : memref<10240x64xf32, #tpu.memory_space<vmem_shared>>) offsets(%dma_start3A_58 : memref<128xi32, #tpu.memory_space<vmem>>) semaphore(%arg12 : memref<!tpu.dma_semaphore, #tpu.memory_space<semaphore_mem>>) {add = true}
      %dma_wait3A_62 = arith.constant 0 : i32
      %dma_wait3A_63 = tpu.memref_slice %arg7[%scan3A_45, %dma_wait3A_62] : memref<79x128xi32, #tpu.memory_space<vmem>> -> memref<1x128xi32, #tpu.memory_space<vmem>>
      %dma_wait3A_64 = tpu.memref_squeeze %dma_wait3A_63 : memref<1x128xi32, #tpu.memory_space<vmem>> -> memref<128xi32, #tpu.memory_space<vmem>>
      %dma_wait3A_65 = arith.constant 0 : i32
      %dma_wait3A_66 = arith.constant 0 : i32
      %dma_wait3A_67 = tpu.memref_slice %arg10[%dma_wait3A_65, %dma_wait3A_66] : memref<10240x64xf32, #tpu.memory_space<vmem_shared>> -> memref<10240x64xf32, #tpu.memory_space<vmem_shared>>
      tpu.wait_indirect_dma semaphore(%arg12 : memref<!tpu.dma_semaphore, #tpu.memory_space<semaphore_mem>>) src(%arg8 : memref<128x64xf32, #tpu.memory_space<vmem>>) dst(%dma_wait3A_67 : memref<10240x64xf32, #tpu.memory_space<vmem_shared>>)
    }
    %scan3A_36 = arith.constant 79 : i32
    %barrier3A_37 = arith.constant 0 : index
    tpu.barrier barrier_id(%barrier3A_37)
    %mul3A_38 = arith.constant 640 : i32
    %mul3A_39 = arith.muli %arg1, %mul3A_38 : i32
    %mul3A_40 = arith.constant 10240 : i32
    %mul3A_41 = arith.muli %arg0, %mul3A_40 : i32
    %mul3A_42 = arith.constant 640 : i32
    %mul3A_43 = arith.muli %arg1, %mul3A_42 : i32
    %add3A_44 = arith.addi %mul3A_41, %mul3A_43 : i32
    "tpu.region"() ({
      %run_scoped3A = tpu.sem_alloc : memref<!tpu.dma_semaphore, #tpu.memory_space<semaphore_mem>>
      %dma_start3A = arith.constant 0 : i32
      %dma_start3A_45 = tpu.memref_slice %arg5[%add3A_44, %dma_start3A] : memref<20480x64xf32, #tpu.memory_space<hbm>> -> memref<640x64xf32, #tpu.memory_space<hbm>>
      %dma_start3A_46 = arith.constant 0 : i32
      %dma_start3A_47 = tpu.memref_slice %arg10[%mul3A_39, %dma_start3A_46] : memref<10240x64xf32, #tpu.memory_space<vmem_shared>> -> memref<640x64xf32, #tpu.memory_space<vmem_shared>>
      tpu.enqueue_dma source(%dma_start3A_47 : memref<640x64xf32, #tpu.memory_space<vmem_shared>>) target(%dma_start3A_45 : memref<640x64xf32, #tpu.memory_space<hbm>>) target_semaphore(%run_scoped3A : memref<!tpu.dma_semaphore, #tpu.memory_space<semaphore_mem>>)
      %dma_wait3A = arith.constant 0 : i32
      %dma_wait3A_48 = tpu.memref_slice %arg5[%add3A_44, %dma_wait3A] : memref<20480x64xf32, #tpu.memory_space<hbm>> -> memref<640x64xf32, #tpu.memory_space<hbm>>
      %dma_wait3A_49 = arith.constant 0 : i32
      %dma_wait3A_50 = tpu.memref_slice %arg10[%mul3A_39, %dma_wait3A_49] : memref<10240x64xf32, #tpu.memory_space<vmem_shared>> -> memref<640x64xf32, #tpu.memory_space<vmem_shared>>
      tpu.wait_dma2 semaphore(%run_scoped3A : memref<!tpu.dma_semaphore, #tpu.memory_space<semaphore_mem>>) src(%dma_wait3A_50 : memref<640x64xf32, #tpu.memory_space<vmem_shared>>) dst(%dma_wait3A_48 : memref<640x64xf32, #tpu.memory_space<hbm>>)
      tpu.yield
    }) : () -> ()
    return
  }
}

#map = affine_map<(d0, d1) -> (0, 0)>
#map1 = affine_map<(d0, d1) -> (0, 0, 0)>
module attributes {stable_mosaic.version = 14 : i64} {
  func.func @_sc_segment_sum(%arg0: i32, %arg1: i32, %arg2: memref<10000x64xf32, #tpu.memory_space<hbm>>, %arg3: memref<32x79x128xi32, #tpu.memory_space<hbm>>, %arg4: memref<32x79x128xi32, #tpu.memory_space<hbm>>, %arg5: memref<20480x64xf32, #tpu.memory_space<hbm>>, %arg6: memref<79x128xi32, #tpu.memory_space<vmem>>, %arg7: memref<79x128xi32, #tpu.memory_space<vmem>>, %arg8: memref<128x64xf32, #tpu.memory_space<vmem>>, %arg9: memref<10000x64xf32, #tpu.memory_space<vmem_shared>>, %arg10: memref<10240x64xf32, #tpu.memory_space<vmem_shared>>, %arg11: memref<!tpu.dma_semaphore, #tpu.memory_space<semaphore_mem>>, %arg12: memref<!tpu.dma_semaphore, #tpu.memory_space<semaphore_mem>>) attributes {dimension_semantics = [#tpu.dimension_semantics<core_parallel>, #tpu.dimension_semantics<subcore_parallel>], iteration_bounds = array<i64: 2, 16>, scalar_prefetch = 0 : i64, scratch_operands = 7 : i64, tpu.core_type = #tpu.core_type<sc_vector_subcore>, window_params = [{transform_indices = #map}, {transform_indices = #map1}, {transform_indices = #map1}, {transform_indices = #map}]} {
    %mul3A = arith.constant 2 : i32
    %mul3A_0 = arith.muli %arg1, %mul3A : i32
    %add3A = arith.addi %mul3A_0, %arg0 : i32
    %broadcast_in_dim3A = arith.constant 0.000000e+00 : f32
    %broadcast_in_dim3A_1 = vector.broadcast %broadcast_in_dim3A : f32 to vector<16xf32>
    %scan3A = arith.constant 0 : i32
    %scan3A_2 = arith.constant 0 : i32
    %scan3A_3 = arith.constant 128 : i32
    %scan3A_4 = arith.addi %scan3A_2, %scan3A_3 : i32
    %scan3A_5 = arith.constant 1 : i32
    scf.for %scan3A_45 = %scan3A_2 to %scan3A_4 step %scan3A_5  : i32 {
      %swap3A = arith.index_cast %scan3A_45 : i32 to index
      %swap3A_46 = arith.constant 0 : index
      %swap3A_47 = tpu.vector_load %arg8[%swap3A, %swap3A_46] {strides = array<i32>} : memref<128x64xf32, #tpu.memory_space<vmem>>, vector<1x16xf32>,
      %swap3A_48 = vector.shape_cast %swap3A_47 : vector<1x16xf32> to vector<16xf32>
      %swap3A_49 = vector.shape_cast %broadcast_in_dim3A_1 : vector<16xf32> to vector<1x16xf32>
      tpu.vector_store %arg8[%swap3A, %swap3A_46], %swap3A_49 {strides = array<i32>} : memref<128x64xf32, #tpu.memory_space<vmem>>, vector<1x16xf32>,
      %swap3A_50 = arith.index_cast %scan3A_45 : i32 to index
      %swap3A_51 = arith.constant 16 : index
      %swap3A_52 = tpu.vector_load %arg8[%swap3A_50, %swap3A_51] {strides = array<i32>} : memref<128x64xf32, #tpu.memory_space<vmem>>, vector<1x16xf32>,
      %swap3A_53 = vector.shape_cast %swap3A_52 : vector<1x16xf32> to vector<16xf32>
      %swap3A_54 = vector.shape_cast %broadcast_in_dim3A_1 : vector<16xf32> to vector<1x16xf32>
      tpu.vector_store %arg8[%swap3A_50, %swap3A_51], %swap3A_54 {strides = array<i32>} : memref<128x64xf32, #tpu.memory_space<vmem>>, vector<1x16xf32>,
      %swap3A_55 = arith.index_cast %scan3A_45 : i32 to index
      %swap3A_56 = arith.constant 32 : index
      %swap3A_57 = tpu.vector_load %arg8[%swap3A_55, %swap3A_56] {strides = array<i32>} : memref<128x64xf32, #tpu.memory_space<vmem>>, vector<1x16xf32>,
      %swap3A_58 = vector.shape_cast %swap3A_57 : vector<1x16xf32> to vector<16xf32>
      %swap3A_59 = vector.shape_cast %broadcast_in_dim3A_1 : vector<16xf32> to vector<1x16xf32>
      tpu.vector_store %arg8[%swap3A_55, %swap3A_56], %swap3A_59 {strides = array<i32>} : memref<128x64xf32, #tpu.memory_space<vmem>>, vector<1x16xf32>,
      %swap3A_60 = arith.index_cast %scan3A_45 : i32 to index
      %swap3A_61 = arith.constant 48 : index
      %swap3A_62 = tpu.vector_load %arg8[%swap3A_60, %swap3A_61] {strides = array<i32>} : memref<128x64xf32, #tpu.memory_space<vmem>>, vector<1x16xf32>,
      %swap3A_63 = vector.shape_cast %swap3A_62 : vector<1x16xf32> to vector<16xf32>
      %swap3A_64 = vector.shape_cast %broadcast_in_dim3A_1 : vector<16xf32> to vector<1x16xf32>
      tpu.vector_store %arg8[%swap3A_60, %swap3A_61], %swap3A_64 {strides = array<i32>} : memref<128x64xf32, #tpu.memory_space<vmem>>, vector<1x16xf32>,
    }
    %scan3A_6 = arith.constant 128 : i32
    %mul3A_7 = arith.constant 640 : i32
    %mul3A_8 = arith.muli %arg1, %mul3A_7 : i32
    %add3A_9 = arith.constant 0 : i32
    %add3A_10 = arith.addi %mul3A_8, %add3A_9 : i32
    "tpu.region"() ({
      %run_scoped3A = tpu.sem_alloc : memref<!tpu.dma_semaphore, #tpu.memory_space<semaphore_mem>>
      %dma_start3A = arith.constant 0 : i32
      %dma_start3A_45 = tpu.memref_slice %arg10[%add3A_10, %dma_start3A] : memref<10240x64xf32, #tpu.memory_space<vmem_shared>> -> memref<128x64xf32, #tpu.memory_space<vmem_shared>>
      %dma_start3A_46 = arith.constant 0 : i32
      %dma_start3A_47 = tpu.memref_slice %arg10[%add3A_10, %dma_start3A_46] : memref<10240x64xf32, #tpu.memory_space<vmem_shared>> -> memref<128x64xf32, #tpu.memory_space<vmem_shared>>
      tpu.enqueue_dma source(%arg8 : memref<128x64xf32, #tpu.memory_space<vmem>>) target(%dma_start3A_47 : memref<128x64xf32, #tpu.memory_space<vmem_shared>>) target_semaphore(%run_scoped3A : memref<!tpu.dma_semaphore, #tpu.memory_space<semaphore_mem>>)
      %dma_wait3A = arith.constant 0 : i32
      %dma_wait3A_48 = tpu.memref_slice %arg10[%add3A_10, %dma_wait3A] : memref<10240x64xf32, #tpu.memory_space<vmem_shared>> -> memref<128x64xf32, #tpu.memory_space<vmem_shared>>
      %dma_wait3A_49 = arith.constant 0 : i32
      %dma_wait3A_50 = tpu.memref_slice %arg10[%add3A_10, %dma_wait3A_49] : memref<10240x64xf32, #tpu.memory_space<vmem_shared>> -> memref<128x64xf32, #tpu.memory_space<vmem_shared>>
      tpu.wait_dma2 semaphore(%run_scoped3A : memref<!tpu.dma_semaphore, #tpu.memory_space<semaphore_mem>>) src(%arg8 : memref<128x64xf32, #tpu.memory_space<vmem>>) dst(%dma_wait3A_50 : memref<128x64xf32, #tpu.memory_space<vmem_shared>>)
      tpu.yield
    }) : () -> ()
    %mul3A_11 = arith.constant 640 : i32
    %mul3A_12 = arith.muli %arg1, %mul3A_11 : i32
    %add3A_13 = arith.constant 128 : i32
    %add3A_14 = arith.addi %mul3A_12, %add3A_13 : i32
    "tpu.region"() ({
      %run_scoped3A = tpu.sem_alloc : memref<!tpu.dma_semaphore, #tpu.memory_space<semaphore_mem>>
      %dma_start3A = arith.constant 0 : i32
      %dma_start3A_45 = tpu.memref_slice %arg10[%add3A_14, %dma_start3A] : memref<10240x64xf32, #tpu.memory_space<vmem_shared>> -> memref<128x64xf32, #tpu.memory_space<vmem_shared>>
      %dma_start3A_46 = arith.constant 0 : i32
      %dma_start3A_47 = tpu.memref_slice %arg10[%add3A_14, %dma_start3A_46] : memref<10240x64xf32, #tpu.memory_space<vmem_shared>> -> memref<128x64xf32, #tpu.memory_space<vmem_shared>>
      tpu.enqueue_dma source(%arg8 : memref<128x64xf32, #tpu.memory_space<vmem>>) target(%dma_start3A_47 : memref<128x64xf32, #tpu.memory_space<vmem_shared>>) target_semaphore(%run_scoped3A : memref<!tpu.dma_semaphore, #tpu.memory_space<semaphore_mem>>)
      %dma_wait3A = arith.constant 0 : i32
      %dma_wait3A_48 = tpu.memref_slice %arg10[%add3A_14, %dma_wait3A] : memref<10240x64xf32, #tpu.memory_space<vmem_shared>> -> memref<128x64xf32, #tpu.memory_space<vmem_shared>>
      %dma_wait3A_49 = arith.constant 0 : i32
      %dma_wait3A_50 = tpu.memref_slice %arg10[%add3A_14, %dma_wait3A_49] : memref<10240x64xf32, #tpu.memory_space<vmem_shared>> -> memref<128x64xf32, #tpu.memory_space<vmem_shared>>
      tpu.wait_dma2 semaphore(%run_scoped3A : memref<!tpu.dma_semaphore, #tpu.memory_space<semaphore_mem>>) src(%arg8 : memref<128x64xf32, #tpu.memory_space<vmem>>) dst(%dma_wait3A_50 : memref<128x64xf32, #tpu.memory_space<vmem_shared>>)
      tpu.yield
    }) : () -> ()
    %mul3A_15 = arith.constant 640 : i32
    %mul3A_16 = arith.muli %arg1, %mul3A_15 : i32
    %add3A_17 = arith.constant 256 : i32
    %add3A_18 = arith.addi %mul3A_16, %add3A_17 : i32
    "tpu.region"() ({
      %run_scoped3A = tpu.sem_alloc : memref<!tpu.dma_semaphore, #tpu.memory_space<semaphore_mem>>
      %dma_start3A = arith.constant 0 : i32
      %dma_start3A_45 = tpu.memref_slice %arg10[%add3A_18, %dma_start3A] : memref<10240x64xf32, #tpu.memory_space<vmem_shared>> -> memref<128x64xf32, #tpu.memory_space<vmem_shared>>
      %dma_start3A_46 = arith.constant 0 : i32
      %dma_start3A_47 = tpu.memref_slice %arg10[%add3A_18, %dma_start3A_46] : memref<10240x64xf32, #tpu.memory_space<vmem_shared>> -> memref<128x64xf32, #tpu.memory_space<vmem_shared>>
      tpu.enqueue_dma source(%arg8 : memref<128x64xf32, #tpu.memory_space<vmem>>) target(%dma_start3A_47 : memref<128x64xf32, #tpu.memory_space<vmem_shared>>) target_semaphore(%run_scoped3A : memref<!tpu.dma_semaphore, #tpu.memory_space<semaphore_mem>>)
      %dma_wait3A = arith.constant 0 : i32
      %dma_wait3A_48 = tpu.memref_slice %arg10[%add3A_18, %dma_wait3A] : memref<10240x64xf32, #tpu.memory_space<vmem_shared>> -> memref<128x64xf32, #tpu.memory_space<vmem_shared>>
      %dma_wait3A_49 = arith.constant 0 : i32
      %dma_wait3A_50 = tpu.memref_slice %arg10[%add3A_18, %dma_wait3A_49] : memref<10240x64xf32, #tpu.memory_space<vmem_shared>> -> memref<128x64xf32, #tpu.memory_space<vmem_shared>>
      tpu.wait_dma2 semaphore(%run_scoped3A : memref<!tpu.dma_semaphore, #tpu.memory_space<semaphore_mem>>) src(%arg8 : memref<128x64xf32, #tpu.memory_space<vmem>>) dst(%dma_wait3A_50 : memref<128x64xf32, #tpu.memory_space<vmem_shared>>)
      tpu.yield
    }) : () -> ()
    %mul3A_19 = arith.constant 640 : i32
    %mul3A_20 = arith.muli %arg1, %mul3A_19 : i32
    %add3A_21 = arith.constant 384 : i32
    %add3A_22 = arith.addi %mul3A_20, %add3A_21 : i32
    "tpu.region"() ({
      %run_scoped3A = tpu.sem_alloc : memref<!tpu.dma_semaphore, #tpu.memory_space<semaphore_mem>>
      %dma_start3A = arith.constant 0 : i32
      %dma_start3A_45 = tpu.memref_slice %arg10[%add3A_22, %dma_start3A] : memref<10240x64xf32, #tpu.memory_space<vmem_shared>> -> memref<128x64xf32, #tpu.memory_space<vmem_shared>>
      %dma_start3A_46 = arith.constant 0 : i32
      %dma_start3A_47 = tpu.memref_slice %arg10[%add3A_22, %dma_start3A_46] : memref<10240x64xf32, #tpu.memory_space<vmem_shared>> -> memref<128x64xf32, #tpu.memory_space<vmem_shared>>
      tpu.enqueue_dma source(%arg8 : memref<128x64xf32, #tpu.memory_space<vmem>>) target(%dma_start3A_47 : memref<128x64xf32, #tpu.memory_space<vmem_shared>>) target_semaphore(%run_scoped3A : memref<!tpu.dma_semaphore, #tpu.memory_space<semaphore_mem>>)
      %dma_wait3A = arith.constant 0 : i32
      %dma_wait3A_48 = tpu.memref_slice %arg10[%add3A_22, %dma_wait3A] : memref<10240x64xf32, #tpu.memory_space<vmem_shared>> -> memref<128x64xf32, #tpu.memory_space<vmem_shared>>
      %dma_wait3A_49 = arith.constant 0 : i32
      %dma_wait3A_50 = tpu.memref_slice %arg10[%add3A_22, %dma_wait3A_49] : memref<10240x64xf32, #tpu.memory_space<vmem_shared>> -> memref<128x64xf32, #tpu.memory_space<vmem_shared>>
      tpu.wait_dma2 semaphore(%run_scoped3A : memref<!tpu.dma_semaphore, #tpu.memory_space<semaphore_mem>>) src(%arg8 : memref<128x64xf32, #tpu.memory_space<vmem>>) dst(%dma_wait3A_50 : memref<128x64xf32, #tpu.memory_space<vmem_shared>>)
      tpu.yield
    }) : () -> ()
    %mul3A_23 = arith.constant 640 : i32
    %mul3A_24 = arith.muli %arg1, %mul3A_23 : i32
    %add3A_25 = arith.constant 512 : i32
    %add3A_26 = arith.addi %mul3A_24, %add3A_25 : i32
    "tpu.region"() ({
      %run_scoped3A = tpu.sem_alloc : memref<!tpu.dma_semaphore, #tpu.memory_space<semaphore_mem>>
      %dma_start3A = arith.constant 0 : i32
      %dma_start3A_45 = tpu.memref_slice %arg10[%add3A_26, %dma_start3A] : memref<10240x64xf32, #tpu.memory_space<vmem_shared>> -> memref<128x64xf32, #tpu.memory_space<vmem_shared>>
      %dma_start3A_46 = arith.constant 0 : i32
      %dma_start3A_47 = tpu.memref_slice %arg10[%add3A_26, %dma_start3A_46] : memref<10240x64xf32, #tpu.memory_space<vmem_shared>> -> memref<128x64xf32, #tpu.memory_space<vmem_shared>>
      tpu.enqueue_dma source(%arg8 : memref<128x64xf32, #tpu.memory_space<vmem>>) target(%dma_start3A_47 : memref<128x64xf32, #tpu.memory_space<vmem_shared>>) target_semaphore(%run_scoped3A : memref<!tpu.dma_semaphore, #tpu.memory_space<semaphore_mem>>)
      %dma_wait3A = arith.constant 0 : i32
      %dma_wait3A_48 = tpu.memref_slice %arg10[%add3A_26, %dma_wait3A] : memref<10240x64xf32, #tpu.memory_space<vmem_shared>> -> memref<128x64xf32, #tpu.memory_space<vmem_shared>>
      %dma_wait3A_49 = arith.constant 0 : i32
      %dma_wait3A_50 = tpu.memref_slice %arg10[%add3A_26, %dma_wait3A_49] : memref<10240x64xf32, #tpu.memory_space<vmem_shared>> -> memref<128x64xf32, #tpu.memory_space<vmem_shared>>
      tpu.wait_dma2 semaphore(%run_scoped3A : memref<!tpu.dma_semaphore, #tpu.memory_space<semaphore_mem>>) src(%arg8 : memref<128x64xf32, #tpu.memory_space<vmem>>) dst(%dma_wait3A_50 : memref<128x64xf32, #tpu.memory_space<vmem_shared>>)
      tpu.yield
    }) : () -> ()
    %mul3A_27 = arith.constant 625 : i32
    %mul3A_28 = arith.muli %arg1, %mul3A_27 : i32
    %mul3A_29 = arith.constant 625 : i32
    %mul3A_30 = arith.muli %arg1, %mul3A_29 : i32
    "tpu.region"() ({
      %run_scoped3A = tpu.sem_alloc : memref<!tpu.dma_semaphore, #tpu.memory_space<semaphore_mem>>
      %dma_start3A = arith.constant 0 : i32
      %dma_start3A_45 = tpu.memref_slice %arg9[%mul3A_30, %dma_start3A] : memref<10000x64xf32, #tpu.memory_space<vmem_shared>> -> memref<625x64xf32, #tpu.memory_space<vmem_shared>>
      %dma_start3A_46 = arith.constant 0 : i32
      %dma_start3A_47 = tpu.memref_slice %arg2[%mul3A_28, %dma_start3A_46] : memref<10000x64xf32, #tpu.memory_space<hbm>> -> memref<625x64xf32, #tpu.memory_space<hbm>>
      tpu.enqueue_dma source(%dma_start3A_47 : memref<625x64xf32, #tpu.memory_space<hbm>>) target(%dma_start3A_45 : memref<625x64xf32, #tpu.memory_space<vmem_shared>>) target_semaphore(%run_scoped3A : memref<!tpu.dma_semaphore, #tpu.memory_space<semaphore_mem>>)
      %dma_wait3A = arith.constant 0 : i32
      %dma_wait3A_48 = tpu.memref_slice %arg9[%mul3A_30, %dma_wait3A] : memref<10000x64xf32, #tpu.memory_space<vmem_shared>> -> memref<625x64xf32, #tpu.memory_space<vmem_shared>>
      %dma_wait3A_49 = arith.constant 0 : i32
      %dma_wait3A_50 = tpu.memref_slice %arg2[%mul3A_28, %dma_wait3A_49] : memref<10000x64xf32, #tpu.memory_space<hbm>> -> memref<625x64xf32, #tpu.memory_space<hbm>>
      tpu.wait_dma2 semaphore(%run_scoped3A : memref<!tpu.dma_semaphore, #tpu.memory_space<semaphore_mem>>) src(%dma_wait3A_50 : memref<625x64xf32, #tpu.memory_space<hbm>>) dst(%dma_wait3A_48 : memref<625x64xf32, #tpu.memory_space<vmem_shared>>)
      tpu.yield
    }) : () -> ()
    "tpu.region"() ({
      %run_scoped3A = tpu.sem_alloc : memref<!tpu.dma_semaphore, #tpu.memory_space<semaphore_mem>>
      %dma_start3A = arith.constant 0 : i32
      %dma_start3A_45 = arith.constant 0 : i32
      %dma_start3A_46 = tpu.memref_slice %arg3[%add3A, %dma_start3A, %dma_start3A_45] : memref<32x79x128xi32, #tpu.memory_space<hbm>> -> memref<1x79x128xi32, #tpu.memory_space<hbm>>
      %dma_start3A_47 = tpu.memref_squeeze %dma_start3A_46 : memref<1x79x128xi32, #tpu.memory_space<hbm>> -> memref<79x128xi32, #tpu.memory_space<hbm>>
      %dma_start3A_48 = arith.constant 0 : i32
      %dma_start3A_49 = arith.constant 0 : i32
      %dma_start3A_50 = tpu.memref_slice %arg3[%add3A, %dma_start3A_48, %dma_start3A_49] : memref<32x79x128xi32, #tpu.memory_space<hbm>> -> memref<1x79x128xi32, #tpu.memory_space<hbm>>
      %dma_start3A_51 = tpu.memref_squeeze %dma_start3A_50 : memref<1x79x128xi32, #tpu.memory_space<hbm>> -> memref<79x128xi32, #tpu.memory_space<hbm>>
      tpu.enqueue_dma source(%dma_start3A_51 : memref<79x128xi32, #tpu.memory_space<hbm>>) target(%arg6 : memref<79x128xi32, #tpu.memory_space<vmem>>) target_semaphore(%run_scoped3A : memref<!tpu.dma_semaphore, #tpu.memory_space<semaphore_mem>>)
      %dma_wait3A = arith.constant 0 : i32
      %dma_wait3A_52 = arith.constant 0 : i32
      %dma_wait3A_53 = tpu.memref_slice %arg3[%add3A, %dma_wait3A, %dma_wait3A_52] : memref<32x79x128xi32, #tpu.memory_space<hbm>> -> memref<1x79x128xi32, #tpu.memory_space<hbm>>
      %dma_wait3A_54 = tpu.memref_squeeze %dma_wait3A_53 : memref<1x79x128xi32, #tpu.memory_space<hbm>> -> memref<79x128xi32, #tpu.memory_space<hbm>>
      %dma_wait3A_55 = arith.constant 0 : i32
      %dma_wait3A_56 = arith.constant 0 : i32
      %dma_wait3A_57 = tpu.memref_slice %arg3[%add3A, %dma_wait3A_55, %dma_wait3A_56] : memref<32x79x128xi32, #tpu.memory_space<hbm>> -> memref<1x79x128xi32, #tpu.memory_space<hbm>>
      %dma_wait3A_58 = tpu.memref_squeeze %dma_wait3A_57 : memref<1x79x128xi32, #tpu.memory_space<hbm>> -> memref<79x128xi32, #tpu.memory_space<hbm>>
      tpu.wait_dma2 semaphore(%run_scoped3A : memref<!tpu.dma_semaphore, #tpu.memory_space<semaphore_mem>>) src(%dma_wait3A_58 : memref<79x128xi32, #tpu.memory_space<hbm>>) dst(%arg6 : memref<79x128xi32, #tpu.memory_space<vmem>>)
      tpu.yield
    }) : () -> ()
    "tpu.region"() ({
      %run_scoped3A = tpu.sem_alloc : memref<!tpu.dma_semaphore, #tpu.memory_space<semaphore_mem>>
      %dma_start3A = arith.constant 0 : i32
      %dma_start3A_45 = arith.constant 0 : i32
      %dma_start3A_46 = tpu.memref_slice %arg4[%add3A, %dma_start3A, %dma_start3A_45] : memref<32x79x128xi32, #tpu.memory_space<hbm>> -> memref<1x79x128xi32, #tpu.memory_space<hbm>>
      %dma_start3A_47 = tpu.memref_squeeze %dma_start3A_46 : memref<1x79x128xi32, #tpu.memory_space<hbm>> -> memref<79x128xi32, #tpu.memory_space<hbm>>
      %dma_start3A_48 = arith.constant 0 : i32
      %dma_start3A_49 = arith.constant 0 : i32
      %dma_start3A_50 = tpu.memref_slice %arg4[%add3A, %dma_start3A_48, %dma_start3A_49] : memref<32x79x128xi32, #tpu.memory_space<hbm>> -> memref<1x79x128xi32, #tpu.memory_space<hbm>>
      %dma_start3A_51 = tpu.memref_squeeze %dma_start3A_50 : memref<1x79x128xi32, #tpu.memory_space<hbm>> -> memref<79x128xi32, #tpu.memory_space<hbm>>
      tpu.enqueue_dma source(%dma_start3A_51 : memref<79x128xi32, #tpu.memory_space<hbm>>) target(%arg7 : memref<79x128xi32, #tpu.memory_space<vmem>>) target_semaphore(%run_scoped3A : memref<!tpu.dma_semaphore, #tpu.memory_space<semaphore_mem>>)
      %dma_wait3A = arith.constant 0 : i32
      %dma_wait3A_52 = arith.constant 0 : i32
      %dma_wait3A_53 = tpu.memref_slice %arg4[%add3A, %dma_wait3A, %dma_wait3A_52] : memref<32x79x128xi32, #tpu.memory_space<hbm>> -> memref<1x79x128xi32, #tpu.memory_space<hbm>>
      %dma_wait3A_54 = tpu.memref_squeeze %dma_wait3A_53 : memref<1x79x128xi32, #tpu.memory_space<hbm>> -> memref<79x128xi32, #tpu.memory_space<hbm>>
      %dma_wait3A_55 = arith.constant 0 : i32
      %dma_wait3A_56 = arith.constant 0 : i32
      %dma_wait3A_57 = tpu.memref_slice %arg4[%add3A, %dma_wait3A_55, %dma_wait3A_56] : memref<32x79x128xi32, #tpu.memory_space<hbm>> -> memref<1x79x128xi32, #tpu.memory_space<hbm>>
      %dma_wait3A_58 = tpu.memref_squeeze %dma_wait3A_57 : memref<1x79x128xi32, #tpu.memory_space<hbm>> -> memref<79x128xi32, #tpu.memory_space<hbm>>
      tpu.wait_dma2 semaphore(%run_scoped3A : memref<!tpu.dma_semaphore, #tpu.memory_space<semaphore_mem>>) src(%dma_wait3A_58 : memref<79x128xi32, #tpu.memory_space<hbm>>) dst(%arg7 : memref<79x128xi32, #tpu.memory_space<vmem>>)
      tpu.yield
    }) : () -> ()
    %barrier3A = arith.constant 0 : index
    tpu.barrier barrier_id(%barrier3A)
    %scan3A_31 = arith.constant 0 : i32
    %scan3A_32 = arith.constant 0 : i32
    %scan3A_33 = arith.constant 79 : i32
    %scan3A_34 = arith.addi %scan3A_32, %scan3A_33 : i32
    %scan3A_35 = arith.constant 1 : i32
    scf.for %scan3A_45 = %scan3A_32 to %scan3A_34 step %scan3A_35  : i32 {
      %dma_start3A = arith.constant 0 : i32
      %dma_start3A_46 = tpu.memref_slice %arg6[%scan3A_45, %dma_start3A] : memref<79x128xi32, #tpu.memory_space<vmem>> -> memref<1x128xi32, #tpu.memory_space<vmem>>
      %dma_start3A_47 = tpu.memref_squeeze %dma_start3A_46 : memref<1x128xi32, #tpu.memory_space<vmem>> -> memref<128xi32, #tpu.memory_space<vmem>>
      %dma_start3A_48 = arith.constant 0 : i32
      %dma_start3A_49 = arith.constant 0 : i32
      %dma_start3A_50 = tpu.memref_slice %arg9[%dma_start3A_48, %dma_start3A_49] : memref<10000x64xf32, #tpu.memory_space<vmem_shared>> -> memref<10000x64xf32, #tpu.memory_space<vmem_shared>>
      tpu.enqueue_indirect_dma source(%dma_start3A_50 : memref<10000x64xf32, #tpu.memory_space<vmem_shared>>) target(%arg8 : memref<128x64xf32, #tpu.memory_space<vmem>>) offsets(%dma_start3A_47 : memref<128xi32, #tpu.memory_space<vmem>>) semaphore(%arg11 : memref<!tpu.dma_semaphore, #tpu.memory_space<semaphore_mem>>)
      %dma_wait3A = arith.constant 0 : i32
      %dma_wait3A_51 = tpu.memref_slice %arg6[%scan3A_45, %dma_wait3A] : memref<79x128xi32, #tpu.memory_space<vmem>> -> memref<1x128xi32, #tpu.memory_space<vmem>>
      %dma_wait3A_52 = tpu.memref_squeeze %dma_wait3A_51 : memref<1x128xi32, #tpu.memory_space<vmem>> -> memref<128xi32, #tpu.memory_space<vmem>>
      %dma_wait3A_53 = arith.constant 0 : i32
      %dma_wait3A_54 = arith.constant 0 : i32
      %dma_wait3A_55 = tpu.memref_slice %arg9[%dma_wait3A_53, %dma_wait3A_54] : memref<10000x64xf32, #tpu.memory_space<vmem_shared>> -> memref<10000x64xf32, #tpu.memory_space<vmem_shared>>
      tpu.wait_indirect_dma semaphore(%arg11 : memref<!tpu.dma_semaphore, #tpu.memory_space<semaphore_mem>>) src(%dma_wait3A_55 : memref<10000x64xf32, #tpu.memory_space<vmem_shared>>) dst(%arg8 : memref<128x64xf32, #tpu.memory_space<vmem>>)
      %dma_start3A_56 = arith.constant 0 : i32
      %dma_start3A_57 = tpu.memref_slice %arg7[%scan3A_45, %dma_start3A_56] : memref<79x128xi32, #tpu.memory_space<vmem>> -> memref<1x128xi32, #tpu.memory_space<vmem>>
      %dma_start3A_58 = tpu.memref_squeeze %dma_start3A_57 : memref<1x128xi32, #tpu.memory_space<vmem>> -> memref<128xi32, #tpu.memory_space<vmem>>
      %dma_start3A_59 = arith.constant 0 : i32
      %dma_start3A_60 = arith.constant 0 : i32
      %dma_start3A_61 = tpu.memref_slice %arg10[%dma_start3A_59, %dma_start3A_60] : memref<10240x64xf32, #tpu.memory_space<vmem_shared>> -> memref<10240x64xf32, #tpu.memory_space<vmem_shared>>
      tpu.enqueue_indirect_dma source(%arg8 : memref<128x64xf32, #tpu.memory_space<vmem>>) target(%dma_start3A_61 : memref<10240x64xf32, #tpu.memory_space<vmem_shared>>) offsets(%dma_start3A_58 : memref<128xi32, #tpu.memory_space<vmem>>) semaphore(%arg12 : memref<!tpu.dma_semaphore, #tpu.memory_space<semaphore_mem>>) {add = true}
      %dma_wait3A_62 = arith.constant 0 : i32
      %dma_wait3A_63 = tpu.memref_slice %arg7[%scan3A_45, %dma_wait3A_62] : memref<79x128xi32, #tpu.memory_space<vmem>> -> memref<1x128xi32, #tpu.memory_space<vmem>>
      %dma_wait3A_64 = tpu.memref_squeeze %dma_wait3A_63 : memref<1x128xi32, #tpu.memory_space<vmem>> -> memref<128xi32, #tpu.memory_space<vmem>>
      %dma_wait3A_65 = arith.constant 0 : i32
      %dma_wait3A_66 = arith.constant 0 : i32
      %dma_wait3A_67 = tpu.memref_slice %arg10[%dma_wait3A_65, %dma_wait3A_66] : memref<10240x64xf32, #tpu.memory_space<vmem_shared>> -> memref<10240x64xf32, #tpu.memory_space<vmem_shared>>
      tpu.wait_indirect_dma semaphore(%arg12 : memref<!tpu.dma_semaphore, #tpu.memory_space<semaphore_mem>>) src(%arg8 : memref<128x64xf32, #tpu.memory_space<vmem>>) dst(%dma_wait3A_67 : memref<10240x64xf32, #tpu.memory_space<vmem_shared>>)
    }
    %scan3A_36 = arith.constant 79 : i32
    %barrier3A_37 = arith.constant 0 : index
    tpu.barrier barrier_id(%barrier3A_37)
    %mul3A_38 = arith.constant 640 : i32
    %mul3A_39 = arith.muli %arg1, %mul3A_38 : i32
    %mul3A_40 = arith.constant 10240 : i32
    %mul3A_41 = arith.muli %arg0, %mul3A_40 : i32
    %mul3A_42 = arith.constant 640 : i32
    %mul3A_43 = arith.muli %arg1, %mul3A_42 : i32
    %add3A_44 = arith.addi %mul3A_41, %mul3A_43 : i32
    "tpu.region"() ({
      %run_scoped3A = tpu.sem_alloc : memref<!tpu.dma_semaphore, #tpu.memory_space<semaphore_mem>>
      %dma_start3A = arith.constant 0 : i32
      %dma_start3A_45 = tpu.memref_slice %arg5[%add3A_44, %dma_start3A] : memref<20480x64xf32, #tpu.memory_space<hbm>> -> memref<640x64xf32, #tpu.memory_space<hbm>>
      %dma_start3A_46 = arith.constant 0 : i32
      %dma_start3A_47 = tpu.memref_slice %arg10[%mul3A_39, %dma_start3A_46] : memref<10240x64xf32, #tpu.memory_space<vmem_shared>> -> memref<640x64xf32, #tpu.memory_space<vmem_shared>>
      tpu.enqueue_dma source(%dma_start3A_47 : memref<640x64xf32, #tpu.memory_space<vmem_shared>>) target(%dma_start3A_45 : memref<640x64xf32, #tpu.memory_space<hbm>>) target_semaphore(%run_scoped3A : memref<!tpu.dma_semaphore, #tpu.memory_space<semaphore_mem>>)
      %dma_wait3A = arith.constant 0 : i32
      %dma_wait3A_48 = tpu.memref_slice %arg5[%add3A_44, %dma_wait3A] : memref<20480x64xf32, #tpu.memory_space<hbm>> -> memref<640x64xf32, #tpu.memory_space<hbm>>
      %dma_wait3A_49 = arith.constant 0 : i32
      %dma_wait3A_50 = tpu.memref_slice %arg10[%mul3A_39, %dma_wait3A_49] : memref<10240x64xf32, #tpu.memory_space<vmem_shared>> -> memref<640x64xf32, #tpu.memory_space<vmem_shared>>
      tpu.wait_dma2 semaphore(%run_scoped3A : memref<!tpu.dma_semaphore, #tpu.memory_space<semaphore_mem>>) src(%dma_wait3A_50 : memref<640x64xf32, #tpu.memory_space<vmem_shared>>) dst(%dma_wait3A_48 : memref<640x64xf32, #tpu.memory_space<hbm>>)
      tpu.yield
    }) : () -> ()
    return
  }
}

module attributes {stable_mosaic.version = 14 : i64} {
  func.func @_tc_pre_body(%arg0: i32, %arg1: memref<5xf32, #tpu.memory_space<smem>>, %arg2: memref<2000x128xf32, #tpu.memory_space<vmem>>, %arg3: memref<128x64xf32, #tpu.memory_space<vmem>>, %arg4: memref<1x64xf32, #tpu.memory_space<vmem>>, %arg5: memref<2000x64xf32, #tpu.memory_space<vmem>>) attributes {dimension_semantics = [#tpu.dimension_semantics<arbitrary>], iteration_bounds = array<i64: 5>, scalar_prefetch = 0 : i64, scratch_operands = 0 : i64, tpu.core_type = #tpu.core_type<tc>, window_params = [{transform_indices = @transform_0, window_bounds = array<i64: 5>}, {transform_indices = @transform_1, window_bounds = array<i64: 2000, 128>}, {pipeline_mode = #tpu.pipeline_mode<synchronous>, transform_indices = @transform_2, window_bounds = array<i64: 128, 64>}, {pipeline_mode = #tpu.pipeline_mode<synchronous>, transform_indices = @transform_3, window_bounds = array<i64: 1, 64>}, {transform_indices = @transform_4, window_bounds = array<i64: 2000, 64>}]} {
    %get3A = arith.constant 0 : index
    %get3A_0 = arith.constant 0 : index
    %get3A_1 = vector.load %arg2[%get3A, %get3A_0] : memref<2000x128xf32, #tpu.memory_space<vmem>>, vector<2000x128xf32>
    %get3A_2 = arith.constant 0 : index
    %get3A_3 = arith.constant 0 : index
    %get3A_4 = vector.load %arg3[%get3A_2, %get3A_3] : memref<128x64xf32, #tpu.memory_space<vmem>>, vector<128x64xf32>
    %dot_general3A = arith.constant dense<0.000000e+00> : vector<2000x64xf32>
    %dot_general3A_5 = tpu.matmul %get3A_1, %get3A_4, %dot_general3A {dimension_numbers = #tpu.dot_dimension_numbers<[1], [0], [0], [1], [0, 0, 1, 1], [], []>, transpose_lhs_hint = false} : vector<2000x128xf32>, vector<128x64xf32>, vector<2000x64xf32> -> vector<2000x64xf32>
    %get3A_6 = arith.constant 0 : index
    %get3A_7 = arith.constant 0 : index
    %get3A_8 = vector.load %arg4[%get3A_6, %get3A_7] : memref<1x64xf32, #tpu.memory_space<vmem>>, vector<1x64xf32>
    %add3A = vector.broadcast %get3A_8 : vector<1x64xf32> to vector<2000x64xf32>
    %add3A_9 = arith.addf %dot_general3A_5, %add3A : vector<2000x64xf32>
    %get3A_10 = arith.constant 0 : index
    %get3A_11 = memref.load %arg1[%get3A_10] : memref<5xf32, #tpu.memory_space<smem>>
    %get3A_12 = arith.constant 1 : index
    %get3A_13 = memref.load %arg1[%get3A_12] : memref<5xf32, #tpu.memory_space<smem>>
    %get3A_14 = arith.constant 2 : index
    %get3A_15 = memref.load %arg1[%get3A_14] : memref<5xf32, #tpu.memory_space<smem>>
    %get3A_16 = arith.constant 3 : index
    %get3A_17 = memref.load %arg1[%get3A_16] : memref<5xf32, #tpu.memory_space<smem>>
    %get3A_18 = arith.constant 4 : index
    %get3A_19 = memref.load %arg1[%get3A_18] : memref<5xf32, #tpu.memory_space<smem>>
    %add3A_20 = vector.broadcast %get3A_13 : f32 to vector<2000x64xf32>
    %add3A_21 = arith.addf %add3A_9, %add3A_20 : vector<2000x64xf32>
    %mul3A = vector.broadcast %get3A_11 : f32 to vector<2000x64xf32>
    %mul3A_22 = arith.mulf %mul3A, %add3A_21 : vector<2000x64xf32>
    %square3A = arith.mulf %add3A_9, %add3A_9 : vector<2000x64xf32>
    %mul3A_23 = vector.broadcast %get3A_15 : f32 to vector<2000x64xf32>
    %mul3A_24 = arith.mulf %mul3A_23, %square3A : vector<2000x64xf32>
    %jit3A = arith.constant -1.000000e+02 : f32
    %jit3A_25 = arith.constant 1.000000e+02 : f32
    %max3A = vector.broadcast %jit3A : f32 to vector<2000x64xf32>
    %max3A_26 = arith.maximumf %max3A, %mul3A_24 : vector<2000x64xf32>
    %min3A = vector.broadcast %jit3A_25 : f32 to vector<2000x64xf32>
    %min3A_27 = arith.minimumf %min3A, %max3A_26 : vector<2000x64xf32>
    %add3A_28 = arith.addf %mul3A_22, %min3A_27 : vector<2000x64xf32>
    %sub3A = vector.broadcast %get3A_13 : f32 to vector<2000x64xf32>
    %sub3A_29 = arith.subf %add3A_9, %sub3A : vector<2000x64xf32>
    %mul3A_30 = vector.broadcast %get3A_17 : f32 to vector<2000x64xf32>
    %mul3A_31 = arith.mulf %mul3A_30, %sub3A_29 : vector<2000x64xf32>
    %max3A_32 = arith.constant 0.000000e+00 : f32
    %max3A_33 = vector.broadcast %max3A_32 : f32 to vector<2000x64xf32>
    %max3A_34 = arith.maximumf %add3A_28, %max3A_33 : vector<2000x64xf32>
    %abs3A = math.absf %add3A_28 : vector<2000x64xf32>
    %neg3A = arith.constant 0.000000e+00 : f32
    %neg3A_35 = vector.broadcast %neg3A : f32 to vector<2000x64xf32>
    %neg3A_36 = arith.subf %neg3A_35, %abs3A : vector<2000x64xf32>
    %exp3A = math.exp %neg3A_36 : vector<2000x64xf32>
    %log1p3A = math.log1p %exp3A : vector<2000x64xf32>
    %add3A_37 = arith.addf %max3A_34, %log1p3A : vector<2000x64xf32>
    %max3A_38 = arith.constant 0.000000e+00 : f32
    %max3A_39 = vector.broadcast %max3A_38 : f32 to vector<2000x64xf32>
    %max3A_40 = arith.maximumf %mul3A_31, %max3A_39 : vector<2000x64xf32>
    %abs3A_41 = math.absf %mul3A_31 : vector<2000x64xf32>
    %neg3A_42 = arith.constant 0.000000e+00 : f32
    %neg3A_43 = vector.broadcast %neg3A_42 : f32 to vector<2000x64xf32>
    %neg3A_44 = arith.subf %neg3A_43, %abs3A_41 : vector<2000x64xf32>
    %exp3A_45 = math.exp %neg3A_44 : vector<2000x64xf32>
    %log1p3A_46 = math.log1p %exp3A_45 : vector<2000x64xf32>
    %add3A_47 = arith.addf %max3A_40, %log1p3A_46 : vector<2000x64xf32>
    %sub3A_48 = arith.subf %add3A_37, %add3A_47 : vector<2000x64xf32>
    %add3A_49 = vector.broadcast %get3A_19 : f32 to vector<2000x64xf32>
    %add3A_50 = arith.addf %sub3A_48, %add3A_49 : vector<2000x64xf32>
    %swap3A = arith.constant 0 : index
    %swap3A_51 = arith.constant 0 : index
    %swap3A_52 = vector.load %arg5[%swap3A, %swap3A_51] : memref<2000x64xf32, #tpu.memory_space<vmem>>, vector<2000x64xf32>
    tpu.vector_store %arg5[%swap3A, %swap3A_51], %add3A_50 {strides = array<i32>} : memref<2000x64xf32, #tpu.memory_space<vmem>>, vector<2000x64xf32>,
    return
  }
  func.func @transform_0(%arg0: i32) -> i32 {
    %c0_i32 = arith.constant 0 : i32
    %c0_i32_0 = arith.constant 0 : i32
    return %c0_i32 : i32
  }
  func.func @transform_1(%arg0: i32) -> (i32, i32) {
    %c0_i32 = arith.constant 0 : i32
    %c0_i32_0 = arith.constant 0 : i32
    return %arg0, %c0_i32 : i32, i32
  }
  func.func @transform_2(%arg0: i32) -> (i32, i32) {
    %c0_i32 = arith.constant 0 : i32
    %c0_i32_0 = arith.constant 0 : i32
    %c0_i32_1 = arith.constant 0 : i32
    return %c0_i32, %c0_i32_0 : i32, i32
  }
  func.func @transform_3(%arg0: i32) -> (i32, i32) {
    %c0_i32 = arith.constant 0 : i32
    %c0_i32_0 = arith.constant 0 : i32
    %c0_i32_1 = arith.constant 0 : i32
    return %c0_i32, %c0_i32_0 : i32, i32
  }
  func.func @transform_4(%arg0: i32) -> (i32, i32) {
    %c0_i32 = arith.constant 0 : i32
    %c0_i32_0 = arith.constant 0 : i32
    return %arg0, %c0_i32 : i32, i32
  }
}

module attributes {stable_mosaic.version = 14 : i64} {
  func.func @_tc_layer_body(%arg0: i32, %arg1: memref<5xf32, #tpu.memory_space<smem>>, %arg2: memref<1x2000x64xf32, #tpu.memory_space<vmem>>, %arg3: memref<1x2000x64xf32, #tpu.memory_space<vmem>>, %arg4: memref<2000x64xf32, #tpu.memory_space<vmem>>, %arg5: memref<64x64xf32, #tpu.memory_space<vmem>>, %arg6: memref<2000x64xf32, #tpu.memory_space<vmem>>) attributes {dimension_semantics = [#tpu.dimension_semantics<arbitrary>], iteration_bounds = array<i64: 5>, scalar_prefetch = 0 : i64, scratch_operands = 0 : i64, tpu.core_type = #tpu.core_type<tc>, window_params = [{transform_indices = @transform_0, window_bounds = array<i64: 5>}, {transform_indices = @transform_1, window_bounds = array<i64: 1, 2000, 64>}, {transform_indices = @transform_2, window_bounds = array<i64: 1, 2000, 64>}, {transform_indices = @transform_3, window_bounds = array<i64: 2000, 64>}, {pipeline_mode = #tpu.pipeline_mode<synchronous>, transform_indices = @transform_4, window_bounds = array<i64: 64, 64>}, {transform_indices = @transform_5, window_bounds = array<i64: 2000, 64>}]} {
    %get3A = arith.constant 0 : index
    %get3A_0 = arith.constant 0 : index
    %get3A_1 = arith.constant 0 : index
    %get3A_2 = vector.load %arg2[%get3A, %get3A_0, %get3A_1] : memref<1x2000x64xf32, #tpu.memory_space<vmem>>, vector<1x2000x64xf32>
    %get3A_3 = vector.shape_cast %get3A_2 : vector<1x2000x64xf32> to vector<2000x64xf32>
    %get3A_4 = arith.constant 0 : index
    %get3A_5 = arith.constant 0 : index
    %get3A_6 = arith.constant 0 : index
    %get3A_7 = vector.load %arg3[%get3A_4, %get3A_5, %get3A_6] : memref<1x2000x64xf32, #tpu.memory_space<vmem>>, vector<1x2000x64xf32>
    %get3A_8 = vector.shape_cast %get3A_7 : vector<1x2000x64xf32> to vector<2000x64xf32>
    %add3A = arith.addf %get3A_3, %get3A_8 : vector<2000x64xf32>
    %mul3A = arith.constant 0.899999976 : f32
    %mul3A_9 = vector.broadcast %mul3A : f32 to vector<2000x64xf32>
    %mul3A_10 = arith.mulf %add3A, %mul3A_9 : vector<2000x64xf32>
    %get3A_11 = arith.constant 0 : index
    %get3A_12 = arith.constant 0 : index
    %get3A_13 = vector.load %arg4[%get3A_11, %get3A_12] : memref<2000x64xf32, #tpu.memory_space<vmem>>, vector<2000x64xf32>
    %mul3A_14 = arith.constant 1.000000e-01 : f32
    %mul3A_15 = vector.broadcast %mul3A_14 : f32 to vector<2000x64xf32>
    %mul3A_16 = arith.mulf %mul3A_15, %get3A_13 : vector<2000x64xf32>
    %add3A_17 = arith.addf %mul3A_10, %mul3A_16 : vector<2000x64xf32>
    %mul3A_18 = arith.constant 0.594534874 : f32
    %mul3A_19 = vector.broadcast %mul3A_18 : f32 to vector<2000x64xf32>
    %mul3A_20 = arith.mulf %mul3A_19, %add3A_17 : vector<2000x64xf32>
    %get3A_21 = arith.constant 0 : index
    %get3A_22 = arith.constant 0 : index
    %get3A_23 = vector.load %arg5[%get3A_21, %get3A_22] : memref<64x64xf32, #tpu.memory_space<vmem>>, vector<64x64xf32>
    %dot_general3A = arith.constant dense<0.000000e+00> : vector<2000x64xf32>
    %dot_general3A_24 = tpu.matmul %add3A_17, %get3A_23, %dot_general3A {dimension_numbers = #tpu.dot_dimension_numbers<[1], [0], [0], [1], [0, 0, 1, 1], [], []>, transpose_lhs_hint = false} : vector<2000x64xf32>, vector<64x64xf32>, vector<2000x64xf32> -> vector<2000x64xf32>
    %mul3A_25 = arith.constant 0.405465096 : f32
    %mul3A_26 = vector.broadcast %mul3A_25 : f32 to vector<2000x64xf32>
    %mul3A_27 = arith.mulf %mul3A_26, %dot_general3A_24 : vector<2000x64xf32>
    %add3A_28 = arith.addf %mul3A_20, %mul3A_27 : vector<2000x64xf32>
    %get3A_29 = arith.constant 0 : index
    %get3A_30 = memref.load %arg1[%get3A_29] : memref<5xf32, #tpu.memory_space<smem>>
    %get3A_31 = arith.constant 1 : index
    %get3A_32 = memref.load %arg1[%get3A_31] : memref<5xf32, #tpu.memory_space<smem>>
    %get3A_33 = arith.constant 2 : index
    %get3A_34 = memref.load %arg1[%get3A_33] : memref<5xf32, #tpu.memory_space<smem>>
    %get3A_35 = arith.constant 3 : index
    %get3A_36 = memref.load %arg1[%get3A_35] : memref<5xf32, #tpu.memory_space<smem>>
    %get3A_37 = arith.constant 4 : index
    %get3A_38 = memref.load %arg1[%get3A_37] : memref<5xf32, #tpu.memory_space<smem>>
    %add3A_39 = vector.broadcast %get3A_32 : f32 to vector<2000x64xf32>
    %add3A_40 = arith.addf %add3A_28, %add3A_39 : vector<2000x64xf32>
    %mul3A_41 = vector.broadcast %get3A_30 : f32 to vector<2000x64xf32>
    %mul3A_42 = arith.mulf %mul3A_41, %add3A_40 : vector<2000x64xf32>
    %square3A = arith.mulf %add3A_28, %add3A_28 : vector<2000x64xf32>
    %mul3A_43 = vector.broadcast %get3A_34 : f32 to vector<2000x64xf32>
    %mul3A_44 = arith.mulf %mul3A_43, %square3A : vector<2000x64xf32>
    %jit3A = arith.constant -1.000000e+02 : f32
    %jit3A_45 = arith.constant 1.000000e+02 : f32
    %max3A = vector.broadcast %jit3A : f32 to vector<2000x64xf32>
    %max3A_46 = arith.maximumf %max3A, %mul3A_44 : vector<2000x64xf32>
    %min3A = vector.broadcast %jit3A_45 : f32 to vector<2000x64xf32>
    %min3A_47 = arith.minimumf %min3A, %max3A_46 : vector<2000x64xf32>
    %add3A_48 = arith.addf %mul3A_42, %min3A_47 : vector<2000x64xf32>
    %sub3A = vector.broadcast %get3A_32 : f32 to vector<2000x64xf32>
    %sub3A_49 = arith.subf %add3A_28, %sub3A : vector<2000x64xf32>
    %mul3A_50 = vector.broadcast %get3A_36 : f32 to vector<2000x64xf32>
    %mul3A_51 = arith.mulf %mul3A_50, %sub3A_49 : vector<2000x64xf32>
    %max3A_52 = arith.constant 0.000000e+00 : f32
    %max3A_53 = vector.broadcast %max3A_52 : f32 to vector<2000x64xf32>
    %max3A_54 = arith.maximumf %add3A_48, %max3A_53 : vector<2000x64xf32>
    %abs3A = math.absf %add3A_48 : vector<2000x64xf32>
    %neg3A = arith.constant 0.000000e+00 : f32
    %neg3A_55 = vector.broadcast %neg3A : f32 to vector<2000x64xf32>
    %neg3A_56 = arith.subf %neg3A_55, %abs3A : vector<2000x64xf32>
    %exp3A = math.exp %neg3A_56 : vector<2000x64xf32>
    %log1p3A = math.log1p %exp3A : vector<2000x64xf32>
    %add3A_57 = arith.addf %max3A_54, %log1p3A : vector<2000x64xf32>
    %max3A_58 = arith.constant 0.000000e+00 : f32
    %max3A_59 = vector.broadcast %max3A_58 : f32 to vector<2000x64xf32>
    %max3A_60 = arith.maximumf %mul3A_51, %max3A_59 : vector<2000x64xf32>
    %abs3A_61 = math.absf %mul3A_51 : vector<2000x64xf32>
    %neg3A_62 = arith.constant 0.000000e+00 : f32
    %neg3A_63 = vector.broadcast %neg3A_62 : f32 to vector<2000x64xf32>
    %neg3A_64 = arith.subf %neg3A_63, %abs3A_61 : vector<2000x64xf32>
    %exp3A_65 = math.exp %neg3A_64 : vector<2000x64xf32>
    %log1p3A_66 = math.log1p %exp3A_65 : vector<2000x64xf32>
    %add3A_67 = arith.addf %max3A_60, %log1p3A_66 : vector<2000x64xf32>
    %sub3A_68 = arith.subf %add3A_57, %add3A_67 : vector<2000x64xf32>
    %add3A_69 = vector.broadcast %get3A_38 : f32 to vector<2000x64xf32>
    %add3A_70 = arith.addf %sub3A_68, %add3A_69 : vector<2000x64xf32>
    %swap3A = arith.constant 0 : index
    %swap3A_71 = arith.constant 0 : index
    %swap3A_72 = vector.load %arg6[%swap3A, %swap3A_71] : memref<2000x64xf32, #tpu.memory_space<vmem>>, vector<2000x64xf32>
    tpu.vector_store %arg6[%swap3A, %swap3A_71], %add3A_70 {strides = array<i32>} : memref<2000x64xf32, #tpu.memory_space<vmem>>, vector<2000x64xf32>,
    return
  }
  func.func @transform_0(%arg0: i32) -> i32 {
    %c0_i32 = arith.constant 0 : i32
    %c0_i32_0 = arith.constant 0 : i32
    return %c0_i32 : i32
  }
  func.func @transform_1(%arg0: i32) -> (i32, i32, i32) {
    %c0_i32 = arith.constant 0 : i32
    %c0_i32_0 = arith.constant 0 : i32
    %c0_i32_1 = arith.constant 0 : i32
    return %c0_i32, %arg0, %c0_i32_0 : i32, i32, i32
  }
  func.func @transform_2(%arg0: i32) -> (i32, i32, i32) {
    %c1_i32 = arith.constant 1 : i32
    %c0_i32 = arith.constant 0 : i32
    %c0_i32_0 = arith.constant 0 : i32
    return %c1_i32, %arg0, %c0_i32 : i32, i32, i32
  }
  func.func @transform_3(%arg0: i32) -> (i32, i32) {
    %c0_i32 = arith.constant 0 : i32
    %c0_i32_0 = arith.constant 0 : i32
    return %arg0, %c0_i32 : i32, i32
  }
  func.func @transform_4(%arg0: i32) -> (i32, i32) {
    %c0_i32 = arith.constant 0 : i32
    %c0_i32_0 = arith.constant 0 : i32
    %c0_i32_1 = arith.constant 0 : i32
    return %c0_i32, %c0_i32_0 : i32, i32
  }
  func.func @transform_5(%arg0: i32) -> (i32, i32) {
    %c0_i32 = arith.constant 0 : i32
    %c0_i32_0 = arith.constant 0 : i32
    return %arg0, %c0_i32 : i32, i32
  }
}

module attributes {stable_mosaic.version = 14 : i64} {
  func.func @_tc_layer_body(%arg0: i32, %arg1: memref<5xf32, #tpu.memory_space<smem>>, %arg2: memref<1x2000x64xf32, #tpu.memory_space<vmem>>, %arg3: memref<1x2000x64xf32, #tpu.memory_space<vmem>>, %arg4: memref<2000x64xf32, #tpu.memory_space<vmem>>, %arg5: memref<64x64xf32, #tpu.memory_space<vmem>>, %arg6: memref<2000x64xf32, #tpu.memory_space<vmem>>) attributes {dimension_semantics = [#tpu.dimension_semantics<arbitrary>], iteration_bounds = array<i64: 5>, scalar_prefetch = 0 : i64, scratch_operands = 0 : i64, tpu.core_type = #tpu.core_type<tc>, window_params = [{transform_indices = @transform_0, window_bounds = array<i64: 5>}, {transform_indices = @transform_1, window_bounds = array<i64: 1, 2000, 64>}, {transform_indices = @transform_2, window_bounds = array<i64: 1, 2000, 64>}, {transform_indices = @transform_3, window_bounds = array<i64: 2000, 64>}, {pipeline_mode = #tpu.pipeline_mode<synchronous>, transform_indices = @transform_4, window_bounds = array<i64: 64, 64>}, {transform_indices = @transform_5, window_bounds = array<i64: 2000, 64>}]} {
    %get3A = arith.constant 0 : index
    %get3A_0 = arith.constant 0 : index
    %get3A_1 = arith.constant 0 : index
    %get3A_2 = vector.load %arg2[%get3A, %get3A_0, %get3A_1] : memref<1x2000x64xf32, #tpu.memory_space<vmem>>, vector<1x2000x64xf32>
    %get3A_3 = vector.shape_cast %get3A_2 : vector<1x2000x64xf32> to vector<2000x64xf32>
    %get3A_4 = arith.constant 0 : index
    %get3A_5 = arith.constant 0 : index
    %get3A_6 = arith.constant 0 : index
    %get3A_7 = vector.load %arg3[%get3A_4, %get3A_5, %get3A_6] : memref<1x2000x64xf32, #tpu.memory_space<vmem>>, vector<1x2000x64xf32>
    %get3A_8 = vector.shape_cast %get3A_7 : vector<1x2000x64xf32> to vector<2000x64xf32>
    %add3A = arith.addf %get3A_3, %get3A_8 : vector<2000x64xf32>
    %mul3A = arith.constant 0.899999976 : f32
    %mul3A_9 = vector.broadcast %mul3A : f32 to vector<2000x64xf32>
    %mul3A_10 = arith.mulf %add3A, %mul3A_9 : vector<2000x64xf32>
    %get3A_11 = arith.constant 0 : index
    %get3A_12 = arith.constant 0 : index
    %get3A_13 = vector.load %arg4[%get3A_11, %get3A_12] : memref<2000x64xf32, #tpu.memory_space<vmem>>, vector<2000x64xf32>
    %mul3A_14 = arith.constant 1.000000e-01 : f32
    %mul3A_15 = vector.broadcast %mul3A_14 : f32 to vector<2000x64xf32>
    %mul3A_16 = arith.mulf %mul3A_15, %get3A_13 : vector<2000x64xf32>
    %add3A_17 = arith.addf %mul3A_10, %mul3A_16 : vector<2000x64xf32>
    %mul3A_18 = arith.constant 0.776856422 : f32
    %mul3A_19 = vector.broadcast %mul3A_18 : f32 to vector<2000x64xf32>
    %mul3A_20 = arith.mulf %mul3A_19, %add3A_17 : vector<2000x64xf32>
    %get3A_21 = arith.constant 0 : index
    %get3A_22 = arith.constant 0 : index
    %get3A_23 = vector.load %arg5[%get3A_21, %get3A_22] : memref<64x64xf32, #tpu.memory_space<vmem>>, vector<64x64xf32>
    %dot_general3A = arith.constant dense<0.000000e+00> : vector<2000x64xf32>
    %dot_general3A_24 = tpu.matmul %add3A_17, %get3A_23, %dot_general3A {dimension_numbers = #tpu.dot_dimension_numbers<[1], [0], [0], [1], [0, 0, 1, 1], [], []>, transpose_lhs_hint = false} : vector<2000x64xf32>, vector<64x64xf32>, vector<2000x64xf32> -> vector<2000x64xf32>
    %mul3A_25 = arith.constant 0.223143548 : f32
    %mul3A_26 = vector.broadcast %mul3A_25 : f32 to vector<2000x64xf32>
    %mul3A_27 = arith.mulf %mul3A_26, %dot_general3A_24 : vector<2000x64xf32>
    %add3A_28 = arith.addf %mul3A_20, %mul3A_27 : vector<2000x64xf32>
    %get3A_29 = arith.constant 0 : index
    %get3A_30 = memref.load %arg1[%get3A_29] : memref<5xf32, #tpu.memory_space<smem>>
    %get3A_31 = arith.constant 1 : index
    %get3A_32 = memref.load %arg1[%get3A_31] : memref<5xf32, #tpu.memory_space<smem>>
    %get3A_33 = arith.constant 2 : index
    %get3A_34 = memref.load %arg1[%get3A_33] : memref<5xf32, #tpu.memory_space<smem>>
    %get3A_35 = arith.constant 3 : index
    %get3A_36 = memref.load %arg1[%get3A_35] : memref<5xf32, #tpu.memory_space<smem>>
    %get3A_37 = arith.constant 4 : index
    %get3A_38 = memref.load %arg1[%get3A_37] : memref<5xf32, #tpu.memory_space<smem>>
    %add3A_39 = vector.broadcast %get3A_32 : f32 to vector<2000x64xf32>
    %add3A_40 = arith.addf %add3A_28, %add3A_39 : vector<2000x64xf32>
    %mul3A_41 = vector.broadcast %get3A_30 : f32 to vector<2000x64xf32>
    %mul3A_42 = arith.mulf %mul3A_41, %add3A_40 : vector<2000x64xf32>
    %square3A = arith.mulf %add3A_28, %add3A_28 : vector<2000x64xf32>
    %mul3A_43 = vector.broadcast %get3A_34 : f32 to vector<2000x64xf32>
    %mul3A_44 = arith.mulf %mul3A_43, %square3A : vector<2000x64xf32>
    %jit3A = arith.constant -1.000000e+02 : f32
    %jit3A_45 = arith.constant 1.000000e+02 : f32
    %max3A = vector.broadcast %jit3A : f32 to vector<2000x64xf32>
    %max3A_46 = arith.maximumf %max3A, %mul3A_44 : vector<2000x64xf32>
    %min3A = vector.broadcast %jit3A_45 : f32 to vector<2000x64xf32>
    %min3A_47 = arith.minimumf %min3A, %max3A_46 : vector<2000x64xf32>
    %add3A_48 = arith.addf %mul3A_42, %min3A_47 : vector<2000x64xf32>
    %sub3A = vector.broadcast %get3A_32 : f32 to vector<2000x64xf32>
    %sub3A_49 = arith.subf %add3A_28, %sub3A : vector<2000x64xf32>
    %mul3A_50 = vector.broadcast %get3A_36 : f32 to vector<2000x64xf32>
    %mul3A_51 = arith.mulf %mul3A_50, %sub3A_49 : vector<2000x64xf32>
    %max3A_52 = arith.constant 0.000000e+00 : f32
    %max3A_53 = vector.broadcast %max3A_52 : f32 to vector<2000x64xf32>
    %max3A_54 = arith.maximumf %add3A_48, %max3A_53 : vector<2000x64xf32>
    %abs3A = math.absf %add3A_48 : vector<2000x64xf32>
    %neg3A = arith.constant 0.000000e+00 : f32
    %neg3A_55 = vector.broadcast %neg3A : f32 to vector<2000x64xf32>
    %neg3A_56 = arith.subf %neg3A_55, %abs3A : vector<2000x64xf32>
    %exp3A = math.exp %neg3A_56 : vector<2000x64xf32>
    %log1p3A = math.log1p %exp3A : vector<2000x64xf32>
    %add3A_57 = arith.addf %max3A_54, %log1p3A : vector<2000x64xf32>
    %max3A_58 = arith.constant 0.000000e+00 : f32
    %max3A_59 = vector.broadcast %max3A_58 : f32 to vector<2000x64xf32>
    %max3A_60 = arith.maximumf %mul3A_51, %max3A_59 : vector<2000x64xf32>
    %abs3A_61 = math.absf %mul3A_51 : vector<2000x64xf32>
    %neg3A_62 = arith.constant 0.000000e+00 : f32
    %neg3A_63 = vector.broadcast %neg3A_62 : f32 to vector<2000x64xf32>
    %neg3A_64 = arith.subf %neg3A_63, %abs3A_61 : vector<2000x64xf32>
    %exp3A_65 = math.exp %neg3A_64 : vector<2000x64xf32>
    %log1p3A_66 = math.log1p %exp3A_65 : vector<2000x64xf32>
    %add3A_67 = arith.addf %max3A_60, %log1p3A_66 : vector<2000x64xf32>
    %sub3A_68 = arith.subf %add3A_57, %add3A_67 : vector<2000x64xf32>
    %add3A_69 = vector.broadcast %get3A_38 : f32 to vector<2000x64xf32>
    %add3A_70 = arith.addf %sub3A_68, %add3A_69 : vector<2000x64xf32>
    %swap3A = arith.constant 0 : index
    %swap3A_71 = arith.constant 0 : index
    %swap3A_72 = vector.load %arg6[%swap3A, %swap3A_71] : memref<2000x64xf32, #tpu.memory_space<vmem>>, vector<2000x64xf32>
    tpu.vector_store %arg6[%swap3A, %swap3A_71], %add3A_70 {strides = array<i32>} : memref<2000x64xf32, #tpu.memory_space<vmem>>, vector<2000x64xf32>,
    return
  }
  func.func @transform_0(%arg0: i32) -> i32 {
    %c0_i32 = arith.constant 0 : i32
    %c0_i32_0 = arith.constant 0 : i32
    return %c0_i32 : i32
  }
  func.func @transform_1(%arg0: i32) -> (i32, i32, i32) {
    %c0_i32 = arith.constant 0 : i32
    %c0_i32_0 = arith.constant 0 : i32
    %c0_i32_1 = arith.constant 0 : i32
    return %c0_i32, %arg0, %c0_i32_0 : i32, i32, i32
  }
  func.func @transform_2(%arg0: i32) -> (i32, i32, i32) {
    %c1_i32 = arith.constant 1 : i32
    %c0_i32 = arith.constant 0 : i32
    %c0_i32_0 = arith.constant 0 : i32
    return %c1_i32, %arg0, %c0_i32 : i32, i32, i32
  }
  func.func @transform_3(%arg0: i32) -> (i32, i32) {
    %c0_i32 = arith.constant 0 : i32
    %c0_i32_0 = arith.constant 0 : i32
    return %arg0, %c0_i32 : i32, i32
  }
  func.func @transform_4(%arg0: i32) -> (i32, i32) {
    %c0_i32 = arith.constant 0 : i32
    %c0_i32_0 = arith.constant 0 : i32
    %c0_i32_1 = arith.constant 0 : i32
    return %c0_i32, %c0_i32_0 : i32, i32
  }
  func.func @transform_5(%arg0: i32) -> (i32, i32) {
    %c0_i32 = arith.constant 0 : i32
    %c0_i32_0 = arith.constant 0 : i32
    return %arg0, %c0_i32 : i32, i32
  }
}

module attributes {stable_mosaic.version = 14 : i64} {
  func.func @_tc_layer_body(%arg0: i32, %arg1: memref<5xf32, #tpu.memory_space<smem>>, %arg2: memref<1x2000x64xf32, #tpu.memory_space<vmem>>, %arg3: memref<1x2000x64xf32, #tpu.memory_space<vmem>>, %arg4: memref<2000x64xf32, #tpu.memory_space<vmem>>, %arg5: memref<64x64xf32, #tpu.memory_space<vmem>>, %arg6: memref<2000x64xf32, #tpu.memory_space<vmem>>) attributes {dimension_semantics = [#tpu.dimension_semantics<arbitrary>], iteration_bounds = array<i64: 5>, scalar_prefetch = 0 : i64, scratch_operands = 0 : i64, tpu.core_type = #tpu.core_type<tc>, window_params = [{transform_indices = @transform_0, window_bounds = array<i64: 5>}, {transform_indices = @transform_1, window_bounds = array<i64: 1, 2000, 64>}, {transform_indices = @transform_2, window_bounds = array<i64: 1, 2000, 64>}, {transform_indices = @transform_3, window_bounds = array<i64: 2000, 64>}, {pipeline_mode = #tpu.pipeline_mode<synchronous>, transform_indices = @transform_4, window_bounds = array<i64: 64, 64>}, {transform_indices = @transform_5, window_bounds = array<i64: 2000, 64>}]} {
    %get3A = arith.constant 0 : index
    %get3A_0 = arith.constant 0 : index
    %get3A_1 = arith.constant 0 : index
    %get3A_2 = vector.load %arg2[%get3A, %get3A_0, %get3A_1] : memref<1x2000x64xf32, #tpu.memory_space<vmem>>, vector<1x2000x64xf32>
    %get3A_3 = vector.shape_cast %get3A_2 : vector<1x2000x64xf32> to vector<2000x64xf32>
    %get3A_4 = arith.constant 0 : index
    %get3A_5 = arith.constant 0 : index
    %get3A_6 = arith.constant 0 : index
    %get3A_7 = vector.load %arg3[%get3A_4, %get3A_5, %get3A_6] : memref<1x2000x64xf32, #tpu.memory_space<vmem>>, vector<1x2000x64xf32>
    %get3A_8 = vector.shape_cast %get3A_7 : vector<1x2000x64xf32> to vector<2000x64xf32>
    %add3A = arith.addf %get3A_3, %get3A_8 : vector<2000x64xf32>
    %mul3A = arith.constant 0.899999976 : f32
    %mul3A_9 = vector.broadcast %mul3A : f32 to vector<2000x64xf32>
    %mul3A_10 = arith.mulf %add3A, %mul3A_9 : vector<2000x64xf32>
    %get3A_11 = arith.constant 0 : index
    %get3A_12 = arith.constant 0 : index
    %get3A_13 = vector.load %arg4[%get3A_11, %get3A_12] : memref<2000x64xf32, #tpu.memory_space<vmem>>, vector<2000x64xf32>
    %mul3A_14 = arith.constant 1.000000e-01 : f32
    %mul3A_15 = vector.broadcast %mul3A_14 : f32 to vector<2000x64xf32>
    %mul3A_16 = arith.mulf %mul3A_15, %get3A_13 : vector<2000x64xf32>
    %add3A_17 = arith.addf %mul3A_10, %mul3A_16 : vector<2000x64xf32>
    %mul3A_18 = arith.constant 0.845849335 : f32
    %mul3A_19 = vector.broadcast %mul3A_18 : f32 to vector<2000x64xf32>
    %mul3A_20 = arith.mulf %mul3A_19, %add3A_17 : vector<2000x64xf32>
    %get3A_21 = arith.constant 0 : index
    %get3A_22 = arith.constant 0 : index
    %get3A_23 = vector.load %arg5[%get3A_21, %get3A_22] : memref<64x64xf32, #tpu.memory_space<vmem>>, vector<64x64xf32>
    %dot_general3A = arith.constant dense<0.000000e+00> : vector<2000x64xf32>
    %dot_general3A_24 = tpu.matmul %add3A_17, %get3A_23, %dot_general3A {dimension_numbers = #tpu.dot_dimension_numbers<[1], [0], [0], [1], [0, 0, 1, 1], [], []>, transpose_lhs_hint = false} : vector<2000x64xf32>, vector<64x64xf32>, vector<2000x64xf32> -> vector<2000x64xf32>
    %mul3A_25 = arith.constant 0.15415068 : f32
    %mul3A_26 = vector.broadcast %mul3A_25 : f32 to vector<2000x64xf32>
    %mul3A_27 = arith.mulf %mul3A_26, %dot_general3A_24 : vector<2000x64xf32>
    %add3A_28 = arith.addf %mul3A_20, %mul3A_27 : vector<2000x64xf32>
    %get3A_29 = arith.constant 0 : index
    %get3A_30 = memref.load %arg1[%get3A_29] : memref<5xf32, #tpu.memory_space<smem>>
    %get3A_31 = arith.constant 1 : index
    %get3A_32 = memref.load %arg1[%get3A_31] : memref<5xf32, #tpu.memory_space<smem>>
    %get3A_33 = arith.constant 2 : index
    %get3A_34 = memref.load %arg1[%get3A_33] : memref<5xf32, #tpu.memory_space<smem>>
    %get3A_35 = arith.constant 3 : index
    %get3A_36 = memref.load %arg1[%get3A_35] : memref<5xf32, #tpu.memory_space<smem>>
    %get3A_37 = arith.constant 4 : index
    %get3A_38 = memref.load %arg1[%get3A_37] : memref<5xf32, #tpu.memory_space<smem>>
    %add3A_39 = vector.broadcast %get3A_32 : f32 to vector<2000x64xf32>
    %add3A_40 = arith.addf %add3A_28, %add3A_39 : vector<2000x64xf32>
    %mul3A_41 = vector.broadcast %get3A_30 : f32 to vector<2000x64xf32>
    %mul3A_42 = arith.mulf %mul3A_41, %add3A_40 : vector<2000x64xf32>
    %square3A = arith.mulf %add3A_28, %add3A_28 : vector<2000x64xf32>
    %mul3A_43 = vector.broadcast %get3A_34 : f32 to vector<2000x64xf32>
    %mul3A_44 = arith.mulf %mul3A_43, %square3A : vector<2000x64xf32>
    %jit3A = arith.constant -1.000000e+02 : f32
    %jit3A_45 = arith.constant 1.000000e+02 : f32
    %max3A = vector.broadcast %jit3A : f32 to vector<2000x64xf32>
    %max3A_46 = arith.maximumf %max3A, %mul3A_44 : vector<2000x64xf32>
    %min3A = vector.broadcast %jit3A_45 : f32 to vector<2000x64xf32>
    %min3A_47 = arith.minimumf %min3A, %max3A_46 : vector<2000x64xf32>
    %add3A_48 = arith.addf %mul3A_42, %min3A_47 : vector<2000x64xf32>
    %sub3A = vector.broadcast %get3A_32 : f32 to vector<2000x64xf32>
    %sub3A_49 = arith.subf %add3A_28, %sub3A : vector<2000x64xf32>
    %mul3A_50 = vector.broadcast %get3A_36 : f32 to vector<2000x64xf32>
    %mul3A_51 = arith.mulf %mul3A_50, %sub3A_49 : vector<2000x64xf32>
    %max3A_52 = arith.constant 0.000000e+00 : f32
    %max3A_53 = vector.broadcast %max3A_52 : f32 to vector<2000x64xf32>
    %max3A_54 = arith.maximumf %add3A_48, %max3A_53 : vector<2000x64xf32>
    %abs3A = math.absf %add3A_48 : vector<2000x64xf32>
    %neg3A = arith.constant 0.000000e+00 : f32
    %neg3A_55 = vector.broadcast %neg3A : f32 to vector<2000x64xf32>
    %neg3A_56 = arith.subf %neg3A_55, %abs3A : vector<2000x64xf32>
    %exp3A = math.exp %neg3A_56 : vector<2000x64xf32>
    %log1p3A = math.log1p %exp3A : vector<2000x64xf32>
    %add3A_57 = arith.addf %max3A_54, %log1p3A : vector<2000x64xf32>
    %max3A_58 = arith.constant 0.000000e+00 : f32
    %max3A_59 = vector.broadcast %max3A_58 : f32 to vector<2000x64xf32>
    %max3A_60 = arith.maximumf %mul3A_51, %max3A_59 : vector<2000x64xf32>
    %abs3A_61 = math.absf %mul3A_51 : vector<2000x64xf32>
    %neg3A_62 = arith.constant 0.000000e+00 : f32
    %neg3A_63 = vector.broadcast %neg3A_62 : f32 to vector<2000x64xf32>
    %neg3A_64 = arith.subf %neg3A_63, %abs3A_61 : vector<2000x64xf32>
    %exp3A_65 = math.exp %neg3A_64 : vector<2000x64xf32>
    %log1p3A_66 = math.log1p %exp3A_65 : vector<2000x64xf32>
    %add3A_67 = arith.addf %max3A_60, %log1p3A_66 : vector<2000x64xf32>
    %sub3A_68 = arith.subf %add3A_57, %add3A_67 : vector<2000x64xf32>
    %add3A_69 = vector.broadcast %get3A_38 : f32 to vector<2000x64xf32>
    %add3A_70 = arith.addf %sub3A_68, %add3A_69 : vector<2000x64xf32>
    %swap3A = arith.constant 0 : index
    %swap3A_71 = arith.constant 0 : index
    %swap3A_72 = vector.load %arg6[%swap3A, %swap3A_71] : memref<2000x64xf32, #tpu.memory_space<vmem>>, vector<2000x64xf32>
    tpu.vector_store %arg6[%swap3A, %swap3A_71], %add3A_70 {strides = array<i32>} : memref<2000x64xf32, #tpu.memory_space<vmem>>, vector<2000x64xf32>,
    return
  }
  func.func @transform_0(%arg0: i32) -> i32 {
    %c0_i32 = arith.constant 0 : i32
    %c0_i32_0 = arith.constant 0 : i32
    return %c0_i32 : i32
  }
  func.func @transform_1(%arg0: i32) -> (i32, i32, i32) {
    %c0_i32 = arith.constant 0 : i32
    %c0_i32_0 = arith.constant 0 : i32
    %c0_i32_1 = arith.constant 0 : i32
    return %c0_i32, %arg0, %c0_i32_0 : i32, i32, i32
  }
  func.func @transform_2(%arg0: i32) -> (i32, i32, i32) {
    %c1_i32 = arith.constant 1 : i32
    %c0_i32 = arith.constant 0 : i32
    %c0_i32_0 = arith.constant 0 : i32
    return %c1_i32, %arg0, %c0_i32 : i32, i32, i32
  }
  func.func @transform_3(%arg0: i32) -> (i32, i32) {
    %c0_i32 = arith.constant 0 : i32
    %c0_i32_0 = arith.constant 0 : i32
    return %arg0, %c0_i32 : i32, i32
  }
  func.func @transform_4(%arg0: i32) -> (i32, i32) {
    %c0_i32 = arith.constant 0 : i32
    %c0_i32_0 = arith.constant 0 : i32
    %c0_i32_1 = arith.constant 0 : i32
    return %c0_i32, %c0_i32_0 : i32, i32
  }
  func.func @transform_5(%arg0: i32) -> (i32, i32) {
    %c0_i32 = arith.constant 0 : i32
    %c0_i32_0 = arith.constant 0 : i32
    return %arg0, %c0_i32 : i32, i32
  }
}

module attributes {stable_mosaic.version = 14 : i64} {
  func.func @_tc_layer_body(%arg0: i32, %arg1: memref<5xf32, #tpu.memory_space<smem>>, %arg2: memref<1x2000x64xf32, #tpu.memory_space<vmem>>, %arg3: memref<1x2000x64xf32, #tpu.memory_space<vmem>>, %arg4: memref<2000x64xf32, #tpu.memory_space<vmem>>, %arg5: memref<64x64xf32, #tpu.memory_space<vmem>>, %arg6: memref<2000x64xf32, #tpu.memory_space<vmem>>) attributes {dimension_semantics = [#tpu.dimension_semantics<arbitrary>], iteration_bounds = array<i64: 5>, scalar_prefetch = 0 : i64, scratch_operands = 0 : i64, tpu.core_type = #tpu.core_type<tc>, window_params = [{transform_indices = @transform_0, window_bounds = array<i64: 5>}, {transform_indices = @transform_1, window_bounds = array<i64: 1, 2000, 64>}, {transform_indices = @transform_2, window_bounds = array<i64: 1, 2000, 64>}, {transform_indices = @transform_3, window_bounds = array<i64: 2000, 64>}, {pipeline_mode = #tpu.pipeline_mode<synchronous>, transform_indices = @transform_4, window_bounds = array<i64: 64, 64>}, {transform_indices = @transform_5, window_bounds = array<i64: 2000, 64>}]} {
    %get3A = arith.constant 0 : index
    %get3A_0 = arith.constant 0 : index
    %get3A_1 = arith.constant 0 : index
    %get3A_2 = vector.load %arg2[%get3A, %get3A_0, %get3A_1] : memref<1x2000x64xf32, #tpu.memory_space<vmem>>, vector<1x2000x64xf32>
    %get3A_3 = vector.shape_cast %get3A_2 : vector<1x2000x64xf32> to vector<2000x64xf32>
    %get3A_4 = arith.constant 0 : index
    %get3A_5 = arith.constant 0 : index
    %get3A_6 = arith.constant 0 : index
    %get3A_7 = vector.load %arg3[%get3A_4, %get3A_5, %get3A_6] : memref<1x2000x64xf32, #tpu.memory_space<vmem>>, vector<1x2000x64xf32>
    %get3A_8 = vector.shape_cast %get3A_7 : vector<1x2000x64xf32> to vector<2000x64xf32>
    %add3A = arith.addf %get3A_3, %get3A_8 : vector<2000x64xf32>
    %mul3A = arith.constant 0.899999976 : f32
    %mul3A_9 = vector.broadcast %mul3A : f32 to vector<2000x64xf32>
    %mul3A_10 = arith.mulf %add3A, %mul3A_9 : vector<2000x64xf32>
    %get3A_11 = arith.constant 0 : index
    %get3A_12 = arith.constant 0 : index
    %get3A_13 = vector.load %arg4[%get3A_11, %get3A_12] : memref<2000x64xf32, #tpu.memory_space<vmem>>, vector<2000x64xf32>
    %mul3A_14 = arith.constant 1.000000e-01 : f32
    %mul3A_15 = vector.broadcast %mul3A_14 : f32 to vector<2000x64xf32>
    %mul3A_16 = arith.mulf %mul3A_15, %get3A_13 : vector<2000x64xf32>
    %add3A_17 = arith.addf %mul3A_10, %mul3A_16 : vector<2000x64xf32>
    %mul3A_18 = arith.constant 0.882216989 : f32
    %mul3A_19 = vector.broadcast %mul3A_18 : f32 to vector<2000x64xf32>
    %mul3A_20 = arith.mulf %mul3A_19, %add3A_17 : vector<2000x64xf32>
    %get3A_21 = arith.constant 0 : index
    %get3A_22 = arith.constant 0 : index
    %get3A_23 = vector.load %arg5[%get3A_21, %get3A_22] : memref<64x64xf32, #tpu.memory_space<vmem>>, vector<64x64xf32>
    %dot_general3A = arith.constant dense<0.000000e+00> : vector<2000x64xf32>
    %dot_general3A_24 = tpu.matmul %add3A_17, %get3A_23, %dot_general3A {dimension_numbers = #tpu.dot_dimension_numbers<[1], [0], [0], [1], [0, 0, 1, 1], [], []>, transpose_lhs_hint = false} : vector<2000x64xf32>, vector<64x64xf32>, vector<2000x64xf32> -> vector<2000x64xf32>
    %mul3A_25 = arith.constant 0.117783032 : f32
    %mul3A_26 = vector.broadcast %mul3A_25 : f32 to vector<2000x64xf32>
    %mul3A_27 = arith.mulf %mul3A_26, %dot_general3A_24 : vector<2000x64xf32>
    %add3A_28 = arith.addf %mul3A_20, %mul3A_27 : vector<2000x64xf32>
    %get3A_29 = arith.constant 0 : index
    %get3A_30 = memref.load %arg1[%get3A_29] : memref<5xf32, #tpu.memory_space<smem>>
    %get3A_31 = arith.constant 1 : index
    %get3A_32 = memref.load %arg1[%get3A_31] : memref<5xf32, #tpu.memory_space<smem>>
    %get3A_33 = arith.constant 2 : index
    %get3A_34 = memref.load %arg1[%get3A_33] : memref<5xf32, #tpu.memory_space<smem>>
    %get3A_35 = arith.constant 3 : index
    %get3A_36 = memref.load %arg1[%get3A_35] : memref<5xf32, #tpu.memory_space<smem>>
    %get3A_37 = arith.constant 4 : index
    %get3A_38 = memref.load %arg1[%get3A_37] : memref<5xf32, #tpu.memory_space<smem>>
    %add3A_39 = vector.broadcast %get3A_32 : f32 to vector<2000x64xf32>
    %add3A_40 = arith.addf %add3A_28, %add3A_39 : vector<2000x64xf32>
    %mul3A_41 = vector.broadcast %get3A_30 : f32 to vector<2000x64xf32>
    %mul3A_42 = arith.mulf %mul3A_41, %add3A_40 : vector<2000x64xf32>
    %square3A = arith.mulf %add3A_28, %add3A_28 : vector<2000x64xf32>
    %mul3A_43 = vector.broadcast %get3A_34 : f32 to vector<2000x64xf32>
    %mul3A_44 = arith.mulf %mul3A_43, %square3A : vector<2000x64xf32>
    %jit3A = arith.constant -1.000000e+02 : f32
    %jit3A_45 = arith.constant 1.000000e+02 : f32
    %max3A = vector.broadcast %jit3A : f32 to vector<2000x64xf32>
    %max3A_46 = arith.maximumf %max3A, %mul3A_44 : vector<2000x64xf32>
    %min3A = vector.broadcast %jit3A_45 : f32 to vector<2000x64xf32>
    %min3A_47 = arith.minimumf %min3A, %max3A_46 : vector<2000x64xf32>
    %add3A_48 = arith.addf %mul3A_42, %min3A_47 : vector<2000x64xf32>
    %sub3A = vector.broadcast %get3A_32 : f32 to vector<2000x64xf32>
    %sub3A_49 = arith.subf %add3A_28, %sub3A : vector<2000x64xf32>
    %mul3A_50 = vector.broadcast %get3A_36 : f32 to vector<2000x64xf32>
    %mul3A_51 = arith.mulf %mul3A_50, %sub3A_49 : vector<2000x64xf32>
    %max3A_52 = arith.constant 0.000000e+00 : f32
    %max3A_53 = vector.broadcast %max3A_52 : f32 to vector<2000x64xf32>
    %max3A_54 = arith.maximumf %add3A_48, %max3A_53 : vector<2000x64xf32>
    %abs3A = math.absf %add3A_48 : vector<2000x64xf32>
    %neg3A = arith.constant 0.000000e+00 : f32
    %neg3A_55 = vector.broadcast %neg3A : f32 to vector<2000x64xf32>
    %neg3A_56 = arith.subf %neg3A_55, %abs3A : vector<2000x64xf32>
    %exp3A = math.exp %neg3A_56 : vector<2000x64xf32>
    %log1p3A = math.log1p %exp3A : vector<2000x64xf32>
    %add3A_57 = arith.addf %max3A_54, %log1p3A : vector<2000x64xf32>
    %max3A_58 = arith.constant 0.000000e+00 : f32
    %max3A_59 = vector.broadcast %max3A_58 : f32 to vector<2000x64xf32>
    %max3A_60 = arith.maximumf %mul3A_51, %max3A_59 : vector<2000x64xf32>
    %abs3A_61 = math.absf %mul3A_51 : vector<2000x64xf32>
    %neg3A_62 = arith.constant 0.000000e+00 : f32
    %neg3A_63 = vector.broadcast %neg3A_62 : f32 to vector<2000x64xf32>
    %neg3A_64 = arith.subf %neg3A_63, %abs3A_61 : vector<2000x64xf32>
    %exp3A_65 = math.exp %neg3A_64 : vector<2000x64xf32>
    %log1p3A_66 = math.log1p %exp3A_65 : vector<2000x64xf32>
    %add3A_67 = arith.addf %max3A_60, %log1p3A_66 : vector<2000x64xf32>
    %sub3A_68 = arith.subf %add3A_57, %add3A_67 : vector<2000x64xf32>
    %add3A_69 = vector.broadcast %get3A_38 : f32 to vector<2000x64xf32>
    %add3A_70 = arith.addf %sub3A_68, %add3A_69 : vector<2000x64xf32>
    %swap3A = arith.constant 0 : index
    %swap3A_71 = arith.constant 0 : index
    %swap3A_72 = vector.load %arg6[%swap3A, %swap3A_71] : memref<2000x64xf32, #tpu.memory_space<vmem>>, vector<2000x64xf32>
    tpu.vector_store %arg6[%swap3A, %swap3A_71], %add3A_70 {strides = array<i32>} : memref<2000x64xf32, #tpu.memory_space<vmem>>, vector<2000x64xf32>,
    return
  }
  func.func @transform_0(%arg0: i32) -> i32 {
    %c0_i32 = arith.constant 0 : i32
    %c0_i32_0 = arith.constant 0 : i32
    return %c0_i32 : i32
  }
  func.func @transform_1(%arg0: i32) -> (i32, i32, i32) {
    %c0_i32 = arith.constant 0 : i32
    %c0_i32_0 = arith.constant 0 : i32
    %c0_i32_1 = arith.constant 0 : i32
    return %c0_i32, %arg0, %c0_i32_0 : i32, i32, i32
  }
  func.func @transform_2(%arg0: i32) -> (i32, i32, i32) {
    %c1_i32 = arith.constant 1 : i32
    %c0_i32 = arith.constant 0 : i32
    %c0_i32_0 = arith.constant 0 : i32
    return %c1_i32, %arg0, %c0_i32 : i32, i32, i32
  }
  func.func @transform_3(%arg0: i32) -> (i32, i32) {
    %c0_i32 = arith.constant 0 : i32
    %c0_i32_0 = arith.constant 0 : i32
    return %arg0, %c0_i32 : i32, i32
  }
  func.func @transform_4(%arg0: i32) -> (i32, i32) {
    %c0_i32 = arith.constant 0 : i32
    %c0_i32_0 = arith.constant 0 : i32
    %c0_i32_1 = arith.constant 0 : i32
    return %c0_i32, %c0_i32_0 : i32, i32
  }
  func.func @transform_5(%arg0: i32) -> (i32, i32) {
    %c0_i32 = arith.constant 0 : i32
    %c0_i32_0 = arith.constant 0 : i32
    return %arg0, %c0_i32 : i32, i32
  }
}

module attributes {stable_mosaic.version = 14 : i64} {
  func.func @_tc_layer_body(%arg0: i32, %arg1: memref<5xf32, #tpu.memory_space<smem>>, %arg2: memref<1x2000x64xf32, #tpu.memory_space<vmem>>, %arg3: memref<1x2000x64xf32, #tpu.memory_space<vmem>>, %arg4: memref<2000x64xf32, #tpu.memory_space<vmem>>, %arg5: memref<64x64xf32, #tpu.memory_space<vmem>>, %arg6: memref<2000x64xf32, #tpu.memory_space<vmem>>) attributes {dimension_semantics = [#tpu.dimension_semantics<arbitrary>], iteration_bounds = array<i64: 5>, scalar_prefetch = 0 : i64, scratch_operands = 0 : i64, tpu.core_type = #tpu.core_type<tc>, window_params = [{transform_indices = @transform_0, window_bounds = array<i64: 5>}, {transform_indices = @transform_1, window_bounds = array<i64: 1, 2000, 64>}, {transform_indices = @transform_2, window_bounds = array<i64: 1, 2000, 64>}, {transform_indices = @transform_3, window_bounds = array<i64: 2000, 64>}, {pipeline_mode = #tpu.pipeline_mode<synchronous>, transform_indices = @transform_4, window_bounds = array<i64: 64, 64>}, {transform_indices = @transform_5, window_bounds = array<i64: 2000, 64>}]} {
    %get3A = arith.constant 0 : index
    %get3A_0 = arith.constant 0 : index
    %get3A_1 = arith.constant 0 : index
    %get3A_2 = vector.load %arg2[%get3A, %get3A_0, %get3A_1] : memref<1x2000x64xf32, #tpu.memory_space<vmem>>, vector<1x2000x64xf32>
    %get3A_3 = vector.shape_cast %get3A_2 : vector<1x2000x64xf32> to vector<2000x64xf32>
    %get3A_4 = arith.constant 0 : index
    %get3A_5 = arith.constant 0 : index
    %get3A_6 = arith.constant 0 : index
    %get3A_7 = vector.load %arg3[%get3A_4, %get3A_5, %get3A_6] : memref<1x2000x64xf32, #tpu.memory_space<vmem>>, vector<1x2000x64xf32>
    %get3A_8 = vector.shape_cast %get3A_7 : vector<1x2000x64xf32> to vector<2000x64xf32>
    %add3A = arith.addf %get3A_3, %get3A_8 : vector<2000x64xf32>
    %mul3A = arith.constant 0.899999976 : f32
    %mul3A_9 = vector.broadcast %mul3A : f32 to vector<2000x64xf32>
    %mul3A_10 = arith.mulf %add3A, %mul3A_9 : vector<2000x64xf32>
    %get3A_11 = arith.constant 0 : index
    %get3A_12 = arith.constant 0 : index
    %get3A_13 = vector.load %arg4[%get3A_11, %get3A_12] : memref<2000x64xf32, #tpu.memory_space<vmem>>, vector<2000x64xf32>
    %mul3A_14 = arith.constant 1.000000e-01 : f32
    %mul3A_15 = vector.broadcast %mul3A_14 : f32 to vector<2000x64xf32>
    %mul3A_16 = arith.mulf %mul3A_15, %get3A_13 : vector<2000x64xf32>
    %add3A_17 = arith.addf %mul3A_10, %mul3A_16 : vector<2000x64xf32>
    %mul3A_18 = arith.constant 0.904689848 : f32
    %mul3A_19 = vector.broadcast %mul3A_18 : f32 to vector<2000x64xf32>
    %mul3A_20 = arith.mulf %mul3A_19, %add3A_17 : vector<2000x64xf32>
    %get3A_21 = arith.constant 0 : index
    %get3A_22 = arith.constant 0 : index
    %get3A_23 = vector.load %arg5[%get3A_21, %get3A_22] : memref<64x64xf32, #tpu.memory_space<vmem>>, vector<64x64xf32>
    %dot_general3A = arith.constant dense<0.000000e+00> : vector<2000x64xf32>
    %dot_general3A_24 = tpu.matmul %add3A_17, %get3A_23, %dot_general3A {dimension_numbers = #tpu.dot_dimension_numbers<[1], [0], [0], [1], [0, 0, 1, 1], [], []>, transpose_lhs_hint = false} : vector<2000x64xf32>, vector<64x64xf32>, vector<2000x64xf32> -> vector<2000x64xf32>
    %mul3A_25 = arith.constant 0.0953101813 : f32
    %mul3A_26 = vector.broadcast %mul3A_25 : f32 to vector<2000x64xf32>
    %mul3A_27 = arith.mulf %mul3A_26, %dot_general3A_24 : vector<2000x64xf32>
    %add3A_28 = arith.addf %mul3A_20, %mul3A_27 : vector<2000x64xf32>
    %get3A_29 = arith.constant 0 : index
    %get3A_30 = memref.load %arg1[%get3A_29] : memref<5xf32, #tpu.memory_space<smem>>
    %get3A_31 = arith.constant 1 : index
    %get3A_32 = memref.load %arg1[%get3A_31] : memref<5xf32, #tpu.memory_space<smem>>
    %get3A_33 = arith.constant 2 : index
    %get3A_34 = memref.load %arg1[%get3A_33] : memref<5xf32, #tpu.memory_space<smem>>
    %get3A_35 = arith.constant 3 : index
    %get3A_36 = memref.load %arg1[%get3A_35] : memref<5xf32, #tpu.memory_space<smem>>
    %get3A_37 = arith.constant 4 : index
    %get3A_38 = memref.load %arg1[%get3A_37] : memref<5xf32, #tpu.memory_space<smem>>
    %add3A_39 = vector.broadcast %get3A_32 : f32 to vector<2000x64xf32>
    %add3A_40 = arith.addf %add3A_28, %add3A_39 : vector<2000x64xf32>
    %mul3A_41 = vector.broadcast %get3A_30 : f32 to vector<2000x64xf32>
    %mul3A_42 = arith.mulf %mul3A_41, %add3A_40 : vector<2000x64xf32>
    %square3A = arith.mulf %add3A_28, %add3A_28 : vector<2000x64xf32>
    %mul3A_43 = vector.broadcast %get3A_34 : f32 to vector<2000x64xf32>
    %mul3A_44 = arith.mulf %mul3A_43, %square3A : vector<2000x64xf32>
    %jit3A = arith.constant -1.000000e+02 : f32
    %jit3A_45 = arith.constant 1.000000e+02 : f32
    %max3A = vector.broadcast %jit3A : f32 to vector<2000x64xf32>
    %max3A_46 = arith.maximumf %max3A, %mul3A_44 : vector<2000x64xf32>
    %min3A = vector.broadcast %jit3A_45 : f32 to vector<2000x64xf32>
    %min3A_47 = arith.minimumf %min3A, %max3A_46 : vector<2000x64xf32>
    %add3A_48 = arith.addf %mul3A_42, %min3A_47 : vector<2000x64xf32>
    %sub3A = vector.broadcast %get3A_32 : f32 to vector<2000x64xf32>
    %sub3A_49 = arith.subf %add3A_28, %sub3A : vector<2000x64xf32>
    %mul3A_50 = vector.broadcast %get3A_36 : f32 to vector<2000x64xf32>
    %mul3A_51 = arith.mulf %mul3A_50, %sub3A_49 : vector<2000x64xf32>
    %max3A_52 = arith.constant 0.000000e+00 : f32
    %max3A_53 = vector.broadcast %max3A_52 : f32 to vector<2000x64xf32>
    %max3A_54 = arith.maximumf %add3A_48, %max3A_53 : vector<2000x64xf32>
    %abs3A = math.absf %add3A_48 : vector<2000x64xf32>
    %neg3A = arith.constant 0.000000e+00 : f32
    %neg3A_55 = vector.broadcast %neg3A : f32 to vector<2000x64xf32>
    %neg3A_56 = arith.subf %neg3A_55, %abs3A : vector<2000x64xf32>
    %exp3A = math.exp %neg3A_56 : vector<2000x64xf32>
    %log1p3A = math.log1p %exp3A : vector<2000x64xf32>
    %add3A_57 = arith.addf %max3A_54, %log1p3A : vector<2000x64xf32>
    %max3A_58 = arith.constant 0.000000e+00 : f32
    %max3A_59 = vector.broadcast %max3A_58 : f32 to vector<2000x64xf32>
    %max3A_60 = arith.maximumf %mul3A_51, %max3A_59 : vector<2000x64xf32>
    %abs3A_61 = math.absf %mul3A_51 : vector<2000x64xf32>
    %neg3A_62 = arith.constant 0.000000e+00 : f32
    %neg3A_63 = vector.broadcast %neg3A_62 : f32 to vector<2000x64xf32>
    %neg3A_64 = arith.subf %neg3A_63, %abs3A_61 : vector<2000x64xf32>
    %exp3A_65 = math.exp %neg3A_64 : vector<2000x64xf32>
    %log1p3A_66 = math.log1p %exp3A_65 : vector<2000x64xf32>
    %add3A_67 = arith.addf %max3A_60, %log1p3A_66 : vector<2000x64xf32>
    %sub3A_68 = arith.subf %add3A_57, %add3A_67 : vector<2000x64xf32>
    %add3A_69 = vector.broadcast %get3A_38 : f32 to vector<2000x64xf32>
    %add3A_70 = arith.addf %sub3A_68, %add3A_69 : vector<2000x64xf32>
    %swap3A = arith.constant 0 : index
    %swap3A_71 = arith.constant 0 : index
    %swap3A_72 = vector.load %arg6[%swap3A, %swap3A_71] : memref<2000x64xf32, #tpu.memory_space<vmem>>, vector<2000x64xf32>
    tpu.vector_store %arg6[%swap3A, %swap3A_71], %add3A_70 {strides = array<i32>} : memref<2000x64xf32, #tpu.memory_space<vmem>>, vector<2000x64xf32>,
    return
  }
  func.func @transform_0(%arg0: i32) -> i32 {
    %c0_i32 = arith.constant 0 : i32
    %c0_i32_0 = arith.constant 0 : i32
    return %c0_i32 : i32
  }
  func.func @transform_1(%arg0: i32) -> (i32, i32, i32) {
    %c0_i32 = arith.constant 0 : i32
    %c0_i32_0 = arith.constant 0 : i32
    %c0_i32_1 = arith.constant 0 : i32
    return %c0_i32, %arg0, %c0_i32_0 : i32, i32, i32
  }
  func.func @transform_2(%arg0: i32) -> (i32, i32, i32) {
    %c1_i32 = arith.constant 1 : i32
    %c0_i32 = arith.constant 0 : i32
    %c0_i32_0 = arith.constant 0 : i32
    return %c1_i32, %arg0, %c0_i32 : i32, i32, i32
  }
  func.func @transform_3(%arg0: i32) -> (i32, i32) {
    %c0_i32 = arith.constant 0 : i32
    %c0_i32_0 = arith.constant 0 : i32
    return %arg0, %c0_i32 : i32, i32
  }
  func.func @transform_4(%arg0: i32) -> (i32, i32) {
    %c0_i32 = arith.constant 0 : i32
    %c0_i32_0 = arith.constant 0 : i32
    %c0_i32_1 = arith.constant 0 : i32
    return %c0_i32, %c0_i32_0 : i32, i32
  }
  func.func @transform_5(%arg0: i32) -> (i32, i32) {
    %c0_i32 = arith.constant 0 : i32
    %c0_i32_0 = arith.constant 0 : i32
    return %arg0, %c0_i32 : i32, i32
  }
}

module attributes {stable_mosaic.version = 14 : i64} {
  func.func @_tc_layer_body(%arg0: i32, %arg1: memref<5xf32, #tpu.memory_space<smem>>, %arg2: memref<1x2000x64xf32, #tpu.memory_space<vmem>>, %arg3: memref<1x2000x64xf32, #tpu.memory_space<vmem>>, %arg4: memref<2000x64xf32, #tpu.memory_space<vmem>>, %arg5: memref<64x64xf32, #tpu.memory_space<vmem>>, %arg6: memref<2000x64xf32, #tpu.memory_space<vmem>>) attributes {dimension_semantics = [#tpu.dimension_semantics<arbitrary>], iteration_bounds = array<i64: 5>, scalar_prefetch = 0 : i64, scratch_operands = 0 : i64, tpu.core_type = #tpu.core_type<tc>, window_params = [{transform_indices = @transform_0, window_bounds = array<i64: 5>}, {transform_indices = @transform_1, window_bounds = array<i64: 1, 2000, 64>}, {transform_indices = @transform_2, window_bounds = array<i64: 1, 2000, 64>}, {transform_indices = @transform_3, window_bounds = array<i64: 2000, 64>}, {pipeline_mode = #tpu.pipeline_mode<synchronous>, transform_indices = @transform_4, window_bounds = array<i64: 64, 64>}, {transform_indices = @transform_5, window_bounds = array<i64: 2000, 64>}]} {
    %get3A = arith.constant 0 : index
    %get3A_0 = arith.constant 0 : index
    %get3A_1 = arith.constant 0 : index
    %get3A_2 = vector.load %arg2[%get3A, %get3A_0, %get3A_1] : memref<1x2000x64xf32, #tpu.memory_space<vmem>>, vector<1x2000x64xf32>
    %get3A_3 = vector.shape_cast %get3A_2 : vector<1x2000x64xf32> to vector<2000x64xf32>
    %get3A_4 = arith.constant 0 : index
    %get3A_5 = arith.constant 0 : index
    %get3A_6 = arith.constant 0 : index
    %get3A_7 = vector.load %arg3[%get3A_4, %get3A_5, %get3A_6] : memref<1x2000x64xf32, #tpu.memory_space<vmem>>, vector<1x2000x64xf32>
    %get3A_8 = vector.shape_cast %get3A_7 : vector<1x2000x64xf32> to vector<2000x64xf32>
    %add3A = arith.addf %get3A_3, %get3A_8 : vector<2000x64xf32>
    %mul3A = arith.constant 0.899999976 : f32
    %mul3A_9 = vector.broadcast %mul3A : f32 to vector<2000x64xf32>
    %mul3A_10 = arith.mulf %add3A, %mul3A_9 : vector<2000x64xf32>
    %get3A_11 = arith.constant 0 : index
    %get3A_12 = arith.constant 0 : index
    %get3A_13 = vector.load %arg4[%get3A_11, %get3A_12] : memref<2000x64xf32, #tpu.memory_space<vmem>>, vector<2000x64xf32>
    %mul3A_14 = arith.constant 1.000000e-01 : f32
    %mul3A_15 = vector.broadcast %mul3A_14 : f32 to vector<2000x64xf32>
    %mul3A_16 = arith.mulf %mul3A_15, %get3A_13 : vector<2000x64xf32>
    %add3A_17 = arith.addf %mul3A_10, %mul3A_16 : vector<2000x64xf32>
    %mul3A_18 = arith.constant 0.91995728 : f32
    %mul3A_19 = vector.broadcast %mul3A_18 : f32 to vector<2000x64xf32>
    %mul3A_20 = arith.mulf %mul3A_19, %add3A_17 : vector<2000x64xf32>
    %get3A_21 = arith.constant 0 : index
    %get3A_22 = arith.constant 0 : index
    %get3A_23 = vector.load %arg5[%get3A_21, %get3A_22] : memref<64x64xf32, #tpu.memory_space<vmem>>, vector<64x64xf32>
    %dot_general3A = arith.constant dense<0.000000e+00> : vector<2000x64xf32>
    %dot_general3A_24 = tpu.matmul %add3A_17, %get3A_23, %dot_general3A {dimension_numbers = #tpu.dot_dimension_numbers<[1], [0], [0], [1], [0, 0, 1, 1], [], []>, transpose_lhs_hint = false} : vector<2000x64xf32>, vector<64x64xf32>, vector<2000x64xf32> -> vector<2000x64xf32>
    %mul3A_25 = arith.constant 0.0800427049 : f32
    %mul3A_26 = vector.broadcast %mul3A_25 : f32 to vector<2000x64xf32>
    %mul3A_27 = arith.mulf %mul3A_26, %dot_general3A_24 : vector<2000x64xf32>
    %add3A_28 = arith.addf %mul3A_20, %mul3A_27 : vector<2000x64xf32>
    %get3A_29 = arith.constant 0 : index
    %get3A_30 = memref.load %arg1[%get3A_29] : memref<5xf32, #tpu.memory_space<smem>>
    %get3A_31 = arith.constant 1 : index
    %get3A_32 = memref.load %arg1[%get3A_31] : memref<5xf32, #tpu.memory_space<smem>>
    %get3A_33 = arith.constant 2 : index
    %get3A_34 = memref.load %arg1[%get3A_33] : memref<5xf32, #tpu.memory_space<smem>>
    %get3A_35 = arith.constant 3 : index
    %get3A_36 = memref.load %arg1[%get3A_35] : memref<5xf32, #tpu.memory_space<smem>>
    %get3A_37 = arith.constant 4 : index
    %get3A_38 = memref.load %arg1[%get3A_37] : memref<5xf32, #tpu.memory_space<smem>>
    %add3A_39 = vector.broadcast %get3A_32 : f32 to vector<2000x64xf32>
    %add3A_40 = arith.addf %add3A_28, %add3A_39 : vector<2000x64xf32>
    %mul3A_41 = vector.broadcast %get3A_30 : f32 to vector<2000x64xf32>
    %mul3A_42 = arith.mulf %mul3A_41, %add3A_40 : vector<2000x64xf32>
    %square3A = arith.mulf %add3A_28, %add3A_28 : vector<2000x64xf32>
    %mul3A_43 = vector.broadcast %get3A_34 : f32 to vector<2000x64xf32>
    %mul3A_44 = arith.mulf %mul3A_43, %square3A : vector<2000x64xf32>
    %jit3A = arith.constant -1.000000e+02 : f32
    %jit3A_45 = arith.constant 1.000000e+02 : f32
    %max3A = vector.broadcast %jit3A : f32 to vector<2000x64xf32>
    %max3A_46 = arith.maximumf %max3A, %mul3A_44 : vector<2000x64xf32>
    %min3A = vector.broadcast %jit3A_45 : f32 to vector<2000x64xf32>
    %min3A_47 = arith.minimumf %min3A, %max3A_46 : vector<2000x64xf32>
    %add3A_48 = arith.addf %mul3A_42, %min3A_47 : vector<2000x64xf32>
    %sub3A = vector.broadcast %get3A_32 : f32 to vector<2000x64xf32>
    %sub3A_49 = arith.subf %add3A_28, %sub3A : vector<2000x64xf32>
    %mul3A_50 = vector.broadcast %get3A_36 : f32 to vector<2000x64xf32>
    %mul3A_51 = arith.mulf %mul3A_50, %sub3A_49 : vector<2000x64xf32>
    %max3A_52 = arith.constant 0.000000e+00 : f32
    %max3A_53 = vector.broadcast %max3A_52 : f32 to vector<2000x64xf32>
    %max3A_54 = arith.maximumf %add3A_48, %max3A_53 : vector<2000x64xf32>
    %abs3A = math.absf %add3A_48 : vector<2000x64xf32>
    %neg3A = arith.constant 0.000000e+00 : f32
    %neg3A_55 = vector.broadcast %neg3A : f32 to vector<2000x64xf32>
    %neg3A_56 = arith.subf %neg3A_55, %abs3A : vector<2000x64xf32>
    %exp3A = math.exp %neg3A_56 : vector<2000x64xf32>
    %log1p3A = math.log1p %exp3A : vector<2000x64xf32>
    %add3A_57 = arith.addf %max3A_54, %log1p3A : vector<2000x64xf32>
    %max3A_58 = arith.constant 0.000000e+00 : f32
    %max3A_59 = vector.broadcast %max3A_58 : f32 to vector<2000x64xf32>
    %max3A_60 = arith.maximumf %mul3A_51, %max3A_59 : vector<2000x64xf32>
    %abs3A_61 = math.absf %mul3A_51 : vector<2000x64xf32>
    %neg3A_62 = arith.constant 0.000000e+00 : f32
    %neg3A_63 = vector.broadcast %neg3A_62 : f32 to vector<2000x64xf32>
    %neg3A_64 = arith.subf %neg3A_63, %abs3A_61 : vector<2000x64xf32>
    %exp3A_65 = math.exp %neg3A_64 : vector<2000x64xf32>
    %log1p3A_66 = math.log1p %exp3A_65 : vector<2000x64xf32>
    %add3A_67 = arith.addf %max3A_60, %log1p3A_66 : vector<2000x64xf32>
    %sub3A_68 = arith.subf %add3A_57, %add3A_67 : vector<2000x64xf32>
    %add3A_69 = vector.broadcast %get3A_38 : f32 to vector<2000x64xf32>
    %add3A_70 = arith.addf %sub3A_68, %add3A_69 : vector<2000x64xf32>
    %swap3A = arith.constant 0 : index
    %swap3A_71 = arith.constant 0 : index
    %swap3A_72 = vector.load %arg6[%swap3A, %swap3A_71] : memref<2000x64xf32, #tpu.memory_space<vmem>>, vector<2000x64xf32>
    tpu.vector_store %arg6[%swap3A, %swap3A_71], %add3A_70 {strides = array<i32>} : memref<2000x64xf32, #tpu.memory_space<vmem>>, vector<2000x64xf32>,
    return
  }
  func.func @transform_0(%arg0: i32) -> i32 {
    %c0_i32 = arith.constant 0 : i32
    %c0_i32_0 = arith.constant 0 : i32
    return %c0_i32 : i32
  }
  func.func @transform_1(%arg0: i32) -> (i32, i32, i32) {
    %c0_i32 = arith.constant 0 : i32
    %c0_i32_0 = arith.constant 0 : i32
    %c0_i32_1 = arith.constant 0 : i32
    return %c0_i32, %arg0, %c0_i32_0 : i32, i32, i32
  }
  func.func @transform_2(%arg0: i32) -> (i32, i32, i32) {
    %c1_i32 = arith.constant 1 : i32
    %c0_i32 = arith.constant 0 : i32
    %c0_i32_0 = arith.constant 0 : i32
    return %c1_i32, %arg0, %c0_i32 : i32, i32, i32
  }
  func.func @transform_3(%arg0: i32) -> (i32, i32) {
    %c0_i32 = arith.constant 0 : i32
    %c0_i32_0 = arith.constant 0 : i32
    return %arg0, %c0_i32 : i32, i32
  }
  func.func @transform_4(%arg0: i32) -> (i32, i32) {
    %c0_i32 = arith.constant 0 : i32
    %c0_i32_0 = arith.constant 0 : i32
    %c0_i32_1 = arith.constant 0 : i32
    return %c0_i32, %c0_i32_0 : i32, i32
  }
  func.func @transform_5(%arg0: i32) -> (i32, i32) {
    %c0_i32 = arith.constant 0 : i32
    %c0_i32_0 = arith.constant 0 : i32
    return %arg0, %c0_i32 : i32, i32
  }
}

module attributes {stable_mosaic.version = 14 : i64} {
  func.func @_tc_layer_body(%arg0: i32, %arg1: memref<5xf32, #tpu.memory_space<smem>>, %arg2: memref<1x2000x64xf32, #tpu.memory_space<vmem>>, %arg3: memref<1x2000x64xf32, #tpu.memory_space<vmem>>, %arg4: memref<2000x64xf32, #tpu.memory_space<vmem>>, %arg5: memref<64x64xf32, #tpu.memory_space<vmem>>, %arg6: memref<2000x64xf32, #tpu.memory_space<vmem>>) attributes {dimension_semantics = [#tpu.dimension_semantics<arbitrary>], iteration_bounds = array<i64: 5>, scalar_prefetch = 0 : i64, scratch_operands = 0 : i64, tpu.core_type = #tpu.core_type<tc>, window_params = [{transform_indices = @transform_0, window_bounds = array<i64: 5>}, {transform_indices = @transform_1, window_bounds = array<i64: 1, 2000, 64>}, {transform_indices = @transform_2, window_bounds = array<i64: 1, 2000, 64>}, {transform_indices = @transform_3, window_bounds = array<i64: 2000, 64>}, {pipeline_mode = #tpu.pipeline_mode<synchronous>, transform_indices = @transform_4, window_bounds = array<i64: 64, 64>}, {transform_indices = @transform_5, window_bounds = array<i64: 2000, 64>}]} {
    %get3A = arith.constant 0 : index
    %get3A_0 = arith.constant 0 : index
    %get3A_1 = arith.constant 0 : index
    %get3A_2 = vector.load %arg2[%get3A, %get3A_0, %get3A_1] : memref<1x2000x64xf32, #tpu.memory_space<vmem>>, vector<1x2000x64xf32>
    %get3A_3 = vector.shape_cast %get3A_2 : vector<1x2000x64xf32> to vector<2000x64xf32>
    %get3A_4 = arith.constant 0 : index
    %get3A_5 = arith.constant 0 : index
    %get3A_6 = arith.constant 0 : index
    %get3A_7 = vector.load %arg3[%get3A_4, %get3A_5, %get3A_6] : memref<1x2000x64xf32, #tpu.memory_space<vmem>>, vector<1x2000x64xf32>
    %get3A_8 = vector.shape_cast %get3A_7 : vector<1x2000x64xf32> to vector<2000x64xf32>
    %add3A = arith.addf %get3A_3, %get3A_8 : vector<2000x64xf32>
    %mul3A = arith.constant 0.899999976 : f32
    %mul3A_9 = vector.broadcast %mul3A : f32 to vector<2000x64xf32>
    %mul3A_10 = arith.mulf %add3A, %mul3A_9 : vector<2000x64xf32>
    %get3A_11 = arith.constant 0 : index
    %get3A_12 = arith.constant 0 : index
    %get3A_13 = vector.load %arg4[%get3A_11, %get3A_12] : memref<2000x64xf32, #tpu.memory_space<vmem>>, vector<2000x64xf32>
    %mul3A_14 = arith.constant 1.000000e-01 : f32
    %mul3A_15 = vector.broadcast %mul3A_14 : f32 to vector<2000x64xf32>
    %mul3A_16 = arith.mulf %mul3A_15, %get3A_13 : vector<2000x64xf32>
    %add3A_17 = arith.addf %mul3A_10, %mul3A_16 : vector<2000x64xf32>
    %mul3A_18 = arith.constant 0.931007147 : f32
    %mul3A_19 = vector.broadcast %mul3A_18 : f32 to vector<2000x64xf32>
    %mul3A_20 = arith.mulf %mul3A_19, %add3A_17 : vector<2000x64xf32>
    %get3A_21 = arith.constant 0 : index
    %get3A_22 = arith.constant 0 : index
    %get3A_23 = vector.load %arg5[%get3A_21, %get3A_22] : memref<64x64xf32, #tpu.memory_space<vmem>>, vector<64x64xf32>
    %dot_general3A = arith.constant dense<0.000000e+00> : vector<2000x64xf32>
    %dot_general3A_24 = tpu.matmul %add3A_17, %get3A_23, %dot_general3A {dimension_numbers = #tpu.dot_dimension_numbers<[1], [0], [0], [1], [0, 0, 1, 1], [], []>, transpose_lhs_hint = false} : vector<2000x64xf32>, vector<64x64xf32>, vector<2000x64xf32> -> vector<2000x64xf32>
    %mul3A_25 = arith.constant 0.0689928681 : f32
    %mul3A_26 = vector.broadcast %mul3A_25 : f32 to vector<2000x64xf32>
    %mul3A_27 = arith.mulf %mul3A_26, %dot_general3A_24 : vector<2000x64xf32>
    %add3A_28 = arith.addf %mul3A_20, %mul3A_27 : vector<2000x64xf32>
    %get3A_29 = arith.constant 0 : index
    %get3A_30 = memref.load %arg1[%get3A_29] : memref<5xf32, #tpu.memory_space<smem>>
    %get3A_31 = arith.constant 1 : index
    %get3A_32 = memref.load %arg1[%get3A_31] : memref<5xf32, #tpu.memory_space<smem>>
    %get3A_33 = arith.constant 2 : index
    %get3A_34 = memref.load %arg1[%get3A_33] : memref<5xf32, #tpu.memory_space<smem>>
    %get3A_35 = arith.constant 3 : index
    %get3A_36 = memref.load %arg1[%get3A_35] : memref<5xf32, #tpu.memory_space<smem>>
    %get3A_37 = arith.constant 4 : index
    %get3A_38 = memref.load %arg1[%get3A_37] : memref<5xf32, #tpu.memory_space<smem>>
    %add3A_39 = vector.broadcast %get3A_32 : f32 to vector<2000x64xf32>
    %add3A_40 = arith.addf %add3A_28, %add3A_39 : vector<2000x64xf32>
    %mul3A_41 = vector.broadcast %get3A_30 : f32 to vector<2000x64xf32>
    %mul3A_42 = arith.mulf %mul3A_41, %add3A_40 : vector<2000x64xf32>
    %square3A = arith.mulf %add3A_28, %add3A_28 : vector<2000x64xf32>
    %mul3A_43 = vector.broadcast %get3A_34 : f32 to vector<2000x64xf32>
    %mul3A_44 = arith.mulf %mul3A_43, %square3A : vector<2000x64xf32>
    %jit3A = arith.constant -1.000000e+02 : f32
    %jit3A_45 = arith.constant 1.000000e+02 : f32
    %max3A = vector.broadcast %jit3A : f32 to vector<2000x64xf32>
    %max3A_46 = arith.maximumf %max3A, %mul3A_44 : vector<2000x64xf32>
    %min3A = vector.broadcast %jit3A_45 : f32 to vector<2000x64xf32>
    %min3A_47 = arith.minimumf %min3A, %max3A_46 : vector<2000x64xf32>
    %add3A_48 = arith.addf %mul3A_42, %min3A_47 : vector<2000x64xf32>
    %sub3A = vector.broadcast %get3A_32 : f32 to vector<2000x64xf32>
    %sub3A_49 = arith.subf %add3A_28, %sub3A : vector<2000x64xf32>
    %mul3A_50 = vector.broadcast %get3A_36 : f32 to vector<2000x64xf32>
    %mul3A_51 = arith.mulf %mul3A_50, %sub3A_49 : vector<2000x64xf32>
    %max3A_52 = arith.constant 0.000000e+00 : f32
    %max3A_53 = vector.broadcast %max3A_52 : f32 to vector<2000x64xf32>
    %max3A_54 = arith.maximumf %add3A_48, %max3A_53 : vector<2000x64xf32>
    %abs3A = math.absf %add3A_48 : vector<2000x64xf32>
    %neg3A = arith.constant 0.000000e+00 : f32
    %neg3A_55 = vector.broadcast %neg3A : f32 to vector<2000x64xf32>
    %neg3A_56 = arith.subf %neg3A_55, %abs3A : vector<2000x64xf32>
    %exp3A = math.exp %neg3A_56 : vector<2000x64xf32>
    %log1p3A = math.log1p %exp3A : vector<2000x64xf32>
    %add3A_57 = arith.addf %max3A_54, %log1p3A : vector<2000x64xf32>
    %max3A_58 = arith.constant 0.000000e+00 : f32
    %max3A_59 = vector.broadcast %max3A_58 : f32 to vector<2000x64xf32>
    %max3A_60 = arith.maximumf %mul3A_51, %max3A_59 : vector<2000x64xf32>
    %abs3A_61 = math.absf %mul3A_51 : vector<2000x64xf32>
    %neg3A_62 = arith.constant 0.000000e+00 : f32
    %neg3A_63 = vector.broadcast %neg3A_62 : f32 to vector<2000x64xf32>
    %neg3A_64 = arith.subf %neg3A_63, %abs3A_61 : vector<2000x64xf32>
    %exp3A_65 = math.exp %neg3A_64 : vector<2000x64xf32>
    %log1p3A_66 = math.log1p %exp3A_65 : vector<2000x64xf32>
    %add3A_67 = arith.addf %max3A_60, %log1p3A_66 : vector<2000x64xf32>
    %sub3A_68 = arith.subf %add3A_57, %add3A_67 : vector<2000x64xf32>
    %add3A_69 = vector.broadcast %get3A_38 : f32 to vector<2000x64xf32>
    %add3A_70 = arith.addf %sub3A_68, %add3A_69 : vector<2000x64xf32>
    %swap3A = arith.constant 0 : index
    %swap3A_71 = arith.constant 0 : index
    %swap3A_72 = vector.load %arg6[%swap3A, %swap3A_71] : memref<2000x64xf32, #tpu.memory_space<vmem>>, vector<2000x64xf32>
    tpu.vector_store %arg6[%swap3A, %swap3A_71], %add3A_70 {strides = array<i32>} : memref<2000x64xf32, #tpu.memory_space<vmem>>, vector<2000x64xf32>,
    return
  }
  func.func @transform_0(%arg0: i32) -> i32 {
    %c0_i32 = arith.constant 0 : i32
    %c0_i32_0 = arith.constant 0 : i32
    return %c0_i32 : i32
  }
  func.func @transform_1(%arg0: i32) -> (i32, i32, i32) {
    %c0_i32 = arith.constant 0 : i32
    %c0_i32_0 = arith.constant 0 : i32
    %c0_i32_1 = arith.constant 0 : i32
    return %c0_i32, %arg0, %c0_i32_0 : i32, i32, i32
  }
  func.func @transform_2(%arg0: i32) -> (i32, i32, i32) {
    %c1_i32 = arith.constant 1 : i32
    %c0_i32 = arith.constant 0 : i32
    %c0_i32_0 = arith.constant 0 : i32
    return %c1_i32, %arg0, %c0_i32 : i32, i32, i32
  }
  func.func @transform_3(%arg0: i32) -> (i32, i32) {
    %c0_i32 = arith.constant 0 : i32
    %c0_i32_0 = arith.constant 0 : i32
    return %arg0, %c0_i32 : i32, i32
  }
  func.func @transform_4(%arg0: i32) -> (i32, i32) {
    %c0_i32 = arith.constant 0 : i32
    %c0_i32_0 = arith.constant 0 : i32
    %c0_i32_1 = arith.constant 0 : i32
    return %c0_i32, %c0_i32_0 : i32, i32
  }
  func.func @transform_5(%arg0: i32) -> (i32, i32) {
    %c0_i32 = arith.constant 0 : i32
    %c0_i32_0 = arith.constant 0 : i32
    return %arg0, %c0_i32 : i32, i32
  }
}

module attributes {stable_mosaic.version = 14 : i64} {
  func.func @_tc_layer_body(%arg0: i32, %arg1: memref<5xf32, #tpu.memory_space<smem>>, %arg2: memref<1x2000x64xf32, #tpu.memory_space<vmem>>, %arg3: memref<1x2000x64xf32, #tpu.memory_space<vmem>>, %arg4: memref<2000x64xf32, #tpu.memory_space<vmem>>, %arg5: memref<64x64xf32, #tpu.memory_space<vmem>>, %arg6: memref<2000x64xf32, #tpu.memory_space<vmem>>) attributes {dimension_semantics = [#tpu.dimension_semantics<arbitrary>], iteration_bounds = array<i64: 5>, scalar_prefetch = 0 : i64, scratch_operands = 0 : i64, tpu.core_type = #tpu.core_type<tc>, window_params = [{transform_indices = @transform_0, window_bounds = array<i64: 5>}, {transform_indices = @transform_1, window_bounds = array<i64: 1, 2000, 64>}, {transform_indices = @transform_2, window_bounds = array<i64: 1, 2000, 64>}, {transform_indices = @transform_3, window_bounds = array<i64: 2000, 64>}, {pipeline_mode = #tpu.pipeline_mode<synchronous>, transform_indices = @transform_4, window_bounds = array<i64: 64, 64>}, {transform_indices = @transform_5, window_bounds = array<i64: 2000, 64>}]} {
    %get3A = arith.constant 0 : index
    %get3A_0 = arith.constant 0 : index
    %get3A_1 = arith.constant 0 : index
    %get3A_2 = vector.load %arg2[%get3A, %get3A_0, %get3A_1] : memref<1x2000x64xf32, #tpu.memory_space<vmem>>, vector<1x2000x64xf32>
    %get3A_3 = vector.shape_cast %get3A_2 : vector<1x2000x64xf32> to vector<2000x64xf32>
    %get3A_4 = arith.constant 0 : index
    %get3A_5 = arith.constant 0 : index
    %get3A_6 = arith.constant 0 : index
    %get3A_7 = vector.load %arg3[%get3A_4, %get3A_5, %get3A_6] : memref<1x2000x64xf32, #tpu.memory_space<vmem>>, vector<1x2000x64xf32>
    %get3A_8 = vector.shape_cast %get3A_7 : vector<1x2000x64xf32> to vector<2000x64xf32>
    %add3A = arith.addf %get3A_3, %get3A_8 : vector<2000x64xf32>
    %mul3A = arith.constant 0.899999976 : f32
    %mul3A_9 = vector.broadcast %mul3A : f32 to vector<2000x64xf32>
    %mul3A_10 = arith.mulf %add3A, %mul3A_9 : vector<2000x64xf32>
    %get3A_11 = arith.constant 0 : index
    %get3A_12 = arith.constant 0 : index
    %get3A_13 = vector.load %arg4[%get3A_11, %get3A_12] : memref<2000x64xf32, #tpu.memory_space<vmem>>, vector<2000x64xf32>
    %mul3A_14 = arith.constant 1.000000e-01 : f32
    %mul3A_15 = vector.broadcast %mul3A_14 : f32 to vector<2000x64xf32>
    %mul3A_16 = arith.mulf %mul3A_15, %get3A_13 : vector<2000x64xf32>
    %add3A_17 = arith.addf %mul3A_10, %mul3A_16 : vector<2000x64xf32>
    %mul3A_18 = arith.constant 0.9393754 : f32
    %mul3A_19 = vector.broadcast %mul3A_18 : f32 to vector<2000x64xf32>
    %mul3A_20 = arith.mulf %mul3A_19, %add3A_17 : vector<2000x64xf32>
    %get3A_21 = arith.constant 0 : index
    %get3A_22 = arith.constant 0 : index
    %get3A_23 = vector.load %arg5[%get3A_21, %get3A_22] : memref<64x64xf32, #tpu.memory_space<vmem>>, vector<64x64xf32>
    %dot_general3A = arith.constant dense<0.000000e+00> : vector<2000x64xf32>
    %dot_general3A_24 = tpu.matmul %add3A_17, %get3A_23, %dot_general3A {dimension_numbers = #tpu.dot_dimension_numbers<[1], [0], [0], [1], [0, 0, 1, 1], [], []>, transpose_lhs_hint = false} : vector<2000x64xf32>, vector<64x64xf32>, vector<2000x64xf32> -> vector<2000x64xf32>
    %mul3A_25 = arith.constant 0.0606246218 : f32
    %mul3A_26 = vector.broadcast %mul3A_25 : f32 to vector<2000x64xf32>
    %mul3A_27 = arith.mulf %mul3A_26, %dot_general3A_24 : vector<2000x64xf32>
    %add3A_28 = arith.addf %mul3A_20, %mul3A_27 : vector<2000x64xf32>
    %get3A_29 = arith.constant 0 : index
    %get3A_30 = memref.load %arg1[%get3A_29] : memref<5xf32, #tpu.memory_space<smem>>
    %get3A_31 = arith.constant 1 : index
    %get3A_32 = memref.load %arg1[%get3A_31] : memref<5xf32, #tpu.memory_space<smem>>
    %get3A_33 = arith.constant 2 : index
    %get3A_34 = memref.load %arg1[%get3A_33] : memref<5xf32, #tpu.memory_space<smem>>
    %get3A_35 = arith.constant 3 : index
    %get3A_36 = memref.load %arg1[%get3A_35] : memref<5xf32, #tpu.memory_space<smem>>
    %get3A_37 = arith.constant 4 : index
    %get3A_38 = memref.load %arg1[%get3A_37] : memref<5xf32, #tpu.memory_space<smem>>
    %add3A_39 = vector.broadcast %get3A_32 : f32 to vector<2000x64xf32>
    %add3A_40 = arith.addf %add3A_28, %add3A_39 : vector<2000x64xf32>
    %mul3A_41 = vector.broadcast %get3A_30 : f32 to vector<2000x64xf32>
    %mul3A_42 = arith.mulf %mul3A_41, %add3A_40 : vector<2000x64xf32>
    %square3A = arith.mulf %add3A_28, %add3A_28 : vector<2000x64xf32>
    %mul3A_43 = vector.broadcast %get3A_34 : f32 to vector<2000x64xf32>
    %mul3A_44 = arith.mulf %mul3A_43, %square3A : vector<2000x64xf32>
    %jit3A = arith.constant -1.000000e+02 : f32
    %jit3A_45 = arith.constant 1.000000e+02 : f32
    %max3A = vector.broadcast %jit3A : f32 to vector<2000x64xf32>
    %max3A_46 = arith.maximumf %max3A, %mul3A_44 : vector<2000x64xf32>
    %min3A = vector.broadcast %jit3A_45 : f32 to vector<2000x64xf32>
    %min3A_47 = arith.minimumf %min3A, %max3A_46 : vector<2000x64xf32>
    %add3A_48 = arith.addf %mul3A_42, %min3A_47 : vector<2000x64xf32>
    %sub3A = vector.broadcast %get3A_32 : f32 to vector<2000x64xf32>
    %sub3A_49 = arith.subf %add3A_28, %sub3A : vector<2000x64xf32>
    %mul3A_50 = vector.broadcast %get3A_36 : f32 to vector<2000x64xf32>
    %mul3A_51 = arith.mulf %mul3A_50, %sub3A_49 : vector<2000x64xf32>
    %max3A_52 = arith.constant 0.000000e+00 : f32
    %max3A_53 = vector.broadcast %max3A_52 : f32 to vector<2000x64xf32>
    %max3A_54 = arith.maximumf %add3A_48, %max3A_53 : vector<2000x64xf32>
    %abs3A = math.absf %add3A_48 : vector<2000x64xf32>
    %neg3A = arith.constant 0.000000e+00 : f32
    %neg3A_55 = vector.broadcast %neg3A : f32 to vector<2000x64xf32>
    %neg3A_56 = arith.subf %neg3A_55, %abs3A : vector<2000x64xf32>
    %exp3A = math.exp %neg3A_56 : vector<2000x64xf32>
    %log1p3A = math.log1p %exp3A : vector<2000x64xf32>
    %add3A_57 = arith.addf %max3A_54, %log1p3A : vector<2000x64xf32>
    %max3A_58 = arith.constant 0.000000e+00 : f32
    %max3A_59 = vector.broadcast %max3A_58 : f32 to vector<2000x64xf32>
    %max3A_60 = arith.maximumf %mul3A_51, %max3A_59 : vector<2000x64xf32>
    %abs3A_61 = math.absf %mul3A_51 : vector<2000x64xf32>
    %neg3A_62 = arith.constant 0.000000e+00 : f32
    %neg3A_63 = vector.broadcast %neg3A_62 : f32 to vector<2000x64xf32>
    %neg3A_64 = arith.subf %neg3A_63, %abs3A_61 : vector<2000x64xf32>
    %exp3A_65 = math.exp %neg3A_64 : vector<2000x64xf32>
    %log1p3A_66 = math.log1p %exp3A_65 : vector<2000x64xf32>
    %add3A_67 = arith.addf %max3A_60, %log1p3A_66 : vector<2000x64xf32>
    %sub3A_68 = arith.subf %add3A_57, %add3A_67 : vector<2000x64xf32>
    %add3A_69 = vector.broadcast %get3A_38 : f32 to vector<2000x64xf32>
    %add3A_70 = arith.addf %sub3A_68, %add3A_69 : vector<2000x64xf32>
    %swap3A = arith.constant 0 : index
    %swap3A_71 = arith.constant 0 : index
    %swap3A_72 = vector.load %arg6[%swap3A, %swap3A_71] : memref<2000x64xf32, #tpu.memory_space<vmem>>, vector<2000x64xf32>
    tpu.vector_store %arg6[%swap3A, %swap3A_71], %add3A_70 {strides = array<i32>} : memref<2000x64xf32, #tpu.memory_space<vmem>>, vector<2000x64xf32>,
    return
  }
  func.func @transform_0(%arg0: i32) -> i32 {
    %c0_i32 = arith.constant 0 : i32
    %c0_i32_0 = arith.constant 0 : i32
    return %c0_i32 : i32
  }
  func.func @transform_1(%arg0: i32) -> (i32, i32, i32) {
    %c0_i32 = arith.constant 0 : i32
    %c0_i32_0 = arith.constant 0 : i32
    %c0_i32_1 = arith.constant 0 : i32
    return %c0_i32, %arg0, %c0_i32_0 : i32, i32, i32
  }
  func.func @transform_2(%arg0: i32) -> (i32, i32, i32) {
    %c1_i32 = arith.constant 1 : i32
    %c0_i32 = arith.constant 0 : i32
    %c0_i32_0 = arith.constant 0 : i32
    return %c1_i32, %arg0, %c0_i32 : i32, i32, i32
  }
  func.func @transform_3(%arg0: i32) -> (i32, i32) {
    %c0_i32 = arith.constant 0 : i32
    %c0_i32_0 = arith.constant 0 : i32
    return %arg0, %c0_i32 : i32, i32
  }
  func.func @transform_4(%arg0: i32) -> (i32, i32) {
    %c0_i32 = arith.constant 0 : i32
    %c0_i32_0 = arith.constant 0 : i32
    %c0_i32_1 = arith.constant 0 : i32
    return %c0_i32, %c0_i32_0 : i32, i32
  }
  func.func @transform_5(%arg0: i32) -> (i32, i32) {
    %c0_i32 = arith.constant 0 : i32
    %c0_i32_0 = arith.constant 0 : i32
    return %arg0, %c0_i32 : i32, i32
  }
}

module attributes {stable_mosaic.version = 14 : i64} {
  func.func @_tc_post_body(%arg0: i32, %arg1: memref<2000x64xf32, #tpu.memory_space<vmem>>, %arg2: memref<64x16xf32, #tpu.memory_space<vmem>>, %arg3: memref<1x16xf32, #tpu.memory_space<vmem>>, %arg4: memref<2000x16xf32, #tpu.memory_space<vmem>>) attributes {dimension_semantics = [#tpu.dimension_semantics<arbitrary>], iteration_bounds = array<i64: 5>, scalar_prefetch = 0 : i64, scratch_operands = 0 : i64, tpu.core_type = #tpu.core_type<tc>, window_params = [{transform_indices = @transform_0, window_bounds = array<i64: 2000, 64>}, {pipeline_mode = #tpu.pipeline_mode<synchronous>, transform_indices = @transform_1, window_bounds = array<i64: 64, 16>}, {pipeline_mode = #tpu.pipeline_mode<synchronous>, transform_indices = @transform_2, window_bounds = array<i64: 1, 16>}, {transform_indices = @transform_3, window_bounds = array<i64: 2000, 16>}]} {
    %get3A = arith.constant 0 : index
    %get3A_0 = arith.constant 0 : index
    %get3A_1 = vector.load %arg1[%get3A, %get3A_0] : memref<2000x64xf32, #tpu.memory_space<vmem>>, vector<2000x64xf32>
    %get3A_2 = arith.constant 0 : index
    %get3A_3 = arith.constant 0 : index
    %get3A_4 = vector.load %arg2[%get3A_2, %get3A_3] : memref<64x16xf32, #tpu.memory_space<vmem>>, vector<64x16xf32>
    %dot_general3A = arith.constant dense<0.000000e+00> : vector<2000x16xf32>
    %dot_general3A_5 = tpu.matmul %get3A_1, %get3A_4, %dot_general3A {dimension_numbers = #tpu.dot_dimension_numbers<[1], [0], [0], [1], [0, 0, 1, 1], [], []>, transpose_lhs_hint = false} : vector<2000x64xf32>, vector<64x16xf32>, vector<2000x16xf32> -> vector<2000x16xf32>
    %get3A_6 = arith.constant 0 : index
    %get3A_7 = arith.constant 0 : index
    %get3A_8 = vector.load %arg3[%get3A_6, %get3A_7] : memref<1x16xf32, #tpu.memory_space<vmem>>, vector<1x16xf32>
    %add3A = vector.broadcast %get3A_8 : vector<1x16xf32> to vector<2000x16xf32>
    %add3A_9 = arith.addf %dot_general3A_5, %add3A : vector<2000x16xf32>
    %reduce_max3A = arith.constant dense<0xFF800000> : vector<2000xf32>
    %reduce_max3A_10 = vector.multi_reduction <maximumf>, %add3A_9, %reduce_max3A [1] : vector<2000x16xf32> to vector<2000xf32>
    %broadcast_in_dim3A = vector.shape_cast %reduce_max3A_10 : vector<2000xf32> to vector<2000x1xf32>
    %sub3A = vector.broadcast %broadcast_in_dim3A : vector<2000x1xf32> to vector<2000x16xf32>
    %sub3A_11 = arith.subf %add3A_9, %sub3A : vector<2000x16xf32>
    %exp3A = math.exp %sub3A_11 : vector<2000x16xf32>
    %sub3A_12 = vector.broadcast %broadcast_in_dim3A : vector<2000x1xf32> to vector<2000x16xf32>
    %sub3A_13 = arith.subf %add3A_9, %sub3A_12 : vector<2000x16xf32>
    %reduce_sum3A = arith.constant dense<0.000000e+00> : vector<2000xf32>
    %reduce_sum3A_14 = vector.multi_reduction <add>, %exp3A, %reduce_sum3A [1] : vector<2000x16xf32> to vector<2000xf32>
    %broadcast_in_dim3A_15 = vector.shape_cast %reduce_sum3A_14 : vector<2000xf32> to vector<2000x1xf32>
    %log3A = math.log %broadcast_in_dim3A_15 : vector<2000x1xf32>
    %sub3A_16 = vector.broadcast %log3A : vector<2000x1xf32> to vector<2000x16xf32>
    %sub3A_17 = arith.subf %sub3A_13, %sub3A_16 : vector<2000x16xf32>
    %swap3A = arith.constant 0 : index
    %swap3A_18 = arith.constant 0 : index
    %swap3A_19 = vector.load %arg4[%swap3A, %swap3A_18] : memref<2000x16xf32, #tpu.memory_space<vmem>>, vector<2000x16xf32>
    tpu.vector_store %arg4[%swap3A, %swap3A_18], %sub3A_17 {strides = array<i32>} : memref<2000x16xf32, #tpu.memory_space<vmem>>, vector<2000x16xf32>,
    return
  }
  func.func @transform_0(%arg0: i32) -> (i32, i32) {
    %c0_i32 = arith.constant 0 : i32
    %c0_i32_0 = arith.constant 0 : i32
    return %arg0, %c0_i32 : i32, i32
  }
  func.func @transform_1(%arg0: i32) -> (i32, i32) {
    %c0_i32 = arith.constant 0 : i32
    %c0_i32_0 = arith.constant 0 : i32
    %c0_i32_1 = arith.constant 0 : i32
    return %c0_i32, %c0_i32_0 : i32, i32
  }
  func.func @transform_2(%arg0: i32) -> (i32, i32) {
    %c0_i32 = arith.constant 0 : i32
    %c0_i32_0 = arith.constant 0 : i32
    %c0_i32_1 = arith.constant 0 : i32
    return %c0_i32, %c0_i32_0 : i32, i32
  }
  func.func @transform_3(%arg0: i32) -> (i32, i32) {
    %c0_i32 = arith.constant 0 : i32
    %c0_i32_0 = arith.constant 0 : i32
    return %arg0, %c0_i32 : i32, i32
  }
}

</mosaic_0001>

<sc_bundles>
// kernel: kernel.20.cloned.1.call-start
scs
__scs_entry_jumppad:
0x0: {  	(pc) =	sbr.rel $0x88, $3  }
0x1: {  	(tag) =	ssettag $0x0;
	lr =	simm.s32 $0x1  }
0x2: {  	[smem:$0x3F95] =	sst lr;
	_ =	strace $0xD0000000  }
0x3: {  	_ = 	snop  }
0x4: {  	_ = 	snop  }
0x5: {  	_ = 	snop  }
0x6: {  	_ = 	snop  }
0x7: {  	_ = 	snop  }
__scs_overlays_trampoline_lowered:
0x8: {  	[smem:$0x3FA4] =	sst s0  }
0x9: {  	[smem:$0x3FA5] =	sst s1  }
0xa: {  	[smem:$0x3FA6] =	sst s2  }
0xb: {  	[smem:$0x3FA7] =	sst s3  }
0xc: {  	[smem:$0x3FA8] =	sst s4  }
0xd: {  	[smem:$0x3FA9] =	sst s5  }
0xe: {  	[smem:$0x3FAA] =	sst s6  }
0xf: {  	[smem:$0x3FAB] =	sst s7  }
0x10: {  	[smem:$0x3FAC] =	sst s8  }
0x11: {  	[smem:$0x3FAD] =	sst s9;
	s0 =	simm.s32 @!p0 $0x0  }
0x12: {  	s1 =	sld [smem:$0x3F93];
	s0 =	simm.s32 @p0 $0x1  }
0x13: {  	[smem:$0x3FAE] =	sst s0;
	s0 =	simm.s32 @!p1 $0x0  }
0x14: {  	s2 =	sld [smem:$0x3F92];
	s0 =	simm.s32 @p1 $0x1  }
0x15: {  	[smem:$0x3FAF] =	sst s0;
	s0 =	simm.s32 @!p2 $0x0  }
0x16: {  	s3 =	sld [smem:$0x3FDB];
	s0 =	simm.s32 @p2 $0x1  }
0x17: {  	s4 =	simm.s32 $0x1BF5;
	[smem:$0x3FB1] =	sst s0  }
0x18: {  	s0 =	sld [smem:$0x3F94];
	_ =	swait.ge [sflag:s4], $0x0  }
0x19: {  	s7 =	sld [smem:$0x3F95]  }
0x1a: {  	s8 =	sadd.s32 $0xFFFFE003, lr  }
0x1b: {  	s9 =	sadd.s32 $0xFFFFFEF7, lr;
	s5 =	simm.s32 $0xFFFFFFFF;
	p2 =	slt.u32 s8, $0xFFFFF086  }
0x1c: {  	p1 =	slt.u32 s9, $0xF7A;
	s5 =	simm.s32 @!p2 $0x0  }
0x1d: {  	s5 =	simm.s32 @p1 $0x1;
	p0 =	seq.s32 s7, s2  }
0x1e: {  	s7 =	smul.u32 @!p0 $0xF7A, s2;
	p2 =	seq.s32 @!p0 s5, $0x0  }
0x1f: {  	s9 =	smul.u32 $0xF7A, s1;
	s8 =	simm.s32 @!p0 $0x1BF5;
	p2 =	por !p2, p0  }
0x20: {  	[sflag:s8] =	ssyncset.s32 @!p0 $0xFFFFF086;
	s6 =	sadd.s32 @!p0 s3, s7;
	s7 =	simm.s32 @!p0 $0x108  }
0x21: {  	s3 =	sadd.s32 s3, s9;
	s6 =	sadd.s32 @!p0 $0x88, s6;
	s7 =	simm.s32 @p2 $0x1082  }
0x22: {  	[simem:s7], [sflag:s8] =	dma.local @!p0 [hbm:s6], $0xF7A  }
0x23: {  	s9 =	sor.u32 $0xD0000000, s2;
	s6 =	simm.s32 $0x108;
	_ =	swait.ge @!p0 [sflag:s8], $0x0  }
0x24: {  	s3 =	sadd.s32 $0x88, s3;
	s6 =	simm.s32 @!p1 $0x1082;
	[sflag:s4] =	ssyncset.s32 $0xFFFFF086  }
0x25: {  	[simem:s6], [sflag:s4] =	dma.local [hbm:s3], $0xF7A  }
0x26: {  	[smem:$0x3F95] =	sst s1;
	(tag) =	ssettag s2;
	_ =	strace s9  }
0x27: {  	s1 =	sld [smem:$0x3FA5]  }
0x28: {  	s2 =	sld [smem:$0x3FA6]  }
0x29: {  	s4 =	sld [smem:$0x3FA8]  }
0x2a: {  	p0 =	seq.s32 s5, $0x0;
	s5 =	sld [smem:$0x3FA9]  }
0x2b: {  	s6 =	sld [smem:$0x3FAA]  }
0x2c: {  	s7 =	sld [smem:$0x3FAB]  }
0x2d: {  	s3 =	simm.s32 $0x108;
	s8 =	sld [smem:$0x3FAC]  }
0x2e: {  	s3 =	simm.s32 @!p0 $0x1082;
	s9 =	sld [smem:$0x3FAD]  }
0x2f: {  	lr =	sadd.s32 s0, s3;
	s0 =	sld [smem:$0x3FA4]  }
0x30: {  	s3 =	sld [smem:$0x3FA7]  }
0x31: {  	[smem:$0x3FB0] =	sst s10  }
0x32: {  	s10 =	sld [smem:$0x3FAE];
	_ =	sdelay $0x3  }
0x33: {  	p0 =	seq.s32 s10, $0x1;
	s10 =	sld [smem:$0x3FB0];
	_ =	sdelay $0x3  }
0x34: {  	[smem:$0x3FB0] =	sst s10  }
0x35: {  	s10 =	sld [smem:$0x3FAF];
	_ =	sdelay $0x3  }
0x36: {  	p1 =	seq.s32 s10, $0x1;
	s10 =	sld [smem:$0x3FB0];
	_ =	sdelay $0x3  }
0x37: {  	[smem:$0x3FB0] =	sst s10  }
0x38: {  	s10 =	sld [smem:$0x3FB1]  }
0x39: {  	_ = 	snop;
	(pc) =	sbr.ind lr, $3  }
0x3a: {  	_ = 	snop  }
0x3b: {  	_ = 	snop  }
0x3c: {  	p2 =	seq.s32 s10, $0x1;
	s10 =	sld [smem:$0x3FB0]  }
0x3d: {  	_ =	shalt  }
0x3e: {  	_ =	shalt  }
0x3f: {  	_ =	shalt  }
0x40: {  	_ =	shalt  }
0x41: {  	_ =	shalt  }
0x42: {  	_ =	shalt  }
0x43: {  	_ =	shalt  }
0x44: {  	_ =	shalt  }
0x45: {  	_ =	shalt  }
0x46: {  	_ =	shalt  }
0x47: {  	_ =	shalt  }
0x48: {  	_ =	shalt  }
0x49: {  	_ =	shalt  }
0x4a: {  	_ =	shalt  }
0x4b: {  	_ =	shalt  }
0x4c: {  	_ =	shalt  }
0x4d: {  	_ =	shalt  }
0x4e: {  	_ =	shalt  }
0x4f: {  	_ =	shalt  }
0x50: {  	_ =	shalt  }
0x51: {  	_ =	shalt  }
0x52: {  	_ =	shalt  }
0x53: {  	_ =	shalt  }
0x54: {  	_ =	shalt  }
0x55: {  	_ =	shalt  }
0x56: {  	_ =	shalt  }
0x57: {  	_ =	shalt  }
0x58: {  	_ =	shalt  }
0x59: {  	_ =	shalt  }
0x5a: {  	_ =	shalt  }
0x5b: {  	_ =	shalt  }
0x5c: {  	_ =	shalt  }
0x5d: {  	_ =	shalt  }
0x5e: {  	_ =	shalt  }
0x5f: {  	_ =	shalt  }
0x60: {  	_ =	shalt  }
0x61: {  	_ =	shalt  }
0x62: {  	_ =	shalt  }
0x63: {  	_ =	shalt  }
0x64: {  	_ =	shalt  }
0x65: {  	_ =	shalt  }
0x66: {  	_ =	shalt  }
0x67: {  	_ =	shalt  }
0x68: {  	_ =	shalt  }
0x69: {  	_ =	shalt  }
0x6a: {  	_ =	shalt  }
0x6b: {  	_ =	shalt  }
0x6c: {  	_ =	shalt  }
0x6d: {  	_ =	shalt  }
0x6e: {  	_ =	shalt  }
0x6f: {  	_ =	shalt  }
0x70: {  	_ =	shalt  }
0x71: {  	_ =	shalt  }
0x72: {  	_ =	shalt  }
0x73: {  	_ =	shalt  }
0x74: {  	_ =	shalt  }
0x75: {  	_ =	shalt  }
0x76: {  	_ =	shalt  }
0x77: {  	_ =	shalt  }
0x78: {  	_ =	shalt  }
0x79: {  	_ =	shalt  }
0x7a: {  	_ =	shalt  }
0x7b: {  	_ =	shalt  }
0x7c: {  	_ =	shalt  }
0x7d: {  	_ =	shalt  }
0x7e: {  	_ =	shalt  }
0x7f: {  	_ =	shalt  }
0x80: {  	_ =	shalt  }
0x81: {  	_ =	shalt  }
0x82: {  	_ =	shalt  }
0x83: {  	_ =	shalt  }
0x84: {  	_ =	shalt  }
0x85: {  	_ =	shalt  }
0x86: {  	_ =	shalt  }
0x87: {  	_ =	shalt  }
.Lfunc_end0:
.L_simem_size_0:
called_computation_lowered:
.L_overlay_start_0:
0x88: {  	s2 =	sld [smem:$0x3FD9]  }
0x89: {  	s3 =	sld [smem:$0x3FFE];
	_ =	sdelay $0x1  }
0x8a: {  	s1 =	srdreg.scid  }
0x8b: {  	s0 =	sand.u32 $0x1, s1  }
0x8c: {  	s16 =	sshll.u32 s0, $0xA;
	s2 =	sadd.s32 s3, s2  }
0x8d: {  	s2 =	sadd.s32 s2, s16  }
0x8e: {  	[smem:$0x3FBC] =	sst s2  }
0x8f: {  	_ = 	snop  }
0x90: {  	(tm) =	ssettm $0x1  }
0x91: {  	s17 =	sld [smem:$0x3FFB];
	_ =	sdelay $0x3  }
0x92: {  	_ =	strace s17  }
0x93: {  	s2 =	sld [smem:$0x3FFC];
	_ =	sdelay $0x3  }
0x94: {  	_ =	strace s2  }
0x95: {  	s2 =	sld [smem:$0x3FFD];
	_ =	sdelay $0x3  }
0x96: {  	_ =	strace s2  }
0x97: {  	_ =	strace $0x8FFFFFFF  }
0x98: {  	s18 =	sld [smem:$0x3FDB];
	_ =	sdelay $0x1  }
0x99: {  	s19 =	simm.s32 $_scs_section_size  }
0x9a: {  	s4 =	simm.s32 $_size__tile_overlayer_lowered;
	s5 =	simm.s32 $_tile_overlayer_lowered  }
0x9b: {  	s22 =	simm.s32 $0x1BFF;
	s21 =	sshll.u32 s5, $0x1;
	s2 =	sadd.s32 s19, s18  }
0x9c: {  	s6 =	simm.s32 $0x0;
	s20 =	sshll.u32 s4, $0x1;
	s4 =	sadd.s32 s21, s2  }
0x9d: {  	[timem:s6], [sflag:s22] =	dma.local [hbm:s4], s20  }
0x9e: {  	_ =	swait.ge [sflag:s22], s20  }
0x9f: {  	s3 =	ssub.s32 $0x0, s20;
	[sflag:s22] =	ssyncset.done $0x0  }
0xa0: {  	[sflag:s22] =	ssyncadd.s32 s3;
	_ =	sdelay $0x1  }
0xa1: {  	s23 =	simm.s32 $0x1B8B  }
0xa2: {  	_ =	swait.ge [sflag:s23], $0x1  }
0xa3: {  	[sflag:s23] =	ssyncset.done $0x0  }
0xa4: {  	s25 =	simm.s32 $0x1B8E;
	s24 =	sld [smem:$0x3FFE];
	[sflag:s23] =	ssyncadd.s32 $0xFFFFFFFF  }
0xa5: {  	s26 =	simm.s32 $execute0_lowered;
	[smem:$0x3FD2] =	sst s25  }
0xa6: {  	s4 =	sshll.u32 s26, $0x1;
	_ =	strace $0x80000046;
	[dreg:$0x1] =	wrdreg $0xFFFFFFFF  }
0xa7: {  	s28 =	simm.s32 $_size_execute0_lowered;
	s2 =	sadd.s32 s2, s4;
	[dreg:$0x0] =	wrdreg $0x0  }
0xa8: {  	s4 =	sshll.u32 s28, $0x1;
	[dreg:$0x2] =	wrdreg s2  }
0xa9: {  	[dreg:$0x3] =	wrdreg s4  }
0xaa: {  	[dreg:$0x4] =	wrdreg $0xC0  }
0xab: {  	_ =	task [dreg:s6], $0x5FFFF  }
0xac: {  	[dreg:$0x1] =	wrdreg $0xFFFFFFFF  }
0xad: {  	[dreg:$0x0] =	wrdreg $0x60  }
0xae: {  	[dreg:$0x2] =	wrdreg s24  }
0xaf: {  	[dreg:$0x3] =	wrdreg $0x10B400  }
0xb0: {  	[dreg:$0x4] =	wrdreg $0x6F000  }
0xb1: {  	[dreg:$0x5] =	wrdreg $0x9  }
0xb2: {  	_ =	task.clear_ibuf [dreg:s6], $0x6FFFF;
	_ =	strace $0x90000046  }
0xb3: {  	s29 =	simm.s32 $0x9;
	_ =	strace $0x80000048  }
0xb4: {  	_ =	swait.ge [sflag:s29], $0x1  }
0xb5: {  	[sflag:s29] =	ssyncadd.s32 $0xFFFFFFFF  }
0xb6: {  	_ =	strace $0x90000048  }
0xb7: {  	_ =	sfence  }
0xb8: {  	s30 =	sld [smem:$0x0];
	_ =	sdelay $0x2  }
0xb9: {  	s31 =	sshll.u32 s1, $0xD;
	s1 =	sshrl.u32 s1, $0x2  }
0xba: {  	s3 =	sand.u32 $0x4000, s31;
	s1 =	sadd.s32 s1, s30  }
0xbb: {  	s0 =	sor.u32 s3, s0;
	s1 =	sshll.u32 s1, $0x11  }
0xbc: {  	s0 =	sor.u32 s1, s0  }
0xbd: {  	s0 =	sadd.s32 $0x8F2B, s0  }
0xbe: {  	[sflag:s0] =	ssyncadd.remote.s32 $0x1  }
0xbf: {  	_ =	sfence.sel $0xFFFF  }
0xc0: {  	[dreg:$0x0] =	wrdreg $0xFFFFFFFF;
	(pc) =	sbr.abs _section_cstart, $3  }
0xc1: {  	[dreg:$0x1] =	wrdreg $0xFFFFFFFF  }
0xc2: {  	_ =	task.clear_ibuf [dreg:s6], $0x2FFFF;
	_ =	strace $0x9FFFFFFF  }
0xc3: {  	(tm) =	ssettm $0x7FFFFFFF  }
tec
execute0_lowered:
.L_overlay_start_1:
0x0: {  	(tag) =	ssettag $0x1  }
0x1: {  	s0 =	stileid.u32;
	s6 =	rddreg [dreg:$0x0]  }
0x2: {  	s1 =	srdreg.scid;
	s2 =	rddreg [dreg:$0x1]  }
0x3: {  	s3 =	rddreg [dreg:$0x2];
	s4 =	simm.s32 $0x0;
	s16 =	simm.s32 $0x3  }
0x4: {  	s19 =	simm.s32 $0x2780;
	s20 =	simm.s32 $0x80;
	s21 =	simm.s32 $0x1  }
0x5: {  	s22 =	simm.s32 $0x2;
	s5 =	sand.u32 $0x1, s1;
	s10 =	smul.u32 $0x9C40, s0  }
0x6: {  	s26 =	sshll.u32 s0, $0x1;
	s8 =	smul.u32 $0x1400, s0;
	[smem:$0x7FF] =	sst s4  }
0x7: {  	s11 =	smul.u32 $0x28000, s0;
	s17 =	sshll.u32 s0, $0x6;
	s1 =	sor.u32 s5, s26  }
0x8: {  	s28 =	smul.u32 $0x14000, s5;
	s29 =	ssub.s32 $0x2, s5;
	s17 =	sor.u32 $0x1C03, s17  }
0x9: {  	s7 =	smul.u32 $0x4F0, s1;
	s1 =	rddreg [dreg:$0x3];
	s9 =	sshrl.u32 s10, $0x3  }
0xa: {  	_ =	strace $0x80000047;
	s30 =	sshrl.u32 s11, $0x2;
	s31 =	sshrl.u32 s29, $0x1  }
0xb: {  	s18 =	sadd.s32 s10, s3;
	s12 =	sadd.s32 s9, s6;
	s8 =	sadd.s32 s8, s28  }
0xc: {  	s5 =	sadd.s32 s30, s2;
	s15 =	ssub.s32 s29, s31;
	s18 =	sshrl.u32 s18, $0x3  }
0xd: {  	s13 =	sadd.s32 s7, s6;
	s14 =	sadd.s32 s8, s6;
	s6 =	sadd.s32 $0x2000, s5  }
0xe: {  	s7 =	sadd.s32 $0x4000, s5;
	s8 =	sadd.s32 $0x6000, s5;
	s9 =	sadd.s32 $0x8000, s5  }
0xf: {  	s10 =	sadd.s32 $0x2A00, s12;
	s11 =	sadd.s32 $0x20200, s13;
	s12 =	sadd.s32 $0x16400, s13  }
0x10: {  	v0 =	vimm.f32 $0.0e+00;
	s13 =	sadd.s32 $0x2A000, s14;
	s14 =	smax.u32 s15, $0x1;
	s15 =	simm.s32 $0x4F00  }
.LBB2_1:
0x11: {  	s24 =	simm.s32 $0x100;
	s23 =	simm.s32 $0x0  }
.LBB2_2:
0x12: {  	p0 =	sne.s32 s24, $0x7F00;
	[tilespmem:s23+$0x4F30] =	vst v0;
	s25 =	smov.u32 s24;
	s24 =	sadd.s32 $0x100, s24  }
.Ltmp0:
0x13: {  	[tilespmem:s23+$0x4F20] =	vst v0;
	(pc) =	sbr.rel @p0 .LBB2_2-.Ltmp0, $3  }
0x14: {  	[tilespmem:s23+$0x4F00] =	vst v0  }
0x15: {  	[tilespmem:s23+$0x4F10] =	vst v0;
	_ =	sdelay $0x1  }
0x16: {  	s23 =	sshra.s32 s25, $0x2  }
0x17: {  	[tilespmem:s23+$0x4F30] =	vst v0  }
0x18: {  	[tilespmem:s23+$0x4F20] =	vst v0  }
0x19: {  	[tilespmem:s23+$0x4F00] =	vst v0  }
0x1a: {  	[tilespmem:s23+$0x4F10] =	vst v0  }
0x1b: {  	[spmem:s5] =	stream.linear.scatter [tilespmem:s15], [sflag:$0x3], $0x2000, $0x38;
	[tilespmem:$0x1AB40] =	vst v63  }
0x1c: {  	_ =	swait.ge [sflag:s16], $0x2000  }
0x1d: {  	[sflag:s16] =	ssyncset.done $0x0  }
0x1e: {  	[sflag:s16] =	ssyncadd.s32 $0xFFFFE000  }
0x1f: {  	[spmem:s6] =	stream.linear.scatter [tilespmem:s15], [sflag:$0x3], $0x2000, $0x38;
	[tilespmem:$0x1AB40] =	vst v63  }
0x20: {  	_ =	swait.ge [sflag:s16], $0x2000  }
0x21: {  	[sflag:s16] =	ssyncset.done $0x0  }
0x22: {  	[sflag:s16] =	ssyncadd.s32 $0xFFFFE000  }
0x23: {  	[spmem:s7] =	stream.linear.scatter [tilespmem:s15], [sflag:$0x3], $0x2000, $0x38;
	[tilespmem:$0x1AB40] =	vst v63  }
0x24: {  	_ =	swait.ge [sflag:s16], $0x2000  }
0x25: {  	[sflag:s16] =	ssyncset.done $0x0  }
0x26: {  	[sflag:s16] =	ssyncadd.s32 $0xFFFFE000  }
0x27: {  	[spmem:s8] =	stream.linear.scatter [tilespmem:s15], [sflag:$0x3], $0x2000, $0x38;
	[tilespmem:$0x1AB40] =	vst v63  }
0x28: {  	_ =	swait.ge [sflag:s16], $0x2000  }
0x29: {  	[sflag:s16] =	ssyncset.done $0x0  }
0x2a: {  	[sflag:s16] =	ssyncadd.s32 $0xFFFFE000  }
0x2b: {  	[spmem:s9] =	stream.linear.scatter [tilespmem:s15], [sflag:$0x3], $0x2000, $0x38;
	[tilespmem:$0x1AB40] =	vst v63  }
0x2c: {  	_ =	swait.ge [sflag:s16], $0x2000  }
0x2d: {  	[sflag:s16] =	ssyncset.done $0x0  }
0x2e: {  	[sflag:s16] =	ssyncadd.s32 $0xFFFFE000  }
0x2f: {  	[spmem:s18], [sflag:s17] =	dma.local [hbm:s10], $0x1388  }
0x30: {  	_ =	swait.ge [sflag:s16], $0x1388  }
0x31: {  	[sflag:s16] =	ssyncset.done $0x0  }
0x32: {  	s29 =	simm.s32 $0x0;
	[sflag:s16] =	ssyncadd.s32 $0xFFFFEC78  }
0x33: {  	[tilespmem:s29], [sflag:$0x3] =	stream.linear.gather [hbm4b:s11+s29], $0x2780, $0x38;
	[tilespmem:$0x1AB40] =	vst v63  }
0x34: {  	_ =	swait.ge [sflag:s16], $0x2780  }
0x35: {  	[sflag:s16] =	ssyncset.done $0x0  }
0x36: {  	[sflag:s16] =	ssyncadd.s32 $0xFFFFD880  }
0x37: {  	[tilespmem:s19], [sflag:$0x3] =	stream.linear.gather [hbm4b:s12+s29], $0x2780, $0x38;
	[tilespmem:$0x1AB40] =	vst v63  }
0x38: {  	_ =	swait.ge [sflag:s16], $0x2780  }
0x39: {  	[sflag:s16] =	ssyncset.done $0x0  }
0x3a: {  	[sflag:s16] =	ssyncadd.s32 $0xFFFFD880  }
0x3b: {  	s30 =	simm.s32 $0x0;
	[bflag:$0x0] =	sbarrier.arrive $0xFFFF  }
0x3c: {  	[tilespmem:s15], [sflag:$0x1] =	stream.indirect.gather [spmem:s3], $0x40, s30, s20, $0xb8;
	[tilespmem:$0x1AB40] =	vst v63  }
0x3d: {  	_ =	swait.ge [sflag:s21], $0x2000  }
0x3e: {  	[sflag:s21] =	ssyncset.done $0x0  }
0x3f: {  	s31 =	simm.s32 $0x2780;
	[sflag:s21] =	ssyncadd.s32 $0xFFFFE000  }
0x40: {  	[spmem:s2] =	stream.indirect.scatter.add.f32 [tilespmem:s15], [sflag:$0x2], $0x40, s31, s20, $0xb8;
	[tilespmem:$0x1AB40] =	vst v63  }
0x41: {  	_ =	swait.ge [sflag:s22], $0x2000  }
0x42: {  	s23 =	simm.s32 $0x200;
	s24 =	simm.s32 $0x400;
	[sflag:s22] =	ssyncset.done $0x0  }
.LBB2_4:
0x43: {  	s25 =	sshra.s32 s23, $0x2  }
0x44: {  	[sflag:s22] =	ssyncadd.s32 $0xFFFFE000;
	s23 =	smov.u32 s24;
	s26 =	sadd.s32 $0x200, s24  }
0x45: {  	[tilespmem:s15], [sflag:$0x1] =	stream.indirect.gather [spmem:s3], $0x40, s25, s20, $0xb8;
	[tilespmem:$0x1AB40] =	vst v63  }
0x46: {  	p0 =	sne.s32 s24, $0x9C00;
	_ =	swait.ge [sflag:s21], $0x2000  }
.Ltmp1:
0x47: {  	[sflag:s21] =	ssyncset.done $0x0;
	(pc) =	sbr.rel @p0 .LBB2_4-.Ltmp1, $4  }
0x48: {  	s24 =	sadd.s32 $0x2780, s25;
	[sflag:s21] =	ssyncadd.s32 $0xFFFFE000  }
0x49: {  	[spmem:s2] =	stream.indirect.scatter.add.f32 [tilespmem:s15], [sflag:$0x2], $0x40, s24, s20, $0xb8;
	[tilespmem:$0x1AB40] =	vst v63  }
0x4a: {  	_ =	swait.ge [sflag:s22], $0x2000  }
0x4b: {  	s24 =	smov.u32 s26;
	[sflag:s22] =	ssyncset.done $0x0  }
0x4c: {  	s23 =	sshra.s32 s23, $0x2;
	[sflag:s22] =	ssyncadd.s32 $0xFFFFE000  }
0x4d: {  	[tilespmem:s15], [sflag:$0x1] =	stream.indirect.gather [spmem:s3], $0x40, s23, s20, $0xb8;
	[tilespmem:$0x1AB40] =	vst v63  }
0x4e: {  	_ =	swait.ge [sflag:s21], $0x2000  }
0x4f: {  	[sflag:s21] =	ssyncset.done $0x0  }
0x50: {  	s23 =	sadd.s32 $0x2780, s23;
	[sflag:s21] =	ssyncadd.s32 $0xFFFFE000  }
0x51: {  	[spmem:s2] =	stream.indirect.scatter.add.f32 [tilespmem:s15], [sflag:$0x2], $0x40, s23, s20, $0xb8;
	[tilespmem:$0x1AB40] =	vst v63  }
0x52: {  	_ =	swait.ge [sflag:s22], $0x2000  }
0x53: {  	s4 =	sadd.s32 $0x1, s4;
	[sflag:s22] =	ssyncset.done $0x0  }
0x54: {  	p0 =	sne.s32 s4, s14;
	[sflag:s22] =	ssyncadd.s32 $0xFFFFE000  }
.Ltmp2:
0x55: {  	s31 =	sshrl.u32 s5, $0x3;
	[bflag:$0x0] =	sbarrier.arrive $0xFFFF;
	(pc) =	sbr.rel @p0 .LBB2_1-.Ltmp2, $4  }
0x56: {  	[hbm:s13], [sflag:s17] =	dma.local [spmem:s31], $0x1400  }
0x57: {  	_ =	swait.ge [sflag:s16], $0x1400  }
0x58: {  	[sflag:s16] =	ssyncset.done $0x0  }
0x59: {  	[sflag:s16] =	ssyncadd.s32 $0xFFFFEC00  }
0x5a: {  	_ =	sfence.sel $0x180000  }
0x5b: {  	[bflag:$0x0] =	sbarrier.arrive $0xFFFF  }
0x5c: {  	p0 =	sne.s32 s0, $0x0;
	_ =	strace $0x90000047  }
0x5d: {  	s0 =	sadd.s32 @!p0 $0x100000, s1;
	[bflag:$0x2] =	sbarrier.arrive $0xFFFF  }
0x5e: {  	[sflag:s0] =	ssyncadd.tile.s32 @!p0 $0x1;
	_ =	shalt  }
.Lfunc_end2:
_tile_overlayer_lowered:
.L_overlay_start_2:
0x5f: {  	(tag) =	ssettag $0x2  }
0x60: {  	s0 =	rddreg [dreg:$0x0];
	s2 =	stileid.u32  }
0x61: {  	s1 =	rddreg [dreg:$0x1];
	p0 =	sne.s32 s2, $0x0  }
0x62: {  	s3 =	rddreg [dreg:$0x2];
	[bflag:$0x3] =	sbarrier.arrive $0xFFFF;
	s2 =	simm.s32 @!p0 $0x1C03  }
0x63: {  	[timem:s3], [sflag:s2] =	dma.local @!p0 [hbm:s0], s1  }
0x64: {  	s0 =	simm.s32 @!p0 $0x3  }
0x65: {  	_ =	swait.ge @!p0 [sflag:s0], s1  }
0x66: {  	s1 =	ssub.s32 @!p0 $0x0, s1;
	[sflag:s0] =	ssyncset.done @!p0 $0x0  }
0x67: {  	[sflag:s0] =	ssyncadd.s32 @!p0 s1  }
0x68: {  	[bflag:$0x3] =	sbarrier.arrive $0xFFFF  }
0x69: {  	_ =	shalt  }

// kernel: kernel.23.cloned.1.call-start
scs
__scs_entry_jumppad:
0x0: {  	(pc) =	sbr.rel $0x88, $3  }
0x1: {  	(tag) =	ssettag $0x0;
	lr =	simm.s32 $0x1  }
0x2: {  	[smem:$0x3F95] =	sst lr;
	_ =	strace $0xD0000000  }
0x3: {  	_ = 	snop  }
0x4: {  	_ = 	snop  }
0x5: {  	_ = 	snop  }
0x6: {  	_ = 	snop  }
0x7: {  	_ = 	snop  }
__scs_overlays_trampoline_lowered:
0x8: {  	[smem:$0x3FA4] =	sst s0  }
0x9: {  	[smem:$0x3FA5] =	sst s1  }
0xa: {  	[smem:$0x3FA6] =	sst s2  }
0xb: {  	[smem:$0x3FA7] =	sst s3  }
0xc: {  	[smem:$0x3FA8] =	sst s4  }
0xd: {  	[smem:$0x3FA9] =	sst s5  }
0xe: {  	[smem:$0x3FAA] =	sst s6  }
0xf: {  	[smem:$0x3FAB] =	sst s7  }
0x10: {  	[smem:$0x3FAC] =	sst s8  }
0x11: {  	[smem:$0x3FAD] =	sst s9;
	s0 =	simm.s32 @!p0 $0x0  }
0x12: {  	s1 =	sld [smem:$0x3F93];
	s0 =	simm.s32 @p0 $0x1  }
0x13: {  	[smem:$0x3FAE] =	sst s0;
	s0 =	simm.s32 @!p1 $0x0  }
0x14: {  	s2 =	sld [smem:$0x3F92];
	s0 =	simm.s32 @p1 $0x1  }
0x15: {  	[smem:$0x3FAF] =	sst s0;
	s0 =	simm.s32 @!p2 $0x0  }
0x16: {  	s3 =	sld [smem:$0x3FDB];
	s0 =	simm.s32 @p2 $0x1  }
0x17: {  	s4 =	simm.s32 $0x1BF5;
	[smem:$0x3FB1] =	sst s0  }
0x18: {  	s0 =	sld [smem:$0x3F94];
	_ =	swait.ge [sflag:s4], $0x0  }
0x19: {  	s7 =	sld [smem:$0x3F95]  }
0x1a: {  	s8 =	sadd.s32 $0xFFFFE003, lr  }
0x1b: {  	s9 =	sadd.s32 $0xFFFFFEF7, lr;
	s5 =	simm.s32 $0xFFFFFFFF;
	p2 =	slt.u32 s8, $0xFFFFF086  }
0x1c: {  	p1 =	slt.u32 s9, $0xF7A;
	s5 =	simm.s32 @!p2 $0x0  }
0x1d: {  	s5 =	simm.s32 @p1 $0x1;
	p0 =	seq.s32 s7, s2  }
0x1e: {  	s7 =	smul.u32 @!p0 $0xF7A, s2;
	p2 =	seq.s32 @!p0 s5, $0x0  }
0x1f: {  	s9 =	smul.u32 $0xF7A, s1;
	s8 =	simm.s32 @!p0 $0x1BF5;
	p2 =	por !p2, p0  }
0x20: {  	[sflag:s8] =	ssyncset.s32 @!p0 $0xFFFFF086;
	s6 =	sadd.s32 @!p0 s3, s7;
	s7 =	simm.s32 @!p0 $0x108  }
0x21: {  	s3 =	sadd.s32 s3, s9;
	s6 =	sadd.s32 @!p0 $0x88, s6;
	s7 =	simm.s32 @p2 $0x1082  }
0x22: {  	[simem:s7], [sflag:s8] =	dma.local @!p0 [hbm:s6], $0xF7A  }
0x23: {  	s9 =	sor.u32 $0xD0000000, s2;
	s6 =	simm.s32 $0x108;
	_ =	swait.ge @!p0 [sflag:s8], $0x0  }
0x24: {  	s3 =	sadd.s32 $0x88, s3;
	s6 =	simm.s32 @!p1 $0x1082;
	[sflag:s4] =	ssyncset.s32 $0xFFFFF086  }
0x25: {  	[simem:s6], [sflag:s4] =	dma.local [hbm:s3], $0xF7A  }
0x26: {  	[smem:$0x3F95] =	sst s1;
	(tag) =	ssettag s2;
	_ =	strace s9  }
0x27: {  	s1 =	sld [smem:$0x3FA5]  }
0x28: {  	s2 =	sld [smem:$0x3FA6]  }
0x29: {  	s4 =	sld [smem:$0x3FA8]  }
0x2a: {  	p0 =	seq.s32 s5, $0x0;
	s5 =	sld [smem:$0x3FA9]  }
0x2b: {  	s6 =	sld [smem:$0x3FAA]  }
0x2c: {  	s7 =	sld [smem:$0x3FAB]  }
0x2d: {  	s3 =	simm.s32 $0x108;
	s8 =	sld [smem:$0x3FAC]  }
0x2e: {  	s3 =	simm.s32 @!p0 $0x1082;
	s9 =	sld [smem:$0x3FAD]  }
0x2f: {  	lr =	sadd.s32 s0, s3;
	s0 =	sld [smem:$0x3FA4]  }
0x30: {  	s3 =	sld [smem:$0x3FA7]  }
0x31: {  	[smem:$0x3FB0] =	sst s10  }
0x32: {  	s10 =	sld [smem:$0x3FAE];
	_ =	sdelay $0x3  }
0x33: {  	p0 =	seq.s32 s10, $0x1;
	s10 =	sld [smem:$0x3FB0];
	_ =	sdelay $0x3  }
0x34: {  	[smem:$0x3FB0] =	sst s10  }
0x35: {  	s10 =	sld [smem:$0x3FAF];
	_ =	sdelay $0x3  }
0x36: {  	p1 =	seq.s32 s10, $0x1;
	s10 =	sld [smem:$0x3FB0];
	_ =	sdelay $0x3  }
0x37: {  	[smem:$0x3FB0] =	sst s10  }
0x38: {  	s10 =	sld [smem:$0x3FB1]  }
0x39: {  	_ = 	snop;
	(pc) =	sbr.ind lr, $3  }
0x3a: {  	_ = 	snop  }
0x3b: {  	_ = 	snop  }
0x3c: {  	p2 =	seq.s32 s10, $0x1;
	s10 =	sld [smem:$0x3FB0]  }
0x3d: {  	_ =	shalt  }
0x3e: {  	_ =	shalt  }
0x3f: {  	_ =	shalt  }
0x40: {  	_ =	shalt  }
0x41: {  	_ =	shalt  }
0x42: {  	_ =	shalt  }
0x43: {  	_ =	shalt  }
0x44: {  	_ =	shalt  }
0x45: {  	_ =	shalt  }
0x46: {  	_ =	shalt  }
0x47: {  	_ =	shalt  }
0x48: {  	_ =	shalt  }
0x49: {  	_ =	shalt  }
0x4a: {  	_ =	shalt  }
0x4b: {  	_ =	shalt  }
0x4c: {  	_ =	shalt  }
0x4d: {  	_ =	shalt  }
0x4e: {  	_ =	shalt  }
0x4f: {  	_ =	shalt  }
0x50: {  	_ =	shalt  }
0x51: {  	_ =	shalt  }
0x52: {  	_ =	shalt  }
0x53: {  	_ =	shalt  }
0x54: {  	_ =	shalt  }
0x55: {  	_ =	shalt  }
0x56: {  	_ =	shalt  }
0x57: {  	_ =	shalt  }
0x58: {  	_ =	shalt  }
0x59: {  	_ =	shalt  }
0x5a: {  	_ =	shalt  }
0x5b: {  	_ =	shalt  }
0x5c: {  	_ =	shalt  }
0x5d: {  	_ =	shalt  }
0x5e: {  	_ =	shalt  }
0x5f: {  	_ =	shalt  }
0x60: {  	_ =	shalt  }
0x61: {  	_ =	shalt  }
0x62: {  	_ =	shalt  }
0x63: {  	_ =	shalt  }
0x64: {  	_ =	shalt  }
0x65: {  	_ =	shalt  }
0x66: {  	_ =	shalt  }
0x67: {  	_ =	shalt  }
0x68: {  	_ =	shalt  }
0x69: {  	_ =	shalt  }
0x6a: {  	_ =	shalt  }
0x6b: {  	_ =	shalt  }
0x6c: {  	_ =	shalt  }
0x6d: {  	_ =	shalt  }
0x6e: {  	_ =	shalt  }
0x6f: {  	_ =	shalt  }
0x70: {  	_ =	shalt  }
0x71: {  	_ =	shalt  }
0x72: {  	_ =	shalt  }
0x73: {  	_ =	shalt  }
0x74: {  	_ =	shalt  }
0x75: {  	_ =	shalt  }
0x76: {  	_ =	shalt  }
0x77: {  	_ =	shalt  }
0x78: {  	_ =	shalt  }
0x79: {  	_ =	shalt  }
0x7a: {  	_ =	shalt  }
0x7b: {  	_ =	shalt  }
0x7c: {  	_ =	shalt  }
0x7d: {  	_ =	shalt  }
0x7e: {  	_ =	shalt  }
0x7f: {  	_ =	shalt  }
0x80: {  	_ =	shalt  }
0x81: {  	_ =	shalt  }
0x82: {  	_ =	shalt  }
0x83: {  	_ =	shalt  }
0x84: {  	_ =	shalt  }
0x85: {  	_ =	shalt  }
0x86: {  	_ =	shalt  }
0x87: {  	_ =	shalt  }
.Lfunc_end0:
.L_simem_size_0:
called_computation.1_lowered:
.L_overlay_start_0:
0x88: {  	s2 =	sld [smem:$0x3FD9]  }
0x89: {  	s3 =	sld [smem:$0x3FFE];
	_ =	sdelay $0x1  }
0x8a: {  	s1 =	srdreg.scid  }
0x8b: {  	s0 =	sand.u32 $0x1, s1  }
0x8c: {  	s16 =	sshll.u32 s0, $0xA;
	s2 =	sadd.s32 s3, s2  }
0x8d: {  	s2 =	sadd.s32 s2, s16  }
0x8e: {  	[smem:$0x3FBC] =	sst s2  }
0x8f: {  	_ = 	snop  }
0x90: {  	(tm) =	ssettm $0x1  }
0x91: {  	s17 =	sld [smem:$0x3FFB];
	_ =	sdelay $0x3  }
0x92: {  	_ =	strace s17  }
0x93: {  	s2 =	sld [smem:$0x3FFC];
	_ =	sdelay $0x3  }
0x94: {  	_ =	strace s2  }
0x95: {  	s2 =	sld [smem:$0x3FFD];
	_ =	sdelay $0x3  }
0x96: {  	_ =	strace s2  }
0x97: {  	_ =	strace $0x8FFFFFFF  }
0x98: {  	s18 =	sld [smem:$0x3FDB];
	_ =	sdelay $0x1  }
0x99: {  	s19 =	simm.s32 $_scs_section_size  }
0x9a: {  	s4 =	simm.s32 $_size__tile_overlayer_lowered;
	s5 =	simm.s32 $_tile_overlayer_lowered  }
0x9b: {  	s22 =	simm.s32 $0x1BFF;
	s21 =	sshll.u32 s5, $0x1;
	s2 =	sadd.s32 s19, s18  }
0x9c: {  	s6 =	simm.s32 $0x0;
	s20 =	sshll.u32 s4, $0x1;
	s4 =	sadd.s32 s21, s2  }
0x9d: {  	[timem:s6], [sflag:s22] =	dma.local [hbm:s4], s20  }
0x9e: {  	_ =	swait.ge [sflag:s22], s20  }
0x9f: {  	s3 =	ssub.s32 $0x0, s20;
	[sflag:s22] =	ssyncset.done $0x0  }
0xa0: {  	[sflag:s22] =	ssyncadd.s32 s3;
	_ =	sdelay $0x1  }
0xa1: {  	s23 =	simm.s32 $0x1B8B  }
0xa2: {  	_ =	swait.ge [sflag:s23], $0x1  }
0xa3: {  	[sflag:s23] =	ssyncset.done $0x0  }
0xa4: {  	s25 =	simm.s32 $0x1B8E;
	s24 =	sld [smem:$0x3FFE];
	[sflag:s23] =	ssyncadd.s32 $0xFFFFFFFF  }
0xa5: {  	s26 =	simm.s32 $execute0_lowered;
	[smem:$0x3FD2] =	sst s25  }
0xa6: {  	s4 =	sshll.u32 s26, $0x1;
	_ =	strace $0x80000049;
	[dreg:$0x1] =	wrdreg $0xFFFFFFFF  }
0xa7: {  	s28 =	simm.s32 $_size_execute0_lowered;
	s2 =	sadd.s32 s2, s4;
	[dreg:$0x0] =	wrdreg $0x0  }
0xa8: {  	s4 =	sshll.u32 s28, $0x1;
	[dreg:$0x2] =	wrdreg s2  }
0xa9: {  	[dreg:$0x3] =	wrdreg s4  }
0xaa: {  	[dreg:$0x4] =	wrdreg $0xC0  }
0xab: {  	_ =	task [dreg:s6], $0x5FFFF  }
0xac: {  	[dreg:$0x1] =	wrdreg $0xFFFFFFFF  }
0xad: {  	[dreg:$0x0] =	wrdreg $0x60  }
0xae: {  	[dreg:$0x2] =	wrdreg s24  }
0xaf: {  	[dreg:$0x3] =	wrdreg $0x10B400  }
0xb0: {  	[dreg:$0x4] =	wrdreg $0x6F000  }
0xb1: {  	[dreg:$0x5] =	wrdreg $0x9  }
0xb2: {  	_ =	task.clear_ibuf [dreg:s6], $0x6FFFF;
	_ =	strace $0x90000049  }
0xb3: {  	s29 =	simm.s32 $0x9;
	_ =	strace $0x8000004B  }
0xb4: {  	_ =	swait.ge [sflag:s29], $0x1  }
0xb5: {  	[sflag:s29] =	ssyncadd.s32 $0xFFFFFFFF  }
0xb6: {  	_ =	strace $0x9000004B  }
0xb7: {  	_ =	sfence  }
0xb8: {  	s30 =	sld [smem:$0x0];
	_ =	sdelay $0x2  }
0xb9: {  	s31 =	sshll.u32 s1, $0xD;
	s1 =	sshrl.u32 s1, $0x2  }
0xba: {  	s3 =	sand.u32 $0x4000, s31;
	s1 =	sadd.s32 s1, s30  }
0xbb: {  	s0 =	sor.u32 s3, s0;
	s1 =	sshll.u32 s1, $0x11  }
0xbc: {  	s0 =	sor.u32 s1, s0  }
0xbd: {  	s0 =	sadd.s32 $0x8F2B, s0  }
0xbe: {  	[sflag:s0] =	ssyncadd.remote.s32 $0x1  }
0xbf: {  	_ =	sfence.sel $0xFFFF  }
0xc0: {  	[dreg:$0x0] =	wrdreg $0xFFFFFFFF;
	(pc) =	sbr.abs _section_cstart, $3  }
0xc1: {  	[dreg:$0x1] =	wrdreg $0xFFFFFFFF  }
0xc2: {  	_ =	task.clear_ibuf [dreg:s6], $0x2FFFF;
	_ =	strace $0x9FFFFFFF  }
0xc3: {  	(tm) =	ssettm $0x7FFFFFFF  }
tec
execute0_lowered:
.L_overlay_start_1:
0x0: {  	(tag) =	ssettag $0x1  }
0x1: {  	s0 =	stileid.u32;
	s6 =	rddreg [dreg:$0x0]  }
0x2: {  	s1 =	srdreg.scid;
	s2 =	rddreg [dreg:$0x1]  }
0x3: {  	s3 =	rddreg [dreg:$0x2];
	s4 =	simm.s32 $0x0;
	s16 =	simm.s32 $0x3  }
0x4: {  	s19 =	simm.s32 $0x2780;
	s20 =	simm.s32 $0x80;
	s21 =	simm.s32 $0x1  }
0x5: {  	s22 =	simm.s32 $0x2;
	s5 =	sand.u32 $0x1, s1;
	s10 =	smul.u32 $0x9C40, s0  }
0x6: {  	s26 =	sshll.u32 s0, $0x1;
	s8 =	smul.u32 $0x1400, s0;
	[smem:$0x7FF] =	sst s4  }
0x7: {  	s11 =	smul.u32 $0x28000, s0;
	s17 =	sshll.u32 s0, $0x6;
	s1 =	sor.u32 s5, s26  }
0x8: {  	s28 =	smul.u32 $0x14000, s5;
	s29 =	ssub.s32 $0x2, s5;
	s17 =	sor.u32 $0x1C03, s17  }
0x9: {  	s7 =	smul.u32 $0x4F0, s1;
	s1 =	rddreg [dreg:$0x3];
	s9 =	sshrl.u32 s10, $0x3  }
0xa: {  	_ =	strace $0x8000004A;
	s30 =	sshrl.u32 s11, $0x2;
	s31 =	sshrl.u32 s29, $0x1  }
0xb: {  	s18 =	sadd.s32 s10, s3;
	s12 =	sadd.s32 s9, s6;
	s8 =	sadd.s32 s8, s28  }
0xc: {  	s5 =	sadd.s32 s30, s2;
	s15 =	ssub.s32 s29, s31;
	s18 =	sshrl.u32 s18, $0x3  }
0xd: {  	s13 =	sadd.s32 s7, s6;
	s14 =	sadd.s32 s8, s6;
	s6 =	sadd.s32 $0x2000, s5  }
0xe: {  	s7 =	sadd.s32 $0x4000, s5;
	s8 =	sadd.s32 $0x6000, s5;
	s9 =	sadd.s32 $0x8000, s5  }
0xf: {  	s10 =	sadd.s32 $0x2A00, s12;
	s11 =	sadd.s32 $0x20200, s13;
	s12 =	sadd.s32 $0x16400, s13  }
0x10: {  	v0 =	vimm.f32 $0.0e+00;
	s13 =	sadd.s32 $0x2A000, s14;
	s14 =	smax.u32 s15, $0x1;
	s15 =	simm.s32 $0x4F00  }
.LBB2_1:
0x11: {  	s24 =	simm.s32 $0x100;
	s23 =	simm.s32 $0x0  }
.LBB2_2:
0x12: {  	p0 =	sne.s32 s24, $0x7F00;
	[tilespmem:s23+$0x4F30] =	vst v0;
	s25 =	smov.u32 s24;
	s24 =	sadd.s32 $0x100, s24  }
.Ltmp0:
0x13: {  	[tilespmem:s23+$0x4F20] =	vst v0;
	(pc) =	sbr.rel @p0 .LBB2_2-.Ltmp0, $3  }
0x14: {  	[tilespmem:s23+$0x4F00] =	vst v0  }
0x15: {  	[tilespmem:s23+$0x4F10] =	vst v0;
	_ =	sdelay $0x1  }
0x16: {  	s23 =	sshra.s32 s25, $0x2  }
0x17: {  	[tilespmem:s23+$0x4F30] =	vst v0  }
0x18: {  	[tilespmem:s23+$0x4F20] =	vst v0  }
0x19: {  	[tilespmem:s23+$0x4F00] =	vst v0  }
0x1a: {  	[tilespmem:s23+$0x4F10] =	vst v0  }
0x1b: {  	[spmem:s5] =	stream.linear.scatter [tilespmem:s15], [sflag:$0x3], $0x2000, $0x38;
	[tilespmem:$0x1AB40] =	vst v63  }
0x1c: {  	_ =	swait.ge [sflag:s16], $0x2000  }
0x1d: {  	[sflag:s16] =	ssyncset.done $0x0  }
0x1e: {  	[sflag:s16] =	ssyncadd.s32 $0xFFFFE000  }
0x1f: {  	[spmem:s6] =	stream.linear.scatter [tilespmem:s15], [sflag:$0x3], $0x2000, $0x38;
	[tilespmem:$0x1AB40] =	vst v63  }
0x20: {  	_ =	swait.ge [sflag:s16], $0x2000  }
0x21: {  	[sflag:s16] =	ssyncset.done $0x0  }
0x22: {  	[sflag:s16] =	ssyncadd.s32 $0xFFFFE000  }
0x23: {  	[spmem:s7] =	stream.linear.scatter [tilespmem:s15], [sflag:$0x3], $0x2000, $0x38;
	[tilespmem:$0x1AB40] =	vst v63  }
0x24: {  	_ =	swait.ge [sflag:s16], $0x2000  }
0x25: {  	[sflag:s16] =	ssyncset.done $0x0  }
0x26: {  	[sflag:s16] =	ssyncadd.s32 $0xFFFFE000  }
0x27: {  	[spmem:s8] =	stream.linear.scatter [tilespmem:s15], [sflag:$0x3], $0x2000, $0x38;
	[tilespmem:$0x1AB40] =	vst v63  }
0x28: {  	_ =	swait.ge [sflag:s16], $0x2000  }
0x29: {  	[sflag:s16] =	ssyncset.done $0x0  }
0x2a: {  	[sflag:s16] =	ssyncadd.s32 $0xFFFFE000  }
0x2b: {  	[spmem:s9] =	stream.linear.scatter [tilespmem:s15], [sflag:$0x3], $0x2000, $0x38;
	[tilespmem:$0x1AB40] =	vst v63  }
0x2c: {  	_ =	swait.ge [sflag:s16], $0x2000  }
0x2d: {  	[sflag:s16] =	ssyncset.done $0x0  }
0x2e: {  	[sflag:s16] =	ssyncadd.s32 $0xFFFFE000  }
0x2f: {  	[spmem:s18], [sflag:s17] =	dma.local [hbm:s10], $0x1388  }
0x30: {  	_ =	swait.ge [sflag:s16], $0x1388  }
0x31: {  	[sflag:s16] =	ssyncset.done $0x0  }
0x32: {  	s29 =	simm.s32 $0x0;
	[sflag:s16] =	ssyncadd.s32 $0xFFFFEC78  }
0x33: {  	[tilespmem:s29], [sflag:$0x3] =	stream.linear.gather [hbm4b:s11+s29], $0x2780, $0x38;
	[tilespmem:$0x1AB40] =	vst v63  }
0x34: {  	_ =	swait.ge [sflag:s16], $0x2780  }
0x35: {  	[sflag:s16] =	ssyncset.done $0x0  }
0x36: {  	[sflag:s16] =	ssyncadd.s32 $0xFFFFD880  }
0x37: {  	[tilespmem:s19], [sflag:$0x3] =	stream.linear.gather [hbm4b:s12+s29], $0x2780, $0x38;
	[tilespmem:$0x1AB40] =	vst v63  }
0x38: {  	_ =	swait.ge [sflag:s16], $0x2780  }
0x39: {  	[sflag:s16] =	ssyncset.done $0x0  }
0x3a: {  	[sflag:s16] =	ssyncadd.s32 $0xFFFFD880  }
0x3b: {  	s30 =	simm.s32 $0x0;
	[bflag:$0x0] =	sbarrier.arrive $0xFFFF  }
0x3c: {  	[tilespmem:s15], [sflag:$0x1] =	stream.indirect.gather [spmem:s3], $0x40, s30, s20, $0xb8;
	[tilespmem:$0x1AB40] =	vst v63  }
0x3d: {  	_ =	swait.ge [sflag:s21], $0x2000  }
0x3e: {  	[sflag:s21] =	ssyncset.done $0x0  }
0x3f: {  	s31 =	simm.s32 $0x2780;
	[sflag:s21] =	ssyncadd.s32 $0xFFFFE000  }
0x40: {  	[spmem:s2] =	stream.indirect.scatter.add.f32 [tilespmem:s15], [sflag:$0x2], $0x40, s31, s20, $0xb8;
	[tilespmem:$0x1AB40] =	vst v63  }
0x41: {  	_ =	swait.ge [sflag:s22], $0x2000  }
0x42: {  	s23 =	simm.s32 $0x200;
	s24 =	simm.s32 $0x400;
	[sflag:s22] =	ssyncset.done $0x0  }
.LBB2_4:
0x43: {  	s25 =	sshra.s32 s23, $0x2  }
0x44: {  	[sflag:s22] =	ssyncadd.s32 $0xFFFFE000;
	s23 =	smov.u32 s24;
	s26 =	sadd.s32 $0x200, s24  }
0x45: {  	[tilespmem:s15], [sflag:$0x1] =	stream.indirect.gather [spmem:s3], $0x40, s25, s20, $0xb8;
	[tilespmem:$0x1AB40] =	vst v63  }
0x46: {  	p0 =	sne.s32 s24, $0x9C00;
	_ =	swait.ge [sflag:s21], $0x2000  }
.Ltmp1:
0x47: {  	[sflag:s21] =	ssyncset.done $0x0;
	(pc) =	sbr.rel @p0 .LBB2_4-.Ltmp1, $4  }
0x48: {  	s24 =	sadd.s32 $0x2780, s25;
	[sflag:s21] =	ssyncadd.s32 $0xFFFFE000  }
0x49: {  	[spmem:s2] =	stream.indirect.scatter.add.f32 [tilespmem:s15], [sflag:$0x2], $0x40, s24, s20, $0xb8;
	[tilespmem:$0x1AB40] =	vst v63  }
0x4a: {  	_ =	swait.ge [sflag:s22], $0x2000  }
0x4b: {  	s24 =	smov.u32 s26;
	[sflag:s22] =	ssyncset.done $0x0  }
0x4c: {  	s23 =	sshra.s32 s23, $0x2;
	[sflag:s22] =	ssyncadd.s32 $0xFFFFE000  }
0x4d: {  	[tilespmem:s15], [sflag:$0x1] =	stream.indirect.gather [spmem:s3], $0x40, s23, s20, $0xb8;
	[tilespmem:$0x1AB40] =	vst v63  }
0x4e: {  	_ =	swait.ge [sflag:s21], $0x2000  }
0x4f: {  	[sflag:s21] =	ssyncset.done $0x0  }
0x50: {  	s23 =	sadd.s32 $0x2780, s23;
	[sflag:s21] =	ssyncadd.s32 $0xFFFFE000  }
0x51: {  	[spmem:s2] =	stream.indirect.scatter.add.f32 [tilespmem:s15], [sflag:$0x2], $0x40, s23, s20, $0xb8;
	[tilespmem:$0x1AB40] =	vst v63  }
0x52: {  	_ =	swait.ge [sflag:s22], $0x2000  }
0x53: {  	s4 =	sadd.s32 $0x1, s4;
	[sflag:s22] =	ssyncset.done $0x0  }
0x54: {  	p0 =	sne.s32 s4, s14;
	[sflag:s22] =	ssyncadd.s32 $0xFFFFE000  }
.Ltmp2:
0x55: {  	s31 =	sshrl.u32 s5, $0x3;
	[bflag:$0x0] =	sbarrier.arrive $0xFFFF;
	(pc) =	sbr.rel @p0 .LBB2_1-.Ltmp2, $4  }
0x56: {  	[hbm:s13], [sflag:s17] =	dma.local [spmem:s31], $0x1400  }
0x57: {  	_ =	swait.ge [sflag:s16], $0x1400  }
0x58: {  	[sflag:s16] =	ssyncset.done $0x0  }
0x59: {  	[sflag:s16] =	ssyncadd.s32 $0xFFFFEC00  }
0x5a: {  	_ =	sfence.sel $0x180000  }
0x5b: {  	[bflag:$0x0] =	sbarrier.arrive $0xFFFF  }
0x5c: {  	p0 =	sne.s32 s0, $0x0;
	_ =	strace $0x9000004A  }
0x5d: {  	s0 =	sadd.s32 @!p0 $0x100000, s1;
	[bflag:$0x2] =	sbarrier.arrive $0xFFFF  }
0x5e: {  	[sflag:s0] =	ssyncadd.tile.s32 @!p0 $0x1;
	_ =	shalt  }
.Lfunc_end2:
_tile_overlayer_lowered:
.L_overlay_start_2:
0x5f: {  	(tag) =	ssettag $0x2  }
0x60: {  	s0 =	rddreg [dreg:$0x0];
	s2 =	stileid.u32  }
0x61: {  	s1 =	rddreg [dreg:$0x1];
	p0 =	sne.s32 s2, $0x0  }
0x62: {  	s3 =	rddreg [dreg:$0x2];
	[bflag:$0x3] =	sbarrier.arrive $0xFFFF;
	s2 =	simm.s32 @!p0 $0x1C03  }
0x63: {  	[timem:s3], [sflag:s2] =	dma.local @!p0 [hbm:s0], s1  }
0x64: {  	s0 =	simm.s32 @!p0 $0x3  }
0x65: {  	_ =	swait.ge @!p0 [sflag:s0], s1  }
0x66: {  	s1 =	ssub.s32 @!p0 $0x0, s1;
	[sflag:s0] =	ssyncset.done @!p0 $0x0  }
0x67: {  	[sflag:s0] =	ssyncadd.s32 @!p0 s1  }
0x68: {  	[bflag:$0x3] =	sbarrier.arrive $0xFFFF  }
0x69: {  	_ =	shalt  }

// kernel: kernel.26.cloned.1.call-start
scs
__scs_entry_jumppad:
0x0: {  	(pc) =	sbr.rel $0x88, $3  }
0x1: {  	(tag) =	ssettag $0x0;
	lr =	simm.s32 $0x1  }
0x2: {  	[smem:$0x3F95] =	sst lr;
	_ =	strace $0xD0000000  }
0x3: {  	_ = 	snop  }
0x4: {  	_ = 	snop  }
0x5: {  	_ = 	snop  }
0x6: {  	_ = 	snop  }
0x7: {  	_ = 	snop  }
__scs_overlays_trampoline_lowered:
0x8: {  	[smem:$0x3FA4] =	sst s0  }
0x9: {  	[smem:$0x3FA5] =	sst s1  }
0xa: {  	[smem:$0x3FA6] =	sst s2  }
0xb: {  	[smem:$0x3FA7] =	sst s3  }
0xc: {  	[smem:$0x3FA8] =	sst s4  }
0xd: {  	[smem:$0x3FA9] =	sst s5  }
0xe: {  	[smem:$0x3FAA] =	sst s6  }
0xf: {  	[smem:$0x3FAB] =	sst s7  }
0x10: {  	[smem:$0x3FAC] =	sst s8  }
0x11: {  	[smem:$0x3FAD] =	sst s9;
	s0 =	simm.s32 @!p0 $0x0  }
0x12: {  	s1 =	sld [smem:$0x3F93];
	s0 =	simm.s32 @p0 $0x1  }
0x13: {  	[smem:$0x3FAE] =	sst s0;
	s0 =	simm.s32 @!p1 $0x0  }
0x14: {  	s2 =	sld [smem:$0x3F92];
	s0 =	simm.s32 @p1 $0x1  }
0x15: {  	[smem:$0x3FAF] =	sst s0;
	s0 =	simm.s32 @!p2 $0x0  }
0x16: {  	s3 =	sld [smem:$0x3FDB];
	s0 =	simm.s32 @p2 $0x1  }
0x17: {  	s4 =	simm.s32 $0x1BF5;
	[smem:$0x3FB1] =	sst s0  }
0x18: {  	s0 =	sld [smem:$0x3F94];
	_ =	swait.ge [sflag:s4], $0x0  }
0x19: {  	s7 =	sld [smem:$0x3F95]  }
0x1a: {  	s8 =	sadd.s32 $0xFFFFE003, lr  }
0x1b: {  	s9 =	sadd.s32 $0xFFFFFEF7, lr;
	s5 =	simm.s32 $0xFFFFFFFF;
	p2 =	slt.u32 s8, $0xFFFFF086  }
0x1c: {  	p1 =	slt.u32 s9, $0xF7A;
	s5 =	simm.s32 @!p2 $0x0  }
0x1d: {  	s5 =	simm.s32 @p1 $0x1;
	p0 =	seq.s32 s7, s2  }
0x1e: {  	s7 =	smul.u32 @!p0 $0xF7A, s2;
	p2 =	seq.s32 @!p0 s5, $0x0  }
0x1f: {  	s9 =	smul.u32 $0xF7A, s1;
	s8 =	simm.s32 @!p0 $0x1BF5;
	p2 =	por !p2, p0  }
0x20: {  	[sflag:s8] =	ssyncset.s32 @!p0 $0xFFFFF086;
	s6 =	sadd.s32 @!p0 s3, s7;
	s7 =	simm.s32 @!p0 $0x108  }
0x21: {  	s3 =	sadd.s32 s3, s9;
	s6 =	sadd.s32 @!p0 $0x88, s6;
	s7 =	simm.s32 @p2 $0x1082  }
0x22: {  	[simem:s7], [sflag:s8] =	dma.local @!p0 [hbm:s6], $0xF7A  }
0x23: {  	s9 =	sor.u32 $0xD0000000, s2;
	s6 =	simm.s32 $0x108;
	_ =	swait.ge @!p0 [sflag:s8], $0x0  }
0x24: {  	s3 =	sadd.s32 $0x88, s3;
	s6 =	simm.s32 @!p1 $0x1082;
	[sflag:s4] =	ssyncset.s32 $0xFFFFF086  }
0x25: {  	[simem:s6], [sflag:s4] =	dma.local [hbm:s3], $0xF7A  }
0x26: {  	[smem:$0x3F95] =	sst s1;
	(tag) =	ssettag s2;
	_ =	strace s9  }
0x27: {  	s1 =	sld [smem:$0x3FA5]  }
0x28: {  	s2 =	sld [smem:$0x3FA6]  }
0x29: {  	s4 =	sld [smem:$0x3FA8]  }
0x2a: {  	p0 =	seq.s32 s5, $0x0;
	s5 =	sld [smem:$0x3FA9]  }
0x2b: {  	s6 =	sld [smem:$0x3FAA]  }
0x2c: {  	s7 =	sld [smem:$0x3FAB]  }
0x2d: {  	s3 =	simm.s32 $0x108;
	s8 =	sld [smem:$0x3FAC]  }
0x2e: {  	s3 =	simm.s32 @!p0 $0x1082;
	s9 =	sld [smem:$0x3FAD]  }
0x2f: {  	lr =	sadd.s32 s0, s3;
	s0 =	sld [smem:$0x3FA4]  }
0x30: {  	s3 =	sld [smem:$0x3FA7]  }
0x31: {  	[smem:$0x3FB0] =	sst s10  }
0x32: {  	s10 =	sld [smem:$0x3FAE];
	_ =	sdelay $0x3  }
0x33: {  	p0 =	seq.s32 s10, $0x1;
	s10 =	sld [smem:$0x3FB0];
	_ =	sdelay $0x3  }
0x34: {  	[smem:$0x3FB0] =	sst s10  }
0x35: {  	s10 =	sld [smem:$0x3FAF];
	_ =	sdelay $0x3  }
0x36: {  	p1 =	seq.s32 s10, $0x1;
	s10 =	sld [smem:$0x3FB0];
	_ =	sdelay $0x3  }
0x37: {  	[smem:$0x3FB0] =	sst s10  }
0x38: {  	s10 =	sld [smem:$0x3FB1]  }
0x39: {  	_ = 	snop;
	(pc) =	sbr.ind lr, $3  }
0x3a: {  	_ = 	snop  }
0x3b: {  	_ = 	snop  }
0x3c: {  	p2 =	seq.s32 s10, $0x1;
	s10 =	sld [smem:$0x3FB0]  }
0x3d: {  	_ =	shalt  }
0x3e: {  	_ =	shalt  }
0x3f: {  	_ =	shalt  }
0x40: {  	_ =	shalt  }
0x41: {  	_ =	shalt  }
0x42: {  	_ =	shalt  }
0x43: {  	_ =	shalt  }
0x44: {  	_ =	shalt  }
0x45: {  	_ =	shalt  }
0x46: {  	_ =	shalt  }
0x47: {  	_ =	shalt  }
0x48: {  	_ =	shalt  }
0x49: {  	_ =	shalt  }
0x4a: {  	_ =	shalt  }
0x4b: {  	_ =	shalt  }
0x4c: {  	_ =	shalt  }
0x4d: {  	_ =	shalt  }
0x4e: {  	_ =	shalt  }
0x4f: {  	_ =	shalt  }
0x50: {  	_ =	shalt  }
0x51: {  	_ =	shalt  }
0x52: {  	_ =	shalt  }
0x53: {  	_ =	shalt  }
0x54: {  	_ =	shalt  }
0x55: {  	_ =	shalt  }
0x56: {  	_ =	shalt  }
0x57: {  	_ =	shalt  }
0x58: {  	_ =	shalt  }
0x59: {  	_ =	shalt  }
0x5a: {  	_ =	shalt  }
0x5b: {  	_ =	shalt  }
0x5c: {  	_ =	shalt  }
0x5d: {  	_ =	shalt  }
0x5e: {  	_ =	shalt  }
0x5f: {  	_ =	shalt  }
0x60: {  	_ =	shalt  }
0x61: {  	_ =	shalt  }
0x62: {  	_ =	shalt  }
0x63: {  	_ =	shalt  }
0x64: {  	_ =	shalt  }
0x65: {  	_ =	shalt  }
0x66: {  	_ =	shalt  }
0x67: {  	_ =	shalt  }
0x68: {  	_ =	shalt  }
0x69: {  	_ =	shalt  }
0x6a: {  	_ =	shalt  }
0x6b: {  	_ =	shalt  }
0x6c: {  	_ =	shalt  }
0x6d: {  	_ =	shalt  }
0x6e: {  	_ =	shalt  }
0x6f: {  	_ =	shalt  }
0x70: {  	_ =	shalt  }
0x71: {  	_ =	shalt  }
0x72: {  	_ =	shalt  }
0x73: {  	_ =	shalt  }
0x74: {  	_ =	shalt  }
0x75: {  	_ =	shalt  }
0x76: {  	_ =	shalt  }
0x77: {  	_ =	shalt  }
0x78: {  	_ =	shalt  }
0x79: {  	_ =	shalt  }
0x7a: {  	_ =	shalt  }
0x7b: {  	_ =	shalt  }
0x7c: {  	_ =	shalt  }
0x7d: {  	_ =	shalt  }
0x7e: {  	_ =	shalt  }
0x7f: {  	_ =	shalt  }
0x80: {  	_ =	shalt  }
0x81: {  	_ =	shalt  }
0x82: {  	_ =	shalt  }
0x83: {  	_ =	shalt  }
0x84: {  	_ =	shalt  }
0x85: {  	_ =	shalt  }
0x86: {  	_ =	shalt  }
0x87: {  	_ =	shalt  }
.Lfunc_end0:
.L_simem_size_0:
called_computation.2_lowered:
.L_overlay_start_0:
0x88: {  	s2 =	sld [smem:$0x3FD9]  }
0x89: {  	s3 =	sld [smem:$0x3FFE];
	_ =	sdelay $0x1  }
0x8a: {  	s1 =	srdreg.scid  }
0x8b: {  	s0 =	sand.u32 $0x1, s1  }
0x8c: {  	s16 =	sshll.u32 s0, $0xA;
	s2 =	sadd.s32 s3, s2  }
0x8d: {  	s2 =	sadd.s32 s2, s16  }
0x8e: {  	[smem:$0x3FBC] =	sst s2  }
0x8f: {  	_ = 	snop  }
0x90: {  	(tm) =	ssettm $0x1  }
0x91: {  	s17 =	sld [smem:$0x3FFB];
	_ =	sdelay $0x3  }
0x92: {  	_ =	strace s17  }
0x93: {  	s2 =	sld [smem:$0x3FFC];
	_ =	sdelay $0x3  }
0x94: {  	_ =	strace s2  }
0x95: {  	s2 =	sld [smem:$0x3FFD];
	_ =	sdelay $0x3  }
0x96: {  	_ =	strace s2  }
0x97: {  	_ =	strace $0x8FFFFFFF  }
0x98: {  	s18 =	sld [smem:$0x3FDB];
	_ =	sdelay $0x1  }
0x99: {  	s19 =	simm.s32 $_scs_section_size  }
0x9a: {  	s4 =	simm.s32 $_size__tile_overlayer_lowered;
	s5 =	simm.s32 $_tile_overlayer_lowered  }
0x9b: {  	s22 =	simm.s32 $0x1BFF;
	s21 =	sshll.u32 s5, $0x1;
	s2 =	sadd.s32 s19, s18  }
0x9c: {  	s6 =	simm.s32 $0x0;
	s20 =	sshll.u32 s4, $0x1;
	s4 =	sadd.s32 s21, s2  }
0x9d: {  	[timem:s6], [sflag:s22] =	dma.local [hbm:s4], s20  }
0x9e: {  	_ =	swait.ge [sflag:s22], s20  }
0x9f: {  	s3 =	ssub.s32 $0x0, s20;
	[sflag:s22] =	ssyncset.done $0x0  }
0xa0: {  	[sflag:s22] =	ssyncadd.s32 s3;
	_ =	sdelay $0x1  }
0xa1: {  	s23 =	simm.s32 $0x1B8B  }
0xa2: {  	_ =	swait.ge [sflag:s23], $0x1  }
0xa3: {  	[sflag:s23] =	ssyncset.done $0x0  }
0xa4: {  	s25 =	simm.s32 $0x1B8E;
	s24 =	sld [smem:$0x3FFE];
	[sflag:s23] =	ssyncadd.s32 $0xFFFFFFFF  }
0xa5: {  	s26 =	simm.s32 $execute0_lowered;
	[smem:$0x3FD2] =	sst s25  }
0xa6: {  	s4 =	sshll.u32 s26, $0x1;
	_ =	strace $0x8000004C;
	[dreg:$0x1] =	wrdreg $0xFFFFFFFF  }
0xa7: {  	s28 =	simm.s32 $_size_execute0_lowered;
	s2 =	sadd.s32 s2, s4;
	[dreg:$0x0] =	wrdreg $0x0  }
0xa8: {  	s4 =	sshll.u32 s28, $0x1;
	[dreg:$0x2] =	wrdreg s2  }
0xa9: {  	[dreg:$0x3] =	wrdreg s4  }
0xaa: {  	[dreg:$0x4] =	wrdreg $0xC0  }
0xab: {  	_ =	task [dreg:s6], $0x5FFFF  }
0xac: {  	[dreg:$0x1] =	wrdreg $0xFFFFFFFF  }
0xad: {  	[dreg:$0x0] =	wrdreg $0x60  }
0xae: {  	[dreg:$0x2] =	wrdreg s24  }
0xaf: {  	[dreg:$0x3] =	wrdreg $0x10B400  }
0xb0: {  	[dreg:$0x4] =	wrdreg $0x6F000  }
0xb1: {  	[dreg:$0x5] =	wrdreg $0x9  }
0xb2: {  	_ =	task.clear_ibuf [dreg:s6], $0x6FFFF;
	_ =	strace $0x9000004C  }
0xb3: {  	s29 =	simm.s32 $0x9;
	_ =	strace $0x8000004E  }
0xb4: {  	_ =	swait.ge [sflag:s29], $0x1  }
0xb5: {  	[sflag:s29] =	ssyncadd.s32 $0xFFFFFFFF  }
0xb6: {  	_ =	strace $0x9000004E  }
0xb7: {  	_ =	sfence  }
0xb8: {  	s30 =	sld [smem:$0x0];
	_ =	sdelay $0x2  }
0xb9: {  	s31 =	sshll.u32 s1, $0xD;
	s1 =	sshrl.u32 s1, $0x2  }
0xba: {  	s3 =	sand.u32 $0x4000, s31;
	s1 =	sadd.s32 s1, s30  }
0xbb: {  	s0 =	sor.u32 s3, s0;
	s1 =	sshll.u32 s1, $0x11  }
0xbc: {  	s0 =	sor.u32 s1, s0  }
0xbd: {  	s0 =	sadd.s32 $0x8F2B, s0  }
0xbe: {  	[sflag:s0] =	ssyncadd.remote.s32 $0x1  }
0xbf: {  	_ =	sfence.sel $0xFFFF  }
0xc0: {  	[dreg:$0x0] =	wrdreg $0xFFFFFFFF;
	(pc) =	sbr.abs _section_cstart, $3  }
0xc1: {  	[dreg:$0x1] =	wrdreg $0xFFFFFFFF  }
0xc2: {  	_ =	task.clear_ibuf [dreg:s6], $0x2FFFF;
	_ =	strace $0x9FFFFFFF  }
0xc3: {  	(tm) =	ssettm $0x7FFFFFFF  }
tec
execute0_lowered:
.L_overlay_start_1:
0x0: {  	(tag) =	ssettag $0x1  }
0x1: {  	s0 =	stileid.u32;
	s6 =	rddreg [dreg:$0x0]  }
0x2: {  	s1 =	srdreg.scid;
	s2 =	rddreg [dreg:$0x1]  }
0x3: {  	s3 =	rddreg [dreg:$0x2];
	s4 =	simm.s32 $0x0;
	s16 =	simm.s32 $0x3  }
0x4: {  	s19 =	simm.s32 $0x2780;
	s20 =	simm.s32 $0x80;
	s21 =	simm.s32 $0x1  }
0x5: {  	s22 =	simm.s32 $0x2;
	s5 =	sand.u32 $0x1, s1;
	s10 =	smul.u32 $0x9C40, s0  }
0x6: {  	s26 =	sshll.u32 s0, $0x1;
	s8 =	smul.u32 $0x1400, s0;
	[smem:$0x7FF] =	sst s4  }
0x7: {  	s11 =	smul.u32 $0x28000, s0;
	s17 =	sshll.u32 s0, $0x6;
	s1 =	sor.u32 s5, s26  }
0x8: {  	s28 =	smul.u32 $0x14000, s5;
	s29 =	ssub.s32 $0x2, s5;
	s17 =	sor.u32 $0x1C03, s17  }
0x9: {  	s7 =	smul.u32 $0x4F0, s1;
	s1 =	rddreg [dreg:$0x3];
	s9 =	sshrl.u32 s10, $0x3  }
0xa: {  	_ =	strace $0x8000004D;
	s30 =	sshrl.u32 s11, $0x2;
	s31 =	sshrl.u32 s29, $0x1  }
0xb: {  	s18 =	sadd.s32 s10, s3;
	s12 =	sadd.s32 s9, s6;
	s8 =	sadd.s32 s8, s28  }
0xc: {  	s5 =	sadd.s32 s30, s2;
	s15 =	ssub.s32 s29, s31;
	s18 =	sshrl.u32 s18, $0x3  }
0xd: {  	s13 =	sadd.s32 s7, s6;
	s14 =	sadd.s32 s8, s6;
	s6 =	sadd.s32 $0x2000, s5  }
0xe: {  	s7 =	sadd.s32 $0x4000, s5;
	s8 =	sadd.s32 $0x6000, s5;
	s9 =	sadd.s32 $0x8000, s5  }
0xf: {  	s10 =	sadd.s32 $0x2A00, s12;
	s11 =	sadd.s32 $0x20200, s13;
	s12 =	sadd.s32 $0x16400, s13  }
0x10: {  	v0 =	vimm.f32 $0.0e+00;
	s13 =	sadd.s32 $0x2A000, s14;
	s14 =	smax.u32 s15, $0x1;
	s15 =	simm.s32 $0x4F00  }
.LBB2_1:
0x11: {  	s24 =	simm.s32 $0x100;
	s23 =	simm.s32 $0x0  }
.LBB2_2:
0x12: {  	p0 =	sne.s32 s24, $0x7F00;
	[tilespmem:s23+$0x4F30] =	vst v0;
	s25 =	smov.u32 s24;
	s24 =	sadd.s32 $0x100, s24  }
.Ltmp0:
0x13: {  	[tilespmem:s23+$0x4F20] =	vst v0;
	(pc) =	sbr.rel @p0 .LBB2_2-.Ltmp0, $3  }
0x14: {  	[tilespmem:s23+$0x4F00] =	vst v0  }
0x15: {  	[tilespmem:s23+$0x4F10] =	vst v0;
	_ =	sdelay $0x1  }
0x16: {  	s23 =	sshra.s32 s25, $0x2  }
0x17: {  	[tilespmem:s23+$0x4F30] =	vst v0  }
0x18: {  	[tilespmem:s23+$0x4F20] =	vst v0  }
0x19: {  	[tilespmem:s23+$0x4F00] =	vst v0  }
0x1a: {  	[tilespmem:s23+$0x4F10] =	vst v0  }
0x1b: {  	[spmem:s5] =	stream.linear.scatter [tilespmem:s15], [sflag:$0x3], $0x2000, $0x38;
	[tilespmem:$0x1AB40] =	vst v63  }
0x1c: {  	_ =	swait.ge [sflag:s16], $0x2000  }
0x1d: {  	[sflag:s16] =	ssyncset.done $0x0  }
0x1e: {  	[sflag:s16] =	ssyncadd.s32 $0xFFFFE000  }
0x1f: {  	[spmem:s6] =	stream.linear.scatter [tilespmem:s15], [sflag:$0x3], $0x2000, $0x38;
	[tilespmem:$0x1AB40] =	vst v63  }
0x20: {  	_ =	swait.ge [sflag:s16], $0x2000  }
0x21: {  	[sflag:s16] =	ssyncset.done $0x0  }
0x22: {  	[sflag:s16] =	ssyncadd.s32 $0xFFFFE000  }
0x23: {  	[spmem:s7] =	stream.linear.scatter [tilespmem:s15], [sflag:$0x3], $0x2000, $0x38;
	[tilespmem:$0x1AB40] =	vst v63  }
0x24: {  	_ =	swait.ge [sflag:s16], $0x2000  }
0x25: {  	[sflag:s16] =	ssyncset.done $0x0  }
0x26: {  	[sflag:s16] =	ssyncadd.s32 $0xFFFFE000  }
0x27: {  	[spmem:s8] =	stream.linear.scatter [tilespmem:s15], [sflag:$0x3], $0x2000, $0x38;
	[tilespmem:$0x1AB40] =	vst v63  }
0x28: {  	_ =	swait.ge [sflag:s16], $0x2000  }
0x29: {  	[sflag:s16] =	ssyncset.done $0x0  }
0x2a: {  	[sflag:s16] =	ssyncadd.s32 $0xFFFFE000  }
0x2b: {  	[spmem:s9] =	stream.linear.scatter [tilespmem:s15], [sflag:$0x3], $0x2000, $0x38;
	[tilespmem:$0x1AB40] =	vst v63  }
0x2c: {  	_ =	swait.ge [sflag:s16], $0x2000  }
0x2d: {  	[sflag:s16] =	ssyncset.done $0x0  }
0x2e: {  	[sflag:s16] =	ssyncadd.s32 $0xFFFFE000  }
0x2f: {  	[spmem:s18], [sflag:s17] =	dma.local [hbm:s10], $0x1388  }
0x30: {  	_ =	swait.ge [sflag:s16], $0x1388  }
0x31: {  	[sflag:s16] =	ssyncset.done $0x0  }
0x32: {  	s29 =	simm.s32 $0x0;
	[sflag:s16] =	ssyncadd.s32 $0xFFFFEC78  }
0x33: {  	[tilespmem:s29], [sflag:$0x3] =	stream.linear.gather [hbm4b:s11+s29], $0x2780, $0x38;
	[tilespmem:$0x1AB40] =	vst v63  }
0x34: {  	_ =	swait.ge [sflag:s16], $0x2780  }
0x35: {  	[sflag:s16] =	ssyncset.done $0x0  }
0x36: {  	[sflag:s16] =	ssyncadd.s32 $0xFFFFD880  }
0x37: {  	[tilespmem:s19], [sflag:$0x3] =	stream.linear.gather [hbm4b:s12+s29], $0x2780, $0x38;
	[tilespmem:$0x1AB40] =	vst v63  }
0x38: {  	_ =	swait.ge [sflag:s16], $0x2780  }
0x39: {  	[sflag:s16] =	ssyncset.done $0x0  }
0x3a: {  	[sflag:s16] =	ssyncadd.s32 $0xFFFFD880  }
0x3b: {  	s30 =	simm.s32 $0x0;
	[bflag:$0x0] =	sbarrier.arrive $0xFFFF  }
0x3c: {  	[tilespmem:s15], [sflag:$0x1] =	stream.indirect.gather [spmem:s3], $0x40, s30, s20, $0xb8;
	[tilespmem:$0x1AB40] =	vst v63  }
0x3d: {  	_ =	swait.ge [sflag:s21], $0x2000  }
0x3e: {  	[sflag:s21] =	ssyncset.done $0x0  }
0x3f: {  	s31 =	simm.s32 $0x2780;
	[sflag:s21] =	ssyncadd.s32 $0xFFFFE000  }
0x40: {  	[spmem:s2] =	stream.indirect.scatter.add.f32 [tilespmem:s15], [sflag:$0x2], $0x40, s31, s20, $0xb8;
	[tilespmem:$0x1AB40] =	vst v63  }
0x41: {  	_ =	swait.ge [sflag:s22], $0x2000  }
0x42: {  	s23 =	simm.s32 $0x200;
	s24 =	simm.s32 $0x400;
	[sflag:s22] =	ssyncset.done $0x0  }
.LBB2_4:
0x43: {  	s25 =	sshra.s32 s23, $0x2  }
0x44: {  	[sflag:s22] =	ssyncadd.s32 $0xFFFFE000;
	s23 =	smov.u32 s24;
	s26 =	sadd.s32 $0x200, s24  }
0x45: {  	[tilespmem:s15], [sflag:$0x1] =	stream.indirect.gather [spmem:s3], $0x40, s25, s20, $0xb8;
	[tilespmem:$0x1AB40] =	vst v63  }
0x46: {  	p0 =	sne.s32 s24, $0x9C00;
	_ =	swait.ge [sflag:s21], $0x2000  }
.Ltmp1:
0x47: {  	[sflag:s21] =	ssyncset.done $0x0;
	(pc) =	sbr.rel @p0 .LBB2_4-.Ltmp1, $4  }
0x48: {  	s24 =	sadd.s32 $0x2780, s25;
	[sflag:s21] =	ssyncadd.s32 $0xFFFFE000  }
0x49: {  	[spmem:s2] =	stream.indirect.scatter.add.f32 [tilespmem:s15], [sflag:$0x2], $0x40, s24, s20, $0xb8;
	[tilespmem:$0x1AB40] =	vst v63  }
0x4a: {  	_ =	swait.ge [sflag:s22], $0x2000  }
0x4b: {  	s24 =	smov.u32 s26;
	[sflag:s22] =	ssyncset.done $0x0  }
0x4c: {  	s23 =	sshra.s32 s23, $0x2;
	[sflag:s22] =	ssyncadd.s32 $0xFFFFE000  }
0x4d: {  	[tilespmem:s15], [sflag:$0x1] =	stream.indirect.gather [spmem:s3], $0x40, s23, s20, $0xb8;
	[tilespmem:$0x1AB40] =	vst v63  }
0x4e: {  	_ =	swait.ge [sflag:s21], $0x2000  }
0x4f: {  	[sflag:s21] =	ssyncset.done $0x0  }
0x50: {  	s23 =	sadd.s32 $0x2780, s23;
	[sflag:s21] =	ssyncadd.s32 $0xFFFFE000  }
0x51: {  	[spmem:s2] =	stream.indirect.scatter.add.f32 [tilespmem:s15], [sflag:$0x2], $0x40, s23, s20, $0xb8;
	[tilespmem:$0x1AB40] =	vst v63  }
0x52: {  	_ =	swait.ge [sflag:s22], $0x2000  }
0x53: {  	s4 =	sadd.s32 $0x1, s4;
	[sflag:s22] =	ssyncset.done $0x0  }
0x54: {  	p0 =	sne.s32 s4, s14;
	[sflag:s22] =	ssyncadd.s32 $0xFFFFE000  }
.Ltmp2:
0x55: {  	s31 =	sshrl.u32 s5, $0x3;
	[bflag:$0x0] =	sbarrier.arrive $0xFFFF;
	(pc) =	sbr.rel @p0 .LBB2_1-.Ltmp2, $4  }
0x56: {  	[hbm:s13], [sflag:s17] =	dma.local [spmem:s31], $0x1400  }
0x57: {  	_ =	swait.ge [sflag:s16], $0x1400  }
0x58: {  	[sflag:s16] =	ssyncset.done $0x0  }
0x59: {  	[sflag:s16] =	ssyncadd.s32 $0xFFFFEC00  }
0x5a: {  	_ =	sfence.sel $0x180000  }
0x5b: {  	[bflag:$0x0] =	sbarrier.arrive $0xFFFF  }
0x5c: {  	p0 =	sne.s32 s0, $0x0;
	_ =	strace $0x9000004D  }
0x5d: {  	s0 =	sadd.s32 @!p0 $0x100000, s1;
	[bflag:$0x2] =	sbarrier.arrive $0xFFFF  }
0x5e: {  	[sflag:s0] =	ssyncadd.tile.s32 @!p0 $0x1;
	_ =	shalt  }
.Lfunc_end2:
_tile_overlayer_lowered:
.L_overlay_start_2:
0x5f: {  	(tag) =	ssettag $0x2  }
0x60: {  	s0 =	rddreg [dreg:$0x0];
	s2 =	stileid.u32  }
0x61: {  	s1 =	rddreg [dreg:$0x1];
	p0 =	sne.s32 s2, $0x0  }
0x62: {  	s3 =	rddreg [dreg:$0x2];
	[bflag:$0x3] =	sbarrier.arrive $0xFFFF;
	s2 =	simm.s32 @!p0 $0x1C03  }
0x63: {  	[timem:s3], [sflag:s2] =	dma.local @!p0 [hbm:s0], s1  }
0x64: {  	s0 =	simm.s32 @!p0 $0x3  }
0x65: {  	_ =	swait.ge @!p0 [sflag:s0], s1  }
0x66: {  	s1 =	ssub.s32 @!p0 $0x0, s1;
	[sflag:s0] =	ssyncset.done @!p0 $0x0  }
0x67: {  	[sflag:s0] =	ssyncadd.s32 @!p0 s1  }
0x68: {  	[bflag:$0x3] =	sbarrier.arrive $0xFFFF  }
0x69: {  	_ =	shalt  }

// kernel: kernel.29.cloned.1.call-start
scs
__scs_entry_jumppad:
0x0: {  	(pc) =	sbr.rel $0x88, $3  }
0x1: {  	(tag) =	ssettag $0x0;
	lr =	simm.s32 $0x1  }
0x2: {  	[smem:$0x3F95] =	sst lr;
	_ =	strace $0xD0000000  }
0x3: {  	_ = 	snop  }
0x4: {  	_ = 	snop  }
0x5: {  	_ = 	snop  }
0x6: {  	_ = 	snop  }
0x7: {  	_ = 	snop  }
__scs_overlays_trampoline_lowered:
0x8: {  	[smem:$0x3FA4] =	sst s0  }
0x9: {  	[smem:$0x3FA5] =	sst s1  }
0xa: {  	[smem:$0x3FA6] =	sst s2  }
0xb: {  	[smem:$0x3FA7] =	sst s3  }
0xc: {  	[smem:$0x3FA8] =	sst s4  }
0xd: {  	[smem:$0x3FA9] =	sst s5  }
0xe: {  	[smem:$0x3FAA] =	sst s6  }
0xf: {  	[smem:$0x3FAB] =	sst s7  }
0x10: {  	[smem:$0x3FAC] =	sst s8  }
0x11: {  	[smem:$0x3FAD] =	sst s9;
	s0 =	simm.s32 @!p0 $0x0  }
0x12: {  	s1 =	sld [smem:$0x3F93];
	s0 =	simm.s32 @p0 $0x1  }
0x13: {  	[smem:$0x3FAE] =	sst s0;
	s0 =	simm.s32 @!p1 $0x0  }
0x14: {  	s2 =	sld [smem:$0x3F92];
	s0 =	simm.s32 @p1 $0x1  }
0x15: {  	[smem:$0x3FAF] =	sst s0;
	s0 =	simm.s32 @!p2 $0x0  }
0x16: {  	s3 =	sld [smem:$0x3FDB];
	s0 =	simm.s32 @p2 $0x1  }
0x17: {  	s4 =	simm.s32 $0x1BF5;
	[smem:$0x3FB1] =	sst s0  }
0x18: {  	s0 =	sld [smem:$0x3F94];
	_ =	swait.ge [sflag:s4], $0x0  }
0x19: {  	s7 =	sld [smem:$0x3F95]  }
0x1a: {  	s8 =	sadd.s32 $0xFFFFE003, lr  }
0x1b: {  	s9 =	sadd.s32 $0xFFFFFEF7, lr;
	s5 =	simm.s32 $0xFFFFFFFF;
	p2 =	slt.u32 s8, $0xFFFFF086  }
0x1c: {  	p1 =	slt.u32 s9, $0xF7A;
	s5 =	simm.s32 @!p2 $0x0  }
0x1d: {  	s5 =	simm.s32 @p1 $0x1;
	p0 =	seq.s32 s7, s2  }
0x1e: {  	s7 =	smul.u32 @!p0 $0xF7A, s2;
	p2 =	seq.s32 @!p0 s5, $0x0  }
0x1f: {  	s9 =	smul.u32 $0xF7A, s1;
	s8 =	simm.s32 @!p0 $0x1BF5;
	p2 =	por !p2, p0  }
0x20: {  	[sflag:s8] =	ssyncset.s32 @!p0 $0xFFFFF086;
	s6 =	sadd.s32 @!p0 s3, s7;
	s7 =	simm.s32 @!p0 $0x108  }
0x21: {  	s3 =	sadd.s32 s3, s9;
	s6 =	sadd.s32 @!p0 $0x88, s6;
	s7 =	simm.s32 @p2 $0x1082  }
0x22: {  	[simem:s7], [sflag:s8] =	dma.local @!p0 [hbm:s6], $0xF7A  }
0x23: {  	s9 =	sor.u32 $0xD0000000, s2;
	s6 =	simm.s32 $0x108;
	_ =	swait.ge @!p0 [sflag:s8], $0x0  }
0x24: {  	s3 =	sadd.s32 $0x88, s3;
	s6 =	simm.s32 @!p1 $0x1082;
	[sflag:s4] =	ssyncset.s32 $0xFFFFF086  }
0x25: {  	[simem:s6], [sflag:s4] =	dma.local [hbm:s3], $0xF7A  }
0x26: {  	[smem:$0x3F95] =	sst s1;
	(tag) =	ssettag s2;
	_ =	strace s9  }
0x27: {  	s1 =	sld [smem:$0x3FA5]  }
0x28: {  	s2 =	sld [smem:$0x3FA6]  }
0x29: {  	s4 =	sld [smem:$0x3FA8]  }
0x2a: {  	p0 =	seq.s32 s5, $0x0;
	s5 =	sld [smem:$0x3FA9]  }
0x2b: {  	s6 =	sld [smem:$0x3FAA]  }
0x2c: {  	s7 =	sld [smem:$0x3FAB]  }
0x2d: {  	s3 =	simm.s32 $0x108;
	s8 =	sld [smem:$0x3FAC]  }
0x2e: {  	s3 =	simm.s32 @!p0 $0x1082;
	s9 =	sld [smem:$0x3FAD]  }
0x2f: {  	lr =	sadd.s32 s0, s3;
	s0 =	sld [smem:$0x3FA4]  }
0x30: {  	s3 =	sld [smem:$0x3FA7]  }
0x31: {  	[smem:$0x3FB0] =	sst s10  }
0x32: {  	s10 =	sld [smem:$0x3FAE];
	_ =	sdelay $0x3  }
0x33: {  	p0 =	seq.s32 s10, $0x1;
	s10 =	sld [smem:$0x3FB0];
	_ =	sdelay $0x3  }
0x34: {  	[smem:$0x3FB0] =	sst s10  }
0x35: {  	s10 =	sld [smem:$0x3FAF];
	_ =	sdelay $0x3  }
0x36: {  	p1 =	seq.s32 s10, $0x1;
	s10 =	sld [smem:$0x3FB0];
	_ =	sdelay $0x3  }
0x37: {  	[smem:$0x3FB0] =	sst s10  }
0x38: {  	s10 =	sld [smem:$0x3FB1]  }
0x39: {  	_ = 	snop;
	(pc) =	sbr.ind lr, $3  }
0x3a: {  	_ = 	snop  }
0x3b: {  	_ = 	snop  }
0x3c: {  	p2 =	seq.s32 s10, $0x1;
	s10 =	sld [smem:$0x3FB0]  }
0x3d: {  	_ =	shalt  }
0x3e: {  	_ =	shalt  }
0x3f: {  	_ =	shalt  }
0x40: {  	_ =	shalt  }
0x41: {  	_ =	shalt  }
0x42: {  	_ =	shalt  }
0x43: {  	_ =	shalt  }
0x44: {  	_ =	shalt  }
0x45: {  	_ =	shalt  }
0x46: {  	_ =	shalt  }
0x47: {  	_ =	shalt  }
0x48: {  	_ =	shalt  }
0x49: {  	_ =	shalt  }
0x4a: {  	_ =	shalt  }
0x4b: {  	_ =	shalt  }
0x4c: {  	_ =	shalt  }
0x4d: {  	_ =	shalt  }
0x4e: {  	_ =	shalt  }
0x4f: {  	_ =	shalt  }
0x50: {  	_ =	shalt  }
0x51: {  	_ =	shalt  }
0x52: {  	_ =	shalt  }
0x53: {  	_ =	shalt  }
0x54: {  	_ =	shalt  }
0x55: {  	_ =	shalt  }
0x56: {  	_ =	shalt  }
0x57: {  	_ =	shalt  }
0x58: {  	_ =	shalt  }
0x59: {  	_ =	shalt  }
0x5a: {  	_ =	shalt  }
0x5b: {  	_ =	shalt  }
0x5c: {  	_ =	shalt  }
0x5d: {  	_ =	shalt  }
0x5e: {  	_ =	shalt  }
0x5f: {  	_ =	shalt  }
0x60: {  	_ =	shalt  }
0x61: {  	_ =	shalt  }
0x62: {  	_ =	shalt  }
0x63: {  	_ =	shalt  }
0x64: {  	_ =	shalt  }
0x65: {  	_ =	shalt  }
0x66: {  	_ =	shalt  }
0x67: {  	_ =	shalt  }
0x68: {  	_ =	shalt  }
0x69: {  	_ =	shalt  }
0x6a: {  	_ =	shalt  }
0x6b: {  	_ =	shalt  }
0x6c: {  	_ =	shalt  }
0x6d: {  	_ =	shalt  }
0x6e: {  	_ =	shalt  }
0x6f: {  	_ =	shalt  }
0x70: {  	_ =	shalt  }
0x71: {  	_ =	shalt  }
0x72: {  	_ =	shalt  }
0x73: {  	_ =	shalt  }
0x74: {  	_ =	shalt  }
0x75: {  	_ =	shalt  }
0x76: {  	_ =	shalt  }
0x77: {  	_ =	shalt  }
0x78: {  	_ =	shalt  }
0x79: {  	_ =	shalt  }
0x7a: {  	_ =	shalt  }
0x7b: {  	_ =	shalt  }
0x7c: {  	_ =	shalt  }
0x7d: {  	_ =	shalt  }
0x7e: {  	_ =	shalt  }
0x7f: {  	_ =	shalt  }
0x80: {  	_ =	shalt  }
0x81: {  	_ =	shalt  }
0x82: {  	_ =	shalt  }
0x83: {  	_ =	shalt  }
0x84: {  	_ =	shalt  }
0x85: {  	_ =	shalt  }
0x86: {  	_ =	shalt  }
0x87: {  	_ =	shalt  }
.Lfunc_end0:
.L_simem_size_0:
called_computation.3_lowered:
.L_overlay_start_0:
0x88: {  	s2 =	sld [smem:$0x3FD9]  }
0x89: {  	s3 =	sld [smem:$0x3FFE];
	_ =	sdelay $0x1  }
0x8a: {  	s1 =	srdreg.scid  }
0x8b: {  	s0 =	sand.u32 $0x1, s1  }
0x8c: {  	s16 =	sshll.u32 s0, $0xA;
	s2 =	sadd.s32 s3, s2  }
0x8d: {  	s2 =	sadd.s32 s2, s16  }
0x8e: {  	[smem:$0x3FBC] =	sst s2  }
0x8f: {  	_ = 	snop  }
0x90: {  	(tm) =	ssettm $0x1  }
0x91: {  	s17 =	sld [smem:$0x3FFB];
	_ =	sdelay $0x3  }
0x92: {  	_ =	strace s17  }
0x93: {  	s2 =	sld [smem:$0x3FFC];
	_ =	sdelay $0x3  }
0x94: {  	_ =	strace s2  }
0x95: {  	s2 =	sld [smem:$0x3FFD];
	_ =	sdelay $0x3  }
0x96: {  	_ =	strace s2  }
0x97: {  	_ =	strace $0x8FFFFFFF  }
0x98: {  	s18 =	sld [smem:$0x3FDB];
	_ =	sdelay $0x1  }
0x99: {  	s19 =	simm.s32 $_scs_section_size  }
0x9a: {  	s4 =	simm.s32 $_size__tile_overlayer_lowered;
	s5 =	simm.s32 $_tile_overlayer_lowered  }
0x9b: {  	s22 =	simm.s32 $0x1BFF;
	s21 =	sshll.u32 s5, $0x1;
	s2 =	sadd.s32 s19, s18  }
0x9c: {  	s6 =	simm.s32 $0x0;
	s20 =	sshll.u32 s4, $0x1;
	s4 =	sadd.s32 s21, s2  }
0x9d: {  	[timem:s6], [sflag:s22] =	dma.local [hbm:s4], s20  }
0x9e: {  	_ =	swait.ge [sflag:s22], s20  }
0x9f: {  	s3 =	ssub.s32 $0x0, s20;
	[sflag:s22] =	ssyncset.done $0x0  }
0xa0: {  	[sflag:s22] =	ssyncadd.s32 s3;
	_ =	sdelay $0x1  }
0xa1: {  	s23 =	simm.s32 $0x1B8B  }
0xa2: {  	_ =	swait.ge [sflag:s23], $0x1  }
0xa3: {  	[sflag:s23] =	ssyncset.done $0x0  }
0xa4: {  	s25 =	simm.s32 $0x1B8E;
	s24 =	sld [smem:$0x3FFE];
	[sflag:s23] =	ssyncadd.s32 $0xFFFFFFFF  }
0xa5: {  	s26 =	simm.s32 $execute0_lowered;
	[smem:$0x3FD2] =	sst s25  }
0xa6: {  	s4 =	sshll.u32 s26, $0x1;
	_ =	strace $0x8000004F;
	[dreg:$0x1] =	wrdreg $0xFFFFFFFF  }
0xa7: {  	s28 =	simm.s32 $_size_execute0_lowered;
	s2 =	sadd.s32 s2, s4;
	[dreg:$0x0] =	wrdreg $0x0  }
0xa8: {  	s4 =	sshll.u32 s28, $0x1;
	[dreg:$0x2] =	wrdreg s2  }
0xa9: {  	[dreg:$0x3] =	wrdreg s4  }
0xaa: {  	[dreg:$0x4] =	wrdreg $0xC0  }
0xab: {  	_ =	task [dreg:s6], $0x5FFFF  }
0xac: {  	[dreg:$0x1] =	wrdreg $0xFFFFFFFF  }
0xad: {  	[dreg:$0x0] =	wrdreg $0x60  }
0xae: {  	[dreg:$0x2] =	wrdreg s24  }
0xaf: {  	[dreg:$0x3] =	wrdreg $0x10B400  }
0xb0: {  	[dreg:$0x4] =	wrdreg $0x6F000  }
0xb1: {  	[dreg:$0x5] =	wrdreg $0x9  }
0xb2: {  	_ =	task.clear_ibuf [dreg:s6], $0x6FFFF;
	_ =	strace $0x9000004F  }
0xb3: {  	s29 =	simm.s32 $0x9;
	_ =	strace $0x80000051  }
0xb4: {  	_ =	swait.ge [sflag:s29], $0x1  }
0xb5: {  	[sflag:s29] =	ssyncadd.s32 $0xFFFFFFFF  }
0xb6: {  	_ =	strace $0x90000051  }
0xb7: {  	_ =	sfence  }
0xb8: {  	s30 =	sld [smem:$0x0];
	_ =	sdelay $0x2  }
0xb9: {  	s31 =	sshll.u32 s1, $0xD;
	s1 =	sshrl.u32 s1, $0x2  }
0xba: {  	s3 =	sand.u32 $0x4000, s31;
	s1 =	sadd.s32 s1, s30  }
0xbb: {  	s0 =	sor.u32 s3, s0;
	s1 =	sshll.u32 s1, $0x11  }
0xbc: {  	s0 =	sor.u32 s1, s0  }
0xbd: {  	s0 =	sadd.s32 $0x8F2B, s0  }
0xbe: {  	[sflag:s0] =	ssyncadd.remote.s32 $0x1  }
0xbf: {  	_ =	sfence.sel $0xFFFF  }
0xc0: {  	[dreg:$0x0] =	wrdreg $0xFFFFFFFF;
	(pc) =	sbr.abs _section_cstart, $3  }
0xc1: {  	[dreg:$0x1] =	wrdreg $0xFFFFFFFF  }
0xc2: {  	_ =	task.clear_ibuf [dreg:s6], $0x2FFFF;
	_ =	strace $0x9FFFFFFF  }
0xc3: {  	(tm) =	ssettm $0x7FFFFFFF  }
tec
execute0_lowered:
.L_overlay_start_1:
0x0: {  	(tag) =	ssettag $0x1  }
0x1: {  	s0 =	stileid.u32;
	s6 =	rddreg [dreg:$0x0]  }
0x2: {  	s1 =	srdreg.scid;
	s2 =	rddreg [dreg:$0x1]  }
0x3: {  	s3 =	rddreg [dreg:$0x2];
	s4 =	simm.s32 $0x0;
	s16 =	simm.s32 $0x3  }
0x4: {  	s19 =	simm.s32 $0x2780;
	s20 =	simm.s32 $0x80;
	s21 =	simm.s32 $0x1  }
0x5: {  	s22 =	simm.s32 $0x2;
	s5 =	sand.u32 $0x1, s1;
	s10 =	smul.u32 $0x9C40, s0  }
0x6: {  	s26 =	sshll.u32 s0, $0x1;
	s8 =	smul.u32 $0x1400, s0;
	[smem:$0x7FF] =	sst s4  }
0x7: {  	s11 =	smul.u32 $0x28000, s0;
	s17 =	sshll.u32 s0, $0x6;
	s1 =	sor.u32 s5, s26  }
0x8: {  	s28 =	smul.u32 $0x14000, s5;
	s29 =	ssub.s32 $0x2, s5;
	s17 =	sor.u32 $0x1C03, s17  }
0x9: {  	s7 =	smul.u32 $0x4F0, s1;
	s1 =	rddreg [dreg:$0x3];
	s9 =	sshrl.u32 s10, $0x3  }
0xa: {  	_ =	strace $0x80000050;
	s30 =	sshrl.u32 s11, $0x2;
	s31 =	sshrl.u32 s29, $0x1  }
0xb: {  	s18 =	sadd.s32 s10, s3;
	s12 =	sadd.s32 s9, s6;
	s8 =	sadd.s32 s8, s28  }
0xc: {  	s5 =	sadd.s32 s30, s2;
	s15 =	ssub.s32 s29, s31;
	s18 =	sshrl.u32 s18, $0x3  }
0xd: {  	s13 =	sadd.s32 s7, s6;
	s14 =	sadd.s32 s8, s6;
	s6 =	sadd.s32 $0x2000, s5  }
0xe: {  	s7 =	sadd.s32 $0x4000, s5;
	s8 =	sadd.s32 $0x6000, s5;
	s9 =	sadd.s32 $0x8000, s5  }
0xf: {  	s10 =	sadd.s32 $0x2A00, s12;
	s11 =	sadd.s32 $0x20200, s13;
	s12 =	sadd.s32 $0x16400, s13  }
0x10: {  	v0 =	vimm.f32 $0.0e+00;
	s13 =	sadd.s32 $0x2A000, s14;
	s14 =	smax.u32 s15, $0x1;
	s15 =	simm.s32 $0x4F00  }
.LBB2_1:
0x11: {  	s24 =	simm.s32 $0x100;
	s23 =	simm.s32 $0x0  }
.LBB2_2:
0x12: {  	p0 =	sne.s32 s24, $0x7F00;
	[tilespmem:s23+$0x4F30] =	vst v0;
	s25 =	smov.u32 s24;
	s24 =	sadd.s32 $0x100, s24  }
.Ltmp0:
0x13: {  	[tilespmem:s23+$0x4F20] =	vst v0;
	(pc) =	sbr.rel @p0 .LBB2_2-.Ltmp0, $3  }
0x14: {  	[tilespmem:s23+$0x4F00] =	vst v0  }
0x15: {  	[tilespmem:s23+$0x4F10] =	vst v0;
	_ =	sdelay $0x1  }
0x16: {  	s23 =	sshra.s32 s25, $0x2  }
0x17: {  	[tilespmem:s23+$0x4F30] =	vst v0  }
0x18: {  	[tilespmem:s23+$0x4F20] =	vst v0  }
0x19: {  	[tilespmem:s23+$0x4F00] =	vst v0  }
0x1a: {  	[tilespmem:s23+$0x4F10] =	vst v0  }
0x1b: {  	[spmem:s5] =	stream.linear.scatter [tilespmem:s15], [sflag:$0x3], $0x2000, $0x38;
	[tilespmem:$0x1AB40] =	vst v63  }
0x1c: {  	_ =	swait.ge [sflag:s16], $0x2000  }
0x1d: {  	[sflag:s16] =	ssyncset.done $0x0  }
0x1e: {  	[sflag:s16] =	ssyncadd.s32 $0xFFFFE000  }
0x1f: {  	[spmem:s6] =	stream.linear.scatter [tilespmem:s15], [sflag:$0x3], $0x2000, $0x38;
	[tilespmem:$0x1AB40] =	vst v63  }
0x20: {  	_ =	swait.ge [sflag:s16], $0x2000  }
0x21: {  	[sflag:s16] =	ssyncset.done $0x0  }
0x22: {  	[sflag:s16] =	ssyncadd.s32 $0xFFFFE000  }
0x23: {  	[spmem:s7] =	stream.linear.scatter [tilespmem:s15], [sflag:$0x3], $0x2000, $0x38;
	[tilespmem:$0x1AB40] =	vst v63  }
0x24: {  	_ =	swait.ge [sflag:s16], $0x2000  }
0x25: {  	[sflag:s16] =	ssyncset.done $0x0  }
0x26: {  	[sflag:s16] =	ssyncadd.s32 $0xFFFFE000  }
0x27: {  	[spmem:s8] =	stream.linear.scatter [tilespmem:s15], [sflag:$0x3], $0x2000, $0x38;
	[tilespmem:$0x1AB40] =	vst v63  }
0x28: {  	_ =	swait.ge [sflag:s16], $0x2000  }
0x29: {  	[sflag:s16] =	ssyncset.done $0x0  }
0x2a: {  	[sflag:s16] =	ssyncadd.s32 $0xFFFFE000  }
0x2b: {  	[spmem:s9] =	stream.linear.scatter [tilespmem:s15], [sflag:$0x3], $0x2000, $0x38;
	[tilespmem:$0x1AB40] =	vst v63  }
0x2c: {  	_ =	swait.ge [sflag:s16], $0x2000  }
0x2d: {  	[sflag:s16] =	ssyncset.done $0x0  }
0x2e: {  	[sflag:s16] =	ssyncadd.s32 $0xFFFFE000  }
0x2f: {  	[spmem:s18], [sflag:s17] =	dma.local [hbm:s10], $0x1388  }
0x30: {  	_ =	swait.ge [sflag:s16], $0x1388  }
0x31: {  	[sflag:s16] =	ssyncset.done $0x0  }
0x32: {  	s29 =	simm.s32 $0x0;
	[sflag:s16] =	ssyncadd.s32 $0xFFFFEC78  }
0x33: {  	[tilespmem:s29], [sflag:$0x3] =	stream.linear.gather [hbm4b:s11+s29], $0x2780, $0x38;
	[tilespmem:$0x1AB40] =	vst v63  }
0x34: {  	_ =	swait.ge [sflag:s16], $0x2780  }
0x35: {  	[sflag:s16] =	ssyncset.done $0x0  }
0x36: {  	[sflag:s16] =	ssyncadd.s32 $0xFFFFD880  }
0x37: {  	[tilespmem:s19], [sflag:$0x3] =	stream.linear.gather [hbm4b:s12+s29], $0x2780, $0x38;
	[tilespmem:$0x1AB40] =	vst v63  }
0x38: {  	_ =	swait.ge [sflag:s16], $0x2780  }
0x39: {  	[sflag:s16] =	ssyncset.done $0x0  }
0x3a: {  	[sflag:s16] =	ssyncadd.s32 $0xFFFFD880  }
0x3b: {  	s30 =	simm.s32 $0x0;
	[bflag:$0x0] =	sbarrier.arrive $0xFFFF  }
0x3c: {  	[tilespmem:s15], [sflag:$0x1] =	stream.indirect.gather [spmem:s3], $0x40, s30, s20, $0xb8;
	[tilespmem:$0x1AB40] =	vst v63  }
0x3d: {  	_ =	swait.ge [sflag:s21], $0x2000  }
0x3e: {  	[sflag:s21] =	ssyncset.done $0x0  }
0x3f: {  	s31 =	simm.s32 $0x2780;
	[sflag:s21] =	ssyncadd.s32 $0xFFFFE000  }
0x40: {  	[spmem:s2] =	stream.indirect.scatter.add.f32 [tilespmem:s15], [sflag:$0x2], $0x40, s31, s20, $0xb8;
	[tilespmem:$0x1AB40] =	vst v63  }
0x41: {  	_ =	swait.ge [sflag:s22], $0x2000  }
0x42: {  	s23 =	simm.s32 $0x200;
	s24 =	simm.s32 $0x400;
	[sflag:s22] =	ssyncset.done $0x0  }
.LBB2_4:
0x43: {  	s25 =	sshra.s32 s23, $0x2  }
0x44: {  	[sflag:s22] =	ssyncadd.s32 $0xFFFFE000;
	s23 =	smov.u32 s24;
	s26 =	sadd.s32 $0x200, s24  }
0x45: {  	[tilespmem:s15], [sflag:$0x1] =	stream.indirect.gather [spmem:s3], $0x40, s25, s20, $0xb8;
	[tilespmem:$0x1AB40] =	vst v63  }
0x46: {  	p0 =	sne.s32 s24, $0x9C00;
	_ =	swait.ge [sflag:s21], $0x2000  }
.Ltmp1:
0x47: {  	[sflag:s21] =	ssyncset.done $0x0;
	(pc) =	sbr.rel @p0 .LBB2_4-.Ltmp1, $4  }
0x48: {  	s24 =	sadd.s32 $0x2780, s25;
	[sflag:s21] =	ssyncadd.s32 $0xFFFFE000  }
0x49: {  	[spmem:s2] =	stream.indirect.scatter.add.f32 [tilespmem:s15], [sflag:$0x2], $0x40, s24, s20, $0xb8;
	[tilespmem:$0x1AB40] =	vst v63  }
0x4a: {  	_ =	swait.ge [sflag:s22], $0x2000  }
0x4b: {  	s24 =	smov.u32 s26;
	[sflag:s22] =	ssyncset.done $0x0  }
0x4c: {  	s23 =	sshra.s32 s23, $0x2;
	[sflag:s22] =	ssyncadd.s32 $0xFFFFE000  }
0x4d: {  	[tilespmem:s15], [sflag:$0x1] =	stream.indirect.gather [spmem:s3], $0x40, s23, s20, $0xb8;
	[tilespmem:$0x1AB40] =	vst v63  }
0x4e: {  	_ =	swait.ge [sflag:s21], $0x2000  }
0x4f: {  	[sflag:s21] =	ssyncset.done $0x0  }
0x50: {  	s23 =	sadd.s32 $0x2780, s23;
	[sflag:s21] =	ssyncadd.s32 $0xFFFFE000  }
0x51: {  	[spmem:s2] =	stream.indirect.scatter.add.f32 [tilespmem:s15], [sflag:$0x2], $0x40, s23, s20, $0xb8;
	[tilespmem:$0x1AB40] =	vst v63  }
0x52: {  	_ =	swait.ge [sflag:s22], $0x2000  }
0x53: {  	s4 =	sadd.s32 $0x1, s4;
	[sflag:s22] =	ssyncset.done $0x0  }
0x54: {  	p0 =	sne.s32 s4, s14;
	[sflag:s22] =	ssyncadd.s32 $0xFFFFE000  }
.Ltmp2:
0x55: {  	s31 =	sshrl.u32 s5, $0x3;
	[bflag:$0x0] =	sbarrier.arrive $0xFFFF;
	(pc) =	sbr.rel @p0 .LBB2_1-.Ltmp2, $4  }
0x56: {  	[hbm:s13], [sflag:s17] =	dma.local [spmem:s31], $0x1400  }
0x57: {  	_ =	swait.ge [sflag:s16], $0x1400  }
0x58: {  	[sflag:s16] =	ssyncset.done $0x0  }
0x59: {  	[sflag:s16] =	ssyncadd.s32 $0xFFFFEC00  }
0x5a: {  	_ =	sfence.sel $0x180000  }
0x5b: {  	[bflag:$0x0] =	sbarrier.arrive $0xFFFF  }
0x5c: {  	p0 =	sne.s32 s0, $0x0;
	_ =	strace $0x90000050  }
0x5d: {  	s0 =	sadd.s32 @!p0 $0x100000, s1;
	[bflag:$0x2] =	sbarrier.arrive $0xFFFF  }
0x5e: {  	[sflag:s0] =	ssyncadd.tile.s32 @!p0 $0x1;
	_ =	shalt  }
.Lfunc_end2:
_tile_overlayer_lowered:
.L_overlay_start_2:
0x5f: {  	(tag) =	ssettag $0x2  }
0x60: {  	s0 =	rddreg [dreg:$0x0];
	s2 =	stileid.u32  }
0x61: {  	s1 =	rddreg [dreg:$0x1];
	p0 =	sne.s32 s2, $0x0  }
0x62: {  	s3 =	rddreg [dreg:$0x2];
	[bflag:$0x3] =	sbarrier.arrive $0xFFFF;
	s2 =	simm.s32 @!p0 $0x1C03  }
0x63: {  	[timem:s3], [sflag:s2] =	dma.local @!p0 [hbm:s0], s1  }
0x64: {  	s0 =	simm.s32 @!p0 $0x3  }
0x65: {  	_ =	swait.ge @!p0 [sflag:s0], s1  }
0x66: {  	s1 =	ssub.s32 @!p0 $0x0, s1;
	[sflag:s0] =	ssyncset.done @!p0 $0x0  }
0x67: {  	[sflag:s0] =	ssyncadd.s32 @!p0 s1  }
0x68: {  	[bflag:$0x3] =	sbarrier.arrive $0xFFFF  }
0x69: {  	_ =	shalt  }

// kernel: kernel.32.cloned.1.call-start
scs
__scs_entry_jumppad:
0x0: {  	(pc) =	sbr.rel $0x88, $3  }
0x1: {  	(tag) =	ssettag $0x0;
	lr =	simm.s32 $0x1  }
0x2: {  	[smem:$0x3F95] =	sst lr;
	_ =	strace $0xD0000000  }
0x3: {  	_ = 	snop  }
0x4: {  	_ = 	snop  }
0x5: {  	_ = 	snop  }
0x6: {  	_ = 	snop  }
0x7: {  	_ = 	snop  }
__scs_overlays_trampoline_lowered:
0x8: {  	[smem:$0x3FA4] =	sst s0  }
0x9: {  	[smem:$0x3FA5] =	sst s1  }
0xa: {  	[smem:$0x3FA6] =	sst s2  }
0xb: {  	[smem:$0x3FA7] =	sst s3  }
0xc: {  	[smem:$0x3FA8] =	sst s4  }
0xd: {  	[smem:$0x3FA9] =	sst s5  }
0xe: {  	[smem:$0x3FAA] =	sst s6  }
0xf: {  	[smem:$0x3FAB] =	sst s7  }
0x10: {  	[smem:$0x3FAC] =	sst s8  }
0x11: {  	[smem:$0x3FAD] =	sst s9;
	s0 =	simm.s32 @!p0 $0x0  }
0x12: {  	s1 =	sld [smem:$0x3F93];
	s0 =	simm.s32 @p0 $0x1  }
0x13: {  	[smem:$0x3FAE] =	sst s0;
	s0 =	simm.s32 @!p1 $0x0  }
0x14: {  	s2 =	sld [smem:$0x3F92];
	s0 =	simm.s32 @p1 $0x1  }
0x15: {  	[smem:$0x3FAF] =	sst s0;
	s0 =	simm.s32 @!p2 $0x0  }
0x16: {  	s3 =	sld [smem:$0x3FDB];
	s0 =	simm.s32 @p2 $0x1  }
0x17: {  	s4 =	simm.s32 $0x1BF5;
	[smem:$0x3FB1] =	sst s0  }
0x18: {  	s0 =	sld [smem:$0x3F94];
	_ =	swait.ge [sflag:s4], $0x0  }
0x19: {  	s7 =	sld [smem:$0x3F95]  }
0x1a: {  	s8 =	sadd.s32 $0xFFFFE003, lr  }
0x1b: {  	s9 =	sadd.s32 $0xFFFFFEF7, lr;
	s5 =	simm.s32 $0xFFFFFFFF;
	p2 =	slt.u32 s8, $0xFFFFF086  }
0x1c: {  	p1 =	slt.u32 s9, $0xF7A;
	s5 =	simm.s32 @!p2 $0x0  }
0x1d: {  	s5 =	simm.s32 @p1 $0x1;
	p0 =	seq.s32 s7, s2  }
0x1e: {  	s7 =	smul.u32 @!p0 $0xF7A, s2;
	p2 =	seq.s32 @!p0 s5, $0x0  }
0x1f: {  	s9 =	smul.u32 $0xF7A, s1;
	s8 =	simm.s32 @!p0 $0x1BF5;
	p2 =	por !p2, p0  }
0x20: {  	[sflag:s8] =	ssyncset.s32 @!p0 $0xFFFFF086;
	s6 =	sadd.s32 @!p0 s3, s7;
	s7 =	simm.s32 @!p0 $0x108  }
0x21: {  	s3 =	sadd.s32 s3, s9;
	s6 =	sadd.s32 @!p0 $0x88, s6;
	s7 =	simm.s32 @p2 $0x1082  }
0x22: {  	[simem:s7], [sflag:s8] =	dma.local @!p0 [hbm:s6], $0xF7A  }
0x23: {  	s9 =	sor.u32 $0xD0000000, s2;
	s6 =	simm.s32 $0x108;
	_ =	swait.ge @!p0 [sflag:s8], $0x0  }
0x24: {  	s3 =	sadd.s32 $0x88, s3;
	s6 =	simm.s32 @!p1 $0x1082;
	[sflag:s4] =	ssyncset.s32 $0xFFFFF086  }
0x25: {  	[simem:s6], [sflag:s4] =	dma.local [hbm:s3], $0xF7A  }
0x26: {  	[smem:$0x3F95] =	sst s1;
	(tag) =	ssettag s2;
	_ =	strace s9  }
0x27: {  	s1 =	sld [smem:$0x3FA5]  }
0x28: {  	s2 =	sld [smem:$0x3FA6]  }
0x29: {  	s4 =	sld [smem:$0x3FA8]  }
0x2a: {  	p0 =	seq.s32 s5, $0x0;
	s5 =	sld [smem:$0x3FA9]  }
0x2b: {  	s6 =	sld [smem:$0x3FAA]  }
0x2c: {  	s7 =	sld [smem:$0x3FAB]  }
0x2d: {  	s3 =	simm.s32 $0x108;
	s8 =	sld [smem:$0x3FAC]  }
0x2e: {  	s3 =	simm.s32 @!p0 $0x1082;
	s9 =	sld [smem:$0x3FAD]  }
0x2f: {  	lr =	sadd.s32 s0, s3;
	s0 =	sld [smem:$0x3FA4]  }
0x30: {  	s3 =	sld [smem:$0x3FA7]  }
0x31: {  	[smem:$0x3FB0] =	sst s10  }
0x32: {  	s10 =	sld [smem:$0x3FAE];
	_ =	sdelay $0x3  }
0x33: {  	p0 =	seq.s32 s10, $0x1;
	s10 =	sld [smem:$0x3FB0];
	_ =	sdelay $0x3  }
0x34: {  	[smem:$0x3FB0] =	sst s10  }
0x35: {  	s10 =	sld [smem:$0x3FAF];
	_ =	sdelay $0x3  }
0x36: {  	p1 =	seq.s32 s10, $0x1;
	s10 =	sld [smem:$0x3FB0];
	_ =	sdelay $0x3  }
0x37: {  	[smem:$0x3FB0] =	sst s10  }
0x38: {  	s10 =	sld [smem:$0x3FB1]  }
0x39: {  	_ = 	snop;
	(pc) =	sbr.ind lr, $3  }
0x3a: {  	_ = 	snop  }
0x3b: {  	_ = 	snop  }
0x3c: {  	p2 =	seq.s32 s10, $0x1;
	s10 =	sld [smem:$0x3FB0]  }
0x3d: {  	_ =	shalt  }
0x3e: {  	_ =	shalt  }
0x3f: {  	_ =	shalt  }
0x40: {  	_ =	shalt  }
0x41: {  	_ =	shalt  }
0x42: {  	_ =	shalt  }
0x43: {  	_ =	shalt  }
0x44: {  	_ =	shalt  }
0x45: {  	_ =	shalt  }
0x46: {  	_ =	shalt  }
0x47: {  	_ =	shalt  }
0x48: {  	_ =	shalt  }
0x49: {  	_ =	shalt  }
0x4a: {  	_ =	shalt  }
0x4b: {  	_ =	shalt  }
0x4c: {  	_ =	shalt  }
0x4d: {  	_ =	shalt  }
0x4e: {  	_ =	shalt  }
0x4f: {  	_ =	shalt  }
0x50: {  	_ =	shalt  }
0x51: {  	_ =	shalt  }
0x52: {  	_ =	shalt  }
0x53: {  	_ =	shalt  }
0x54: {  	_ =	shalt  }
0x55: {  	_ =	shalt  }
0x56: {  	_ =	shalt  }
0x57: {  	_ =	shalt  }
0x58: {  	_ =	shalt  }
0x59: {  	_ =	shalt  }
0x5a: {  	_ =	shalt  }
0x5b: {  	_ =	shalt  }
0x5c: {  	_ =	shalt  }
0x5d: {  	_ =	shalt  }
0x5e: {  	_ =	shalt  }
0x5f: {  	_ =	shalt  }
0x60: {  	_ =	shalt  }
0x61: {  	_ =	shalt  }
0x62: {  	_ =	shalt  }
0x63: {  	_ =	shalt  }
0x64: {  	_ =	shalt  }
0x65: {  	_ =	shalt  }
0x66: {  	_ =	shalt  }
0x67: {  	_ =	shalt  }
0x68: {  	_ =	shalt  }
0x69: {  	_ =	shalt  }
0x6a: {  	_ =	shalt  }
0x6b: {  	_ =	shalt  }
0x6c: {  	_ =	shalt  }
0x6d: {  	_ =	shalt  }
0x6e: {  	_ =	shalt  }
0x6f: {  	_ =	shalt  }
0x70: {  	_ =	shalt  }
0x71: {  	_ =	shalt  }
0x72: {  	_ =	shalt  }
0x73: {  	_ =	shalt  }
0x74: {  	_ =	shalt  }
0x75: {  	_ =	shalt  }
0x76: {  	_ =	shalt  }
0x77: {  	_ =	shalt  }
0x78: {  	_ =	shalt  }
0x79: {  	_ =	shalt  }
0x7a: {  	_ =	shalt  }
0x7b: {  	_ =	shalt  }
0x7c: {  	_ =	shalt  }
0x7d: {  	_ =	shalt  }
0x7e: {  	_ =	shalt  }
0x7f: {  	_ =	shalt  }
0x80: {  	_ =	shalt  }
0x81: {  	_ =	shalt  }
0x82: {  	_ =	shalt  }
0x83: {  	_ =	shalt  }
0x84: {  	_ =	shalt  }
0x85: {  	_ =	shalt  }
0x86: {  	_ =	shalt  }
0x87: {  	_ =	shalt  }
.Lfunc_end0:
.L_simem_size_0:
called_computation.4_lowered:
.L_overlay_start_0:
0x88: {  	s2 =	sld [smem:$0x3FD9]  }
0x89: {  	s3 =	sld [smem:$0x3FFE];
	_ =	sdelay $0x1  }
0x8a: {  	s1 =	srdreg.scid  }
0x8b: {  	s0 =	sand.u32 $0x1, s1  }
0x8c: {  	s16 =	sshll.u32 s0, $0xA;
	s2 =	sadd.s32 s3, s2  }
0x8d: {  	s2 =	sadd.s32 s2, s16  }
0x8e: {  	[smem:$0x3FBC] =	sst s2  }
0x8f: {  	_ = 	snop  }
0x90: {  	(tm) =	ssettm $0x1  }
0x91: {  	s17 =	sld [smem:$0x3FFB];
	_ =	sdelay $0x3  }
0x92: {  	_ =	strace s17  }
0x93: {  	s2 =	sld [smem:$0x3FFC];
	_ =	sdelay $0x3  }
0x94: {  	_ =	strace s2  }
0x95: {  	s2 =	sld [smem:$0x3FFD];
	_ =	sdelay $0x3  }
0x96: {  	_ =	strace s2  }
0x97: {  	_ =	strace $0x8FFFFFFF  }
0x98: {  	s18 =	sld [smem:$0x3FDB];
	_ =	sdelay $0x1  }
0x99: {  	s19 =	simm.s32 $_scs_section_size  }
0x9a: {  	s4 =	simm.s32 $_size__tile_overlayer_lowered;
	s5 =	simm.s32 $_tile_overlayer_lowered  }
0x9b: {  	s22 =	simm.s32 $0x1BFF;
	s21 =	sshll.u32 s5, $0x1;
	s2 =	sadd.s32 s19, s18  }
0x9c: {  	s6 =	simm.s32 $0x0;
	s20 =	sshll.u32 s4, $0x1;
	s4 =	sadd.s32 s21, s2  }
0x9d: {  	[timem:s6], [sflag:s22] =	dma.local [hbm:s4], s20  }
0x9e: {  	_ =	swait.ge [sflag:s22], s20  }
0x9f: {  	s3 =	ssub.s32 $0x0, s20;
	[sflag:s22] =	ssyncset.done $0x0  }
0xa0: {  	[sflag:s22] =	ssyncadd.s32 s3;
	_ =	sdelay $0x1  }
0xa1: {  	s23 =	simm.s32 $0x1B8B  }
0xa2: {  	_ =	swait.ge [sflag:s23], $0x1  }
0xa3: {  	[sflag:s23] =	ssyncset.done $0x0  }
0xa4: {  	s25 =	simm.s32 $0x1B8E;
	s24 =	sld [smem:$0x3FFE];
	[sflag:s23] =	ssyncadd.s32 $0xFFFFFFFF  }
0xa5: {  	s26 =	simm.s32 $execute0_lowered;
	[smem:$0x3FD2] =	sst s25  }
0xa6: {  	s4 =	sshll.u32 s26, $0x1;
	_ =	strace $0x80000052;
	[dreg:$0x1] =	wrdreg $0xFFFFFFFF  }
0xa7: {  	s28 =	simm.s32 $_size_execute0_lowered;
	s2 =	sadd.s32 s2, s4;
	[dreg:$0x0] =	wrdreg $0x0  }
0xa8: {  	s4 =	sshll.u32 s28, $0x1;
	[dreg:$0x2] =	wrdreg s2  }
0xa9: {  	[dreg:$0x3] =	wrdreg s4  }
0xaa: {  	[dreg:$0x4] =	wrdreg $0xC0  }
0xab: {  	_ =	task [dreg:s6], $0x5FFFF  }
0xac: {  	[dreg:$0x1] =	wrdreg $0xFFFFFFFF  }
0xad: {  	[dreg:$0x0] =	wrdreg $0x60  }
0xae: {  	[dreg:$0x2] =	wrdreg s24  }
0xaf: {  	[dreg:$0x3] =	wrdreg $0x10B400  }
0xb0: {  	[dreg:$0x4] =	wrdreg $0x6F000  }
0xb1: {  	[dreg:$0x5] =	wrdreg $0x9  }
0xb2: {  	_ =	task.clear_ibuf [dreg:s6], $0x6FFFF;
	_ =	strace $0x90000052  }
0xb3: {  	s29 =	simm.s32 $0x9;
	_ =	strace $0x80000054  }
0xb4: {  	_ =	swait.ge [sflag:s29], $0x1  }
0xb5: {  	[sflag:s29] =	ssyncadd.s32 $0xFFFFFFFF  }
0xb6: {  	_ =	strace $0x90000054  }
0xb7: {  	_ =	sfence  }
0xb8: {  	s30 =	sld [smem:$0x0];
	_ =	sdelay $0x2  }
0xb9: {  	s31 =	sshll.u32 s1, $0xD;
	s1 =	sshrl.u32 s1, $0x2  }
0xba: {  	s3 =	sand.u32 $0x4000, s31;
	s1 =	sadd.s32 s1, s30  }
0xbb: {  	s0 =	sor.u32 s3, s0;
	s1 =	sshll.u32 s1, $0x11  }
0xbc: {  	s0 =	sor.u32 s1, s0  }
0xbd: {  	s0 =	sadd.s32 $0x8F2B, s0  }
0xbe: {  	[sflag:s0] =	ssyncadd.remote.s32 $0x1  }
0xbf: {  	_ =	sfence.sel $0xFFFF  }
0xc0: {  	[dreg:$0x0] =	wrdreg $0xFFFFFFFF;
	(pc) =	sbr.abs _section_cstart, $3  }
0xc1: {  	[dreg:$0x1] =	wrdreg $0xFFFFFFFF  }
0xc2: {  	_ =	task.clear_ibuf [dreg:s6], $0x2FFFF;
	_ =	strace $0x9FFFFFFF  }
0xc3: {  	(tm) =	ssettm $0x7FFFFFFF  }
tec
execute0_lowered:
.L_overlay_start_1:
0x0: {  	(tag) =	ssettag $0x1  }
0x1: {  	s0 =	stileid.u32;
	s6 =	rddreg [dreg:$0x0]  }
0x2: {  	s1 =	srdreg.scid;
	s2 =	rddreg [dreg:$0x1]  }
0x3: {  	s3 =	rddreg [dreg:$0x2];
	s4 =	simm.s32 $0x0;
	s16 =	simm.s32 $0x3  }
0x4: {  	s19 =	simm.s32 $0x2780;
	s20 =	simm.s32 $0x80;
	s21 =	simm.s32 $0x1  }
0x5: {  	s22 =	simm.s32 $0x2;
	s5 =	sand.u32 $0x1, s1;
	s10 =	smul.u32 $0x9C40, s0  }
0x6: {  	s26 =	sshll.u32 s0, $0x1;
	s8 =	smul.u32 $0x1400, s0;
	[smem:$0x7FF] =	sst s4  }
0x7: {  	s11 =	smul.u32 $0x28000, s0;
	s17 =	sshll.u32 s0, $0x6;
	s1 =	sor.u32 s5, s26  }
0x8: {  	s28 =	smul.u32 $0x14000, s5;
	s29 =	ssub.s32 $0x2, s5;
	s17 =	sor.u32 $0x1C03, s17  }
0x9: {  	s7 =	smul.u32 $0x4F0, s1;
	s1 =	rddreg [dreg:$0x3];
	s9 =	sshrl.u32 s10, $0x3  }
0xa: {  	_ =	strace $0x80000053;
	s30 =	sshrl.u32 s11, $0x2;
	s31 =	sshrl.u32 s29, $0x1  }
0xb: {  	s18 =	sadd.s32 s10, s3;
	s12 =	sadd.s32 s9, s6;
	s8 =	sadd.s32 s8, s28  }
0xc: {  	s5 =	sadd.s32 s30, s2;
	s15 =	ssub.s32 s29, s31;
	s18 =	sshrl.u32 s18, $0x3  }
0xd: {  	s13 =	sadd.s32 s7, s6;
	s14 =	sadd.s32 s8, s6;
	s6 =	sadd.s32 $0x2000, s5  }
0xe: {  	s7 =	sadd.s32 $0x4000, s5;
	s8 =	sadd.s32 $0x6000, s5;
	s9 =	sadd.s32 $0x8000, s5  }
0xf: {  	s10 =	sadd.s32 $0x2A00, s12;
	s11 =	sadd.s32 $0x20200, s13;
	s12 =	sadd.s32 $0x16400, s13  }
0x10: {  	v0 =	vimm.f32 $0.0e+00;
	s13 =	sadd.s32 $0x2A000, s14;
	s14 =	smax.u32 s15, $0x1;
	s15 =	simm.s32 $0x4F00  }
.LBB2_1:
0x11: {  	s24 =	simm.s32 $0x100;
	s23 =	simm.s32 $0x0  }
.LBB2_2:
0x12: {  	p0 =	sne.s32 s24, $0x7F00;
	[tilespmem:s23+$0x4F30] =	vst v0;
	s25 =	smov.u32 s24;
	s24 =	sadd.s32 $0x100, s24  }
.Ltmp0:
0x13: {  	[tilespmem:s23+$0x4F20] =	vst v0;
	(pc) =	sbr.rel @p0 .LBB2_2-.Ltmp0, $3  }
0x14: {  	[tilespmem:s23+$0x4F00] =	vst v0  }
0x15: {  	[tilespmem:s23+$0x4F10] =	vst v0;
	_ =	sdelay $0x1  }
0x16: {  	s23 =	sshra.s32 s25, $0x2  }
0x17: {  	[tilespmem:s23+$0x4F30] =	vst v0  }
0x18: {  	[tilespmem:s23+$0x4F20] =	vst v0  }
0x19: {  	[tilespmem:s23+$0x4F00] =	vst v0  }
0x1a: {  	[tilespmem:s23+$0x4F10] =	vst v0  }
0x1b: {  	[spmem:s5] =	stream.linear.scatter [tilespmem:s15], [sflag:$0x3], $0x2000, $0x38;
	[tilespmem:$0x1AB40] =	vst v63  }
0x1c: {  	_ =	swait.ge [sflag:s16], $0x2000  }
0x1d: {  	[sflag:s16] =	ssyncset.done $0x0  }
0x1e: {  	[sflag:s16] =	ssyncadd.s32 $0xFFFFE000  }
0x1f: {  	[spmem:s6] =	stream.linear.scatter [tilespmem:s15], [sflag:$0x3], $0x2000, $0x38;
	[tilespmem:$0x1AB40] =	vst v63  }
0x20: {  	_ =	swait.ge [sflag:s16], $0x2000  }
0x21: {  	[sflag:s16] =	ssyncset.done $0x0  }
0x22: {  	[sflag:s16] =	ssyncadd.s32 $0xFFFFE000  }
0x23: {  	[spmem:s7] =	stream.linear.scatter [tilespmem:s15], [sflag:$0x3], $0x2000, $0x38;
	[tilespmem:$0x1AB40] =	vst v63  }
0x24: {  	_ =	swait.ge [sflag:s16], $0x2000  }
0x25: {  	[sflag:s16] =	ssyncset.done $0x0  }
0x26: {  	[sflag:s16] =	ssyncadd.s32 $0xFFFFE000  }
0x27: {  	[spmem:s8] =	stream.linear.scatter [tilespmem:s15], [sflag:$0x3], $0x2000, $0x38;
	[tilespmem:$0x1AB40] =	vst v63  }
0x28: {  	_ =	swait.ge [sflag:s16], $0x2000  }
0x29: {  	[sflag:s16] =	ssyncset.done $0x0  }
0x2a: {  	[sflag:s16] =	ssyncadd.s32 $0xFFFFE000  }
0x2b: {  	[spmem:s9] =	stream.linear.scatter [tilespmem:s15], [sflag:$0x3], $0x2000, $0x38;
	[tilespmem:$0x1AB40] =	vst v63  }
0x2c: {  	_ =	swait.ge [sflag:s16], $0x2000  }
0x2d: {  	[sflag:s16] =	ssyncset.done $0x0  }
0x2e: {  	[sflag:s16] =	ssyncadd.s32 $0xFFFFE000  }
0x2f: {  	[spmem:s18], [sflag:s17] =	dma.local [hbm:s10], $0x1388  }
0x30: {  	_ =	swait.ge [sflag:s16], $0x1388  }
0x31: {  	[sflag:s16] =	ssyncset.done $0x0  }
0x32: {  	s29 =	simm.s32 $0x0;
	[sflag:s16] =	ssyncadd.s32 $0xFFFFEC78  }
0x33: {  	[tilespmem:s29], [sflag:$0x3] =	stream.linear.gather [hbm4b:s11+s29], $0x2780, $0x38;
	[tilespmem:$0x1AB40] =	vst v63  }
0x34: {  	_ =	swait.ge [sflag:s16], $0x2780  }
0x35: {  	[sflag:s16] =	ssyncset.done $0x0  }
0x36: {  	[sflag:s16] =	ssyncadd.s32 $0xFFFFD880  }
0x37: {  	[tilespmem:s19], [sflag:$0x3] =	stream.linear.gather [hbm4b:s12+s29], $0x2780, $0x38;
	[tilespmem:$0x1AB40] =	vst v63  }
0x38: {  	_ =	swait.ge [sflag:s16], $0x2780  }
0x39: {  	[sflag:s16] =	ssyncset.done $0x0  }
0x3a: {  	[sflag:s16] =	ssyncadd.s32 $0xFFFFD880  }
0x3b: {  	s30 =	simm.s32 $0x0;
	[bflag:$0x0] =	sbarrier.arrive $0xFFFF  }
0x3c: {  	[tilespmem:s15], [sflag:$0x1] =	stream.indirect.gather [spmem:s3], $0x40, s30, s20, $0xb8;
	[tilespmem:$0x1AB40] =	vst v63  }
0x3d: {  	_ =	swait.ge [sflag:s21], $0x2000  }
0x3e: {  	[sflag:s21] =	ssyncset.done $0x0  }
0x3f: {  	s31 =	simm.s32 $0x2780;
	[sflag:s21] =	ssyncadd.s32 $0xFFFFE000  }
0x40: {  	[spmem:s2] =	stream.indirect.scatter.add.f32 [tilespmem:s15], [sflag:$0x2], $0x40, s31, s20, $0xb8;
	[tilespmem:$0x1AB40] =	vst v63  }
0x41: {  	_ =	swait.ge [sflag:s22], $0x2000  }
0x42: {  	s23 =	simm.s32 $0x200;
	s24 =	simm.s32 $0x400;
	[sflag:s22] =	ssyncset.done $0x0  }
.LBB2_4:
0x43: {  	s25 =	sshra.s32 s23, $0x2  }
0x44: {  	[sflag:s22] =	ssyncadd.s32 $0xFFFFE000;
	s23 =	smov.u32 s24;
	s26 =	sadd.s32 $0x200, s24  }
0x45: {  	[tilespmem:s15], [sflag:$0x1] =	stream.indirect.gather [spmem:s3], $0x40, s25, s20, $0xb8;
	[tilespmem:$0x1AB40] =	vst v63  }
0x46: {  	p0 =	sne.s32 s24, $0x9C00;
	_ =	swait.ge [sflag:s21], $0x2000  }
.Ltmp1:
0x47: {  	[sflag:s21] =	ssyncset.done $0x0;
	(pc) =	sbr.rel @p0 .LBB2_4-.Ltmp1, $4  }
0x48: {  	s24 =	sadd.s32 $0x2780, s25;
	[sflag:s21] =	ssyncadd.s32 $0xFFFFE000  }
0x49: {  	[spmem:s2] =	stream.indirect.scatter.add.f32 [tilespmem:s15], [sflag:$0x2], $0x40, s24, s20, $0xb8;
	[tilespmem:$0x1AB40] =	vst v63  }
0x4a: {  	_ =	swait.ge [sflag:s22], $0x2000  }
0x4b: {  	s24 =	smov.u32 s26;
	[sflag:s22] =	ssyncset.done $0x0  }
0x4c: {  	s23 =	sshra.s32 s23, $0x2;
	[sflag:s22] =	ssyncadd.s32 $0xFFFFE000  }
0x4d: {  	[tilespmem:s15], [sflag:$0x1] =	stream.indirect.gather [spmem:s3], $0x40, s23, s20, $0xb8;
	[tilespmem:$0x1AB40] =	vst v63  }
0x4e: {  	_ =	swait.ge [sflag:s21], $0x2000  }
0x4f: {  	[sflag:s21] =	ssyncset.done $0x0  }
0x50: {  	s23 =	sadd.s32 $0x2780, s23;
	[sflag:s21] =	ssyncadd.s32 $0xFFFFE000  }
0x51: {  	[spmem:s2] =	stream.indirect.scatter.add.f32 [tilespmem:s15], [sflag:$0x2], $0x40, s23, s20, $0xb8;
	[tilespmem:$0x1AB40] =	vst v63  }
0x52: {  	_ =	swait.ge [sflag:s22], $0x2000  }
0x53: {  	s4 =	sadd.s32 $0x1, s4;
	[sflag:s22] =	ssyncset.done $0x0  }
0x54: {  	p0 =	sne.s32 s4, s14;
	[sflag:s22] =	ssyncadd.s32 $0xFFFFE000  }
.Ltmp2:
0x55: {  	s31 =	sshrl.u32 s5, $0x3;
	[bflag:$0x0] =	sbarrier.arrive $0xFFFF;
	(pc) =	sbr.rel @p0 .LBB2_1-.Ltmp2, $4  }
0x56: {  	[hbm:s13], [sflag:s17] =	dma.local [spmem:s31], $0x1400  }
0x57: {  	_ =	swait.ge [sflag:s16], $0x1400  }
0x58: {  	[sflag:s16] =	ssyncset.done $0x0  }
0x59: {  	[sflag:s16] =	ssyncadd.s32 $0xFFFFEC00  }
0x5a: {  	_ =	sfence.sel $0x180000  }
0x5b: {  	[bflag:$0x0] =	sbarrier.arrive $0xFFFF  }
0x5c: {  	p0 =	sne.s32 s0, $0x0;
	_ =	strace $0x90000053  }
0x5d: {  	s0 =	sadd.s32 @!p0 $0x100000, s1;
	[bflag:$0x2] =	sbarrier.arrive $0xFFFF  }
0x5e: {  	[sflag:s0] =	ssyncadd.tile.s32 @!p0 $0x1;
	_ =	shalt  }
.Lfunc_end2:
_tile_overlayer_lowered:
.L_overlay_start_2:
0x5f: {  	(tag) =	ssettag $0x2  }
0x60: {  	s0 =	rddreg [dreg:$0x0];
	s2 =	stileid.u32  }
0x61: {  	s1 =	rddreg [dreg:$0x1];
	p0 =	sne.s32 s2, $0x0  }
0x62: {  	s3 =	rddreg [dreg:$0x2];
	[bflag:$0x3] =	sbarrier.arrive $0xFFFF;
	s2 =	simm.s32 @!p0 $0x1C03  }
0x63: {  	[timem:s3], [sflag:s2] =	dma.local @!p0 [hbm:s0], s1  }
0x64: {  	s0 =	simm.s32 @!p0 $0x3  }
0x65: {  	_ =	swait.ge @!p0 [sflag:s0], s1  }
0x66: {  	s1 =	ssub.s32 @!p0 $0x0, s1;
	[sflag:s0] =	ssyncset.done @!p0 $0x0  }
0x67: {  	[sflag:s0] =	ssyncadd.s32 @!p0 s1  }
0x68: {  	[bflag:$0x3] =	sbarrier.arrive $0xFFFF  }
0x69: {  	_ =	shalt  }

// kernel: kernel.35.cloned.1.call-start
scs
__scs_entry_jumppad:
0x0: {  	(pc) =	sbr.rel $0x88, $3  }
0x1: {  	(tag) =	ssettag $0x0;
	lr =	simm.s32 $0x1  }
0x2: {  	[smem:$0x3F95] =	sst lr;
	_ =	strace $0xD0000000  }
0x3: {  	_ = 	snop  }
0x4: {  	_ = 	snop  }
0x5: {  	_ = 	snop  }
0x6: {  	_ = 	snop  }
0x7: {  	_ = 	snop  }
__scs_overlays_trampoline_lowered:
0x8: {  	[smem:$0x3FA4] =	sst s0  }
0x9: {  	[smem:$0x3FA5] =	sst s1  }
0xa: {  	[smem:$0x3FA6] =	sst s2  }
0xb: {  	[smem:$0x3FA7] =	sst s3  }
0xc: {  	[smem:$0x3FA8] =	sst s4  }
0xd: {  	[smem:$0x3FA9] =	sst s5  }
0xe: {  	[smem:$0x3FAA] =	sst s6  }
0xf: {  	[smem:$0x3FAB] =	sst s7  }
0x10: {  	[smem:$0x3FAC] =	sst s8  }
0x11: {  	[smem:$0x3FAD] =	sst s9;
	s0 =	simm.s32 @!p0 $0x0  }
0x12: {  	s1 =	sld [smem:$0x3F93];
	s0 =	simm.s32 @p0 $0x1  }
0x13: {  	[smem:$0x3FAE] =	sst s0;
	s0 =	simm.s32 @!p1 $0x0  }
0x14: {  	s2 =	sld [smem:$0x3F92];
	s0 =	simm.s32 @p1 $0x1  }
0x15: {  	[smem:$0x3FAF] =	sst s0;
	s0 =	simm.s32 @!p2 $0x0  }
0x16: {  	s3 =	sld [smem:$0x3FDB];
	s0 =	simm.s32 @p2 $0x1  }
0x17: {  	s4 =	simm.s32 $0x1BF5;
	[smem:$0x3FB1] =	sst s0  }
0x18: {  	s0 =	sld [smem:$0x3F94];
	_ =	swait.ge [sflag:s4], $0x0  }
0x19: {  	s7 =	sld [smem:$0x3F95]  }
0x1a: {  	s8 =	sadd.s32 $0xFFFFE003, lr  }
0x1b: {  	s9 =	sadd.s32 $0xFFFFFEF7, lr;
	s5 =	simm.s32 $0xFFFFFFFF;
	p2 =	slt.u32 s8, $0xFFFFF086  }
0x1c: {  	p1 =	slt.u32 s9, $0xF7A;
	s5 =	simm.s32 @!p2 $0x0  }
0x1d: {  	s5 =	simm.s32 @p1 $0x1;
	p0 =	seq.s32 s7, s2  }
0x1e: {  	s7 =	smul.u32 @!p0 $0xF7A, s2;
	p2 =	seq.s32 @!p0 s5, $0x0  }
0x1f: {  	s9 =	smul.u32 $0xF7A, s1;
	s8 =	simm.s32 @!p0 $0x1BF5;
	p2 =	por !p2, p0  }
0x20: {  	[sflag:s8] =	ssyncset.s32 @!p0 $0xFFFFF086;
	s6 =	sadd.s32 @!p0 s3, s7;
	s7 =	simm.s32 @!p0 $0x108  }
0x21: {  	s3 =	sadd.s32 s3, s9;
	s6 =	sadd.s32 @!p0 $0x88, s6;
	s7 =	simm.s32 @p2 $0x1082  }
0x22: {  	[simem:s7], [sflag:s8] =	dma.local @!p0 [hbm:s6], $0xF7A  }
0x23: {  	s9 =	sor.u32 $0xD0000000, s2;
	s6 =	simm.s32 $0x108;
	_ =	swait.ge @!p0 [sflag:s8], $0x0  }
0x24: {  	s3 =	sadd.s32 $0x88, s3;
	s6 =	simm.s32 @!p1 $0x1082;
	[sflag:s4] =	ssyncset.s32 $0xFFFFF086  }
0x25: {  	[simem:s6], [sflag:s4] =	dma.local [hbm:s3], $0xF7A  }
0x26: {  	[smem:$0x3F95] =	sst s1;
	(tag) =	ssettag s2;
	_ =	strace s9  }
0x27: {  	s1 =	sld [smem:$0x3FA5]  }
0x28: {  	s2 =	sld [smem:$0x3FA6]  }
0x29: {  	s4 =	sld [smem:$0x3FA8]  }
0x2a: {  	p0 =	seq.s32 s5, $0x0;
	s5 =	sld [smem:$0x3FA9]  }
0x2b: {  	s6 =	sld [smem:$0x3FAA]  }
0x2c: {  	s7 =	sld [smem:$0x3FAB]  }
0x2d: {  	s3 =	simm.s32 $0x108;
	s8 =	sld [smem:$0x3FAC]  }
0x2e: {  	s3 =	simm.s32 @!p0 $0x1082;
	s9 =	sld [smem:$0x3FAD]  }
0x2f: {  	lr =	sadd.s32 s0, s3;
	s0 =	sld [smem:$0x3FA4]  }
0x30: {  	s3 =	sld [smem:$0x3FA7]  }
0x31: {  	[smem:$0x3FB0] =	sst s10  }
0x32: {  	s10 =	sld [smem:$0x3FAE];
	_ =	sdelay $0x3  }
0x33: {  	p0 =	seq.s32 s10, $0x1;
	s10 =	sld [smem:$0x3FB0];
	_ =	sdelay $0x3  }
0x34: {  	[smem:$0x3FB0] =	sst s10  }
0x35: {  	s10 =	sld [smem:$0x3FAF];
	_ =	sdelay $0x3  }
0x36: {  	p1 =	seq.s32 s10, $0x1;
	s10 =	sld [smem:$0x3FB0];
	_ =	sdelay $0x3  }
0x37: {  	[smem:$0x3FB0] =	sst s10  }
0x38: {  	s10 =	sld [smem:$0x3FB1]  }
0x39: {  	_ = 	snop;
	(pc) =	sbr.ind lr, $3  }
0x3a: {  	_ = 	snop  }
0x3b: {  	_ = 	snop  }
0x3c: {  	p2 =	seq.s32 s10, $0x1;
	s10 =	sld [smem:$0x3FB0]  }
0x3d: {  	_ =	shalt  }
0x3e: {  	_ =	shalt  }
0x3f: {  	_ =	shalt  }
0x40: {  	_ =	shalt  }
0x41: {  	_ =	shalt  }
0x42: {  	_ =	shalt  }
0x43: {  	_ =	shalt  }
0x44: {  	_ =	shalt  }
0x45: {  	_ =	shalt  }
0x46: {  	_ =	shalt  }
0x47: {  	_ =	shalt  }
0x48: {  	_ =	shalt  }
0x49: {  	_ =	shalt  }
0x4a: {  	_ =	shalt  }
0x4b: {  	_ =	shalt  }
0x4c: {  	_ =	shalt  }
0x4d: {  	_ =	shalt  }
0x4e: {  	_ =	shalt  }
0x4f: {  	_ =	shalt  }
0x50: {  	_ =	shalt  }
0x51: {  	_ =	shalt  }
0x52: {  	_ =	shalt  }
0x53: {  	_ =	shalt  }
0x54: {  	_ =	shalt  }
0x55: {  	_ =	shalt  }
0x56: {  	_ =	shalt  }
0x57: {  	_ =	shalt  }
0x58: {  	_ =	shalt  }
0x59: {  	_ =	shalt  }
0x5a: {  	_ =	shalt  }
0x5b: {  	_ =	shalt  }
0x5c: {  	_ =	shalt  }
0x5d: {  	_ =	shalt  }
0x5e: {  	_ =	shalt  }
0x5f: {  	_ =	shalt  }
0x60: {  	_ =	shalt  }
0x61: {  	_ =	shalt  }
0x62: {  	_ =	shalt  }
0x63: {  	_ =	shalt  }
0x64: {  	_ =	shalt  }
0x65: {  	_ =	shalt  }
0x66: {  	_ =	shalt  }
0x67: {  	_ =	shalt  }
0x68: {  	_ =	shalt  }
0x69: {  	_ =	shalt  }
0x6a: {  	_ =	shalt  }
0x6b: {  	_ =	shalt  }
0x6c: {  	_ =	shalt  }
0x6d: {  	_ =	shalt  }
0x6e: {  	_ =	shalt  }
0x6f: {  	_ =	shalt  }
0x70: {  	_ =	shalt  }
0x71: {  	_ =	shalt  }
0x72: {  	_ =	shalt  }
0x73: {  	_ =	shalt  }
0x74: {  	_ =	shalt  }
0x75: {  	_ =	shalt  }
0x76: {  	_ =	shalt  }
0x77: {  	_ =	shalt  }
0x78: {  	_ =	shalt  }
0x79: {  	_ =	shalt  }
0x7a: {  	_ =	shalt  }
0x7b: {  	_ =	shalt  }
0x7c: {  	_ =	shalt  }
0x7d: {  	_ =	shalt  }
0x7e: {  	_ =	shalt  }
0x7f: {  	_ =	shalt  }
0x80: {  	_ =	shalt  }
0x81: {  	_ =	shalt  }
0x82: {  	_ =	shalt  }
0x83: {  	_ =	shalt  }
0x84: {  	_ =	shalt  }
0x85: {  	_ =	shalt  }
0x86: {  	_ =	shalt  }
0x87: {  	_ =	shalt  }
.Lfunc_end0:
.L_simem_size_0:
called_computation.5_lowered:
.L_overlay_start_0:
0x88: {  	s2 =	sld [smem:$0x3FD9]  }
0x89: {  	s3 =	sld [smem:$0x3FFE];
	_ =	sdelay $0x1  }
0x8a: {  	s1 =	srdreg.scid  }
0x8b: {  	s0 =	sand.u32 $0x1, s1  }
0x8c: {  	s16 =	sshll.u32 s0, $0xA;
	s2 =	sadd.s32 s3, s2  }
0x8d: {  	s2 =	sadd.s32 s2, s16  }
0x8e: {  	[smem:$0x3FBC] =	sst s2  }
0x8f: {  	_ = 	snop  }
0x90: {  	(tm) =	ssettm $0x1  }
0x91: {  	s17 =	sld [smem:$0x3FFB];
	_ =	sdelay $0x3  }
0x92: {  	_ =	strace s17  }
0x93: {  	s2 =	sld [smem:$0x3FFC];
	_ =	sdelay $0x3  }
0x94: {  	_ =	strace s2  }
0x95: {  	s2 =	sld [smem:$0x3FFD];
	_ =	sdelay $0x3  }
0x96: {  	_ =	strace s2  }
0x97: {  	_ =	strace $0x8FFFFFFF  }
0x98: {  	s18 =	sld [smem:$0x3FDB];
	_ =	sdelay $0x1  }
0x99: {  	s19 =	simm.s32 $_scs_section_size  }
0x9a: {  	s4 =	simm.s32 $_size__tile_overlayer_lowered;
	s5 =	simm.s32 $_tile_overlayer_lowered  }
0x9b: {  	s22 =	simm.s32 $0x1BFF;
	s21 =	sshll.u32 s5, $0x1;
	s2 =	sadd.s32 s19, s18  }
0x9c: {  	s6 =	simm.s32 $0x0;
	s20 =	sshll.u32 s4, $0x1;
	s4 =	sadd.s32 s21, s2  }
0x9d: {  	[timem:s6], [sflag:s22] =	dma.local [hbm:s4], s20  }
0x9e: {  	_ =	swait.ge [sflag:s22], s20  }
0x9f: {  	s3 =	ssub.s32 $0x0, s20;
	[sflag:s22] =	ssyncset.done $0x0  }
0xa0: {  	[sflag:s22] =	ssyncadd.s32 s3;
	_ =	sdelay $0x1  }
0xa1: {  	s23 =	simm.s32 $0x1B8B  }
0xa2: {  	_ =	swait.ge [sflag:s23], $0x1  }
0xa3: {  	[sflag:s23] =	ssyncset.done $0x0  }
0xa4: {  	s25 =	simm.s32 $0x1B8E;
	s24 =	sld [smem:$0x3FFE];
	[sflag:s23] =	ssyncadd.s32 $0xFFFFFFFF  }
0xa5: {  	s26 =	simm.s32 $execute0_lowered;
	[smem:$0x3FD2] =	sst s25  }
0xa6: {  	s4 =	sshll.u32 s26, $0x1;
	_ =	strace $0x80000055;
	[dreg:$0x1] =	wrdreg $0xFFFFFFFF  }
0xa7: {  	s28 =	simm.s32 $_size_execute0_lowered;
	s2 =	sadd.s32 s2, s4;
	[dreg:$0x0] =	wrdreg $0x0  }
0xa8: {  	s4 =	sshll.u32 s28, $0x1;
	[dreg:$0x2] =	wrdreg s2  }
0xa9: {  	[dreg:$0x3] =	wrdreg s4  }
0xaa: {  	[dreg:$0x4] =	wrdreg $0xC0  }
0xab: {  	_ =	task [dreg:s6], $0x5FFFF  }
0xac: {  	[dreg:$0x1] =	wrdreg $0xFFFFFFFF  }
0xad: {  	[dreg:$0x0] =	wrdreg $0x60  }
0xae: {  	[dreg:$0x2] =	wrdreg s24  }
0xaf: {  	[dreg:$0x3] =	wrdreg $0x10B400  }
0xb0: {  	[dreg:$0x4] =	wrdreg $0x6F000  }
0xb1: {  	[dreg:$0x5] =	wrdreg $0x9  }
0xb2: {  	_ =	task.clear_ibuf [dreg:s6], $0x6FFFF;
	_ =	strace $0x90000055  }
0xb3: {  	s29 =	simm.s32 $0x9;
	_ =	strace $0x80000057  }
0xb4: {  	_ =	swait.ge [sflag:s29], $0x1  }
0xb5: {  	[sflag:s29] =	ssyncadd.s32 $0xFFFFFFFF  }
0xb6: {  	_ =	strace $0x90000057  }
0xb7: {  	_ =	sfence  }
0xb8: {  	s30 =	sld [smem:$0x0];
	_ =	sdelay $0x2  }
0xb9: {  	s31 =	sshll.u32 s1, $0xD;
	s1 =	sshrl.u32 s1, $0x2  }
0xba: {  	s3 =	sand.u32 $0x4000, s31;
	s1 =	sadd.s32 s1, s30  }
0xbb: {  	s0 =	sor.u32 s3, s0;
	s1 =	sshll.u32 s1, $0x11  }
0xbc: {  	s0 =	sor.u32 s1, s0  }
0xbd: {  	s0 =	sadd.s32 $0x8F2B, s0  }
0xbe: {  	[sflag:s0] =	ssyncadd.remote.s32 $0x1  }
0xbf: {  	_ =	sfence.sel $0xFFFF  }
0xc0: {  	[dreg:$0x0] =	wrdreg $0xFFFFFFFF;
	(pc) =	sbr.abs _section_cstart, $3  }
0xc1: {  	[dreg:$0x1] =	wrdreg $0xFFFFFFFF  }
0xc2: {  	_ =	task.clear_ibuf [dreg:s6], $0x2FFFF;
	_ =	strace $0x9FFFFFFF  }
0xc3: {  	(tm) =	ssettm $0x7FFFFFFF  }
tec
execute0_lowered:
.L_overlay_start_1:
0x0: {  	(tag) =	ssettag $0x1  }
0x1: {  	s0 =	stileid.u32;
	s6 =	rddreg [dreg:$0x0]  }
0x2: {  	s1 =	srdreg.scid;
	s2 =	rddreg [dreg:$0x1]  }
0x3: {  	s3 =	rddreg [dreg:$0x2];
	s4 =	simm.s32 $0x0;
	s16 =	simm.s32 $0x3  }
0x4: {  	s19 =	simm.s32 $0x2780;
	s20 =	simm.s32 $0x80;
	s21 =	simm.s32 $0x1  }
0x5: {  	s22 =	simm.s32 $0x2;
	s5 =	sand.u32 $0x1, s1;
	s10 =	smul.u32 $0x9C40, s0  }
0x6: {  	s26 =	sshll.u32 s0, $0x1;
	s8 =	smul.u32 $0x1400, s0;
	[smem:$0x7FF] =	sst s4  }
0x7: {  	s11 =	smul.u32 $0x28000, s0;
	s17 =	sshll.u32 s0, $0x6;
	s1 =	sor.u32 s5, s26  }
0x8: {  	s28 =	smul.u32 $0x14000, s5;
	s29 =	ssub.s32 $0x2, s5;
	s17 =	sor.u32 $0x1C03, s17  }
0x9: {  	s7 =	smul.u32 $0x4F0, s1;
	s1 =	rddreg [dreg:$0x3];
	s9 =	sshrl.u32 s10, $0x3  }
0xa: {  	_ =	strace $0x80000056;
	s30 =	sshrl.u32 s11, $0x2;
	s31 =	sshrl.u32 s29, $0x1  }
0xb: {  	s18 =	sadd.s32 s10, s3;
	s12 =	sadd.s32 s9, s6;
	s8 =	sadd.s32 s8, s28  }
0xc: {  	s5 =	sadd.s32 s30, s2;
	s15 =	ssub.s32 s29, s31;
	s18 =	sshrl.u32 s18, $0x3  }
0xd: {  	s13 =	sadd.s32 s7, s6;
	s14 =	sadd.s32 s8, s6;
	s6 =	sadd.s32 $0x2000, s5  }
0xe: {  	s7 =	sadd.s32 $0x4000, s5;
	s8 =	sadd.s32 $0x6000, s5;
	s9 =	sadd.s32 $0x8000, s5  }
0xf: {  	s10 =	sadd.s32 $0x2A00, s12;
	s11 =	sadd.s32 $0x20200, s13;
	s12 =	sadd.s32 $0x16400, s13  }
0x10: {  	v0 =	vimm.f32 $0.0e+00;
	s13 =	sadd.s32 $0x2A000, s14;
	s14 =	smax.u32 s15, $0x1;
	s15 =	simm.s32 $0x4F00  }
.LBB2_1:
0x11: {  	s24 =	simm.s32 $0x100;
	s23 =	simm.s32 $0x0  }
.LBB2_2:
0x12: {  	p0 =	sne.s32 s24, $0x7F00;
	[tilespmem:s23+$0x4F30] =	vst v0;
	s25 =	smov.u32 s24;
	s24 =	sadd.s32 $0x100, s24  }
.Ltmp0:
0x13: {  	[tilespmem:s23+$0x4F20] =	vst v0;
	(pc) =	sbr.rel @p0 .LBB2_2-.Ltmp0, $3  }
0x14: {  	[tilespmem:s23+$0x4F00] =	vst v0  }
0x15: {  	[tilespmem:s23+$0x4F10] =	vst v0;
	_ =	sdelay $0x1  }
0x16: {  	s23 =	sshra.s32 s25, $0x2  }
0x17: {  	[tilespmem:s23+$0x4F30] =	vst v0  }
0x18: {  	[tilespmem:s23+$0x4F20] =	vst v0  }
0x19: {  	[tilespmem:s23+$0x4F00] =	vst v0  }
0x1a: {  	[tilespmem:s23+$0x4F10] =	vst v0  }
0x1b: {  	[spmem:s5] =	stream.linear.scatter [tilespmem:s15], [sflag:$0x3], $0x2000, $0x38;
	[tilespmem:$0x1AB40] =	vst v63  }
0x1c: {  	_ =	swait.ge [sflag:s16], $0x2000  }
0x1d: {  	[sflag:s16] =	ssyncset.done $0x0  }
0x1e: {  	[sflag:s16] =	ssyncadd.s32 $0xFFFFE000  }
0x1f: {  	[spmem:s6] =	stream.linear.scatter [tilespmem:s15], [sflag:$0x3], $0x2000, $0x38;
	[tilespmem:$0x1AB40] =	vst v63  }
0x20: {  	_ =	swait.ge [sflag:s16], $0x2000  }
0x21: {  	[sflag:s16] =	ssyncset.done $0x0  }
0x22: {  	[sflag:s16] =	ssyncadd.s32 $0xFFFFE000  }
0x23: {  	[spmem:s7] =	stream.linear.scatter [tilespmem:s15], [sflag:$0x3], $0x2000, $0x38;
	[tilespmem:$0x1AB40] =	vst v63  }
0x24: {  	_ =	swait.ge [sflag:s16], $0x2000  }
0x25: {  	[sflag:s16] =	ssyncset.done $0x0  }
0x26: {  	[sflag:s16] =	ssyncadd.s32 $0xFFFFE000  }
0x27: {  	[spmem:s8] =	stream.linear.scatter [tilespmem:s15], [sflag:$0x3], $0x2000, $0x38;
	[tilespmem:$0x1AB40] =	vst v63  }
0x28: {  	_ =	swait.ge [sflag:s16], $0x2000  }
0x29: {  	[sflag:s16] =	ssyncset.done $0x0  }
0x2a: {  	[sflag:s16] =	ssyncadd.s32 $0xFFFFE000  }
0x2b: {  	[spmem:s9] =	stream.linear.scatter [tilespmem:s15], [sflag:$0x3], $0x2000, $0x38;
	[tilespmem:$0x1AB40] =	vst v63  }
0x2c: {  	_ =	swait.ge [sflag:s16], $0x2000  }
0x2d: {  	[sflag:s16] =	ssyncset.done $0x0  }
0x2e: {  	[sflag:s16] =	ssyncadd.s32 $0xFFFFE000  }
0x2f: {  	[spmem:s18], [sflag:s17] =	dma.local [hbm:s10], $0x1388  }
0x30: {  	_ =	swait.ge [sflag:s16], $0x1388  }
0x31: {  	[sflag:s16] =	ssyncset.done $0x0  }
0x32: {  	s29 =	simm.s32 $0x0;
	[sflag:s16] =	ssyncadd.s32 $0xFFFFEC78  }
0x33: {  	[tilespmem:s29], [sflag:$0x3] =	stream.linear.gather [hbm4b:s11+s29], $0x2780, $0x38;
	[tilespmem:$0x1AB40] =	vst v63  }
0x34: {  	_ =	swait.ge [sflag:s16], $0x2780  }
0x35: {  	[sflag:s16] =	ssyncset.done $0x0  }
0x36: {  	[sflag:s16] =	ssyncadd.s32 $0xFFFFD880  }
0x37: {  	[tilespmem:s19], [sflag:$0x3] =	stream.linear.gather [hbm4b:s12+s29], $0x2780, $0x38;
	[tilespmem:$0x1AB40] =	vst v63  }
0x38: {  	_ =	swait.ge [sflag:s16], $0x2780  }
0x39: {  	[sflag:s16] =	ssyncset.done $0x0  }
0x3a: {  	[sflag:s16] =	ssyncadd.s32 $0xFFFFD880  }
0x3b: {  	s30 =	simm.s32 $0x0;
	[bflag:$0x0] =	sbarrier.arrive $0xFFFF  }
0x3c: {  	[tilespmem:s15], [sflag:$0x1] =	stream.indirect.gather [spmem:s3], $0x40, s30, s20, $0xb8;
	[tilespmem:$0x1AB40] =	vst v63  }
0x3d: {  	_ =	swait.ge [sflag:s21], $0x2000  }
0x3e: {  	[sflag:s21] =	ssyncset.done $0x0  }
0x3f: {  	s31 =	simm.s32 $0x2780;
	[sflag:s21] =	ssyncadd.s32 $0xFFFFE000  }
0x40: {  	[spmem:s2] =	stream.indirect.scatter.add.f32 [tilespmem:s15], [sflag:$0x2], $0x40, s31, s20, $0xb8;
	[tilespmem:$0x1AB40] =	vst v63  }
0x41: {  	_ =	swait.ge [sflag:s22], $0x2000  }
0x42: {  	s23 =	simm.s32 $0x200;
	s24 =	simm.s32 $0x400;
	[sflag:s22] =	ssyncset.done $0x0  }
.LBB2_4:
0x43: {  	s25 =	sshra.s32 s23, $0x2  }
0x44: {  	[sflag:s22] =	ssyncadd.s32 $0xFFFFE000;
	s23 =	smov.u32 s24;
	s26 =	sadd.s32 $0x200, s24  }
0x45: {  	[tilespmem:s15], [sflag:$0x1] =	stream.indirect.gather [spmem:s3], $0x40, s25, s20, $0xb8;
	[tilespmem:$0x1AB40] =	vst v63  }
0x46: {  	p0 =	sne.s32 s24, $0x9C00;
	_ =	swait.ge [sflag:s21], $0x2000  }
.Ltmp1:
0x47: {  	[sflag:s21] =	ssyncset.done $0x0;
	(pc) =	sbr.rel @p0 .LBB2_4-.Ltmp1, $4  }
0x48: {  	s24 =	sadd.s32 $0x2780, s25;
	[sflag:s21] =	ssyncadd.s32 $0xFFFFE000  }
0x49: {  	[spmem:s2] =	stream.indirect.scatter.add.f32 [tilespmem:s15], [sflag:$0x2], $0x40, s24, s20, $0xb8;
	[tilespmem:$0x1AB40] =	vst v63  }
0x4a: {  	_ =	swait.ge [sflag:s22], $0x2000  }
0x4b: {  	s24 =	smov.u32 s26;
	[sflag:s22] =	ssyncset.done $0x0  }
0x4c: {  	s23 =	sshra.s32 s23, $0x2;
	[sflag:s22] =	ssyncadd.s32 $0xFFFFE000  }
0x4d: {  	[tilespmem:s15], [sflag:$0x1] =	stream.indirect.gather [spmem:s3], $0x40, s23, s20, $0xb8;
	[tilespmem:$0x1AB40] =	vst v63  }
0x4e: {  	_ =	swait.ge [sflag:s21], $0x2000  }
0x4f: {  	[sflag:s21] =	ssyncset.done $0x0  }
0x50: {  	s23 =	sadd.s32 $0x2780, s23;
	[sflag:s21] =	ssyncadd.s32 $0xFFFFE000  }
0x51: {  	[spmem:s2] =	stream.indirect.scatter.add.f32 [tilespmem:s15], [sflag:$0x2], $0x40, s23, s20, $0xb8;
	[tilespmem:$0x1AB40] =	vst v63  }
0x52: {  	_ =	swait.ge [sflag:s22], $0x2000  }
0x53: {  	s4 =	sadd.s32 $0x1, s4;
	[sflag:s22] =	ssyncset.done $0x0  }
0x54: {  	p0 =	sne.s32 s4, s14;
	[sflag:s22] =	ssyncadd.s32 $0xFFFFE000  }
.Ltmp2:
0x55: {  	s31 =	sshrl.u32 s5, $0x3;
	[bflag:$0x0] =	sbarrier.arrive $0xFFFF;
	(pc) =	sbr.rel @p0 .LBB2_1-.Ltmp2, $4  }
0x56: {  	[hbm:s13], [sflag:s17] =	dma.local [spmem:s31], $0x1400  }
0x57: {  	_ =	swait.ge [sflag:s16], $0x1400  }
0x58: {  	[sflag:s16] =	ssyncset.done $0x0  }
0x59: {  	[sflag:s16] =	ssyncadd.s32 $0xFFFFEC00  }
0x5a: {  	_ =	sfence.sel $0x180000  }
0x5b: {  	[bflag:$0x0] =	sbarrier.arrive $0xFFFF  }
0x5c: {  	p0 =	sne.s32 s0, $0x0;
	_ =	strace $0x90000056  }
0x5d: {  	s0 =	sadd.s32 @!p0 $0x100000, s1;
	[bflag:$0x2] =	sbarrier.arrive $0xFFFF  }
0x5e: {  	[sflag:s0] =	ssyncadd.tile.s32 @!p0 $0x1;
	_ =	shalt  }
.Lfunc_end2:
_tile_overlayer_lowered:
.L_overlay_start_2:
0x5f: {  	(tag) =	ssettag $0x2  }
0x60: {  	s0 =	rddreg [dreg:$0x0];
	s2 =	stileid.u32  }
0x61: {  	s1 =	rddreg [dreg:$0x1];
	p0 =	sne.s32 s2, $0x0  }
0x62: {  	s3 =	rddreg [dreg:$0x2];
	[bflag:$0x3] =	sbarrier.arrive $0xFFFF;
	s2 =	simm.s32 @!p0 $0x1C03  }
0x63: {  	[timem:s3], [sflag:s2] =	dma.local @!p0 [hbm:s0], s1  }
0x64: {  	s0 =	simm.s32 @!p0 $0x3  }
0x65: {  	_ =	swait.ge @!p0 [sflag:s0], s1  }
0x66: {  	s1 =	ssub.s32 @!p0 $0x0, s1;
	[sflag:s0] =	ssyncset.done @!p0 $0x0  }
0x67: {  	[sflag:s0] =	ssyncadd.s32 @!p0 s1  }
0x68: {  	[bflag:$0x3] =	sbarrier.arrive $0xFFFF  }
0x69: {  	_ =	shalt  }

// kernel: kernel.38.cloned.1.call-start
scs
__scs_entry_jumppad:
0x0: {  	(pc) =	sbr.rel $0x88, $3  }
0x1: {  	(tag) =	ssettag $0x0;
	lr =	simm.s32 $0x1  }
0x2: {  	[smem:$0x3F95] =	sst lr;
	_ =	strace $0xD0000000  }
0x3: {  	_ = 	snop  }
0x4: {  	_ = 	snop  }
0x5: {  	_ = 	snop  }
0x6: {  	_ = 	snop  }
0x7: {  	_ = 	snop  }
__scs_overlays_trampoline_lowered:
0x8: {  	[smem:$0x3FA4] =	sst s0  }
0x9: {  	[smem:$0x3FA5] =	sst s1  }
0xa: {  	[smem:$0x3FA6] =	sst s2  }
0xb: {  	[smem:$0x3FA7] =	sst s3  }
0xc: {  	[smem:$0x3FA8] =	sst s4  }
0xd: {  	[smem:$0x3FA9] =	sst s5  }
0xe: {  	[smem:$0x3FAA] =	sst s6  }
0xf: {  	[smem:$0x3FAB] =	sst s7  }
0x10: {  	[smem:$0x3FAC] =	sst s8  }
0x11: {  	[smem:$0x3FAD] =	sst s9;
	s0 =	simm.s32 @!p0 $0x0  }
0x12: {  	s1 =	sld [smem:$0x3F93];
	s0 =	simm.s32 @p0 $0x1  }
0x13: {  	[smem:$0x3FAE] =	sst s0;
	s0 =	simm.s32 @!p1 $0x0  }
0x14: {  	s2 =	sld [smem:$0x3F92];
	s0 =	simm.s32 @p1 $0x1  }
0x15: {  	[smem:$0x3FAF] =	sst s0;
	s0 =	simm.s32 @!p2 $0x0  }
0x16: {  	s3 =	sld [smem:$0x3FDB];
	s0 =	simm.s32 @p2 $0x1  }
0x17: {  	s4 =	simm.s32 $0x1BF5;
	[smem:$0x3FB1] =	sst s0  }
0x18: {  	s0 =	sld [smem:$0x3F94];
	_ =	swait.ge [sflag:s4], $0x0  }
0x19: {  	s7 =	sld [smem:$0x3F95]  }
0x1a: {  	s8 =	sadd.s32 $0xFFFFE003, lr  }
0x1b: {  	s9 =	sadd.s32 $0xFFFFFEF7, lr;
	s5 =	simm.s32 $0xFFFFFFFF;
	p2 =	slt.u32 s8, $0xFFFFF086  }
0x1c: {  	p1 =	slt.u32 s9, $0xF7A;
	s5 =	simm.s32 @!p2 $0x0  }
0x1d: {  	s5 =	simm.s32 @p1 $0x1;
	p0 =	seq.s32 s7, s2  }
0x1e: {  	s7 =	smul.u32 @!p0 $0xF7A, s2;
	p2 =	seq.s32 @!p0 s5, $0x0  }
0x1f: {  	s9 =	smul.u32 $0xF7A, s1;
	s8 =	simm.s32 @!p0 $0x1BF5;
	p2 =	por !p2, p0  }
0x20: {  	[sflag:s8] =	ssyncset.s32 @!p0 $0xFFFFF086;
	s6 =	sadd.s32 @!p0 s3, s7;
	s7 =	simm.s32 @!p0 $0x108  }
0x21: {  	s3 =	sadd.s32 s3, s9;
	s6 =	sadd.s32 @!p0 $0x88, s6;
	s7 =	simm.s32 @p2 $0x1082  }
0x22: {  	[simem:s7], [sflag:s8] =	dma.local @!p0 [hbm:s6], $0xF7A  }
0x23: {  	s9 =	sor.u32 $0xD0000000, s2;
	s6 =	simm.s32 $0x108;
	_ =	swait.ge @!p0 [sflag:s8], $0x0  }
0x24: {  	s3 =	sadd.s32 $0x88, s3;
	s6 =	simm.s32 @!p1 $0x1082;
	[sflag:s4] =	ssyncset.s32 $0xFFFFF086  }
0x25: {  	[simem:s6], [sflag:s4] =	dma.local [hbm:s3], $0xF7A  }
0x26: {  	[smem:$0x3F95] =	sst s1;
	(tag) =	ssettag s2;
	_ =	strace s9  }
0x27: {  	s1 =	sld [smem:$0x3FA5]  }
0x28: {  	s2 =	sld [smem:$0x3FA6]  }
0x29: {  	s4 =	sld [smem:$0x3FA8]  }
0x2a: {  	p0 =	seq.s32 s5, $0x0;
	s5 =	sld [smem:$0x3FA9]  }
0x2b: {  	s6 =	sld [smem:$0x3FAA]  }
0x2c: {  	s7 =	sld [smem:$0x3FAB]  }
0x2d: {  	s3 =	simm.s32 $0x108;
	s8 =	sld [smem:$0x3FAC]  }
0x2e: {  	s3 =	simm.s32 @!p0 $0x1082;
	s9 =	sld [smem:$0x3FAD]  }
0x2f: {  	lr =	sadd.s32 s0, s3;
	s0 =	sld [smem:$0x3FA4]  }
0x30: {  	s3 =	sld [smem:$0x3FA7]  }
0x31: {  	[smem:$0x3FB0] =	sst s10  }
0x32: {  	s10 =	sld [smem:$0x3FAE];
	_ =	sdelay $0x3  }
0x33: {  	p0 =	seq.s32 s10, $0x1;
	s10 =	sld [smem:$0x3FB0];
	_ =	sdelay $0x3  }
0x34: {  	[smem:$0x3FB0] =	sst s10  }
0x35: {  	s10 =	sld [smem:$0x3FAF];
	_ =	sdelay $0x3  }
0x36: {  	p1 =	seq.s32 s10, $0x1;
	s10 =	sld [smem:$0x3FB0];
	_ =	sdelay $0x3  }
0x37: {  	[smem:$0x3FB0] =	sst s10  }
0x38: {  	s10 =	sld [smem:$0x3FB1]  }
0x39: {  	_ = 	snop;
	(pc) =	sbr.ind lr, $3  }
0x3a: {  	_ = 	snop  }
0x3b: {  	_ = 	snop  }
0x3c: {  	p2 =	seq.s32 s10, $0x1;
	s10 =	sld [smem:$0x3FB0]  }
0x3d: {  	_ =	shalt  }
0x3e: {  	_ =	shalt  }
0x3f: {  	_ =	shalt  }
0x40: {  	_ =	shalt  }
0x41: {  	_ =	shalt  }
0x42: {  	_ =	shalt  }
0x43: {  	_ =	shalt  }
0x44: {  	_ =	shalt  }
0x45: {  	_ =	shalt  }
0x46: {  	_ =	shalt  }
0x47: {  	_ =	shalt  }
0x48: {  	_ =	shalt  }
0x49: {  	_ =	shalt  }
0x4a: {  	_ =	shalt  }
0x4b: {  	_ =	shalt  }
0x4c: {  	_ =	shalt  }
0x4d: {  	_ =	shalt  }
0x4e: {  	_ =	shalt  }
0x4f: {  	_ =	shalt  }
0x50: {  	_ =	shalt  }
0x51: {  	_ =	shalt  }
0x52: {  	_ =	shalt  }
0x53: {  	_ =	shalt  }
0x54: {  	_ =	shalt  }
0x55: {  	_ =	shalt  }
0x56: {  	_ =	shalt  }
0x57: {  	_ =	shalt  }
0x58: {  	_ =	shalt  }
0x59: {  	_ =	shalt  }
0x5a: {  	_ =	shalt  }
0x5b: {  	_ =	shalt  }
0x5c: {  	_ =	shalt  }
0x5d: {  	_ =	shalt  }
0x5e: {  	_ =	shalt  }
0x5f: {  	_ =	shalt  }
0x60: {  	_ =	shalt  }
0x61: {  	_ =	shalt  }
0x62: {  	_ =	shalt  }
0x63: {  	_ =	shalt  }
0x64: {  	_ =	shalt  }
0x65: {  	_ =	shalt  }
0x66: {  	_ =	shalt  }
0x67: {  	_ =	shalt  }
0x68: {  	_ =	shalt  }
0x69: {  	_ =	shalt  }
0x6a: {  	_ =	shalt  }
0x6b: {  	_ =	shalt  }
0x6c: {  	_ =	shalt  }
0x6d: {  	_ =	shalt  }
0x6e: {  	_ =	shalt  }
0x6f: {  	_ =	shalt  }
0x70: {  	_ =	shalt  }
0x71: {  	_ =	shalt  }
0x72: {  	_ =	shalt  }
0x73: {  	_ =	shalt  }
0x74: {  	_ =	shalt  }
0x75: {  	_ =	shalt  }
0x76: {  	_ =	shalt  }
0x77: {  	_ =	shalt  }
0x78: {  	_ =	shalt  }
0x79: {  	_ =	shalt  }
0x7a: {  	_ =	shalt  }
0x7b: {  	_ =	shalt  }
0x7c: {  	_ =	shalt  }
0x7d: {  	_ =	shalt  }
0x7e: {  	_ =	shalt  }
0x7f: {  	_ =	shalt  }
0x80: {  	_ =	shalt  }
0x81: {  	_ =	shalt  }
0x82: {  	_ =	shalt  }
0x83: {  	_ =	shalt  }
0x84: {  	_ =	shalt  }
0x85: {  	_ =	shalt  }
0x86: {  	_ =	shalt  }
0x87: {  	_ =	shalt  }
.Lfunc_end0:
.L_simem_size_0:
called_computation.6_lowered:
.L_overlay_start_0:
0x88: {  	s2 =	sld [smem:$0x3FD9]  }
0x89: {  	s3 =	sld [smem:$0x3FFE];
	_ =	sdelay $0x1  }
0x8a: {  	s1 =	srdreg.scid  }
0x8b: {  	s0 =	sand.u32 $0x1, s1  }
0x8c: {  	s16 =	sshll.u32 s0, $0xA;
	s2 =	sadd.s32 s3, s2  }
0x8d: {  	s2 =	sadd.s32 s2, s16  }
0x8e: {  	[smem:$0x3FBC] =	sst s2  }
0x8f: {  	_ = 	snop  }
0x90: {  	(tm) =	ssettm $0x1  }
0x91: {  	s17 =	sld [smem:$0x3FFB];
	_ =	sdelay $0x3  }
0x92: {  	_ =	strace s17  }
0x93: {  	s2 =	sld [smem:$0x3FFC];
	_ =	sdelay $0x3  }
0x94: {  	_ =	strace s2  }
0x95: {  	s2 =	sld [smem:$0x3FFD];
	_ =	sdelay $0x3  }
0x96: {  	_ =	strace s2  }
0x97: {  	_ =	strace $0x8FFFFFFF  }
0x98: {  	s18 =	sld [smem:$0x3FDB];
	_ =	sdelay $0x1  }
0x99: {  	s19 =	simm.s32 $_scs_section_size  }
0x9a: {  	s4 =	simm.s32 $_size__tile_overlayer_lowered;
	s5 =	simm.s32 $_tile_overlayer_lowered  }
0x9b: {  	s22 =	simm.s32 $0x1BFF;
	s21 =	sshll.u32 s5, $0x1;
	s2 =	sadd.s32 s19, s18  }
0x9c: {  	s6 =	simm.s32 $0x0;
	s20 =	sshll.u32 s4, $0x1;
	s4 =	sadd.s32 s21, s2  }
0x9d: {  	[timem:s6], [sflag:s22] =	dma.local [hbm:s4], s20  }
0x9e: {  	_ =	swait.ge [sflag:s22], s20  }
0x9f: {  	s3 =	ssub.s32 $0x0, s20;
	[sflag:s22] =	ssyncset.done $0x0  }
0xa0: {  	[sflag:s22] =	ssyncadd.s32 s3;
	_ =	sdelay $0x1  }
0xa1: {  	s23 =	simm.s32 $0x1B8B  }
0xa2: {  	_ =	swait.ge [sflag:s23], $0x1  }
0xa3: {  	[sflag:s23] =	ssyncset.done $0x0  }
0xa4: {  	s25 =	simm.s32 $0x1B8E;
	s24 =	sld [smem:$0x3FFE];
	[sflag:s23] =	ssyncadd.s32 $0xFFFFFFFF  }
0xa5: {  	s26 =	simm.s32 $execute0_lowered;
	[smem:$0x3FD2] =	sst s25  }
0xa6: {  	s4 =	sshll.u32 s26, $0x1;
	_ =	strace $0x80000058;
	[dreg:$0x1] =	wrdreg $0xFFFFFFFF  }
0xa7: {  	s28 =	simm.s32 $_size_execute0_lowered;
	s2 =	sadd.s32 s2, s4;
	[dreg:$0x0] =	wrdreg $0x0  }
0xa8: {  	s4 =	sshll.u32 s28, $0x1;
	[dreg:$0x2] =	wrdreg s2  }
0xa9: {  	[dreg:$0x3] =	wrdreg s4  }
0xaa: {  	[dreg:$0x4] =	wrdreg $0xC0  }
0xab: {  	_ =	task [dreg:s6], $0x5FFFF  }
0xac: {  	[dreg:$0x1] =	wrdreg $0xFFFFFFFF  }
0xad: {  	[dreg:$0x0] =	wrdreg $0x60  }
0xae: {  	[dreg:$0x2] =	wrdreg s24  }
0xaf: {  	[dreg:$0x3] =	wrdreg $0x10B400  }
0xb0: {  	[dreg:$0x4] =	wrdreg $0x6F000  }
0xb1: {  	[dreg:$0x5] =	wrdreg $0x9  }
0xb2: {  	_ =	task.clear_ibuf [dreg:s6], $0x6FFFF;
	_ =	strace $0x90000058  }
0xb3: {  	s29 =	simm.s32 $0x9;
	_ =	strace $0x8000005A  }
0xb4: {  	_ =	swait.ge [sflag:s29], $0x1  }
0xb5: {  	[sflag:s29] =	ssyncadd.s32 $0xFFFFFFFF  }
0xb6: {  	_ =	strace $0x9000005A  }
0xb7: {  	_ =	sfence  }
0xb8: {  	s30 =	sld [smem:$0x0];
	_ =	sdelay $0x2  }
0xb9: {  	s31 =	sshll.u32 s1, $0xD;
	s1 =	sshrl.u32 s1, $0x2  }
0xba: {  	s3 =	sand.u32 $0x4000, s31;
	s1 =	sadd.s32 s1, s30  }
0xbb: {  	s0 =	sor.u32 s3, s0;
	s1 =	sshll.u32 s1, $0x11  }
0xbc: {  	s0 =	sor.u32 s1, s0  }
0xbd: {  	s0 =	sadd.s32 $0x8F2B, s0  }
0xbe: {  	[sflag:s0] =	ssyncadd.remote.s32 $0x1  }
0xbf: {  	_ =	sfence.sel $0xFFFF  }
0xc0: {  	[dreg:$0x0] =	wrdreg $0xFFFFFFFF;
	(pc) =	sbr.abs _section_cstart, $3  }
0xc1: {  	[dreg:$0x1] =	wrdreg $0xFFFFFFFF  }
0xc2: {  	_ =	task.clear_ibuf [dreg:s6], $0x2FFFF;
	_ =	strace $0x9FFFFFFF  }
0xc3: {  	(tm) =	ssettm $0x7FFFFFFF  }
tec
execute0_lowered:
.L_overlay_start_1:
0x0: {  	(tag) =	ssettag $0x1  }
0x1: {  	s0 =	stileid.u32;
	s6 =	rddreg [dreg:$0x0]  }
0x2: {  	s1 =	srdreg.scid;
	s2 =	rddreg [dreg:$0x1]  }
0x3: {  	s3 =	rddreg [dreg:$0x2];
	s4 =	simm.s32 $0x0;
	s16 =	simm.s32 $0x3  }
0x4: {  	s19 =	simm.s32 $0x2780;
	s20 =	simm.s32 $0x80;
	s21 =	simm.s32 $0x1  }
0x5: {  	s22 =	simm.s32 $0x2;
	s5 =	sand.u32 $0x1, s1;
	s10 =	smul.u32 $0x9C40, s0  }
0x6: {  	s26 =	sshll.u32 s0, $0x1;
	s8 =	smul.u32 $0x1400, s0;
	[smem:$0x7FF] =	sst s4  }
0x7: {  	s11 =	smul.u32 $0x28000, s0;
	s17 =	sshll.u32 s0, $0x6;
	s1 =	sor.u32 s5, s26  }
0x8: {  	s28 =	smul.u32 $0x14000, s5;
	s29 =	ssub.s32 $0x2, s5;
	s17 =	sor.u32 $0x1C03, s17  }
0x9: {  	s7 =	smul.u32 $0x4F0, s1;
	s1 =	rddreg [dreg:$0x3];
	s9 =	sshrl.u32 s10, $0x3  }
0xa: {  	_ =	strace $0x80000059;
	s30 =	sshrl.u32 s11, $0x2;
	s31 =	sshrl.u32 s29, $0x1  }
0xb: {  	s18 =	sadd.s32 s10, s3;
	s12 =	sadd.s32 s9, s6;
	s8 =	sadd.s32 s8, s28  }
0xc: {  	s5 =	sadd.s32 s30, s2;
	s15 =	ssub.s32 s29, s31;
	s18 =	sshrl.u32 s18, $0x3  }
0xd: {  	s13 =	sadd.s32 s7, s6;
	s14 =	sadd.s32 s8, s6;
	s6 =	sadd.s32 $0x2000, s5  }
0xe: {  	s7 =	sadd.s32 $0x4000, s5;
	s8 =	sadd.s32 $0x6000, s5;
	s9 =	sadd.s32 $0x8000, s5  }
0xf: {  	s10 =	sadd.s32 $0x2A00, s12;
	s11 =	sadd.s32 $0x20200, s13;
	s12 =	sadd.s32 $0x16400, s13  }
0x10: {  	v0 =	vimm.f32 $0.0e+00;
	s13 =	sadd.s32 $0x2A000, s14;
	s14 =	smax.u32 s15, $0x1;
	s15 =	simm.s32 $0x4F00  }
.LBB2_1:
0x11: {  	s24 =	simm.s32 $0x100;
	s23 =	simm.s32 $0x0  }
.LBB2_2:
0x12: {  	p0 =	sne.s32 s24, $0x7F00;
	[tilespmem:s23+$0x4F30] =	vst v0;
	s25 =	smov.u32 s24;
	s24 =	sadd.s32 $0x100, s24  }
.Ltmp0:
0x13: {  	[tilespmem:s23+$0x4F20] =	vst v0;
	(pc) =	sbr.rel @p0 .LBB2_2-.Ltmp0, $3  }
0x14: {  	[tilespmem:s23+$0x4F00] =	vst v0  }
0x15: {  	[tilespmem:s23+$0x4F10] =	vst v0;
	_ =	sdelay $0x1  }
0x16: {  	s23 =	sshra.s32 s25, $0x2  }
0x17: {  	[tilespmem:s23+$0x4F30] =	vst v0  }
0x18: {  	[tilespmem:s23+$0x4F20] =	vst v0  }
0x19: {  	[tilespmem:s23+$0x4F00] =	vst v0  }
0x1a: {  	[tilespmem:s23+$0x4F10] =	vst v0  }
0x1b: {  	[spmem:s5] =	stream.linear.scatter [tilespmem:s15], [sflag:$0x3], $0x2000, $0x38;
	[tilespmem:$0x1AB40] =	vst v63  }
0x1c: {  	_ =	swait.ge [sflag:s16], $0x2000  }
0x1d: {  	[sflag:s16] =	ssyncset.done $0x0  }
0x1e: {  	[sflag:s16] =	ssyncadd.s32 $0xFFFFE000  }
0x1f: {  	[spmem:s6] =	stream.linear.scatter [tilespmem:s15], [sflag:$0x3], $0x2000, $0x38;
	[tilespmem:$0x1AB40] =	vst v63  }
0x20: {  	_ =	swait.ge [sflag:s16], $0x2000  }
0x21: {  	[sflag:s16] =	ssyncset.done $0x0  }
0x22: {  	[sflag:s16] =	ssyncadd.s32 $0xFFFFE000  }
0x23: {  	[spmem:s7] =	stream.linear.scatter [tilespmem:s15], [sflag:$0x3], $0x2000, $0x38;
	[tilespmem:$0x1AB40] =	vst v63  }
0x24: {  	_ =	swait.ge [sflag:s16], $0x2000  }
0x25: {  	[sflag:s16] =	ssyncset.done $0x0  }
0x26: {  	[sflag:s16] =	ssyncadd.s32 $0xFFFFE000  }
0x27: {  	[spmem:s8] =	stream.linear.scatter [tilespmem:s15], [sflag:$0x3], $0x2000, $0x38;
	[tilespmem:$0x1AB40] =	vst v63  }
0x28: {  	_ =	swait.ge [sflag:s16], $0x2000  }
0x29: {  	[sflag:s16] =	ssyncset.done $0x0  }
0x2a: {  	[sflag:s16] =	ssyncadd.s32 $0xFFFFE000  }
0x2b: {  	[spmem:s9] =	stream.linear.scatter [tilespmem:s15], [sflag:$0x3], $0x2000, $0x38;
	[tilespmem:$0x1AB40] =	vst v63  }
0x2c: {  	_ =	swait.ge [sflag:s16], $0x2000  }
0x2d: {  	[sflag:s16] =	ssyncset.done $0x0  }
0x2e: {  	[sflag:s16] =	ssyncadd.s32 $0xFFFFE000  }
0x2f: {  	[spmem:s18], [sflag:s17] =	dma.local [hbm:s10], $0x1388  }
0x30: {  	_ =	swait.ge [sflag:s16], $0x1388  }
0x31: {  	[sflag:s16] =	ssyncset.done $0x0  }
0x32: {  	s29 =	simm.s32 $0x0;
	[sflag:s16] =	ssyncadd.s32 $0xFFFFEC78  }
0x33: {  	[tilespmem:s29], [sflag:$0x3] =	stream.linear.gather [hbm4b:s11+s29], $0x2780, $0x38;
	[tilespmem:$0x1AB40] =	vst v63  }
0x34: {  	_ =	swait.ge [sflag:s16], $0x2780  }
0x35: {  	[sflag:s16] =	ssyncset.done $0x0  }
0x36: {  	[sflag:s16] =	ssyncadd.s32 $0xFFFFD880  }
0x37: {  	[tilespmem:s19], [sflag:$0x3] =	stream.linear.gather [hbm4b:s12+s29], $0x2780, $0x38;
	[tilespmem:$0x1AB40] =	vst v63  }
0x38: {  	_ =	swait.ge [sflag:s16], $0x2780  }
0x39: {  	[sflag:s16] =	ssyncset.done $0x0  }
0x3a: {  	[sflag:s16] =	ssyncadd.s32 $0xFFFFD880  }
0x3b: {  	s30 =	simm.s32 $0x0;
	[bflag:$0x0] =	sbarrier.arrive $0xFFFF  }
0x3c: {  	[tilespmem:s15], [sflag:$0x1] =	stream.indirect.gather [spmem:s3], $0x40, s30, s20, $0xb8;
	[tilespmem:$0x1AB40] =	vst v63  }
0x3d: {  	_ =	swait.ge [sflag:s21], $0x2000  }
0x3e: {  	[sflag:s21] =	ssyncset.done $0x0  }
0x3f: {  	s31 =	simm.s32 $0x2780;
	[sflag:s21] =	ssyncadd.s32 $0xFFFFE000  }
0x40: {  	[spmem:s2] =	stream.indirect.scatter.add.f32 [tilespmem:s15], [sflag:$0x2], $0x40, s31, s20, $0xb8;
	[tilespmem:$0x1AB40] =	vst v63  }
0x41: {  	_ =	swait.ge [sflag:s22], $0x2000  }
0x42: {  	s23 =	simm.s32 $0x200;
	s24 =	simm.s32 $0x400;
	[sflag:s22] =	ssyncset.done $0x0  }
.LBB2_4:
0x43: {  	s25 =	sshra.s32 s23, $0x2  }
0x44: {  	[sflag:s22] =	ssyncadd.s32 $0xFFFFE000;
	s23 =	smov.u32 s24;
	s26 =	sadd.s32 $0x200, s24  }
0x45: {  	[tilespmem:s15], [sflag:$0x1] =	stream.indirect.gather [spmem:s3], $0x40, s25, s20, $0xb8;
	[tilespmem:$0x1AB40] =	vst v63  }
0x46: {  	p0 =	sne.s32 s24, $0x9C00;
	_ =	swait.ge [sflag:s21], $0x2000  }
.Ltmp1:
0x47: {  	[sflag:s21] =	ssyncset.done $0x0;
	(pc) =	sbr.rel @p0 .LBB2_4-.Ltmp1, $4  }
0x48: {  	s24 =	sadd.s32 $0x2780, s25;
	[sflag:s21] =	ssyncadd.s32 $0xFFFFE000  }
0x49: {  	[spmem:s2] =	stream.indirect.scatter.add.f32 [tilespmem:s15], [sflag:$0x2], $0x40, s24, s20, $0xb8;
	[tilespmem:$0x1AB40] =	vst v63  }
0x4a: {  	_ =	swait.ge [sflag:s22], $0x2000  }
0x4b: {  	s24 =	smov.u32 s26;
	[sflag:s22] =	ssyncset.done $0x0  }
0x4c: {  	s23 =	sshra.s32 s23, $0x2;
	[sflag:s22] =	ssyncadd.s32 $0xFFFFE000  }
0x4d: {  	[tilespmem:s15], [sflag:$0x1] =	stream.indirect.gather [spmem:s3], $0x40, s23, s20, $0xb8;
	[tilespmem:$0x1AB40] =	vst v63  }
0x4e: {  	_ =	swait.ge [sflag:s21], $0x2000  }
0x4f: {  	[sflag:s21] =	ssyncset.done $0x0  }
0x50: {  	s23 =	sadd.s32 $0x2780, s23;
	[sflag:s21] =	ssyncadd.s32 $0xFFFFE000  }
0x51: {  	[spmem:s2] =	stream.indirect.scatter.add.f32 [tilespmem:s15], [sflag:$0x2], $0x40, s23, s20, $0xb8;
	[tilespmem:$0x1AB40] =	vst v63  }
0x52: {  	_ =	swait.ge [sflag:s22], $0x2000  }
0x53: {  	s4 =	sadd.s32 $0x1, s4;
	[sflag:s22] =	ssyncset.done $0x0  }
0x54: {  	p0 =	sne.s32 s4, s14;
	[sflag:s22] =	ssyncadd.s32 $0xFFFFE000  }
.Ltmp2:
0x55: {  	s31 =	sshrl.u32 s5, $0x3;
	[bflag:$0x0] =	sbarrier.arrive $0xFFFF;
	(pc) =	sbr.rel @p0 .LBB2_1-.Ltmp2, $4  }
0x56: {  	[hbm:s13], [sflag:s17] =	dma.local [spmem:s31], $0x1400  }
0x57: {  	_ =	swait.ge [sflag:s16], $0x1400  }
0x58: {  	[sflag:s16] =	ssyncset.done $0x0  }
0x59: {  	[sflag:s16] =	ssyncadd.s32 $0xFFFFEC00  }
0x5a: {  	_ =	sfence.sel $0x180000  }
0x5b: {  	[bflag:$0x0] =	sbarrier.arrive $0xFFFF  }
0x5c: {  	p0 =	sne.s32 s0, $0x0;
	_ =	strace $0x90000059  }
0x5d: {  	s0 =	sadd.s32 @!p0 $0x100000, s1;
	[bflag:$0x2] =	sbarrier.arrive $0xFFFF  }
0x5e: {  	[sflag:s0] =	ssyncadd.tile.s32 @!p0 $0x1;
	_ =	shalt  }
.Lfunc_end2:
_tile_overlayer_lowered:
.L_overlay_start_2:
0x5f: {  	(tag) =	ssettag $0x2  }
0x60: {  	s0 =	rddreg [dreg:$0x0];
	s2 =	stileid.u32  }
0x61: {  	s1 =	rddreg [dreg:$0x1];
	p0 =	sne.s32 s2, $0x0  }
0x62: {  	s3 =	rddreg [dreg:$0x2];
	[bflag:$0x3] =	sbarrier.arrive $0xFFFF;
	s2 =	simm.s32 @!p0 $0x1C03  }
0x63: {  	[timem:s3], [sflag:s2] =	dma.local @!p0 [hbm:s0], s1  }
0x64: {  	s0 =	simm.s32 @!p0 $0x3  }
0x65: {  	_ =	swait.ge @!p0 [sflag:s0], s1  }
0x66: {  	s1 =	ssub.s32 @!p0 $0x0, s1;
	[sflag:s0] =	ssyncset.done @!p0 $0x0  }
0x67: {  	[sflag:s0] =	ssyncadd.s32 @!p0 s1  }
0x68: {  	[bflag:$0x3] =	sbarrier.arrive $0xFFFF  }
0x69: {  	_ =	shalt  }

// kernel: kernel.41.cloned.1.call-start
scs
__scs_entry_jumppad:
0x0: {  	(pc) =	sbr.rel $0x88, $3  }
0x1: {  	(tag) =	ssettag $0x0;
	lr =	simm.s32 $0x1  }
0x2: {  	[smem:$0x3F95] =	sst lr;
	_ =	strace $0xD0000000  }
0x3: {  	_ = 	snop  }
0x4: {  	_ = 	snop  }
0x5: {  	_ = 	snop  }
0x6: {  	_ = 	snop  }
0x7: {  	_ = 	snop  }
__scs_overlays_trampoline_lowered:
0x8: {  	[smem:$0x3FA4] =	sst s0  }
0x9: {  	[smem:$0x3FA5] =	sst s1  }
0xa: {  	[smem:$0x3FA6] =	sst s2  }
0xb: {  	[smem:$0x3FA7] =	sst s3  }
0xc: {  	[smem:$0x3FA8] =	sst s4  }
0xd: {  	[smem:$0x3FA9] =	sst s5  }
0xe: {  	[smem:$0x3FAA] =	sst s6  }
0xf: {  	[smem:$0x3FAB] =	sst s7  }
0x10: {  	[smem:$0x3FAC] =	sst s8  }
0x11: {  	[smem:$0x3FAD] =	sst s9;
	s0 =	simm.s32 @!p0 $0x0  }
0x12: {  	s1 =	sld [smem:$0x3F93];
	s0 =	simm.s32 @p0 $0x1  }
0x13: {  	[smem:$0x3FAE] =	sst s0;
	s0 =	simm.s32 @!p1 $0x0  }
0x14: {  	s2 =	sld [smem:$0x3F92];
	s0 =	simm.s32 @p1 $0x1  }
0x15: {  	[smem:$0x3FAF] =	sst s0;
	s0 =	simm.s32 @!p2 $0x0  }
0x16: {  	s3 =	sld [smem:$0x3FDB];
	s0 =	simm.s32 @p2 $0x1  }
0x17: {  	s4 =	simm.s32 $0x1BF5;
	[smem:$0x3FB1] =	sst s0  }
0x18: {  	s0 =	sld [smem:$0x3F94];
	_ =	swait.ge [sflag:s4], $0x0  }
0x19: {  	s7 =	sld [smem:$0x3F95]  }
0x1a: {  	s8 =	sadd.s32 $0xFFFFE003, lr  }
0x1b: {  	s9 =	sadd.s32 $0xFFFFFEF7, lr;
	s5 =	simm.s32 $0xFFFFFFFF;
	p2 =	slt.u32 s8, $0xFFFFF086  }
0x1c: {  	p1 =	slt.u32 s9, $0xF7A;
	s5 =	simm.s32 @!p2 $0x0  }
0x1d: {  	s5 =	simm.s32 @p1 $0x1;
	p0 =	seq.s32 s7, s2  }
0x1e: {  	s7 =	smul.u32 @!p0 $0xF7A, s2;
	p2 =	seq.s32 @!p0 s5, $0x0  }
0x1f: {  	s9 =	smul.u32 $0xF7A, s1;
	s8 =	simm.s32 @!p0 $0x1BF5;
	p2 =	por !p2, p0  }
0x20: {  	[sflag:s8] =	ssyncset.s32 @!p0 $0xFFFFF086;
	s6 =	sadd.s32 @!p0 s3, s7;
	s7 =	simm.s32 @!p0 $0x108  }
0x21: {  	s3 =	sadd.s32 s3, s9;
	s6 =	sadd.s32 @!p0 $0x88, s6;
	s7 =	simm.s32 @p2 $0x1082  }
0x22: {  	[simem:s7], [sflag:s8] =	dma.local @!p0 [hbm:s6], $0xF7A  }
0x23: {  	s9 =	sor.u32 $0xD0000000, s2;
	s6 =	simm.s32 $0x108;
	_ =	swait.ge @!p0 [sflag:s8], $0x0  }
0x24: {  	s3 =	sadd.s32 $0x88, s3;
	s6 =	simm.s32 @!p1 $0x1082;
	[sflag:s4] =	ssyncset.s32 $0xFFFFF086  }
0x25: {  	[simem:s6], [sflag:s4] =	dma.local [hbm:s3], $0xF7A  }
0x26: {  	[smem:$0x3F95] =	sst s1;
	(tag) =	ssettag s2;
	_ =	strace s9  }
0x27: {  	s1 =	sld [smem:$0x3FA5]  }
0x28: {  	s2 =	sld [smem:$0x3FA6]  }
0x29: {  	s4 =	sld [smem:$0x3FA8]  }
0x2a: {  	p0 =	seq.s32 s5, $0x0;
	s5 =	sld [smem:$0x3FA9]  }
0x2b: {  	s6 =	sld [smem:$0x3FAA]  }
0x2c: {  	s7 =	sld [smem:$0x3FAB]  }
0x2d: {  	s3 =	simm.s32 $0x108;
	s8 =	sld [smem:$0x3FAC]  }
0x2e: {  	s3 =	simm.s32 @!p0 $0x1082;
	s9 =	sld [smem:$0x3FAD]  }
0x2f: {  	lr =	sadd.s32 s0, s3;
	s0 =	sld [smem:$0x3FA4]  }
0x30: {  	s3 =	sld [smem:$0x3FA7]  }
0x31: {  	[smem:$0x3FB0] =	sst s10  }
0x32: {  	s10 =	sld [smem:$0x3FAE];
	_ =	sdelay $0x3  }
0x33: {  	p0 =	seq.s32 s10, $0x1;
	s10 =	sld [smem:$0x3FB0];
	_ =	sdelay $0x3  }
0x34: {  	[smem:$0x3FB0] =	sst s10  }
0x35: {  	s10 =	sld [smem:$0x3FAF];
	_ =	sdelay $0x3  }
0x36: {  	p1 =	seq.s32 s10, $0x1;
	s10 =	sld [smem:$0x3FB0];
	_ =	sdelay $0x3  }
0x37: {  	[smem:$0x3FB0] =	sst s10  }
0x38: {  	s10 =	sld [smem:$0x3FB1]  }
0x39: {  	_ = 	snop;
	(pc) =	sbr.ind lr, $3  }
0x3a: {  	_ = 	snop  }
0x3b: {  	_ = 	snop  }
0x3c: {  	p2 =	seq.s32 s10, $0x1;
	s10 =	sld [smem:$0x3FB0]  }
0x3d: {  	_ =	shalt  }
0x3e: {  	_ =	shalt  }
0x3f: {  	_ =	shalt  }
0x40: {  	_ =	shalt  }
0x41: {  	_ =	shalt  }
0x42: {  	_ =	shalt  }
0x43: {  	_ =	shalt  }
0x44: {  	_ =	shalt  }
0x45: {  	_ =	shalt  }
0x46: {  	_ =	shalt  }
0x47: {  	_ =	shalt  }
0x48: {  	_ =	shalt  }
0x49: {  	_ =	shalt  }
0x4a: {  	_ =	shalt  }
0x4b: {  	_ =	shalt  }
0x4c: {  	_ =	shalt  }
0x4d: {  	_ =	shalt  }
0x4e: {  	_ =	shalt  }
0x4f: {  	_ =	shalt  }
0x50: {  	_ =	shalt  }
0x51: {  	_ =	shalt  }
0x52: {  	_ =	shalt  }
0x53: {  	_ =	shalt  }
0x54: {  	_ =	shalt  }
0x55: {  	_ =	shalt  }
0x56: {  	_ =	shalt  }
0x57: {  	_ =	shalt  }
0x58: {  	_ =	shalt  }
0x59: {  	_ =	shalt  }
0x5a: {  	_ =	shalt  }
0x5b: {  	_ =	shalt  }
0x5c: {  	_ =	shalt  }
0x5d: {  	_ =	shalt  }
0x5e: {  	_ =	shalt  }
0x5f: {  	_ =	shalt  }
0x60: {  	_ =	shalt  }
0x61: {  	_ =	shalt  }
0x62: {  	_ =	shalt  }
0x63: {  	_ =	shalt  }
0x64: {  	_ =	shalt  }
0x65: {  	_ =	shalt  }
0x66: {  	_ =	shalt  }
0x67: {  	_ =	shalt  }
0x68: {  	_ =	shalt  }
0x69: {  	_ =	shalt  }
0x6a: {  	_ =	shalt  }
0x6b: {  	_ =	shalt  }
0x6c: {  	_ =	shalt  }
0x6d: {  	_ =	shalt  }
0x6e: {  	_ =	shalt  }
0x6f: {  	_ =	shalt  }
0x70: {  	_ =	shalt  }
0x71: {  	_ =	shalt  }
0x72: {  	_ =	shalt  }
0x73: {  	_ =	shalt  }
0x74: {  	_ =	shalt  }
0x75: {  	_ =	shalt  }
0x76: {  	_ =	shalt  }
0x77: {  	_ =	shalt  }
0x78: {  	_ =	shalt  }
0x79: {  	_ =	shalt  }
0x7a: {  	_ =	shalt  }
0x7b: {  	_ =	shalt  }
0x7c: {  	_ =	shalt  }
0x7d: {  	_ =	shalt  }
0x7e: {  	_ =	shalt  }
0x7f: {  	_ =	shalt  }
0x80: {  	_ =	shalt  }
0x81: {  	_ =	shalt  }
0x82: {  	_ =	shalt  }
0x83: {  	_ =	shalt  }
0x84: {  	_ =	shalt  }
0x85: {  	_ =	shalt  }
0x86: {  	_ =	shalt  }
0x87: {  	_ =	shalt  }
.Lfunc_end0:
.L_simem_size_0:
called_computation.7_lowered:
.L_overlay_start_0:
0x88: {  	s2 =	sld [smem:$0x3FD9]  }
0x89: {  	s3 =	sld [smem:$0x3FFE];
	_ =	sdelay $0x1  }
0x8a: {  	s1 =	srdreg.scid  }
0x8b: {  	s0 =	sand.u32 $0x1, s1  }
0x8c: {  	s16 =	sshll.u32 s0, $0xA;
	s2 =	sadd.s32 s3, s2  }
0x8d: {  	s2 =	sadd.s32 s2, s16  }
0x8e: {  	[smem:$0x3FBC] =	sst s2  }
0x8f: {  	_ = 	snop  }
0x90: {  	(tm) =	ssettm $0x1  }
0x91: {  	s17 =	sld [smem:$0x3FFB];
	_ =	sdelay $0x3  }
0x92: {  	_ =	strace s17  }
0x93: {  	s2 =	sld [smem:$0x3FFC];
	_ =	sdelay $0x3  }
0x94: {  	_ =	strace s2  }
0x95: {  	s2 =	sld [smem:$0x3FFD];
	_ =	sdelay $0x3  }
0x96: {  	_ =	strace s2  }
0x97: {  	_ =	strace $0x8FFFFFFF  }
0x98: {  	s18 =	sld [smem:$0x3FDB];
	_ =	sdelay $0x1  }
0x99: {  	s19 =	simm.s32 $_scs_section_size  }
0x9a: {  	s4 =	simm.s32 $_size__tile_overlayer_lowered;
	s5 =	simm.s32 $_tile_overlayer_lowered  }
0x9b: {  	s22 =	simm.s32 $0x1BFF;
	s21 =	sshll.u32 s5, $0x1;
	s2 =	sadd.s32 s19, s18  }
0x9c: {  	s6 =	simm.s32 $0x0;
	s20 =	sshll.u32 s4, $0x1;
	s4 =	sadd.s32 s21, s2  }
0x9d: {  	[timem:s6], [sflag:s22] =	dma.local [hbm:s4], s20  }
0x9e: {  	_ =	swait.ge [sflag:s22], s20  }
0x9f: {  	s3 =	ssub.s32 $0x0, s20;
	[sflag:s22] =	ssyncset.done $0x0  }
0xa0: {  	[sflag:s22] =	ssyncadd.s32 s3;
	_ =	sdelay $0x1  }
0xa1: {  	s23 =	simm.s32 $0x1B8B  }
0xa2: {  	_ =	swait.ge [sflag:s23], $0x1  }
0xa3: {  	[sflag:s23] =	ssyncset.done $0x0  }
0xa4: {  	s25 =	simm.s32 $0x1B8E;
	s24 =	sld [smem:$0x3FFE];
	[sflag:s23] =	ssyncadd.s32 $0xFFFFFFFF  }
0xa5: {  	s26 =	simm.s32 $execute0_lowered;
	[smem:$0x3FD2] =	sst s25  }
0xa6: {  	s4 =	sshll.u32 s26, $0x1;
	_ =	strace $0x8000005B;
	[dreg:$0x1] =	wrdreg $0xFFFFFFFF  }
0xa7: {  	s28 =	simm.s32 $_size_execute0_lowered;
	s2 =	sadd.s32 s2, s4;
	[dreg:$0x0] =	wrdreg $0x0  }
0xa8: {  	s4 =	sshll.u32 s28, $0x1;
	[dreg:$0x2] =	wrdreg s2  }
0xa9: {  	[dreg:$0x3] =	wrdreg s4  }
0xaa: {  	[dreg:$0x4] =	wrdreg $0xC0  }
0xab: {  	_ =	task [dreg:s6], $0x5FFFF  }
0xac: {  	[dreg:$0x1] =	wrdreg $0xFFFFFFFF  }
0xad: {  	[dreg:$0x0] =	wrdreg $0x60  }
0xae: {  	[dreg:$0x2] =	wrdreg s24  }
0xaf: {  	[dreg:$0x3] =	wrdreg $0x10B400  }
0xb0: {  	[dreg:$0x4] =	wrdreg $0x6F000  }
0xb1: {  	[dreg:$0x5] =	wrdreg $0x9  }
0xb2: {  	_ =	task.clear_ibuf [dreg:s6], $0x6FFFF;
	_ =	strace $0x9000005B  }
0xb3: {  	s29 =	simm.s32 $0x9;
	_ =	strace $0x8000005D  }
0xb4: {  	_ =	swait.ge [sflag:s29], $0x1  }
0xb5: {  	[sflag:s29] =	ssyncadd.s32 $0xFFFFFFFF  }
0xb6: {  	_ =	strace $0x9000005D  }
0xb7: {  	_ =	sfence  }
0xb8: {  	s30 =	sld [smem:$0x0];
	_ =	sdelay $0x2  }
0xb9: {  	s31 =	sshll.u32 s1, $0xD;
	s1 =	sshrl.u32 s1, $0x2  }
0xba: {  	s3 =	sand.u32 $0x4000, s31;
	s1 =	sadd.s32 s1, s30  }
0xbb: {  	s0 =	sor.u32 s3, s0;
	s1 =	sshll.u32 s1, $0x11  }
0xbc: {  	s0 =	sor.u32 s1, s0  }
0xbd: {  	s0 =	sadd.s32 $0x8F2B, s0  }
0xbe: {  	[sflag:s0] =	ssyncadd.remote.s32 $0x1  }
0xbf: {  	_ =	sfence.sel $0xFFFF  }
0xc0: {  	[dreg:$0x0] =	wrdreg $0xFFFFFFFF;
	(pc) =	sbr.abs _section_cstart, $3  }
0xc1: {  	[dreg:$0x1] =	wrdreg $0xFFFFFFFF  }
0xc2: {  	_ =	task.clear_ibuf [dreg:s6], $0x2FFFF;
	_ =	strace $0x9FFFFFFF  }
0xc3: {  	(tm) =	ssettm $0x7FFFFFFF  }
tec
execute0_lowered:
.L_overlay_start_1:
0x0: {  	(tag) =	ssettag $0x1  }
0x1: {  	s0 =	stileid.u32;
	s6 =	rddreg [dreg:$0x0]  }
0x2: {  	s1 =	srdreg.scid;
	s2 =	rddreg [dreg:$0x1]  }
0x3: {  	s3 =	rddreg [dreg:$0x2];
	s4 =	simm.s32 $0x0;
	s16 =	simm.s32 $0x3  }
0x4: {  	s19 =	simm.s32 $0x2780;
	s20 =	simm.s32 $0x80;
	s21 =	simm.s32 $0x1  }
0x5: {  	s22 =	simm.s32 $0x2;
	s5 =	sand.u32 $0x1, s1;
	s10 =	smul.u32 $0x9C40, s0  }
0x6: {  	s26 =	sshll.u32 s0, $0x1;
	s8 =	smul.u32 $0x1400, s0;
	[smem:$0x7FF] =	sst s4  }
0x7: {  	s11 =	smul.u32 $0x28000, s0;
	s17 =	sshll.u32 s0, $0x6;
	s1 =	sor.u32 s5, s26  }
0x8: {  	s28 =	smul.u32 $0x14000, s5;
	s29 =	ssub.s32 $0x2, s5;
	s17 =	sor.u32 $0x1C03, s17  }
0x9: {  	s7 =	smul.u32 $0x4F0, s1;
	s1 =	rddreg [dreg:$0x3];
	s9 =	sshrl.u32 s10, $0x3  }
0xa: {  	_ =	strace $0x8000005C;
	s30 =	sshrl.u32 s11, $0x2;
	s31 =	sshrl.u32 s29, $0x1  }
0xb: {  	s18 =	sadd.s32 s10, s3;
	s12 =	sadd.s32 s9, s6;
	s8 =	sadd.s32 s8, s28  }
0xc: {  	s5 =	sadd.s32 s30, s2;
	s15 =	ssub.s32 s29, s31;
	s18 =	sshrl.u32 s18, $0x3  }
0xd: {  	s13 =	sadd.s32 s7, s6;
	s14 =	sadd.s32 s8, s6;
	s6 =	sadd.s32 $0x2000, s5  }
0xe: {  	s7 =	sadd.s32 $0x4000, s5;
	s8 =	sadd.s32 $0x6000, s5;
	s9 =	sadd.s32 $0x8000, s5  }
0xf: {  	s10 =	sadd.s32 $0x2A00, s12;
	s11 =	sadd.s32 $0x20200, s13;
	s12 =	sadd.s32 $0x16400, s13  }
0x10: {  	v0 =	vimm.f32 $0.0e+00;
	s13 =	sadd.s32 $0x2A000, s14;
	s14 =	smax.u32 s15, $0x1;
	s15 =	simm.s32 $0x4F00  }
.LBB2_1:
0x11: {  	s24 =	simm.s32 $0x100;
	s23 =	simm.s32 $0x0  }
.LBB2_2:
0x12: {  	p0 =	sne.s32 s24, $0x7F00;
	[tilespmem:s23+$0x4F30] =	vst v0;
	s25 =	smov.u32 s24;
	s24 =	sadd.s32 $0x100, s24  }
.Ltmp0:
0x13: {  	[tilespmem:s23+$0x4F20] =	vst v0;
	(pc) =	sbr.rel @p0 .LBB2_2-.Ltmp0, $3  }
0x14: {  	[tilespmem:s23+$0x4F00] =	vst v0  }
0x15: {  	[tilespmem:s23+$0x4F10] =	vst v0;
	_ =	sdelay $0x1  }
0x16: {  	s23 =	sshra.s32 s25, $0x2  }
0x17: {  	[tilespmem:s23+$0x4F30] =	vst v0  }
0x18: {  	[tilespmem:s23+$0x4F20] =	vst v0  }
0x19: {  	[tilespmem:s23+$0x4F00] =	vst v0  }
0x1a: {  	[tilespmem:s23+$0x4F10] =	vst v0  }
0x1b: {  	[spmem:s5] =	stream.linear.scatter [tilespmem:s15], [sflag:$0x3], $0x2000, $0x38;
	[tilespmem:$0x1AB40] =	vst v63  }
0x1c: {  	_ =	swait.ge [sflag:s16], $0x2000  }
0x1d: {  	[sflag:s16] =	ssyncset.done $0x0  }
0x1e: {  	[sflag:s16] =	ssyncadd.s32 $0xFFFFE000  }
0x1f: {  	[spmem:s6] =	stream.linear.scatter [tilespmem:s15], [sflag:$0x3], $0x2000, $0x38;
	[tilespmem:$0x1AB40] =	vst v63  }
0x20: {  	_ =	swait.ge [sflag:s16], $0x2000  }
0x21: {  	[sflag:s16] =	ssyncset.done $0x0  }
0x22: {  	[sflag:s16] =	ssyncadd.s32 $0xFFFFE000  }
0x23: {  	[spmem:s7] =	stream.linear.scatter [tilespmem:s15], [sflag:$0x3], $0x2000, $0x38;
	[tilespmem:$0x1AB40] =	vst v63  }
0x24: {  	_ =	swait.ge [sflag:s16], $0x2000  }
0x25: {  	[sflag:s16] =	ssyncset.done $0x0  }
0x26: {  	[sflag:s16] =	ssyncadd.s32 $0xFFFFE000  }
0x27: {  	[spmem:s8] =	stream.linear.scatter [tilespmem:s15], [sflag:$0x3], $0x2000, $0x38;
	[tilespmem:$0x1AB40] =	vst v63  }
0x28: {  	_ =	swait.ge [sflag:s16], $0x2000  }
0x29: {  	[sflag:s16] =	ssyncset.done $0x0  }
0x2a: {  	[sflag:s16] =	ssyncadd.s32 $0xFFFFE000  }
0x2b: {  	[spmem:s9] =	stream.linear.scatter [tilespmem:s15], [sflag:$0x3], $0x2000, $0x38;
	[tilespmem:$0x1AB40] =	vst v63  }
0x2c: {  	_ =	swait.ge [sflag:s16], $0x2000  }
0x2d: {  	[sflag:s16] =	ssyncset.done $0x0  }
0x2e: {  	[sflag:s16] =	ssyncadd.s32 $0xFFFFE000  }
0x2f: {  	[spmem:s18], [sflag:s17] =	dma.local [hbm:s10], $0x1388  }
0x30: {  	_ =	swait.ge [sflag:s16], $0x1388  }
0x31: {  	[sflag:s16] =	ssyncset.done $0x0  }
0x32: {  	s29 =	simm.s32 $0x0;
	[sflag:s16] =	ssyncadd.s32 $0xFFFFEC78  }
0x33: {  	[tilespmem:s29], [sflag:$0x3] =	stream.linear.gather [hbm4b:s11+s29], $0x2780, $0x38;
	[tilespmem:$0x1AB40] =	vst v63  }
0x34: {  	_ =	swait.ge [sflag:s16], $0x2780  }
0x35: {  	[sflag:s16] =	ssyncset.done $0x0  }
0x36: {  	[sflag:s16] =	ssyncadd.s32 $0xFFFFD880  }
0x37: {  	[tilespmem:s19], [sflag:$0x3] =	stream.linear.gather [hbm4b:s12+s29], $0x2780, $0x38;
	[tilespmem:$0x1AB40] =	vst v63  }
0x38: {  	_ =	swait.ge [sflag:s16], $0x2780  }
0x39: {  	[sflag:s16] =	ssyncset.done $0x0  }
0x3a: {  	[sflag:s16] =	ssyncadd.s32 $0xFFFFD880  }
0x3b: {  	s30 =	simm.s32 $0x0;
	[bflag:$0x0] =	sbarrier.arrive $0xFFFF  }
0x3c: {  	[tilespmem:s15], [sflag:$0x1] =	stream.indirect.gather [spmem:s3], $0x40, s30, s20, $0xb8;
	[tilespmem:$0x1AB40] =	vst v63  }
0x3d: {  	_ =	swait.ge [sflag:s21], $0x2000  }
0x3e: {  	[sflag:s21] =	ssyncset.done $0x0  }
0x3f: {  	s31 =	simm.s32 $0x2780;
	[sflag:s21] =	ssyncadd.s32 $0xFFFFE000  }
0x40: {  	[spmem:s2] =	stream.indirect.scatter.add.f32 [tilespmem:s15], [sflag:$0x2], $0x40, s31, s20, $0xb8;
	[tilespmem:$0x1AB40] =	vst v63  }
0x41: {  	_ =	swait.ge [sflag:s22], $0x2000  }
0x42: {  	s23 =	simm.s32 $0x200;
	s24 =	simm.s32 $0x400;
	[sflag:s22] =	ssyncset.done $0x0  }
.LBB2_4:
0x43: {  	s25 =	sshra.s32 s23, $0x2  }
0x44: {  	[sflag:s22] =	ssyncadd.s32 $0xFFFFE000;
	s23 =	smov.u32 s24;
	s26 =	sadd.s32 $0x200, s24  }
0x45: {  	[tilespmem:s15], [sflag:$0x1] =	stream.indirect.gather [spmem:s3], $0x40, s25, s20, $0xb8;
	[tilespmem:$0x1AB40] =	vst v63  }
0x46: {  	p0 =	sne.s32 s24, $0x9C00;
	_ =	swait.ge [sflag:s21], $0x2000  }
.Ltmp1:
0x47: {  	[sflag:s21] =	ssyncset.done $0x0;
	(pc) =	sbr.rel @p0 .LBB2_4-.Ltmp1, $4  }
0x48: {  	s24 =	sadd.s32 $0x2780, s25;
	[sflag:s21] =	ssyncadd.s32 $0xFFFFE000  }
0x49: {  	[spmem:s2] =	stream.indirect.scatter.add.f32 [tilespmem:s15], [sflag:$0x2], $0x40, s24, s20, $0xb8;
	[tilespmem:$0x1AB40] =	vst v63  }
0x4a: {  	_ =	swait.ge [sflag:s22], $0x2000  }
0x4b: {  	s24 =	smov.u32 s26;
	[sflag:s22] =	ssyncset.done $0x0  }
0x4c: {  	s23 =	sshra.s32 s23, $0x2;
	[sflag:s22] =	ssyncadd.s32 $0xFFFFE000  }
0x4d: {  	[tilespmem:s15], [sflag:$0x1] =	stream.indirect.gather [spmem:s3], $0x40, s23, s20, $0xb8;
	[tilespmem:$0x1AB40] =	vst v63  }
0x4e: {  	_ =	swait.ge [sflag:s21], $0x2000  }
0x4f: {  	[sflag:s21] =	ssyncset.done $0x0  }
0x50: {  	s23 =	sadd.s32 $0x2780, s23;
	[sflag:s21] =	ssyncadd.s32 $0xFFFFE000  }
0x51: {  	[spmem:s2] =	stream.indirect.scatter.add.f32 [tilespmem:s15], [sflag:$0x2], $0x40, s23, s20, $0xb8;
	[tilespmem:$0x1AB40] =	vst v63  }
0x52: {  	_ =	swait.ge [sflag:s22], $0x2000  }
0x53: {  	s4 =	sadd.s32 $0x1, s4;
	[sflag:s22] =	ssyncset.done $0x0  }
0x54: {  	p0 =	sne.s32 s4, s14;
	[sflag:s22] =	ssyncadd.s32 $0xFFFFE000  }
.Ltmp2:
0x55: {  	s31 =	sshrl.u32 s5, $0x3;
	[bflag:$0x0] =	sbarrier.arrive $0xFFFF;
	(pc) =	sbr.rel @p0 .LBB2_1-.Ltmp2, $4  }
0x56: {  	[hbm:s13], [sflag:s17] =	dma.local [spmem:s31], $0x1400  }
0x57: {  	_ =	swait.ge [sflag:s16], $0x1400  }
0x58: {  	[sflag:s16] =	ssyncset.done $0x0  }
0x59: {  	[sflag:s16] =	ssyncadd.s32 $0xFFFFEC00  }
0x5a: {  	_ =	sfence.sel $0x180000  }
0x5b: {  	[bflag:$0x0] =	sbarrier.arrive $0xFFFF  }
0x5c: {  	p0 =	sne.s32 s0, $0x0;
	_ =	strace $0x9000005C  }
0x5d: {  	s0 =	sadd.s32 @!p0 $0x100000, s1;
	[bflag:$0x2] =	sbarrier.arrive $0xFFFF  }
0x5e: {  	[sflag:s0] =	ssyncadd.tile.s32 @!p0 $0x1;
	_ =	shalt  }
.Lfunc_end2:
_tile_overlayer_lowered:
.L_overlay_start_2:
0x5f: {  	(tag) =	ssettag $0x2  }
0x60: {  	s0 =	rddreg [dreg:$0x0];
	s2 =	stileid.u32  }
0x61: {  	s1 =	rddreg [dreg:$0x1];
	p0 =	sne.s32 s2, $0x0  }
0x62: {  	s3 =	rddreg [dreg:$0x2];
	[bflag:$0x3] =	sbarrier.arrive $0xFFFF;
	s2 =	simm.s32 @!p0 $0x1C03  }
0x63: {  	[timem:s3], [sflag:s2] =	dma.local @!p0 [hbm:s0], s1  }
0x64: {  	s0 =	simm.s32 @!p0 $0x3  }
0x65: {  	_ =	swait.ge @!p0 [sflag:s0], s1  }
0x66: {  	s1 =	ssub.s32 @!p0 $0x0, s1;
	[sflag:s0] =	ssyncset.done @!p0 $0x0  }
0x67: {  	[sflag:s0] =	ssyncadd.s32 @!p0 s1  }
0x68: {  	[bflag:$0x3] =	sbarrier.arrive $0xFFFF  }
0x69: {  	_ =	shalt  }

</sc_bundles>
